<compile_context>
chip_gen: v7x
topology: tpu7x:2x2x1
jax: 0.10.2.dev20260603
libtpu: 0.0.44.dev20260713+nightly
codegen_flags: <defaults>
</compile_context>

<pallas_src>
import functools

import jax
import jax.numpy as jnp
from jax import lax
from jax.experimental import pallas as pl
from jax.experimental.pallas import tpu as pltpu
from jax.experimental.pallas import tpu_sc as plsc

N_NODES = 10000
N_EDGES = 320000
NP = 10240
NTILES = 32
EPT = N_EDGES // NTILES
K = 400
NBLK = EPT // K
RPT = NP // 16


def _make_edge_kernel(D):
    CW = D // 16
    mesh = plsc.VectorSubcoreMesh(core_axis_name="c", subcore_axis_name="s")

    @functools.partial(
        pl.kernel,
        out_type=[
            jax.ShapeDtypeStruct((2, NP, D), jnp.float32),
            jax.ShapeDtypeStruct((2, NP), jnp.float32),
        ],
        mesh=mesh,
        compiler_params=pltpu.CompilerParams(needs_layout_passes=False,
                                             use_tc_tiling_on_sc=False),
        scratch_types=[
            pltpu.VMEM((EPT,), jnp.int32),
            pltpu.VMEM((EPT,), jnp.int32),
            pltpu.VMEM((N_NODES,), jnp.float32),
            pltpu.VMEM((N_NODES,), jnp.float32),
            pltpu.VMEM((K, D), jnp.float32),
            pltpu.VMEM((K,), jnp.float32),
            pltpu.VMEM((K,), jnp.int32),
            pltpu.VMEM((K,), jnp.int32),
            pltpu.VMEM((RPT,), jnp.float32),
            pltpu.VMEM_SHARED((NP, D), jnp.float32),
            pltpu.VMEM_SHARED((NP,), jnp.float32),
            pltpu.SemaphoreType.DMA,
        ],
    )
    def edge_kernel(feat_hbm, el_hbm, er_hbm, src_hbm, dst_hbm,
                    num_hbm, den_hbm,
                    src_v, dst_v, el_v, er_v, rows_v, w_v, srcb_v, dstb_v,
                    dstage_v, num_sh, den_sh, sem):
        c = lax.axis_index("c")
        s = lax.axis_index("s")
        wid = s * 2 + c
        base = s * RPT

        pltpu.sync_copy(src_hbm.at[pl.ds(wid * EPT, EPT)], src_v)
        pltpu.sync_copy(dst_hbm.at[pl.ds(wid * EPT, EPT)], dst_v)
        pltpu.sync_copy(el_hbm, el_v)
        pltpu.sync_copy(er_hbm, er_v)

        zero16 = jnp.zeros((16,), jnp.float32)

        def zrows(i, _):
            for cc in range(CW):
                rows_v[i, pl.ds(cc * 16, 16)] = zero16
            return 0
        lax.fori_loop(0, K, zrows, 0)

        def zw(j, _):
            w_v[pl.ds(j * 16, 16)] = zero16
            return 0
        lax.fori_loop(0, K // 16, zw, 0)

        pltpu.sync_copy(rows_v, num_sh.at[pl.ds(base, K)])
        pltpu.sync_copy(rows_v.at[pl.ds(0, RPT - K)],
                        num_sh.at[pl.ds(base + K, RPT - K)])
        pltpu.sync_copy(w_v, den_sh.at[pl.ds(base, K)])
        pltpu.sync_copy(w_v.at[pl.ds(0, RPT - K)],
                        den_sh.at[pl.ds(base + K, RPT - K)])
        plsc.subcore_barrier()

        def block(b, _):
            off = b * K

            def cpidx(j, _):
                srcb_v[pl.ds(j * 16, 16)] = src_v[pl.ds(off + j * 16, 16)]
                dstb_v[pl.ds(j * 16, 16)] = dst_v[pl.ds(off + j * 16, 16)]
                return 0
            lax.fori_loop(0, K // 16, cpidx, 0)

            pltpu.async_copy(feat_hbm.at[srcb_v], rows_v, sem).wait()

            def wloop(j, _):
                s16 = src_v[pl.ds(off + j * 16, 16)]
                d16 = dst_v[pl.ds(off + j * 16, 16)]
                e = plsc.load_gather(el_v, [s16]) + plsc.load_gather(er_v, [d16])
                e = jnp.maximum(e, e * 0.2)
                w_v[pl.ds(j * 16, 16)] = jnp.exp(e)
                return 0
            lax.fori_loop(0, K // 16, wloop, 0)

            def sloop(j, _):
                wvec = w_v[pl.ds(j * 16, 16)]
                for l in range(16):
                    ws = wvec[l]
                    i = j * 16 + l
                    for cc in range(CW):
                        rows_v[i, pl.ds(cc * 16, 16)] = (
                            rows_v[i, pl.ds(cc * 16, 16)] * ws)
                return 0
            lax.fori_loop(0, K // 16, sloop, 0)

            pltpu.sync_copy(rows_v, num_sh.at[dstb_v], add=True)
            pltpu.sync_copy(w_v, den_sh.at[dstb_v], add=True)
            return 0
        lax.fori_loop(0, NBLK, block, 0)

        plsc.subcore_barrier()

        half = RPT // 2
        for o in (0, half):
            pltpu.sync_copy(num_sh.at[pl.ds(base + o, half)],
                            rows_v.at[pl.ds(0, half)])
            pltpu.sync_copy(rows_v.at[pl.ds(0, half)],
                            num_hbm.at[c, pl.ds(base + o, half)])
        pltpu.sync_copy(den_sh.at[pl.ds(base, RPT)], dstage_v)
        pltpu.sync_copy(dstage_v, den_hbm.at[c, pl.ds(base, RPT)])

    return edge_kernel


_edge16 = _make_edge_kernel(16)
_edge64 = _make_edge_kernel(64)



def _dense0_body(x_ref, w_ref, al_ref, ar_ref, feat_ref, el_ref, er_ref):
    feat = jnp.dot(x_ref[...], w_ref[...], preferred_element_type=jnp.float32)
    feat_ref[...] = feat
    el_ref[...] = jnp.sum(feat * al_ref[...], axis=1, keepdims=True)
    er_ref[...] = jnp.sum(feat * ar_ref[...], axis=1, keepdims=True)


def _dense0(x, W, al, ar):
    n = x.shape[0]
    d = W.shape[1]
    return pl.pallas_call(
        _dense0_body,
        out_shape=[
            jax.ShapeDtypeStruct((n, d), jnp.float32),
            jax.ShapeDtypeStruct((n, 1), jnp.float32),
            jax.ShapeDtypeStruct((n, 1), jnp.float32),
        ],
    )(x, W, al, ar)


def _combine_body(num_ref, den_ref, b_ref, w_ref, al_ref, ar_ref,
                  feat_ref, el_ref, er_ref):
    num = num_ref[0] + num_ref[1]
    den = den_ref[0] + den_ref[1]
    rst = jnp.where(den > 0, num / jnp.maximum(den, 1e-30), 0.0) + b_ref[...]
    h = jnp.where(rst > 0, rst, jnp.exp(jnp.minimum(rst, 0.0)) - 1.0)
    feat = jnp.dot(h, w_ref[...], preferred_element_type=jnp.float32)
    feat_ref[...] = feat
    el_ref[...] = jnp.sum(feat * al_ref[...], axis=1, keepdims=True)
    er_ref[...] = jnp.sum(feat * ar_ref[...], axis=1, keepdims=True)


def _combine(num, den, b, W, al, ar):
    n = num.shape[1]
    d = W.shape[1]
    return pl.pallas_call(
        _combine_body,
        out_shape=[
            jax.ShapeDtypeStruct((n, d), jnp.float32),
            jax.ShapeDtypeStruct((n, 1), jnp.float32),
            jax.ShapeDtypeStruct((n, 1), jnp.float32),
        ],
    )(num, den, b, W, al, ar)


def _final_body(num_ref, den_ref, b_ref, out_ref):
    num = num_ref[0] + num_ref[1]
    den = den_ref[0] + den_ref[1]
    out_ref[...] = jnp.where(den > 0, num / jnp.maximum(den, 1e-30), 0.0) + b_ref[...]


def _final(num, den, b):
    n, d = num.shape[1], num.shape[2]
    return pl.pallas_call(
        _final_body,
        out_shape=jax.ShapeDtypeStruct((n, d), jnp.float32),
    )(num, den, b)


def kernel(x, edge_index, W1, al1, ar1, b1, W2, al2, ar2, b2, W3, al3, ar3, b3):
    src = edge_index[0].astype(jnp.int32)
    dst = edge_index[1].astype(jnp.int32)
    n = N_NODES

    feat1, el1, er1 = _dense0(x, W1, al1, ar1)
    num1, den1 = _edge16(feat1, el1.reshape(-1), er1.reshape(-1), src, dst)
    feat2, el2, er2 = _combine(num1[:, :n], den1[:, :n, None],
                               b1.reshape(1, -1), W2, al2, ar2)
    num2, den2 = _edge16(feat2, el2.reshape(-1), er2.reshape(-1), src, dst)
    feat3, el3, er3 = _combine(num2[:, :n], den2[:, :n, None],
                               b2.reshape(1, -1), W3, al3, ar3)
    num3, den3 = _edge64(feat3, el3.reshape(-1), er3.reshape(-1), src, dst)
    out = _final(num3[:, :n], den3[:, :n, None], b3.reshape(1, -1))
    return out

# --- scband reference (transcript-rebuilt; emitter-appended) ---
"""Pipeline reference for scband-dgl-gat-77086073028869 (READ-ONLY COPY).

The authoritative reference and input builder live on the scoring server;
editing this copy changes nothing except your own understanding.
"""

import jax, jax.numpy as jnp
import numpy as np

N_NODES = 10000
N_EDGES = 320000
IN_SIZE = 128
HID = 16
OUT_SIZE = 64


def gat_conv(h, src, dst, W, attn_l, attn_r, bias, n_nodes, apply_elu):
    heads, out_dim = attn_l.shape
    feat = (h @ W).reshape(-1, heads, out_dim)
    el = (feat * attn_l[None, :, :]).sum(-1)  # [N, H]
    er = (feat * attn_r[None, :, :]).sum(-1)  # [N, H]
    e = el[src] + er[dst]                     # [E, H]
    e = jax.nn.leaky_relu(e, negative_slope=0.2)
    emax = jax.ops.segment_max(e, dst, num_segments=n_nodes)
    emax = jnp.where(jnp.isfinite(emax), emax, 0.0)
    ee = jnp.exp(e - emax[dst])
    denom = jax.ops.segment_sum(ee, dst, num_segments=n_nodes)
    alpha = ee / denom[dst]                   # edge softmax over incoming edges
    msg = feat[src] * alpha[:, :, None]       # [E, H, D]
    rst = jax.ops.segment_sum(msg, dst, num_segments=n_nodes)  # [N, H, D]
    rst = rst + bias.reshape(1, heads, out_dim)
    if apply_elu:
        rst = jax.nn.elu(rst)
    return rst


def setup_inputs(seed: int = 0):
    key = jax.random.key(seed)
    ks = jax.random.split(key, 16)
    x = jax.random.normal(ks[0], (N_NODES, IN_SIZE), dtype=jnp.float32)
    edge_index = jax.random.randint(ks[1], (2, N_EDGES), 0, N_NODES, dtype=jnp.int64 if jax.config.jax_enable_x64 else jnp.int32)
    def glorot(k, shape):
        fan = sum(shape[-2:]) if len(shape) >= 2 else shape[-1] * 2
        return jax.random.normal(k, shape, dtype=jnp.float32) * jnp.sqrt(2.0 / fan)
    W1 = glorot(ks[2], (IN_SIZE, 1 * HID))
    al1 = glorot(ks[3], (1, HID)); ar1 = glorot(ks[4], (1, HID)); b1 = jnp.zeros((1 * HID,), jnp.float32)
    W2 = glorot(ks[5], (HID, 1 * HID))
    al2 = glorot(ks[6], (1, HID)); ar2 = glorot(ks[7], (1, HID)); b2 = jnp.zeros((1 * HID,), jnp.float32)
    W3 = glorot(ks[8], (HID, 1 * OUT_SIZE))
    al3 = glorot(ks[9], (1, OUT_SIZE)); ar3 = glorot(ks[10], (1, OUT_SIZE)); b3 = jnp.zeros((1 * OUT_SIZE,), jnp.float32)
    return {"x": x, "edge_index": edge_index,
            "W1": W1, "al1": al1, "ar1": ar1, "b1": b1,
            "W2": W2, "al2": al2, "ar2": ar2, "b2": b2,
            "W3": W3, "al3": al3, "ar3": ar3, "b3": b3}


def reference(x, edge_index, W1, al1, ar1, b1, W2, al2, ar2, b2, W3, al3, ar3, b3):
    # 3-layer GAT (dropout inactive at inference). Blocks approximated by the
    # same full graph at each layer.
    src = edge_index[0]
    dst = edge_index[1]
    n = x.shape[0]
    h = gat_conv(x, src, dst, W1, al1, ar1, b1, n, True).reshape(n, -1)   # flatten(1)
    h = gat_conv(h, src, dst, W2, al2, ar2, b2, n, True).reshape(n, -1)   # flatten(1)
    h = gat_conv(h, src, dst, W3, al3, ar3, b3, n, False).mean(axis=1)    # mean over heads
    return h

if __name__ == "__main__":
    import jax
    _d = setup_inputs()
    print(jax.jit(kernel)(*tuple(_d.values())))

</pallas_src>

<mosaic_0001>
#map = affine_map<(d0, d1) -> (0, 0)>
#map1 = affine_map<(d0, d1) -> (0)>
#map2 = affine_map<(d0, d1) -> (0, 0, 0)>
module attributes {stable_mosaic.version = 14 : i64} {
  func.func @edge_kernel(%arg0: i32, %arg1: i32, %arg2: memref<10000x64xf32, #tpu.memory_space<hbm>>, %arg3: memref<10000xf32, #tpu.memory_space<hbm>>, %arg4: memref<10000xf32, #tpu.memory_space<hbm>>, %arg5: memref<320000xi32, #tpu.memory_space<hbm>>, %arg6: memref<320000xi32, #tpu.memory_space<hbm>>, %arg7: memref<2x10240x64xf32, #tpu.memory_space<hbm>>, %arg8: memref<2x10240xf32, #tpu.memory_space<hbm>>, %arg9: memref<10000xi32, #tpu.memory_space<vmem>>, %arg10: memref<10000xi32, #tpu.memory_space<vmem>>, %arg11: memref<10000xf32, #tpu.memory_space<vmem>>, %arg12: memref<10000xf32, #tpu.memory_space<vmem>>, %arg13: memref<400x64xf32, #tpu.memory_space<vmem>>, %arg14: memref<400xf32, #tpu.memory_space<vmem>>, %arg15: memref<400xi32, #tpu.memory_space<vmem>>, %arg16: memref<400xi32, #tpu.memory_space<vmem>>, %arg17: memref<640xf32, #tpu.memory_space<vmem>>, %arg18: memref<10240x64xf32, #tpu.memory_space<vmem_shared>>, %arg19: memref<10240xf32, #tpu.memory_space<vmem_shared>>, %arg20: memref<!tpu.dma_semaphore, #tpu.memory_space<semaphore_mem>>) attributes {dimension_semantics = [#tpu.dimension_semantics<core_parallel>, #tpu.dimension_semantics<subcore_parallel>], iteration_bounds = array<i64: 2, 16>, scalar_prefetch = 0 : i64, scratch_operands = 12 : i64, tpu.core_type = #tpu.core_type<sc_vector_subcore>, window_params = [{transform_indices = #map}, {transform_indices = #map1}, {transform_indices = #map1}, {transform_indices = #map1}, {transform_indices = #map1}, {transform_indices = #map2}, {transform_indices = #map}]} {
    %mul3A = arith.constant 2 : i32
    %mul3A_0 = arith.muli %arg1, %mul3A : i32
    %add3A = arith.addi %mul3A_0, %arg0 : i32
    %mul3A_1 = arith.constant 640 : i32
    %mul3A_2 = arith.muli %arg1, %mul3A_1 : i32
    %mul3A_3 = arith.constant 10000 : i32
    %mul3A_4 = arith.muli %add3A, %mul3A_3 : i32
    "tpu.region"() ({
      %run_scoped3A = tpu.sem_alloc : memref<!tpu.dma_semaphore, #tpu.memory_space<semaphore_mem>>
      %dma_start3A = tpu.memref_slice %arg5[%mul3A_4] : memref<320000xi32, #tpu.memory_space<hbm>> -> memref<10000xi32, #tpu.memory_space<hbm>>
      %dma_start3A_41 = tpu.memref_slice %arg5[%mul3A_4] : memref<320000xi32, #tpu.memory_space<hbm>> -> memref<10000xi32, #tpu.memory_space<hbm>>
      tpu.enqueue_dma source(%dma_start3A_41 : memref<10000xi32, #tpu.memory_space<hbm>>) target(%arg9 : memref<10000xi32, #tpu.memory_space<vmem>>) target_semaphore(%run_scoped3A : memref<!tpu.dma_semaphore, #tpu.memory_space<semaphore_mem>>)
      %dma_wait3A = tpu.memref_slice %arg5[%mul3A_4] : memref<320000xi32, #tpu.memory_space<hbm>> -> memref<10000xi32, #tpu.memory_space<hbm>>
      %dma_wait3A_42 = tpu.memref_slice %arg5[%mul3A_4] : memref<320000xi32, #tpu.memory_space<hbm>> -> memref<10000xi32, #tpu.memory_space<hbm>>
      tpu.wait_dma2 semaphore(%run_scoped3A : memref<!tpu.dma_semaphore, #tpu.memory_space<semaphore_mem>>) src(%dma_wait3A_42 : memref<10000xi32, #tpu.memory_space<hbm>>) dst(%arg9 : memref<10000xi32, #tpu.memory_space<vmem>>)
      tpu.yield
    }) : () -> ()
    %mul3A_5 = arith.constant 10000 : i32
    %mul3A_6 = arith.muli %add3A, %mul3A_5 : i32
    "tpu.region"() ({
      %run_scoped3A = tpu.sem_alloc : memref<!tpu.dma_semaphore, #tpu.memory_space<semaphore_mem>>
      %dma_start3A = tpu.memref_slice %arg6[%mul3A_6] : memref<320000xi32, #tpu.memory_space<hbm>> -> memref<10000xi32, #tpu.memory_space<hbm>>
      %dma_start3A_41 = tpu.memref_slice %arg6[%mul3A_6] : memref<320000xi32, #tpu.memory_space<hbm>> -> memref<10000xi32, #tpu.memory_space<hbm>>
      tpu.enqueue_dma source(%dma_start3A_41 : memref<10000xi32, #tpu.memory_space<hbm>>) target(%arg10 : memref<10000xi32, #tpu.memory_space<vmem>>) target_semaphore(%run_scoped3A : memref<!tpu.dma_semaphore, #tpu.memory_space<semaphore_mem>>)
      %dma_wait3A = tpu.memref_slice %arg6[%mul3A_6] : memref<320000xi32, #tpu.memory_space<hbm>> -> memref<10000xi32, #tpu.memory_space<hbm>>
      %dma_wait3A_42 = tpu.memref_slice %arg6[%mul3A_6] : memref<320000xi32, #tpu.memory_space<hbm>> -> memref<10000xi32, #tpu.memory_space<hbm>>
      tpu.wait_dma2 semaphore(%run_scoped3A : memref<!tpu.dma_semaphore, #tpu.memory_space<semaphore_mem>>) src(%dma_wait3A_42 : memref<10000xi32, #tpu.memory_space<hbm>>) dst(%arg10 : memref<10000xi32, #tpu.memory_space<vmem>>)
      tpu.yield
    }) : () -> ()
    "tpu.region"() ({
      %run_scoped3A = tpu.sem_alloc : memref<!tpu.dma_semaphore, #tpu.memory_space<semaphore_mem>>
      tpu.enqueue_dma source(%arg3 : memref<10000xf32, #tpu.memory_space<hbm>>) target(%arg11 : memref<10000xf32, #tpu.memory_space<vmem>>) target_semaphore(%run_scoped3A : memref<!tpu.dma_semaphore, #tpu.memory_space<semaphore_mem>>)
      tpu.wait_dma2 semaphore(%run_scoped3A : memref<!tpu.dma_semaphore, #tpu.memory_space<semaphore_mem>>) src(%arg3 : memref<10000xf32, #tpu.memory_space<hbm>>) dst(%arg11 : memref<10000xf32, #tpu.memory_space<vmem>>)
      tpu.yield
    }) : () -> ()
    "tpu.region"() ({
      %run_scoped3A = tpu.sem_alloc : memref<!tpu.dma_semaphore, #tpu.memory_space<semaphore_mem>>
      tpu.enqueue_dma source(%arg4 : memref<10000xf32, #tpu.memory_space<hbm>>) target(%arg12 : memref<10000xf32, #tpu.memory_space<vmem>>) target_semaphore(%run_scoped3A : memref<!tpu.dma_semaphore, #tpu.memory_space<semaphore_mem>>)
      tpu.wait_dma2 semaphore(%run_scoped3A : memref<!tpu.dma_semaphore, #tpu.memory_space<semaphore_mem>>) src(%arg4 : memref<10000xf32, #tpu.memory_space<hbm>>) dst(%arg12 : memref<10000xf32, #tpu.memory_space<vmem>>)
      tpu.yield
    }) : () -> ()
    %broadcast_in_dim3A = arith.constant 0.000000e+00 : f32
    %broadcast_in_dim3A_7 = vector.broadcast %broadcast_in_dim3A : f32 to vector<16xf32>
    %scan3A = arith.constant 0 : i32
    %scan3A_8 = arith.constant 0 : i32
    %scan3A_9 = arith.constant 400 : i32
    %scan3A_10 = arith.addi %scan3A_8, %scan3A_9 : i32
    %scan3A_11 = arith.constant 1 : i32
    %scan3A_12 = scf.for %scan3A_41 = %scan3A_8 to %scan3A_10 step %scan3A_11 iter_args(%scan3A_42 = %scan3A) -> (i32)  : i32 {
      %swap3A = arith.index_cast %scan3A_41 : i32 to index
      %swap3A_43 = arith.constant 0 : index
      %swap3A_44 = tpu.vector_load %arg13[%swap3A, %swap3A_43] {strides = array<i32>} : memref<400x64xf32, #tpu.memory_space<vmem>>, vector<16xf32>,
      tpu.vector_store %arg13[%swap3A, %swap3A_43], %broadcast_in_dim3A_7 {strides = array<i32>} : memref<400x64xf32, #tpu.memory_space<vmem>>, vector<16xf32>,
      %swap3A_45 = arith.index_cast %scan3A_41 : i32 to index
      %swap3A_46 = arith.constant 16 : index
      %swap3A_47 = tpu.vector_load %arg13[%swap3A_45, %swap3A_46] {strides = array<i32>} : memref<400x64xf32, #tpu.memory_space<vmem>>, vector<16xf32>,
      tpu.vector_store %arg13[%swap3A_45, %swap3A_46], %broadcast_in_dim3A_7 {strides = array<i32>} : memref<400x64xf32, #tpu.memory_space<vmem>>, vector<16xf32>,
      %swap3A_48 = arith.index_cast %scan3A_41 : i32 to index
      %swap3A_49 = arith.constant 32 : index
      %swap3A_50 = tpu.vector_load %arg13[%swap3A_48, %swap3A_49] {strides = array<i32>} : memref<400x64xf32, #tpu.memory_space<vmem>>, vector<16xf32>,
      tpu.vector_store %arg13[%swap3A_48, %swap3A_49], %broadcast_in_dim3A_7 {strides = array<i32>} : memref<400x64xf32, #tpu.memory_space<vmem>>, vector<16xf32>,
      %swap3A_51 = arith.index_cast %scan3A_41 : i32 to index
      %swap3A_52 = arith.constant 48 : index
      %swap3A_53 = tpu.vector_load %arg13[%swap3A_51, %swap3A_52] {strides = array<i32>} : memref<400x64xf32, #tpu.memory_space<vmem>>, vector<16xf32>,
      tpu.vector_store %arg13[%swap3A_51, %swap3A_52], %broadcast_in_dim3A_7 {strides = array<i32>} : memref<400x64xf32, #tpu.memory_space<vmem>>, vector<16xf32>,
      %scan3A_54 = arith.constant 0 : i32
      scf.yield %scan3A_54 : i32
    }
    %scan3A_13 = arith.constant 400 : i32
    %scan3A_14 = arith.constant 0 : i32
    %scan3A_15 = arith.constant 0 : i32
    %scan3A_16 = arith.constant 25 : i32
    %scan3A_17 = arith.addi %scan3A_15, %scan3A_16 : i32
    %scan3A_18 = arith.constant 1 : i32
    %scan3A_19 = scf.for %scan3A_41 = %scan3A_15 to %scan3A_17 step %scan3A_18 iter_args(%scan3A_42 = %scan3A_14) -> (i32)  : i32 {
      %mul3A_43 = arith.constant 16 : i32
      %mul3A_44 = arith.muli %scan3A_41, %mul3A_43 : i32
      %swap3A = arith.index_cast %mul3A_44 : i32 to index
      %swap3A_45 = tpu.vector_load %arg14[%swap3A] {strides = array<i32>} : memref<400xf32, #tpu.memory_space<vmem>>, vector<16xf32>,
      tpu.vector_store %arg14[%swap3A], %broadcast_in_dim3A_7 {strides = array<i32>} : memref<400xf32, #tpu.memory_space<vmem>>, vector<16xf32>,
      %scan3A_46 = arith.constant 0 : i32
      scf.yield %scan3A_46 : i32
    }
    %scan3A_20 = arith.constant 25 : i32
    "tpu.region"() ({
      %run_scoped3A = tpu.sem_alloc : memref<!tpu.dma_semaphore, #tpu.memory_space<semaphore_mem>>
      %dma_start3A = arith.constant 0 : i32
      %dma_start3A_41 = tpu.memref_slice %arg18[%mul3A_2, %dma_start3A] : memref<10240x64xf32, #tpu.memory_space<vmem_shared>> -> memref<400x64xf32, #tpu.memory_space<vmem_shared>>
      %dma_start3A_42 = arith.constant 0 : i32
      %dma_start3A_43 = tpu.memref_slice %arg18[%mul3A_2, %dma_start3A_42] : memref<10240x64xf32, #tpu.memory_space<vmem_shared>> -> memref<400x64xf32, #tpu.memory_space<vmem_shared>>
      tpu.enqueue_dma source(%arg13 : memref<400x64xf32, #tpu.memory_space<vmem>>) target(%dma_start3A_43 : memref<400x64xf32, #tpu.memory_space<vmem_shared>>) target_semaphore(%run_scoped3A : memref<!tpu.dma_semaphore, #tpu.memory_space<semaphore_mem>>)
      %dma_wait3A = arith.constant 0 : i32
      %dma_wait3A_44 = tpu.memref_slice %arg18[%mul3A_2, %dma_wait3A] : memref<10240x64xf32, #tpu.memory_space<vmem_shared>> -> memref<400x64xf32, #tpu.memory_space<vmem_shared>>
      %dma_wait3A_45 = arith.constant 0 : i32
      %dma_wait3A_46 = tpu.memref_slice %arg18[%mul3A_2, %dma_wait3A_45] : memref<10240x64xf32, #tpu.memory_space<vmem_shared>> -> memref<400x64xf32, #tpu.memory_space<vmem_shared>>
      tpu.wait_dma2 semaphore(%run_scoped3A : memref<!tpu.dma_semaphore, #tpu.memory_space<semaphore_mem>>) src(%arg13 : memref<400x64xf32, #tpu.memory_space<vmem>>) dst(%dma_wait3A_46 : memref<400x64xf32, #tpu.memory_space<vmem_shared>>)
      tpu.yield
    }) : () -> ()
    %add3A_21 = arith.constant 400 : i32
    %add3A_22 = arith.addi %mul3A_2, %add3A_21 : i32
    "tpu.region"() ({
      %run_scoped3A = tpu.sem_alloc : memref<!tpu.dma_semaphore, #tpu.memory_space<semaphore_mem>>
      %dma_start3A = arith.constant 0 : i32
      %dma_start3A_41 = arith.constant 0 : i32
      %dma_start3A_42 = tpu.memref_slice %arg13[%dma_start3A, %dma_start3A_41] : memref<400x64xf32, #tpu.memory_space<vmem>> -> memref<240x64xf32, #tpu.memory_space<vmem>>
      %dma_start3A_43 = arith.constant 0 : i32
      %dma_start3A_44 = tpu.memref_slice %arg18[%add3A_22, %dma_start3A_43] : memref<10240x64xf32, #tpu.memory_space<vmem_shared>> -> memref<240x64xf32, #tpu.memory_space<vmem_shared>>
      %dma_start3A_45 = arith.constant 0 : i32
      %dma_start3A_46 = tpu.memref_slice %arg18[%add3A_22, %dma_start3A_45] : memref<10240x64xf32, #tpu.memory_space<vmem_shared>> -> memref<240x64xf32, #tpu.memory_space<vmem_shared>>
      %dma_start3A_47 = arith.constant 0 : i32
      %dma_start3A_48 = arith.constant 0 : i32
      %dma_start3A_49 = tpu.memref_slice %arg13[%dma_start3A_47, %dma_start3A_48] : memref<400x64xf32, #tpu.memory_space<vmem>> -> memref<240x64xf32, #tpu.memory_space<vmem>>
      tpu.enqueue_dma source(%dma_start3A_49 : memref<240x64xf32, #tpu.memory_space<vmem>>) target(%dma_start3A_46 : memref<240x64xf32, #tpu.memory_space<vmem_shared>>) target_semaphore(%run_scoped3A : memref<!tpu.dma_semaphore, #tpu.memory_space<semaphore_mem>>)
      %dma_wait3A = arith.constant 0 : i32
      %dma_wait3A_50 = arith.constant 0 : i32
      %dma_wait3A_51 = tpu.memref_slice %arg13[%dma_wait3A, %dma_wait3A_50] : memref<400x64xf32, #tpu.memory_space<vmem>> -> memref<240x64xf32, #tpu.memory_space<vmem>>
      %dma_wait3A_52 = arith.constant 0 : i32
      %dma_wait3A_53 = tpu.memref_slice %arg18[%add3A_22, %dma_wait3A_52] : memref<10240x64xf32, #tpu.memory_space<vmem_shared>> -> memref<240x64xf32, #tpu.memory_space<vmem_shared>>
      %dma_wait3A_54 = arith.constant 0 : i32
      %dma_wait3A_55 = tpu.memref_slice %arg18[%add3A_22, %dma_wait3A_54] : memref<10240x64xf32, #tpu.memory_space<vmem_shared>> -> memref<240x64xf32, #tpu.memory_space<vmem_shared>>
      %dma_wait3A_56 = arith.constant 0 : i32
      %dma_wait3A_57 = arith.constant 0 : i32
      %dma_wait3A_58 = tpu.memref_slice %arg13[%dma_wait3A_56, %dma_wait3A_57] : memref<400x64xf32, #tpu.memory_space<vmem>> -> memref<240x64xf32, #tpu.memory_space<vmem>>
      tpu.wait_dma2 semaphore(%run_scoped3A : memref<!tpu.dma_semaphore, #tpu.memory_space<semaphore_mem>>) src(%dma_wait3A_58 : memref<240x64xf32, #tpu.memory_space<vmem>>) dst(%dma_wait3A_55 : memref<240x64xf32, #tpu.memory_space<vmem_shared>>)
      tpu.yield
    }) : () -> ()
    "tpu.region"() ({
      %run_scoped3A = tpu.sem_alloc : memref<!tpu.dma_semaphore, #tpu.memory_space<semaphore_mem>>
      %dma_start3A = tpu.memref_slice %arg19[%mul3A_2] : memref<10240xf32, #tpu.memory_space<vmem_shared>> -> memref<400xf32, #tpu.memory_space<vmem_shared>>
      %dma_start3A_41 = tpu.memref_slice %arg19[%mul3A_2] : memref<10240xf32, #tpu.memory_space<vmem_shared>> -> memref<400xf32, #tpu.memory_space<vmem_shared>>
      tpu.enqueue_dma source(%arg14 : memref<400xf32, #tpu.memory_space<vmem>>) target(%dma_start3A_41 : memref<400xf32, #tpu.memory_space<vmem_shared>>) target_semaphore(%run_scoped3A : memref<!tpu.dma_semaphore, #tpu.memory_space<semaphore_mem>>)
      %dma_wait3A = tpu.memref_slice %arg19[%mul3A_2] : memref<10240xf32, #tpu.memory_space<vmem_shared>> -> memref<400xf32, #tpu.memory_space<vmem_shared>>
      %dma_wait3A_42 = tpu.memref_slice %arg19[%mul3A_2] : memref<10240xf32, #tpu.memory_space<vmem_shared>> -> memref<400xf32, #tpu.memory_space<vmem_shared>>
      tpu.wait_dma2 semaphore(%run_scoped3A : memref<!tpu.dma_semaphore, #tpu.memory_space<semaphore_mem>>) src(%arg14 : memref<400xf32, #tpu.memory_space<vmem>>) dst(%dma_wait3A_42 : memref<400xf32, #tpu.memory_space<vmem_shared>>)
      tpu.yield
    }) : () -> ()
    %add3A_23 = arith.constant 400 : i32
    %add3A_24 = arith.addi %mul3A_2, %add3A_23 : i32
    "tpu.region"() ({
      %run_scoped3A = tpu.sem_alloc : memref<!tpu.dma_semaphore, #tpu.memory_space<semaphore_mem>>
      %dma_start3A = arith.constant 0 : i32
      %dma_start3A_41 = tpu.memref_slice %arg14[%dma_start3A] : memref<400xf32, #tpu.memory_space<vmem>> -> memref<240xf32, #tpu.memory_space<vmem>>
      %dma_start3A_42 = tpu.memref_slice %arg19[%add3A_24] : memref<10240xf32, #tpu.memory_space<vmem_shared>> -> memref<240xf32, #tpu.memory_space<vmem_shared>>
      %dma_start3A_43 = tpu.memref_slice %arg19[%add3A_24] : memref<10240xf32, #tpu.memory_space<vmem_shared>> -> memref<240xf32, #tpu.memory_space<vmem_shared>>
      %dma_start3A_44 = arith.constant 0 : i32
      %dma_start3A_45 = tpu.memref_slice %arg14[%dma_start3A_44] : memref<400xf32, #tpu.memory_space<vmem>> -> memref<240xf32, #tpu.memory_space<vmem>>
      tpu.enqueue_dma source(%dma_start3A_45 : memref<240xf32, #tpu.memory_space<vmem>>) target(%dma_start3A_43 : memref<240xf32, #tpu.memory_space<vmem_shared>>) target_semaphore(%run_scoped3A : memref<!tpu.dma_semaphore, #tpu.memory_space<semaphore_mem>>)
      %dma_wait3A = arith.constant 0 : i32
      %dma_wait3A_46 = tpu.memref_slice %arg14[%dma_wait3A] : memref<400xf32, #tpu.memory_space<vmem>> -> memref<240xf32, #tpu.memory_space<vmem>>
      %dma_wait3A_47 = tpu.memref_slice %arg19[%add3A_24] : memref<10240xf32, #tpu.memory_space<vmem_shared>> -> memref<240xf32, #tpu.memory_space<vmem_shared>>
      %dma_wait3A_48 = tpu.memref_slice %arg19[%add3A_24] : memref<10240xf32, #tpu.memory_space<vmem_shared>> -> memref<240xf32, #tpu.memory_space<vmem_shared>>
      %dma_wait3A_49 = arith.constant 0 : i32
      %dma_wait3A_50 = tpu.memref_slice %arg14[%dma_wait3A_49] : memref<400xf32, #tpu.memory_space<vmem>> -> memref<240xf32, #tpu.memory_space<vmem>>
      tpu.wait_dma2 semaphore(%run_scoped3A : memref<!tpu.dma_semaphore, #tpu.memory_space<semaphore_mem>>) src(%dma_wait3A_50 : memref<240xf32, #tpu.memory_space<vmem>>) dst(%dma_wait3A_48 : memref<240xf32, #tpu.memory_space<vmem_shared>>)
      tpu.yield
    }) : () -> ()
    %barrier3A = arith.constant 0 : index
    tpu.barrier barrier_id(%barrier3A)
    %scan3A_25 = arith.constant 0 : i32
    %scan3A_26 = arith.constant 0 : i32
    %scan3A_27 = arith.constant 25 : i32
    %scan3A_28 = arith.addi %scan3A_26, %scan3A_27 : i32
    %scan3A_29 = arith.constant 1 : i32
    %scan3A_30 = scf.for %scan3A_41 = %scan3A_26 to %scan3A_28 step %scan3A_29 iter_args(%scan3A_42 = %scan3A_25) -> (i32)  : i32 {
      %mul3A_43 = arith.constant 400 : i32
      %mul3A_44 = arith.muli %scan3A_41, %mul3A_43 : i32
      %scan3A_45 = arith.constant 0 : i32
      %scan3A_46 = arith.constant 0 : i32
      %scan3A_47 = arith.constant 25 : i32
      %scan3A_48 = arith.addi %scan3A_46, %scan3A_47 : i32
      %scan3A_49 = arith.constant 1 : i32
      %scan3A_50 = scf.for %scan3A_71 = %scan3A_46 to %scan3A_48 step %scan3A_49 iter_args(%scan3A_72 = %scan3A_45) -> (i32)  : i32 {
        %mul3A_73 = arith.constant 16 : i32
        %mul3A_74 = arith.muli %scan3A_71, %mul3A_73 : i32
        %add3A_75 = arith.addi %mul3A_44, %mul3A_74 : i32
        %get3A = arith.index_cast %add3A_75 : i32 to index
        %get3A_76 = tpu.vector_load %arg9[%get3A] {strides = array<i32>} : memref<10000xi32, #tpu.memory_space<vmem>>, vector<16xi32>,
        %mul3A_77 = arith.constant 16 : i32
        %mul3A_78 = arith.muli %scan3A_71, %mul3A_77 : i32
        %swap3A = arith.index_cast %mul3A_78 : i32 to index
        %swap3A_79 = tpu.vector_load %arg15[%swap3A] {strides = array<i32>} : memref<400xi32, #tpu.memory_space<vmem>>, vector<16xi32>,
        tpu.vector_store %arg15[%swap3A], %get3A_76 {strides = array<i32>} : memref<400xi32, #tpu.memory_space<vmem>>, vector<16xi32>,
        %mul3A_80 = arith.constant 16 : i32
        %mul3A_81 = arith.muli %scan3A_71, %mul3A_80 : i32
        %add3A_82 = arith.addi %mul3A_44, %mul3A_81 : i32
        %get3A_83 = arith.index_cast %add3A_82 : i32 to index
        %get3A_84 = tpu.vector_load %arg10[%get3A_83] {strides = array<i32>} : memref<10000xi32, #tpu.memory_space<vmem>>, vector<16xi32>,
        %mul3A_85 = arith.constant 16 : i32
        %mul3A_86 = arith.muli %scan3A_71, %mul3A_85 : i32
        %swap3A_87 = arith.index_cast %mul3A_86 : i32 to index
        %swap3A_88 = tpu.vector_load %arg16[%swap3A_87] {strides = array<i32>} : memref<400xi32, #tpu.memory_space<vmem>>, vector<16xi32>,
        tpu.vector_store %arg16[%swap3A_87], %get3A_84 {strides = array<i32>} : memref<400xi32, #tpu.memory_space<vmem>>, vector<16xi32>,
        %scan3A_89 = arith.constant 0 : i32
        scf.yield %scan3A_89 : i32
      }
      %scan3A_51 = arith.constant 25 : i32
      %dma_start3A = arith.constant 0 : i32
      %dma_start3A_52 = arith.constant 0 : i32
      %dma_start3A_53 = tpu.memref_slice %arg2[%dma_start3A, %dma_start3A_52] : memref<10000x64xf32, #tpu.memory_space<hbm>> -> memref<10000x64xf32, #tpu.memory_space<hbm>>
      tpu.enqueue_indirect_dma source(%dma_start3A_53 : memref<10000x64xf32, #tpu.memory_space<hbm>>) target(%arg13 : memref<400x64xf32, #tpu.memory_space<vmem>>) offsets(%arg15 : memref<400xi32, #tpu.memory_space<vmem>>) semaphore(%arg20 : memref<!tpu.dma_semaphore, #tpu.memory_space<semaphore_mem>>)
      %dma_wait3A = arith.constant 0 : i32
      %dma_wait3A_54 = arith.constant 0 : i32
      %dma_wait3A_55 = tpu.memref_slice %arg2[%dma_wait3A, %dma_wait3A_54] : memref<10000x64xf32, #tpu.memory_space<hbm>> -> memref<10000x64xf32, #tpu.memory_space<hbm>>
      tpu.wait_indirect_dma semaphore(%arg20 : memref<!tpu.dma_semaphore, #tpu.memory_space<semaphore_mem>>) src(%dma_wait3A_55 : memref<10000x64xf32, #tpu.memory_space<hbm>>) dst(%arg13 : memref<400x64xf32, #tpu.memory_space<vmem>>)
      %scan3A_56 = arith.constant 0 : i32
      %scan3A_57 = arith.constant 0 : i32
      %scan3A_58 = arith.constant 25 : i32
      %scan3A_59 = arith.addi %scan3A_57, %scan3A_58 : i32
      %scan3A_60 = arith.constant 1 : i32
      %scan3A_61 = scf.for %scan3A_71 = %scan3A_57 to %scan3A_59 step %scan3A_60 iter_args(%scan3A_72 = %scan3A_56) -> (i32)  : i32 {
        %mul3A_73 = arith.constant 16 : i32
        %mul3A_74 = arith.muli %scan3A_71, %mul3A_73 : i32
        %add3A_75 = arith.addi %mul3A_44, %mul3A_74 : i32
        %get3A = arith.index_cast %add3A_75 : i32 to index
        %get3A_76 = tpu.vector_load %arg9[%get3A] {strides = array<i32>} : memref<10000xi32, #tpu.memory_space<vmem>>, vector<16xi32>,
        %mul3A_77 = arith.constant 16 : i32
        %mul3A_78 = arith.muli %scan3A_71, %mul3A_77 : i32
        %add3A_79 = arith.addi %mul3A_44, %mul3A_78 : i32
        %get3A_80 = arith.index_cast %add3A_79 : i32 to index
        %get3A_81 = tpu.vector_load %arg10[%get3A_80] {strides = array<i32>} : memref<10000xi32, #tpu.memory_space<vmem>>, vector<16xi32>,
        %gather3A = tpu.vector_load_idx %arg11[%get3A_76] : memref<10000xf32, #tpu.memory_space<vmem>>[vector<16xi32>], vector<16xf32>,
        %gather3A_82 = tpu.vector_load_idx %arg12[%get3A_81] : memref<10000xf32, #tpu.memory_space<vmem>>[vector<16xi32>], vector<16xf32>,
        %add3A_83 = arith.addf %gather3A, %gather3A_82 : vector<16xf32>
        %mul3A_84 = arith.constant 2.000000e-01 : f32
        %mul3A_85 = vector.broadcast %mul3A_84 : f32 to vector<16xf32>
        %mul3A_86 = arith.mulf %add3A_83, %mul3A_85 : vector<16xf32>
        %max3A = arith.maximumf %add3A_83, %mul3A_86 : vector<16xf32>
        %exp3A = math.exp %max3A : vector<16xf32>
        %mul3A_87 = arith.constant 16 : i32
        %mul3A_88 = arith.muli %scan3A_71, %mul3A_87 : i32
        %swap3A = arith.index_cast %mul3A_88 : i32 to index
        %swap3A_89 = tpu.vector_load %arg14[%swap3A] {strides = array<i32>} : memref<400xf32, #tpu.memory_space<vmem>>, vector<16xf32>,
        tpu.vector_store %arg14[%swap3A], %exp3A {strides = array<i32>} : memref<400xf32, #tpu.memory_space<vmem>>, vector<16xf32>,
        %scan3A_90 = arith.constant 0 : i32
        scf.yield %scan3A_90 : i32
      }
      %scan3A_62 = arith.constant 25 : i32
      %scan3A_63 = arith.constant 0 : i32
      %scan3A_64 = arith.constant 0 : i32
      %scan3A_65 = arith.constant 25 : i32
      %scan3A_66 = arith.addi %scan3A_64, %scan3A_65 : i32
      %scan3A_67 = arith.constant 1 : i32
      %scan3A_68 = scf.for %scan3A_71 = %scan3A_64 to %scan3A_66 step %scan3A_67 iter_args(%scan3A_72 = %scan3A_63) -> (i32)  : i32 {
        %mul3A_73 = arith.constant 16 : i32
        %mul3A_74 = arith.muli %scan3A_71, %mul3A_73 : i32
        %get3A = arith.index_cast %mul3A_74 : i32 to index
        %get3A_75 = tpu.vector_load %arg14[%get3A] {strides = array<i32>} : memref<400xf32, #tpu.memory_space<vmem>>, vector<16xf32>,
        %slice3A = vector.extract_strided_slice %get3A_75 {offsets = [0], sizes = [1], strides = [1]} : vector<16xf32> to vector<1xf32>
        %squeeze3A = vector.extract %slice3A[0] : f32 from vector<1xf32>
        %mul3A_76 = arith.constant 16 : i32
        %mul3A_77 = arith.muli %scan3A_71, %mul3A_76 : i32
        %add3A_78 = arith.constant 0 : i32
        %add3A_79 = arith.addi %mul3A_77, %add3A_78 : i32
        %get3A_80 = arith.index_cast %add3A_79 : i32 to index
        %get3A_81 = arith.constant 0 : index
        %get3A_82 = tpu.vector_load %arg13[%get3A_80, %get3A_81] {strides = array<i32>} : memref<400x64xf32, #tpu.memory_space<vmem>>, vector<16xf32>,
        %mul3A_83 = vector.broadcast %squeeze3A : f32 to vector<16xf32>
        %mul3A_84 = arith.mulf %get3A_82, %mul3A_83 : vector<16xf32>
        %swap3A = arith.index_cast %add3A_79 : i32 to index
        %swap3A_85 = arith.constant 0 : index
        %swap3A_86 = tpu.vector_load %arg13[%swap3A, %swap3A_85] {strides = array<i32>} : memref<400x64xf32, #tpu.memory_space<vmem>>, vector<16xf32>,
        tpu.vector_store %arg13[%swap3A, %swap3A_85], %mul3A_84 {strides = array<i32>} : memref<400x64xf32, #tpu.memory_space<vmem>>, vector<16xf32>,
        %get3A_87 = arith.index_cast %add3A_79 : i32 to index
        %get3A_88 = arith.constant 16 : index
        %get3A_89 = tpu.vector_load %arg13[%get3A_87, %get3A_88] {strides = array<i32>} : memref<400x64xf32, #tpu.memory_space<vmem>>, vector<16xf32>,
        %mul3A_90 = vector.broadcast %squeeze3A : f32 to vector<16xf32>
        %mul3A_91 = arith.mulf %get3A_89, %mul3A_90 : vector<16xf32>
        %swap3A_92 = arith.index_cast %add3A_79 : i32 to index
        %swap3A_93 = arith.constant 16 : index
        %swap3A_94 = tpu.vector_load %arg13[%swap3A_92, %swap3A_93] {strides = array<i32>} : memref<400x64xf32, #tpu.memory_space<vmem>>, vector<16xf32>,
        tpu.vector_store %arg13[%swap3A_92, %swap3A_93], %mul3A_91 {strides = array<i32>} : memref<400x64xf32, #tpu.memory_space<vmem>>, vector<16xf32>,
        %get3A_95 = arith.index_cast %add3A_79 : i32 to index
        %get3A_96 = arith.constant 32 : index
        %get3A_97 = tpu.vector_load %arg13[%get3A_95, %get3A_96] {strides = array<i32>} : memref<400x64xf32, #tpu.memory_space<vmem>>, vector<16xf32>,
        %mul3A_98 = vector.broadcast %squeeze3A : f32 to vector<16xf32>
        %mul3A_99 = arith.mulf %get3A_97, %mul3A_98 : vector<16xf32>
        %swap3A_100 = arith.index_cast %add3A_79 : i32 to index
        %swap3A_101 = arith.constant 32 : index
        %swap3A_102 = tpu.vector_load %arg13[%swap3A_100, %swap3A_101] {strides = array<i32>} : memref<400x64xf32, #tpu.memory_space<vmem>>, vector<16xf32>,
        tpu.vector_store %arg13[%swap3A_100, %swap3A_101], %mul3A_99 {strides = array<i32>} : memref<400x64xf32, #tpu.memory_space<vmem>>, vector<16xf32>,
        %get3A_103 = arith.index_cast %add3A_79 : i32 to index
        %get3A_104 = arith.constant 48 : index
        %get3A_105 = tpu.vector_load %arg13[%get3A_103, %get3A_104] {strides = array<i32>} : memref<400x64xf32, #tpu.memory_space<vmem>>, vector<16xf32>,
        %mul3A_106 = vector.broadcast %squeeze3A : f32 to vector<16xf32>
        %mul3A_107 = arith.mulf %get3A_105, %mul3A_106 : vector<16xf32>
        %swap3A_108 = arith.index_cast %add3A_79 : i32 to index
        %swap3A_109 = arith.constant 48 : index
        %swap3A_110 = tpu.vector_load %arg13[%swap3A_108, %swap3A_109] {strides = array<i32>} : memref<400x64xf32, #tpu.memory_space<vmem>>, vector<16xf32>,
        tpu.vector_store %arg13[%swap3A_108, %swap3A_109], %mul3A_107 {strides = array<i32>} : memref<400x64xf32, #tpu.memory_space<vmem>>, vector<16xf32>,
        %slice3A_111 = vector.extract_strided_slice %get3A_75 {offsets = [1], sizes = [1], strides = [1]} : vector<16xf32> to vector<1xf32>
        %squeeze3A_112 = vector.extract %slice3A_111[0] : f32 from vector<1xf32>
        %mul3A_113 = arith.constant 16 : i32
        %mul3A_114 = arith.muli %scan3A_71, %mul3A_113 : i32
        %add3A_115 = arith.constant 1 : i32
        %add3A_116 = arith.addi %mul3A_114, %add3A_115 : i32
        %get3A_117 = arith.index_cast %add3A_116 : i32 to index
        %get3A_118 = arith.constant 0 : index
        %get3A_119 = tpu.vector_load %arg13[%get3A_117, %get3A_118] {strides = array<i32>} : memref<400x64xf32, #tpu.memory_space<vmem>>, vector<16xf32>,
        %mul3A_120 = vector.broadcast %squeeze3A_112 : f32 to vector<16xf32>
        %mul3A_121 = arith.mulf %get3A_119, %mul3A_120 : vector<16xf32>
        %swap3A_122 = arith.index_cast %add3A_116 : i32 to index
        %swap3A_123 = arith.constant 0 : index
        %swap3A_124 = tpu.vector_load %arg13[%swap3A_122, %swap3A_123] {strides = array<i32>} : memref<400x64xf32, #tpu.memory_space<vmem>>, vector<16xf32>,
        tpu.vector_store %arg13[%swap3A_122, %swap3A_123], %mul3A_121 {strides = array<i32>} : memref<400x64xf32, #tpu.memory_space<vmem>>, vector<16xf32>,
        %get3A_125 = arith.index_cast %add3A_116 : i32 to index
        %get3A_126 = arith.constant 16 : index
        %get3A_127 = tpu.vector_load %arg13[%get3A_125, %get3A_126] {strides = array<i32>} : memref<400x64xf32, #tpu.memory_space<vmem>>, vector<16xf32>,
        %mul3A_128 = vector.broadcast %squeeze3A_112 : f32 to vector<16xf32>
        %mul3A_129 = arith.mulf %get3A_127, %mul3A_128 : vector<16xf32>
        %swap3A_130 = arith.index_cast %add3A_116 : i32 to index
        %swap3A_131 = arith.constant 16 : index
        %swap3A_132 = tpu.vector_load %arg13[%swap3A_130, %swap3A_131] {strides = array<i32>} : memref<400x64xf32, #tpu.memory_space<vmem>>, vector<16xf32>,
        tpu.vector_store %arg13[%swap3A_130, %swap3A_131], %mul3A_129 {strides = array<i32>} : memref<400x64xf32, #tpu.memory_space<vmem>>, vector<16xf32>,
        %get3A_133 = arith.index_cast %add3A_116 : i32 to index
        %get3A_134 = arith.constant 32 : index
        %get3A_135 = tpu.vector_load %arg13[%get3A_133, %get3A_134] {strides = array<i32>} : memref<400x64xf32, #tpu.memory_space<vmem>>, vector<16xf32>,
        %mul3A_136 = vector.broadcast %squeeze3A_112 : f32 to vector<16xf32>
        %mul3A_137 = arith.mulf %get3A_135, %mul3A_136 : vector<16xf32>
        %swap3A_138 = arith.index_cast %add3A_116 : i32 to index
        %swap3A_139 = arith.constant 32 : index
        %swap3A_140 = tpu.vector_load %arg13[%swap3A_138, %swap3A_139] {strides = array<i32>} : memref<400x64xf32, #tpu.memory_space<vmem>>, vector<16xf32>,
        tpu.vector_store %arg13[%swap3A_138, %swap3A_139], %mul3A_137 {strides = array<i32>} : memref<400x64xf32, #tpu.memory_space<vmem>>, vector<16xf32>,
        %get3A_141 = arith.index_cast %add3A_116 : i32 to index
        %get3A_142 = arith.constant 48 : index
        %get3A_143 = tpu.vector_load %arg13[%get3A_141, %get3A_142] {strides = array<i32>} : memref<400x64xf32, #tpu.memory_space<vmem>>, vector<16xf32>,
        %mul3A_144 = vector.broadcast %squeeze3A_112 : f32 to vector<16xf32>
        %mul3A_145 = arith.mulf %get3A_143, %mul3A_144 : vector<16xf32>
        %swap3A_146 = arith.index_cast %add3A_116 : i32 to index
        %swap3A_147 = arith.constant 48 : index
        %swap3A_148 = tpu.vector_load %arg13[%swap3A_146, %swap3A_147] {strides = array<i32>} : memref<400x64xf32, #tpu.memory_space<vmem>>, vector<16xf32>,
        tpu.vector_store %arg13[%swap3A_146, %swap3A_147], %mul3A_145 {strides = array<i32>} : memref<400x64xf32, #tpu.memory_space<vmem>>, vector<16xf32>,
        %slice3A_149 = vector.extract_strided_slice %get3A_75 {offsets = [2], sizes = [1], strides = [1]} : vector<16xf32> to vector<1xf32>
        %squeeze3A_150 = vector.extract %slice3A_149[0] : f32 from vector<1xf32>
        %mul3A_151 = arith.constant 16 : i32
        %mul3A_152 = arith.muli %scan3A_71, %mul3A_151 : i32
        %add3A_153 = arith.constant 2 : i32
        %add3A_154 = arith.addi %mul3A_152, %add3A_153 : i32
        %get3A_155 = arith.index_cast %add3A_154 : i32 to index
        %get3A_156 = arith.constant 0 : index
        %get3A_157 = tpu.vector_load %arg13[%get3A_155, %get3A_156] {strides = array<i32>} : memref<400x64xf32, #tpu.memory_space<vmem>>, vector<16xf32>,
        %mul3A_158 = vector.broadcast %squeeze3A_150 : f32 to vector<16xf32>
        %mul3A_159 = arith.mulf %get3A_157, %mul3A_158 : vector<16xf32>
        %swap3A_160 = arith.index_cast %add3A_154 : i32 to index
        %swap3A_161 = arith.constant 0 : index
        %swap3A_162 = tpu.vector_load %arg13[%swap3A_160, %swap3A_161] {strides = array<i32>} : memref<400x64xf32, #tpu.memory_space<vmem>>, vector<16xf32>,
        tpu.vector_store %arg13[%swap3A_160, %swap3A_161], %mul3A_159 {strides = array<i32>} : memref<400x64xf32, #tpu.memory_space<vmem>>, vector<16xf32>,
        %get3A_163 = arith.index_cast %add3A_154 : i32 to index
        %get3A_164 = arith.constant 16 : index
        %get3A_165 = tpu.vector_load %arg13[%get3A_163, %get3A_164] {strides = array<i32>} : memref<400x64xf32, #tpu.memory_space<vmem>>, vector<16xf32>,
        %mul3A_166 = vector.broadcast %squeeze3A_150 : f32 to vector<16xf32>
        %mul3A_167 = arith.mulf %get3A_165, %mul3A_166 : vector<16xf32>
        %swap3A_168 = arith.index_cast %add3A_154 : i32 to index
        %swap3A_169 = arith.constant 16 : index
        %swap3A_170 = tpu.vector_load %arg13[%swap3A_168, %swap3A_169] {strides = array<i32>} : memref<400x64xf32, #tpu.memory_space<vmem>>, vector<16xf32>,
        tpu.vector_store %arg13[%swap3A_168, %swap3A_169], %mul3A_167 {strides = array<i32>} : memref<400x64xf32, #tpu.memory_space<vmem>>, vector<16xf32>,
        %get3A_171 = arith.index_cast %add3A_154 : i32 to index
        %get3A_172 = arith.constant 32 : index
        %get3A_173 = tpu.vector_load %arg13[%get3A_171, %get3A_172] {strides = array<i32>} : memref<400x64xf32, #tpu.memory_space<vmem>>, vector<16xf32>,
        %mul3A_174 = vector.broadcast %squeeze3A_150 : f32 to vector<16xf32>
        %mul3A_175 = arith.mulf %get3A_173, %mul3A_174 : vector<16xf32>
        %swap3A_176 = arith.index_cast %add3A_154 : i32 to index
        %swap3A_177 = arith.constant 32 : index
        %swap3A_178 = tpu.vector_load %arg13[%swap3A_176, %swap3A_177] {strides = array<i32>} : memref<400x64xf32, #tpu.memory_space<vmem>>, vector<16xf32>,
        tpu.vector_store %arg13[%swap3A_176, %swap3A_177], %mul3A_175 {strides = array<i32>} : memref<400x64xf32, #tpu.memory_space<vmem>>, vector<16xf32>,
        %get3A_179 = arith.index_cast %add3A_154 : i32 to index
        %get3A_180 = arith.constant 48 : index
        %get3A_181 = tpu.vector_load %arg13[%get3A_179, %get3A_180] {strides = array<i32>} : memref<400x64xf32, #tpu.memory_space<vmem>>, vector<16xf32>,
        %mul3A_182 = vector.broadcast %squeeze3A_150 : f32 to vector<16xf32>
        %mul3A_183 = arith.mulf %get3A_181, %mul3A_182 : vector<16xf32>
        %swap3A_184 = arith.index_cast %add3A_154 : i32 to index
        %swap3A_185 = arith.constant 48 : index
        %swap3A_186 = tpu.vector_load %arg13[%swap3A_184, %swap3A_185] {strides = array<i32>} : memref<400x64xf32, #tpu.memory_space<vmem>>, vector<16xf32>,
        tpu.vector_store %arg13[%swap3A_184, %swap3A_185], %mul3A_183 {strides = array<i32>} : memref<400x64xf32, #tpu.memory_space<vmem>>, vector<16xf32>,
        %slice3A_187 = vector.extract_strided_slice %get3A_75 {offsets = [3], sizes = [1], strides = [1]} : vector<16xf32> to vector<1xf32>
        %squeeze3A_188 = vector.extract %slice3A_187[0] : f32 from vector<1xf32>
        %mul3A_189 = arith.constant 16 : i32
        %mul3A_190 = arith.muli %scan3A_71, %mul3A_189 : i32
        %add3A_191 = arith.constant 3 : i32
        %add3A_192 = arith.addi %mul3A_190, %add3A_191 : i32
        %get3A_193 = arith.index_cast %add3A_192 : i32 to index
        %get3A_194 = arith.constant 0 : index
        %get3A_195 = tpu.vector_load %arg13[%get3A_193, %get3A_194] {strides = array<i32>} : memref<400x64xf32, #tpu.memory_space<vmem>>, vector<16xf32>,
        %mul3A_196 = vector.broadcast %squeeze3A_188 : f32 to vector<16xf32>
        %mul3A_197 = arith.mulf %get3A_195, %mul3A_196 : vector<16xf32>
        %swap3A_198 = arith.index_cast %add3A_192 : i32 to index
        %swap3A_199 = arith.constant 0 : index
        %swap3A_200 = tpu.vector_load %arg13[%swap3A_198, %swap3A_199] {strides = array<i32>} : memref<400x64xf32, #tpu.memory_space<vmem>>, vector<16xf32>,
        tpu.vector_store %arg13[%swap3A_198, %swap3A_199], %mul3A_197 {strides = array<i32>} : memref<400x64xf32, #tpu.memory_space<vmem>>, vector<16xf32>,
        %get3A_201 = arith.index_cast %add3A_192 : i32 to index
        %get3A_202 = arith.constant 16 : index
        %get3A_203 = tpu.vector_load %arg13[%get3A_201, %get3A_202] {strides = array<i32>} : memref<400x64xf32, #tpu.memory_space<vmem>>, vector<16xf32>,
        %mul3A_204 = vector.broadcast %squeeze3A_188 : f32 to vector<16xf32>
        %mul3A_205 = arith.mulf %get3A_203, %mul3A_204 : vector<16xf32>
        %swap3A_206 = arith.index_cast %add3A_192 : i32 to index
        %swap3A_207 = arith.constant 16 : index
        %swap3A_208 = tpu.vector_load %arg13[%swap3A_206, %swap3A_207] {strides = array<i32>} : memref<400x64xf32, #tpu.memory_space<vmem>>, vector<16xf32>,
        tpu.vector_store %arg13[%swap3A_206, %swap3A_207], %mul3A_205 {strides = array<i32>} : memref<400x64xf32, #tpu.memory_space<vmem>>, vector<16xf32>,
        %get3A_209 = arith.index_cast %add3A_192 : i32 to index
        %get3A_210 = arith.constant 32 : index
        %get3A_211 = tpu.vector_load %arg13[%get3A_209, %get3A_210] {strides = array<i32>} : memref<400x64xf32, #tpu.memory_space<vmem>>, vector<16xf32>,
        %mul3A_212 = vector.broadcast %squeeze3A_188 : f32 to vector<16xf32>
        %mul3A_213 = arith.mulf %get3A_211, %mul3A_212 : vector<16xf32>
        %swap3A_214 = arith.index_cast %add3A_192 : i32 to index
        %swap3A_215 = arith.constant 32 : index
        %swap3A_216 = tpu.vector_load %arg13[%swap3A_214, %swap3A_215] {strides = array<i32>} : memref<400x64xf32, #tpu.memory_space<vmem>>, vector<16xf32>,
        tpu.vector_store %arg13[%swap3A_214, %swap3A_215], %mul3A_213 {strides = array<i32>} : memref<400x64xf32, #tpu.memory_space<vmem>>, vector<16xf32>,
        %get3A_217 = arith.index_cast %add3A_192 : i32 to index
        %get3A_218 = arith.constant 48 : index
        %get3A_219 = tpu.vector_load %arg13[%get3A_217, %get3A_218] {strides = array<i32>} : memref<400x64xf32, #tpu.memory_space<vmem>>, vector<16xf32>,
        %mul3A_220 = vector.broadcast %squeeze3A_188 : f32 to vector<16xf32>
        %mul3A_221 = arith.mulf %get3A_219, %mul3A_220 : vector<16xf32>
        %swap3A_222 = arith.index_cast %add3A_192 : i32 to index
        %swap3A_223 = arith.constant 48 : index
        %swap3A_224 = tpu.vector_load %arg13[%swap3A_222, %swap3A_223] {strides = array<i32>} : memref<400x64xf32, #tpu.memory_space<vmem>>, vector<16xf32>,
        tpu.vector_store %arg13[%swap3A_222, %swap3A_223], %mul3A_221 {strides = array<i32>} : memref<400x64xf32, #tpu.memory_space<vmem>>, vector<16xf32>,
        %slice3A_225 = vector.extract_strided_slice %get3A_75 {offsets = [4], sizes = [1], strides = [1]} : vector<16xf32> to vector<1xf32>
        %squeeze3A_226 = vector.extract %slice3A_225[0] : f32 from vector<1xf32>
        %mul3A_227 = arith.constant 16 : i32
        %mul3A_228 = arith.muli %scan3A_71, %mul3A_227 : i32
        %add3A_229 = arith.constant 4 : i32
        %add3A_230 = arith.addi %mul3A_228, %add3A_229 : i32
        %get3A_231 = arith.index_cast %add3A_230 : i32 to index
        %get3A_232 = arith.constant 0 : index
        %get3A_233 = tpu.vector_load %arg13[%get3A_231, %get3A_232] {strides = array<i32>} : memref<400x64xf32, #tpu.memory_space<vmem>>, vector<16xf32>,
        %mul3A_234 = vector.broadcast %squeeze3A_226 : f32 to vector<16xf32>
        %mul3A_235 = arith.mulf %get3A_233, %mul3A_234 : vector<16xf32>
        %swap3A_236 = arith.index_cast %add3A_230 : i32 to index
        %swap3A_237 = arith.constant 0 : index
        %swap3A_238 = tpu.vector_load %arg13[%swap3A_236, %swap3A_237] {strides = array<i32>} : memref<400x64xf32, #tpu.memory_space<vmem>>, vector<16xf32>,
        tpu.vector_store %arg13[%swap3A_236, %swap3A_237], %mul3A_235 {strides = array<i32>} : memref<400x64xf32, #tpu.memory_space<vmem>>, vector<16xf32>,
        %get3A_239 = arith.index_cast %add3A_230 : i32 to index
        %get3A_240 = arith.constant 16 : index
        %get3A_241 = tpu.vector_load %arg13[%get3A_239, %get3A_240] {strides = array<i32>} : memref<400x64xf32, #tpu.memory_space<vmem>>, vector<16xf32>,
        %mul3A_242 = vector.broadcast %squeeze3A_226 : f32 to vector<16xf32>
        %mul3A_243 = arith.mulf %get3A_241, %mul3A_242 : vector<16xf32>
        %swap3A_244 = arith.index_cast %add3A_230 : i32 to index
        %swap3A_245 = arith.constant 16 : index
        %swap3A_246 = tpu.vector_load %arg13[%swap3A_244, %swap3A_245] {strides = array<i32>} : memref<400x64xf32, #tpu.memory_space<vmem>>, vector<16xf32>,
        tpu.vector_store %arg13[%swap3A_244, %swap3A_245], %mul3A_243 {strides = array<i32>} : memref<400x64xf32, #tpu.memory_space<vmem>>, vector<16xf32>,
        %get3A_247 = arith.index_cast %add3A_230 : i32 to index
        %get3A_248 = arith.constant 32 : index
        %get3A_249 = tpu.vector_load %arg13[%get3A_247, %get3A_248] {strides = array<i32>} : memref<400x64xf32, #tpu.memory_space<vmem>>, vector<16xf32>,
        %mul3A_250 = vector.broadcast %squeeze3A_226 : f32 to vector<16xf32>
        %mul3A_251 = arith.mulf %get3A_249, %mul3A_250 : vector<16xf32>
        %swap3A_252 = arith.index_cast %add3A_230 : i32 to index
        %swap3A_253 = arith.constant 32 : index
        %swap3A_254 = tpu.vector_load %arg13[%swap3A_252, %swap3A_253] {strides = array<i32>} : memref<400x64xf32, #tpu.memory_space<vmem>>, vector<16xf32>,
        tpu.vector_store %arg13[%swap3A_252, %swap3A_253], %mul3A_251 {strides = array<i32>} : memref<400x64xf32, #tpu.memory_space<vmem>>, vector<16xf32>,
        %get3A_255 = arith.index_cast %add3A_230 : i32 to index
        %get3A_256 = arith.constant 48 : index
        %get3A_257 = tpu.vector_load %arg13[%get3A_255, %get3A_256] {strides = array<i32>} : memref<400x64xf32, #tpu.memory_space<vmem>>, vector<16xf32>,
        %mul3A_258 = vector.broadcast %squeeze3A_226 : f32 to vector<16xf32>
        %mul3A_259 = arith.mulf %get3A_257, %mul3A_258 : vector<16xf32>
        %swap3A_260 = arith.index_cast %add3A_230 : i32 to index
        %swap3A_261 = arith.constant 48 : index
        %swap3A_262 = tpu.vector_load %arg13[%swap3A_260, %swap3A_261] {strides = array<i32>} : memref<400x64xf32, #tpu.memory_space<vmem>>, vector<16xf32>,
        tpu.vector_store %arg13[%swap3A_260, %swap3A_261], %mul3A_259 {strides = array<i32>} : memref<400x64xf32, #tpu.memory_space<vmem>>, vector<16xf32>,
        %slice3A_263 = vector.extract_strided_slice %get3A_75 {offsets = [5], sizes = [1], strides = [1]} : vector<16xf32> to vector<1xf32>
        %squeeze3A_264 = vector.extract %slice3A_263[0] : f32 from vector<1xf32>
        %mul3A_265 = arith.constant 16 : i32
        %mul3A_266 = arith.muli %scan3A_71, %mul3A_265 : i32
        %add3A_267 = arith.constant 5 : i32
        %add3A_268 = arith.addi %mul3A_266, %add3A_267 : i32
        %get3A_269 = arith.index_cast %add3A_268 : i32 to index
        %get3A_270 = arith.constant 0 : index
        %get3A_271 = tpu.vector_load %arg13[%get3A_269, %get3A_270] {strides = array<i32>} : memref<400x64xf32, #tpu.memory_space<vmem>>, vector<16xf32>,
        %mul3A_272 = vector.broadcast %squeeze3A_264 : f32 to vector<16xf32>
        %mul3A_273 = arith.mulf %get3A_271, %mul3A_272 : vector<16xf32>
        %swap3A_274 = arith.index_cast %add3A_268 : i32 to index
        %swap3A_275 = arith.constant 0 : index
        %swap3A_276 = tpu.vector_load %arg13[%swap3A_274, %swap3A_275] {strides = array<i32>} : memref<400x64xf32, #tpu.memory_space<vmem>>, vector<16xf32>,
        tpu.vector_store %arg13[%swap3A_274, %swap3A_275], %mul3A_273 {strides = array<i32>} : memref<400x64xf32, #tpu.memory_space<vmem>>, vector<16xf32>,
        %get3A_277 = arith.index_cast %add3A_268 : i32 to index
        %get3A_278 = arith.constant 16 : index
        %get3A_279 = tpu.vector_load %arg13[%get3A_277, %get3A_278] {strides = array<i32>} : memref<400x64xf32, #tpu.memory_space<vmem>>, vector<16xf32>,
        %mul3A_280 = vector.broadcast %squeeze3A_264 : f32 to vector<16xf32>
        %mul3A_281 = arith.mulf %get3A_279, %mul3A_280 : vector<16xf32>
        %swap3A_282 = arith.index_cast %add3A_268 : i32 to index
        %swap3A_283 = arith.constant 16 : index
        %swap3A_284 = tpu.vector_load %arg13[%swap3A_282, %swap3A_283] {strides = array<i32>} : memref<400x64xf32, #tpu.memory_space<vmem>>, vector<16xf32>,
        tpu.vector_store %arg13[%swap3A_282, %swap3A_283], %mul3A_281 {strides = array<i32>} : memref<400x64xf32, #tpu.memory_space<vmem>>, vector<16xf32>,
        %get3A_285 = arith.index_cast %add3A_268 : i32 to index
        %get3A_286 = arith.constant 32 : index
        %get3A_287 = tpu.vector_load %arg13[%get3A_285, %get3A_286] {strides = array<i32>} : memref<400x64xf32, #tpu.memory_space<vmem>>, vector<16xf32>,
        %mul3A_288 = vector.broadcast %squeeze3A_264 : f32 to vector<16xf32>
        %mul3A_289 = arith.mulf %get3A_287, %mul3A_288 : vector<16xf32>
        %swap3A_290 = arith.index_cast %add3A_268 : i32 to index
        %swap3A_291 = arith.constant 32 : index
        %swap3A_292 = tpu.vector_load %arg13[%swap3A_290, %swap3A_291] {strides = array<i32>} : memref<400x64xf32, #tpu.memory_space<vmem>>, vector<16xf32>,
        tpu.vector_store %arg13[%swap3A_290, %swap3A_291], %mul3A_289 {strides = array<i32>} : memref<400x64xf32, #tpu.memory_space<vmem>>, vector<16xf32>,
        %get3A_293 = arith.index_cast %add3A_268 : i32 to index
        %get3A_294 = arith.constant 48 : index
        %get3A_295 = tpu.vector_load %arg13[%get3A_293, %get3A_294] {strides = array<i32>} : memref<400x64xf32, #tpu.memory_space<vmem>>, vector<16xf32>,
        %mul3A_296 = vector.broadcast %squeeze3A_264 : f32 to vector<16xf32>
        %mul3A_297 = arith.mulf %get3A_295, %mul3A_296 : vector<16xf32>
        %swap3A_298 = arith.index_cast %add3A_268 : i32 to index
        %swap3A_299 = arith.constant 48 : index
        %swap3A_300 = tpu.vector_load %arg13[%swap3A_298, %swap3A_299] {strides = array<i32>} : memref<400x64xf32, #tpu.memory_space<vmem>>, vector<16xf32>,
        tpu.vector_store %arg13[%swap3A_298, %swap3A_299], %mul3A_297 {strides = array<i32>} : memref<400x64xf32, #tpu.memory_space<vmem>>, vector<16xf32>,
        %slice3A_301 = vector.extract_strided_slice %get3A_75 {offsets = [6], sizes = [1], strides = [1]} : vector<16xf32> to vector<1xf32>
        %squeeze3A_302 = vector.extract %slice3A_301[0] : f32 from vector<1xf32>
        %mul3A_303 = arith.constant 16 : i32
        %mul3A_304 = arith.muli %scan3A_71, %mul3A_303 : i32
        %add3A_305 = arith.constant 6 : i32
        %add3A_306 = arith.addi %mul3A_304, %add3A_305 : i32
        %get3A_307 = arith.index_cast %add3A_306 : i32 to index
        %get3A_308 = arith.constant 0 : index
        %get3A_309 = tpu.vector_load %arg13[%get3A_307, %get3A_308] {strides = array<i32>} : memref<400x64xf32, #tpu.memory_space<vmem>>, vector<16xf32>,
        %mul3A_310 = vector.broadcast %squeeze3A_302 : f32 to vector<16xf32>
        %mul3A_311 = arith.mulf %get3A_309, %mul3A_310 : vector<16xf32>
        %swap3A_312 = arith.index_cast %add3A_306 : i32 to index
        %swap3A_313 = arith.constant 0 : index
        %swap3A_314 = tpu.vector_load %arg13[%swap3A_312, %swap3A_313] {strides = array<i32>} : memref<400x64xf32, #tpu.memory_space<vmem>>, vector<16xf32>,
        tpu.vector_store %arg13[%swap3A_312, %swap3A_313], %mul3A_311 {strides = array<i32>} : memref<400x64xf32, #tpu.memory_space<vmem>>, vector<16xf32>,
        %get3A_315 = arith.index_cast %add3A_306 : i32 to index
        %get3A_316 = arith.constant 16 : index
        %get3A_317 = tpu.vector_load %arg13[%get3A_315, %get3A_316] {strides = array<i32>} : memref<400x64xf32, #tpu.memory_space<vmem>>, vector<16xf32>,
        %mul3A_318 = vector.broadcast %squeeze3A_302 : f32 to vector<16xf32>
        %mul3A_319 = arith.mulf %get3A_317, %mul3A_318 : vector<16xf32>
        %swap3A_320 = arith.index_cast %add3A_306 : i32 to index
        %swap3A_321 = arith.constant 16 : index
        %swap3A_322 = tpu.vector_load %arg13[%swap3A_320, %swap3A_321] {strides = array<i32>} : memref<400x64xf32, #tpu.memory_space<vmem>>, vector<16xf32>,
        tpu.vector_store %arg13[%swap3A_320, %swap3A_321], %mul3A_319 {strides = array<i32>} : memref<400x64xf32, #tpu.memory_space<vmem>>, vector<16xf32>,
        %get3A_323 = arith.index_cast %add3A_306 : i32 to index
        %get3A_324 = arith.constant 32 : index
        %get3A_325 = tpu.vector_load %arg13[%get3A_323, %get3A_324] {strides = array<i32>} : memref<400x64xf32, #tpu.memory_space<vmem>>, vector<16xf32>,
        %mul3A_326 = vector.broadcast %squeeze3A_302 : f32 to vector<16xf32>
        %mul3A_327 = arith.mulf %get3A_325, %mul3A_326 : vector<16xf32>
        %swap3A_328 = arith.index_cast %add3A_306 : i32 to index
        %swap3A_329 = arith.constant 32 : index
        %swap3A_330 = tpu.vector_load %arg13[%swap3A_328, %swap3A_329] {strides = array<i32>} : memref<400x64xf32, #tpu.memory_space<vmem>>, vector<16xf32>,
        tpu.vector_store %arg13[%swap3A_328, %swap3A_329], %mul3A_327 {strides = array<i32>} : memref<400x64xf32, #tpu.memory_space<vmem>>, vector<16xf32>,
        %get3A_331 = arith.index_cast %add3A_306 : i32 to index
        %get3A_332 = arith.constant 48 : index
        %get3A_333 = tpu.vector_load %arg13[%get3A_331, %get3A_332] {strides = array<i32>} : memref<400x64xf32, #tpu.memory_space<vmem>>, vector<16xf32>,
        %mul3A_334 = vector.broadcast %squeeze3A_302 : f32 to vector<16xf32>
        %mul3A_335 = arith.mulf %get3A_333, %mul3A_334 : vector<16xf32>
        %swap3A_336 = arith.index_cast %add3A_306 : i32 to index
        %swap3A_337 = arith.constant 48 : index
        %swap3A_338 = tpu.vector_load %arg13[%swap3A_336, %swap3A_337] {strides = array<i32>} : memref<400x64xf32, #tpu.memory_space<vmem>>, vector<16xf32>,
        tpu.vector_store %arg13[%swap3A_336, %swap3A_337], %mul3A_335 {strides = array<i32>} : memref<400x64xf32, #tpu.memory_space<vmem>>, vector<16xf32>,
        %slice3A_339 = vector.extract_strided_slice %get3A_75 {offsets = [7], sizes = [1], strides = [1]} : vector<16xf32> to vector<1xf32>
        %squeeze3A_340 = vector.extract %slice3A_339[0] : f32 from vector<1xf32>
        %mul3A_341 = arith.constant 16 : i32
        %mul3A_342 = arith.muli %scan3A_71, %mul3A_341 : i32
        %add3A_343 = arith.constant 7 : i32
        %add3A_344 = arith.addi %mul3A_342, %add3A_343 : i32
        %get3A_345 = arith.index_cast %add3A_344 : i32 to index
        %get3A_346 = arith.constant 0 : index
        %get3A_347 = tpu.vector_load %arg13[%get3A_345, %get3A_346] {strides = array<i32>} : memref<400x64xf32, #tpu.memory_space<vmem>>, vector<16xf32>,
        %mul3A_348 = vector.broadcast %squeeze3A_340 : f32 to vector<16xf32>
        %mul3A_349 = arith.mulf %get3A_347, %mul3A_348 : vector<16xf32>
        %swap3A_350 = arith.index_cast %add3A_344 : i32 to index
        %swap3A_351 = arith.constant 0 : index
        %swap3A_352 = tpu.vector_load %arg13[%swap3A_350, %swap3A_351] {strides = array<i32>} : memref<400x64xf32, #tpu.memory_space<vmem>>, vector<16xf32>,
        tpu.vector_store %arg13[%swap3A_350, %swap3A_351], %mul3A_349 {strides = array<i32>} : memref<400x64xf32, #tpu.memory_space<vmem>>, vector<16xf32>,
        %get3A_353 = arith.index_cast %add3A_344 : i32 to index
        %get3A_354 = arith.constant 16 : index
        %get3A_355 = tpu.vector_load %arg13[%get3A_353, %get3A_354] {strides = array<i32>} : memref<400x64xf32, #tpu.memory_space<vmem>>, vector<16xf32>,
        %mul3A_356 = vector.broadcast %squeeze3A_340 : f32 to vector<16xf32>
        %mul3A_357 = arith.mulf %get3A_355, %mul3A_356 : vector<16xf32>
        %swap3A_358 = arith.index_cast %add3A_344 : i32 to index
        %swap3A_359 = arith.constant 16 : index
        %swap3A_360 = tpu.vector_load %arg13[%swap3A_358, %swap3A_359] {strides = array<i32>} : memref<400x64xf32, #tpu.memory_space<vmem>>, vector<16xf32>,
        tpu.vector_store %arg13[%swap3A_358, %swap3A_359], %mul3A_357 {strides = array<i32>} : memref<400x64xf32, #tpu.memory_space<vmem>>, vector<16xf32>,
        %get3A_361 = arith.index_cast %add3A_344 : i32 to index
        %get3A_362 = arith.constant 32 : index
        %get3A_363 = tpu.vector_load %arg13[%get3A_361, %get3A_362] {strides = array<i32>} : memref<400x64xf32, #tpu.memory_space<vmem>>, vector<16xf32>,
        %mul3A_364 = vector.broadcast %squeeze3A_340 : f32 to vector<16xf32>
        %mul3A_365 = arith.mulf %get3A_363, %mul3A_364 : vector<16xf32>
        %swap3A_366 = arith.index_cast %add3A_344 : i32 to index
        %swap3A_367 = arith.constant 32 : index
        %swap3A_368 = tpu.vector_load %arg13[%swap3A_366, %swap3A_367] {strides = array<i32>} : memref<400x64xf32, #tpu.memory_space<vmem>>, vector<16xf32>,
        tpu.vector_store %arg13[%swap3A_366, %swap3A_367], %mul3A_365 {strides = array<i32>} : memref<400x64xf32, #tpu.memory_space<vmem>>, vector<16xf32>,
        %get3A_369 = arith.index_cast %add3A_344 : i32 to index
        %get3A_370 = arith.constant 48 : index
        %get3A_371 = tpu.vector_load %arg13[%get3A_369, %get3A_370] {strides = array<i32>} : memref<400x64xf32, #tpu.memory_space<vmem>>, vector<16xf32>,
        %mul3A_372 = vector.broadcast %squeeze3A_340 : f32 to vector<16xf32>
        %mul3A_373 = arith.mulf %get3A_371, %mul3A_372 : vector<16xf32>
        %swap3A_374 = arith.index_cast %add3A_344 : i32 to index
        %swap3A_375 = arith.constant 48 : index
        %swap3A_376 = tpu.vector_load %arg13[%swap3A_374, %swap3A_375] {strides = array<i32>} : memref<400x64xf32, #tpu.memory_space<vmem>>, vector<16xf32>,
        tpu.vector_store %arg13[%swap3A_374, %swap3A_375], %mul3A_373 {strides = array<i32>} : memref<400x64xf32, #tpu.memory_space<vmem>>, vector<16xf32>,
        %slice3A_377 = vector.extract_strided_slice %get3A_75 {offsets = [8], sizes = [1], strides = [1]} : vector<16xf32> to vector<1xf32>
        %squeeze3A_378 = vector.extract %slice3A_377[0] : f32 from vector<1xf32>
        %mul3A_379 = arith.constant 16 : i32
        %mul3A_380 = arith.muli %scan3A_71, %mul3A_379 : i32
        %add3A_381 = arith.constant 8 : i32
        %add3A_382 = arith.addi %mul3A_380, %add3A_381 : i32
        %get3A_383 = arith.index_cast %add3A_382 : i32 to index
        %get3A_384 = arith.constant 0 : index
        %get3A_385 = tpu.vector_load %arg13[%get3A_383, %get3A_384] {strides = array<i32>} : memref<400x64xf32, #tpu.memory_space<vmem>>, vector<16xf32>,
        %mul3A_386 = vector.broadcast %squeeze3A_378 : f32 to vector<16xf32>
        %mul3A_387 = arith.mulf %get3A_385, %mul3A_386 : vector<16xf32>
        %swap3A_388 = arith.index_cast %add3A_382 : i32 to index
        %swap3A_389 = arith.constant 0 : index
        %swap3A_390 = tpu.vector_load %arg13[%swap3A_388, %swap3A_389] {strides = array<i32>} : memref<400x64xf32, #tpu.memory_space<vmem>>, vector<16xf32>,
        tpu.vector_store %arg13[%swap3A_388, %swap3A_389], %mul3A_387 {strides = array<i32>} : memref<400x64xf32, #tpu.memory_space<vmem>>, vector<16xf32>,
        %get3A_391 = arith.index_cast %add3A_382 : i32 to index
        %get3A_392 = arith.constant 16 : index
        %get3A_393 = tpu.vector_load %arg13[%get3A_391, %get3A_392] {strides = array<i32>} : memref<400x64xf32, #tpu.memory_space<vmem>>, vector<16xf32>,
        %mul3A_394 = vector.broadcast %squeeze3A_378 : f32 to vector<16xf32>
        %mul3A_395 = arith.mulf %get3A_393, %mul3A_394 : vector<16xf32>
        %swap3A_396 = arith.index_cast %add3A_382 : i32 to index
        %swap3A_397 = arith.constant 16 : index
        %swap3A_398 = tpu.vector_load %arg13[%swap3A_396, %swap3A_397] {strides = array<i32>} : memref<400x64xf32, #tpu.memory_space<vmem>>, vector<16xf32>,
        tpu.vector_store %arg13[%swap3A_396, %swap3A_397], %mul3A_395 {strides = array<i32>} : memref<400x64xf32, #tpu.memory_space<vmem>>, vector<16xf32>,
        %get3A_399 = arith.index_cast %add3A_382 : i32 to index
        %get3A_400 = arith.constant 32 : index
        %get3A_401 = tpu.vector_load %arg13[%get3A_399, %get3A_400] {strides = array<i32>} : memref<400x64xf32, #tpu.memory_space<vmem>>, vector<16xf32>,
        %mul3A_402 = vector.broadcast %squeeze3A_378 : f32 to vector<16xf32>
        %mul3A_403 = arith.mulf %get3A_401, %mul3A_402 : vector<16xf32>
        %swap3A_404 = arith.index_cast %add3A_382 : i32 to index
        %swap3A_405 = arith.constant 32 : index
        %swap3A_406 = tpu.vector_load %arg13[%swap3A_404, %swap3A_405] {strides = array<i32>} : memref<400x64xf32, #tpu.memory_space<vmem>>, vector<16xf32>,
        tpu.vector_store %arg13[%swap3A_404, %swap3A_405], %mul3A_403 {strides = array<i32>} : memref<400x64xf32, #tpu.memory_space<vmem>>, vector<16xf32>,
        %get3A_407 = arith.index_cast %add3A_382 : i32 to index
        %get3A_408 = arith.constant 48 : index
        %get3A_409 = tpu.vector_load %arg13[%get3A_407, %get3A_408] {strides = array<i32>} : memref<400x64xf32, #tpu.memory_space<vmem>>, vector<16xf32>,
        %mul3A_410 = vector.broadcast %squeeze3A_378 : f32 to vector<16xf32>
        %mul3A_411 = arith.mulf %get3A_409, %mul3A_410 : vector<16xf32>
        %swap3A_412 = arith.index_cast %add3A_382 : i32 to index
        %swap3A_413 = arith.constant 48 : index
        %swap3A_414 = tpu.vector_load %arg13[%swap3A_412, %swap3A_413] {strides = array<i32>} : memref<400x64xf32, #tpu.memory_space<vmem>>, vector<16xf32>,
        tpu.vector_store %arg13[%swap3A_412, %swap3A_413], %mul3A_411 {strides = array<i32>} : memref<400x64xf32, #tpu.memory_space<vmem>>, vector<16xf32>,
        %slice3A_415 = vector.extract_strided_slice %get3A_75 {offsets = [9], sizes = [1], strides = [1]} : vector<16xf32> to vector<1xf32>
        %squeeze3A_416 = vector.extract %slice3A_415[0] : f32 from vector<1xf32>
        %mul3A_417 = arith.constant 16 : i32
        %mul3A_418 = arith.muli %scan3A_71, %mul3A_417 : i32
        %add3A_419 = arith.constant 9 : i32
        %add3A_420 = arith.addi %mul3A_418, %add3A_419 : i32
        %get3A_421 = arith.index_cast %add3A_420 : i32 to index
        %get3A_422 = arith.constant 0 : index
        %get3A_423 = tpu.vector_load %arg13[%get3A_421, %get3A_422] {strides = array<i32>} : memref<400x64xf32, #tpu.memory_space<vmem>>, vector<16xf32>,
        %mul3A_424 = vector.broadcast %squeeze3A_416 : f32 to vector<16xf32>
        %mul3A_425 = arith.mulf %get3A_423, %mul3A_424 : vector<16xf32>
        %swap3A_426 = arith.index_cast %add3A_420 : i32 to index
        %swap3A_427 = arith.constant 0 : index
        %swap3A_428 = tpu.vector_load %arg13[%swap3A_426, %swap3A_427] {strides = array<i32>} : memref<400x64xf32, #tpu.memory_space<vmem>>, vector<16xf32>,
        tpu.vector_store %arg13[%swap3A_426, %swap3A_427], %mul3A_425 {strides = array<i32>} : memref<400x64xf32, #tpu.memory_space<vmem>>, vector<16xf32>,
        %get3A_429 = arith.index_cast %add3A_420 : i32 to index
        %get3A_430 = arith.constant 16 : index
        %get3A_431 = tpu.vector_load %arg13[%get3A_429, %get3A_430] {strides = array<i32>} : memref<400x64xf32, #tpu.memory_space<vmem>>, vector<16xf32>,
        %mul3A_432 = vector.broadcast %squeeze3A_416 : f32 to vector<16xf32>
        %mul3A_433 = arith.mulf %get3A_431, %mul3A_432 : vector<16xf32>
        %swap3A_434 = arith.index_cast %add3A_420 : i32 to index
        %swap3A_435 = arith.constant 16 : index
        %swap3A_436 = tpu.vector_load %arg13[%swap3A_434, %swap3A_435] {strides = array<i32>} : memref<400x64xf32, #tpu.memory_space<vmem>>, vector<16xf32>,
        tpu.vector_store %arg13[%swap3A_434, %swap3A_435], %mul3A_433 {strides = array<i32>} : memref<400x64xf32, #tpu.memory_space<vmem>>, vector<16xf32>,
        %get3A_437 = arith.index_cast %add3A_420 : i32 to index
        %get3A_438 = arith.constant 32 : index
        %get3A_439 = tpu.vector_load %arg13[%get3A_437, %get3A_438] {strides = array<i32>} : memref<400x64xf32, #tpu.memory_space<vmem>>, vector<16xf32>,
        %mul3A_440 = vector.broadcast %squeeze3A_416 : f32 to vector<16xf32>
        %mul3A_441 = arith.mulf %get3A_439, %mul3A_440 : vector<16xf32>
        %swap3A_442 = arith.index_cast %add3A_420 : i32 to index
        %swap3A_443 = arith.constant 32 : index
        %swap3A_444 = tpu.vector_load %arg13[%swap3A_442, %swap3A_443] {strides = array<i32>} : memref<400x64xf32, #tpu.memory_space<vmem>>, vector<16xf32>,
        tpu.vector_store %arg13[%swap3A_442, %swap3A_443], %mul3A_441 {strides = array<i32>} : memref<400x64xf32, #tpu.memory_space<vmem>>, vector<16xf32>,
        %get3A_445 = arith.index_cast %add3A_420 : i32 to index
        %get3A_446 = arith.constant 48 : index
        %get3A_447 = tpu.vector_load %arg13[%get3A_445, %get3A_446] {strides = array<i32>} : memref<400x64xf32, #tpu.memory_space<vmem>>, vector<16xf32>,
        %mul3A_448 = vector.broadcast %squeeze3A_416 : f32 to vector<16xf32>
        %mul3A_449 = arith.mulf %get3A_447, %mul3A_448 : vector<16xf32>
        %swap3A_450 = arith.index_cast %add3A_420 : i32 to index
        %swap3A_451 = arith.constant 48 : index
        %swap3A_452 = tpu.vector_load %arg13[%swap3A_450, %swap3A_451] {strides = array<i32>} : memref<400x64xf32, #tpu.memory_space<vmem>>, vector<16xf32>,
        tpu.vector_store %arg13[%swap3A_450, %swap3A_451], %mul3A_449 {strides = array<i32>} : memref<400x64xf32, #tpu.memory_space<vmem>>, vector<16xf32>,
        %slice3A_453 = vector.extract_strided_slice %get3A_75 {offsets = [10], sizes = [1], strides = [1]} : vector<16xf32> to vector<1xf32>
        %squeeze3A_454 = vector.extract %slice3A_453[0] : f32 from vector<1xf32>
        %mul3A_455 = arith.constant 16 : i32
        %mul3A_456 = arith.muli %scan3A_71, %mul3A_455 : i32
        %add3A_457 = arith.constant 10 : i32
        %add3A_458 = arith.addi %mul3A_456, %add3A_457 : i32
        %get3A_459 = arith.index_cast %add3A_458 : i32 to index
        %get3A_460 = arith.constant 0 : index
        %get3A_461 = tpu.vector_load %arg13[%get3A_459, %get3A_460] {strides = array<i32>} : memref<400x64xf32, #tpu.memory_space<vmem>>, vector<16xf32>,
        %mul3A_462 = vector.broadcast %squeeze3A_454 : f32 to vector<16xf32>
        %mul3A_463 = arith.mulf %get3A_461, %mul3A_462 : vector<16xf32>
        %swap3A_464 = arith.index_cast %add3A_458 : i32 to index
        %swap3A_465 = arith.constant 0 : index
        %swap3A_466 = tpu.vector_load %arg13[%swap3A_464, %swap3A_465] {strides = array<i32>} : memref<400x64xf32, #tpu.memory_space<vmem>>, vector<16xf32>,
        tpu.vector_store %arg13[%swap3A_464, %swap3A_465], %mul3A_463 {strides = array<i32>} : memref<400x64xf32, #tpu.memory_space<vmem>>, vector<16xf32>,
        %get3A_467 = arith.index_cast %add3A_458 : i32 to index
        %get3A_468 = arith.constant 16 : index
        %get3A_469 = tpu.vector_load %arg13[%get3A_467, %get3A_468] {strides = array<i32>} : memref<400x64xf32, #tpu.memory_space<vmem>>, vector<16xf32>,
        %mul3A_470 = vector.broadcast %squeeze3A_454 : f32 to vector<16xf32>
        %mul3A_471 = arith.mulf %get3A_469, %mul3A_470 : vector<16xf32>
        %swap3A_472 = arith.index_cast %add3A_458 : i32 to index
        %swap3A_473 = arith.constant 16 : index
        %swap3A_474 = tpu.vector_load %arg13[%swap3A_472, %swap3A_473] {strides = array<i32>} : memref<400x64xf32, #tpu.memory_space<vmem>>, vector<16xf32>,
        tpu.vector_store %arg13[%swap3A_472, %swap3A_473], %mul3A_471 {strides = array<i32>} : memref<400x64xf32, #tpu.memory_space<vmem>>, vector<16xf32>,
        %get3A_475 = arith.index_cast %add3A_458 : i32 to index
        %get3A_476 = arith.constant 32 : index
        %get3A_477 = tpu.vector_load %arg13[%get3A_475, %get3A_476] {strides = array<i32>} : memref<400x64xf32, #tpu.memory_space<vmem>>, vector<16xf32>,
        %mul3A_478 = vector.broadcast %squeeze3A_454 : f32 to vector<16xf32>
        %mul3A_479 = arith.mulf %get3A_477, %mul3A_478 : vector<16xf32>
        %swap3A_480 = arith.index_cast %add3A_458 : i32 to index
        %swap3A_481 = arith.constant 32 : index
        %swap3A_482 = tpu.vector_load %arg13[%swap3A_480, %swap3A_481] {strides = array<i32>} : memref<400x64xf32, #tpu.memory_space<vmem>>, vector<16xf32>,
        tpu.vector_store %arg13[%swap3A_480, %swap3A_481], %mul3A_479 {strides = array<i32>} : memref<400x64xf32, #tpu.memory_space<vmem>>, vector<16xf32>,
        %get3A_483 = arith.index_cast %add3A_458 : i32 to index
        %get3A_484 = arith.constant 48 : index
        %get3A_485 = tpu.vector_load %arg13[%get3A_483, %get3A_484] {strides = array<i32>} : memref<400x64xf32, #tpu.memory_space<vmem>>, vector<16xf32>,
        %mul3A_486 = vector.broadcast %squeeze3A_454 : f32 to vector<16xf32>
        %mul3A_487 = arith.mulf %get3A_485, %mul3A_486 : vector<16xf32>
        %swap3A_488 = arith.index_cast %add3A_458 : i32 to index
        %swap3A_489 = arith.constant 48 : index
        %swap3A_490 = tpu.vector_load %arg13[%swap3A_488, %swap3A_489] {strides = array<i32>} : memref<400x64xf32, #tpu.memory_space<vmem>>, vector<16xf32>,
        tpu.vector_store %arg13[%swap3A_488, %swap3A_489], %mul3A_487 {strides = array<i32>} : memref<400x64xf32, #tpu.memory_space<vmem>>, vector<16xf32>,
        %slice3A_491 = vector.extract_strided_slice %get3A_75 {offsets = [11], sizes = [1], strides = [1]} : vector<16xf32> to vector<1xf32>
        %squeeze3A_492 = vector.extract %slice3A_491[0] : f32 from vector<1xf32>
        %mul3A_493 = arith.constant 16 : i32
        %mul3A_494 = arith.muli %scan3A_71, %mul3A_493 : i32
        %add3A_495 = arith.constant 11 : i32
        %add3A_496 = arith.addi %mul3A_494, %add3A_495 : i32
        %get3A_497 = arith.index_cast %add3A_496 : i32 to index
        %get3A_498 = arith.constant 0 : index
        %get3A_499 = tpu.vector_load %arg13[%get3A_497, %get3A_498] {strides = array<i32>} : memref<400x64xf32, #tpu.memory_space<vmem>>, vector<16xf32>,
        %mul3A_500 = vector.broadcast %squeeze3A_492 : f32 to vector<16xf32>
        %mul3A_501 = arith.mulf %get3A_499, %mul3A_500 : vector<16xf32>
        %swap3A_502 = arith.index_cast %add3A_496 : i32 to index
        %swap3A_503 = arith.constant 0 : index
        %swap3A_504 = tpu.vector_load %arg13[%swap3A_502, %swap3A_503] {strides = array<i32>} : memref<400x64xf32, #tpu.memory_space<vmem>>, vector<16xf32>,
        tpu.vector_store %arg13[%swap3A_502, %swap3A_503], %mul3A_501 {strides = array<i32>} : memref<400x64xf32, #tpu.memory_space<vmem>>, vector<16xf32>,
        %get3A_505 = arith.index_cast %add3A_496 : i32 to index
        %get3A_506 = arith.constant 16 : index
        %get3A_507 = tpu.vector_load %arg13[%get3A_505, %get3A_506] {strides = array<i32>} : memref<400x64xf32, #tpu.memory_space<vmem>>, vector<16xf32>,
        %mul3A_508 = vector.broadcast %squeeze3A_492 : f32 to vector<16xf32>
        %mul3A_509 = arith.mulf %get3A_507, %mul3A_508 : vector<16xf32>
        %swap3A_510 = arith.index_cast %add3A_496 : i32 to index
        %swap3A_511 = arith.constant 16 : index
        %swap3A_512 = tpu.vector_load %arg13[%swap3A_510, %swap3A_511] {strides = array<i32>} : memref<400x64xf32, #tpu.memory_space<vmem>>, vector<16xf32>,
        tpu.vector_store %arg13[%swap3A_510, %swap3A_511], %mul3A_509 {strides = array<i32>} : memref<400x64xf32, #tpu.memory_space<vmem>>, vector<16xf32>,
        %get3A_513 = arith.index_cast %add3A_496 : i32 to index
        %get3A_514 = arith.constant 32 : index
        %get3A_515 = tpu.vector_load %arg13[%get3A_513, %get3A_514] {strides = array<i32>} : memref<400x64xf32, #tpu.memory_space<vmem>>, vector<16xf32>,
        %mul3A_516 = vector.broadcast %squeeze3A_492 : f32 to vector<16xf32>
        %mul3A_517 = arith.mulf %get3A_515, %mul3A_516 : vector<16xf32>
        %swap3A_518 = arith.index_cast %add3A_496 : i32 to index
        %swap3A_519 = arith.constant 32 : index
        %swap3A_520 = tpu.vector_load %arg13[%swap3A_518, %swap3A_519] {strides = array<i32>} : memref<400x64xf32, #tpu.memory_space<vmem>>, vector<16xf32>,
        tpu.vector_store %arg13[%swap3A_518, %swap3A_519], %mul3A_517 {strides = array<i32>} : memref<400x64xf32, #tpu.memory_space<vmem>>, vector<16xf32>,
        %get3A_521 = arith.index_cast %add3A_496 : i32 to index
        %get3A_522 = arith.constant 48 : index
        %get3A_523 = tpu.vector_load %arg13[%get3A_521, %get3A_522] {strides = array<i32>} : memref<400x64xf32, #tpu.memory_space<vmem>>, vector<16xf32>,
        %mul3A_524 = vector.broadcast %squeeze3A_492 : f32 to vector<16xf32>
        %mul3A_525 = arith.mulf %get3A_523, %mul3A_524 : vector<16xf32>
        %swap3A_526 = arith.index_cast %add3A_496 : i32 to index
        %swap3A_527 = arith.constant 48 : index
        %swap3A_528 = tpu.vector_load %arg13[%swap3A_526, %swap3A_527] {strides = array<i32>} : memref<400x64xf32, #tpu.memory_space<vmem>>, vector<16xf32>,
        tpu.vector_store %arg13[%swap3A_526, %swap3A_527], %mul3A_525 {strides = array<i32>} : memref<400x64xf32, #tpu.memory_space<vmem>>, vector<16xf32>,
        %slice3A_529 = vector.extract_strided_slice %get3A_75 {offsets = [12], sizes = [1], strides = [1]} : vector<16xf32> to vector<1xf32>
        %squeeze3A_530 = vector.extract %slice3A_529[0] : f32 from vector<1xf32>
        %mul3A_531 = arith.constant 16 : i32
        %mul3A_532 = arith.muli %scan3A_71, %mul3A_531 : i32
        %add3A_533 = arith.constant 12 : i32
        %add3A_534 = arith.addi %mul3A_532, %add3A_533 : i32
        %get3A_535 = arith.index_cast %add3A_534 : i32 to index
        %get3A_536 = arith.constant 0 : index
        %get3A_537 = tpu.vector_load %arg13[%get3A_535, %get3A_536] {strides = array<i32>} : memref<400x64xf32, #tpu.memory_space<vmem>>, vector<16xf32>,
        %mul3A_538 = vector.broadcast %squeeze3A_530 : f32 to vector<16xf32>
        %mul3A_539 = arith.mulf %get3A_537, %mul3A_538 : vector<16xf32>
        %swap3A_540 = arith.index_cast %add3A_534 : i32 to index
        %swap3A_541 = arith.constant 0 : index
        %swap3A_542 = tpu.vector_load %arg13[%swap3A_540, %swap3A_541] {strides = array<i32>} : memref<400x64xf32, #tpu.memory_space<vmem>>, vector<16xf32>,
        tpu.vector_store %arg13[%swap3A_540, %swap3A_541], %mul3A_539 {strides = array<i32>} : memref<400x64xf32, #tpu.memory_space<vmem>>, vector<16xf32>,
        %get3A_543 = arith.index_cast %add3A_534 : i32 to index
        %get3A_544 = arith.constant 16 : index
        %get3A_545 = tpu.vector_load %arg13[%get3A_543, %get3A_544] {strides = array<i32>} : memref<400x64xf32, #tpu.memory_space<vmem>>, vector<16xf32>,
        %mul3A_546 = vector.broadcast %squeeze3A_530 : f32 to vector<16xf32>
        %mul3A_547 = arith.mulf %get3A_545, %mul3A_546 : vector<16xf32>
        %swap3A_548 = arith.index_cast %add3A_534 : i32 to index
        %swap3A_549 = arith.constant 16 : index
        %swap3A_550 = tpu.vector_load %arg13[%swap3A_548, %swap3A_549] {strides = array<i32>} : memref<400x64xf32, #tpu.memory_space<vmem>>, vector<16xf32>,
        tpu.vector_store %arg13[%swap3A_548, %swap3A_549], %mul3A_547 {strides = array<i32>} : memref<400x64xf32, #tpu.memory_space<vmem>>, vector<16xf32>,
        %get3A_551 = arith.index_cast %add3A_534 : i32 to index
        %get3A_552 = arith.constant 32 : index
        %get3A_553 = tpu.vector_load %arg13[%get3A_551, %get3A_552] {strides = array<i32>} : memref<400x64xf32, #tpu.memory_space<vmem>>, vector<16xf32>,
        %mul3A_554 = vector.broadcast %squeeze3A_530 : f32 to vector<16xf32>
        %mul3A_555 = arith.mulf %get3A_553, %mul3A_554 : vector<16xf32>
        %swap3A_556 = arith.index_cast %add3A_534 : i32 to index
        %swap3A_557 = arith.constant 32 : index
        %swap3A_558 = tpu.vector_load %arg13[%swap3A_556, %swap3A_557] {strides = array<i32>} : memref<400x64xf32, #tpu.memory_space<vmem>>, vector<16xf32>,
        tpu.vector_store %arg13[%swap3A_556, %swap3A_557], %mul3A_555 {strides = array<i32>} : memref<400x64xf32, #tpu.memory_space<vmem>>, vector<16xf32>,
        %get3A_559 = arith.index_cast %add3A_534 : i32 to index
        %get3A_560 = arith.constant 48 : index
        %get3A_561 = tpu.vector_load %arg13[%get3A_559, %get3A_560] {strides = array<i32>} : memref<400x64xf32, #tpu.memory_space<vmem>>, vector<16xf32>,
        %mul3A_562 = vector.broadcast %squeeze3A_530 : f32 to vector<16xf32>
        %mul3A_563 = arith.mulf %get3A_561, %mul3A_562 : vector<16xf32>
        %swap3A_564 = arith.index_cast %add3A_534 : i32 to index
        %swap3A_565 = arith.constant 48 : index
        %swap3A_566 = tpu.vector_load %arg13[%swap3A_564, %swap3A_565] {strides = array<i32>} : memref<400x64xf32, #tpu.memory_space<vmem>>, vector<16xf32>,
        tpu.vector_store %arg13[%swap3A_564, %swap3A_565], %mul3A_563 {strides = array<i32>} : memref<400x64xf32, #tpu.memory_space<vmem>>, vector<16xf32>,
        %slice3A_567 = vector.extract_strided_slice %get3A_75 {offsets = [13], sizes = [1], strides = [1]} : vector<16xf32> to vector<1xf32>
        %squeeze3A_568 = vector.extract %slice3A_567[0] : f32 from vector<1xf32>
        %mul3A_569 = arith.constant 16 : i32
        %mul3A_570 = arith.muli %scan3A_71, %mul3A_569 : i32
        %add3A_571 = arith.constant 13 : i32
        %add3A_572 = arith.addi %mul3A_570, %add3A_571 : i32
        %get3A_573 = arith.index_cast %add3A_572 : i32 to index
        %get3A_574 = arith.constant 0 : index
        %get3A_575 = tpu.vector_load %arg13[%get3A_573, %get3A_574] {strides = array<i32>} : memref<400x64xf32, #tpu.memory_space<vmem>>, vector<16xf32>,
        %mul3A_576 = vector.broadcast %squeeze3A_568 : f32 to vector<16xf32>
        %mul3A_577 = arith.mulf %get3A_575, %mul3A_576 : vector<16xf32>
        %swap3A_578 = arith.index_cast %add3A_572 : i32 to index
        %swap3A_579 = arith.constant 0 : index
        %swap3A_580 = tpu.vector_load %arg13[%swap3A_578, %swap3A_579] {strides = array<i32>} : memref<400x64xf32, #tpu.memory_space<vmem>>, vector<16xf32>,
        tpu.vector_store %arg13[%swap3A_578, %swap3A_579], %mul3A_577 {strides = array<i32>} : memref<400x64xf32, #tpu.memory_space<vmem>>, vector<16xf32>,
        %get3A_581 = arith.index_cast %add3A_572 : i32 to index
        %get3A_582 = arith.constant 16 : index
        %get3A_583 = tpu.vector_load %arg13[%get3A_581, %get3A_582] {strides = array<i32>} : memref<400x64xf32, #tpu.memory_space<vmem>>, vector<16xf32>,
        %mul3A_584 = vector.broadcast %squeeze3A_568 : f32 to vector<16xf32>
        %mul3A_585 = arith.mulf %get3A_583, %mul3A_584 : vector<16xf32>
        %swap3A_586 = arith.index_cast %add3A_572 : i32 to index
        %swap3A_587 = arith.constant 16 : index
        %swap3A_588 = tpu.vector_load %arg13[%swap3A_586, %swap3A_587] {strides = array<i32>} : memref<400x64xf32, #tpu.memory_space<vmem>>, vector<16xf32>,
        tpu.vector_store %arg13[%swap3A_586, %swap3A_587], %mul3A_585 {strides = array<i32>} : memref<400x64xf32, #tpu.memory_space<vmem>>, vector<16xf32>,
        %get3A_589 = arith.index_cast %add3A_572 : i32 to index
        %get3A_590 = arith.constant 32 : index
        %get3A_591 = tpu.vector_load %arg13[%get3A_589, %get3A_590] {strides = array<i32>} : memref<400x64xf32, #tpu.memory_space<vmem>>, vector<16xf32>,
        %mul3A_592 = vector.broadcast %squeeze3A_568 : f32 to vector<16xf32>
        %mul3A_593 = arith.mulf %get3A_591, %mul3A_592 : vector<16xf32>
        %swap3A_594 = arith.index_cast %add3A_572 : i32 to index
        %swap3A_595 = arith.constant 32 : index
        %swap3A_596 = tpu.vector_load %arg13[%swap3A_594, %swap3A_595] {strides = array<i32>} : memref<400x64xf32, #tpu.memory_space<vmem>>, vector<16xf32>,
        tpu.vector_store %arg13[%swap3A_594, %swap3A_595], %mul3A_593 {strides = array<i32>} : memref<400x64xf32, #tpu.memory_space<vmem>>, vector<16xf32>,
        %get3A_597 = arith.index_cast %add3A_572 : i32 to index
        %get3A_598 = arith.constant 48 : index
        %get3A_599 = tpu.vector_load %arg13[%get3A_597, %get3A_598] {strides = array<i32>} : memref<400x64xf32, #tpu.memory_space<vmem>>, vector<16xf32>,
        %mul3A_600 = vector.broadcast %squeeze3A_568 : f32 to vector<16xf32>
        %mul3A_601 = arith.mulf %get3A_599, %mul3A_600 : vector<16xf32>
        %swap3A_602 = arith.index_cast %add3A_572 : i32 to index
        %swap3A_603 = arith.constant 48 : index
        %swap3A_604 = tpu.vector_load %arg13[%swap3A_602, %swap3A_603] {strides = array<i32>} : memref<400x64xf32, #tpu.memory_space<vmem>>, vector<16xf32>,
        tpu.vector_store %arg13[%swap3A_602, %swap3A_603], %mul3A_601 {strides = array<i32>} : memref<400x64xf32, #tpu.memory_space<vmem>>, vector<16xf32>,
        %slice3A_605 = vector.extract_strided_slice %get3A_75 {offsets = [14], sizes = [1], strides = [1]} : vector<16xf32> to vector<1xf32>
        %squeeze3A_606 = vector.extract %slice3A_605[0] : f32 from vector<1xf32>
        %mul3A_607 = arith.constant 16 : i32
        %mul3A_608 = arith.muli %scan3A_71, %mul3A_607 : i32
        %add3A_609 = arith.constant 14 : i32
        %add3A_610 = arith.addi %mul3A_608, %add3A_609 : i32
        %get3A_611 = arith.index_cast %add3A_610 : i32 to index
        %get3A_612 = arith.constant 0 : index
        %get3A_613 = tpu.vector_load %arg13[%get3A_611, %get3A_612] {strides = array<i32>} : memref<400x64xf32, #tpu.memory_space<vmem>>, vector<16xf32>,
        %mul3A_614 = vector.broadcast %squeeze3A_606 : f32 to vector<16xf32>
        %mul3A_615 = arith.mulf %get3A_613, %mul3A_614 : vector<16xf32>
        %swap3A_616 = arith.index_cast %add3A_610 : i32 to index
        %swap3A_617 = arith.constant 0 : index
        %swap3A_618 = tpu.vector_load %arg13[%swap3A_616, %swap3A_617] {strides = array<i32>} : memref<400x64xf32, #tpu.memory_space<vmem>>, vector<16xf32>,
        tpu.vector_store %arg13[%swap3A_616, %swap3A_617], %mul3A_615 {strides = array<i32>} : memref<400x64xf32, #tpu.memory_space<vmem>>, vector<16xf32>,
        %get3A_619 = arith.index_cast %add3A_610 : i32 to index
        %get3A_620 = arith.constant 16 : index
        %get3A_621 = tpu.vector_load %arg13[%get3A_619, %get3A_620] {strides = array<i32>} : memref<400x64xf32, #tpu.memory_space<vmem>>, vector<16xf32>,
        %mul3A_622 = vector.broadcast %squeeze3A_606 : f32 to vector<16xf32>
        %mul3A_623 = arith.mulf %get3A_621, %mul3A_622 : vector<16xf32>
        %swap3A_624 = arith.index_cast %add3A_610 : i32 to index
        %swap3A_625 = arith.constant 16 : index
        %swap3A_626 = tpu.vector_load %arg13[%swap3A_624, %swap3A_625] {strides = array<i32>} : memref<400x64xf32, #tpu.memory_space<vmem>>, vector<16xf32>,
        tpu.vector_store %arg13[%swap3A_624, %swap3A_625], %mul3A_623 {strides = array<i32>} : memref<400x64xf32, #tpu.memory_space<vmem>>, vector<16xf32>,
        %get3A_627 = arith.index_cast %add3A_610 : i32 to index
        %get3A_628 = arith.constant 32 : index
        %get3A_629 = tpu.vector_load %arg13[%get3A_627, %get3A_628] {strides = array<i32>} : memref<400x64xf32, #tpu.memory_space<vmem>>, vector<16xf32>,
        %mul3A_630 = vector.broadcast %squeeze3A_606 : f32 to vector<16xf32>
        %mul3A_631 = arith.mulf %get3A_629, %mul3A_630 : vector<16xf32>
        %swap3A_632 = arith.index_cast %add3A_610 : i32 to index
        %swap3A_633 = arith.constant 32 : index
        %swap3A_634 = tpu.vector_load %arg13[%swap3A_632, %swap3A_633] {strides = array<i32>} : memref<400x64xf32, #tpu.memory_space<vmem>>, vector<16xf32>,
        tpu.vector_store %arg13[%swap3A_632, %swap3A_633], %mul3A_631 {strides = array<i32>} : memref<400x64xf32, #tpu.memory_space<vmem>>, vector<16xf32>,
        %get3A_635 = arith.index_cast %add3A_610 : i32 to index
        %get3A_636 = arith.constant 48 : index
        %get3A_637 = tpu.vector_load %arg13[%get3A_635, %get3A_636] {strides = array<i32>} : memref<400x64xf32, #tpu.memory_space<vmem>>, vector<16xf32>,
        %mul3A_638 = vector.broadcast %squeeze3A_606 : f32 to vector<16xf32>
        %mul3A_639 = arith.mulf %get3A_637, %mul3A_638 : vector<16xf32>
        %swap3A_640 = arith.index_cast %add3A_610 : i32 to index
        %swap3A_641 = arith.constant 48 : index
        %swap3A_642 = tpu.vector_load %arg13[%swap3A_640, %swap3A_641] {strides = array<i32>} : memref<400x64xf32, #tpu.memory_space<vmem>>, vector<16xf32>,
        tpu.vector_store %arg13[%swap3A_640, %swap3A_641], %mul3A_639 {strides = array<i32>} : memref<400x64xf32, #tpu.memory_space<vmem>>, vector<16xf32>,
        %slice3A_643 = vector.extract_strided_slice %get3A_75 {offsets = [15], sizes = [1], strides = [1]} : vector<16xf32> to vector<1xf32>
        %squeeze3A_644 = vector.extract %slice3A_643[0] : f32 from vector<1xf32>
        %mul3A_645 = arith.constant 16 : i32
        %mul3A_646 = arith.muli %scan3A_71, %mul3A_645 : i32
        %add3A_647 = arith.constant 15 : i32
        %add3A_648 = arith.addi %mul3A_646, %add3A_647 : i32
        %get3A_649 = arith.index_cast %add3A_648 : i32 to index
        %get3A_650 = arith.constant 0 : index
        %get3A_651 = tpu.vector_load %arg13[%get3A_649, %get3A_650] {strides = array<i32>} : memref<400x64xf32, #tpu.memory_space<vmem>>, vector<16xf32>,
        %mul3A_652 = vector.broadcast %squeeze3A_644 : f32 to vector<16xf32>
        %mul3A_653 = arith.mulf %get3A_651, %mul3A_652 : vector<16xf32>
        %swap3A_654 = arith.index_cast %add3A_648 : i32 to index
        %swap3A_655 = arith.constant 0 : index
        %swap3A_656 = tpu.vector_load %arg13[%swap3A_654, %swap3A_655] {strides = array<i32>} : memref<400x64xf32, #tpu.memory_space<vmem>>, vector<16xf32>,
        tpu.vector_store %arg13[%swap3A_654, %swap3A_655], %mul3A_653 {strides = array<i32>} : memref<400x64xf32, #tpu.memory_space<vmem>>, vector<16xf32>,
        %get3A_657 = arith.index_cast %add3A_648 : i32 to index
        %get3A_658 = arith.constant 16 : index
        %get3A_659 = tpu.vector_load %arg13[%get3A_657, %get3A_658] {strides = array<i32>} : memref<400x64xf32, #tpu.memory_space<vmem>>, vector<16xf32>,
        %mul3A_660 = vector.broadcast %squeeze3A_644 : f32 to vector<16xf32>
        %mul3A_661 = arith.mulf %get3A_659, %mul3A_660 : vector<16xf32>
        %swap3A_662 = arith.index_cast %add3A_648 : i32 to index
        %swap3A_663 = arith.constant 16 : index
        %swap3A_664 = tpu.vector_load %arg13[%swap3A_662, %swap3A_663] {strides = array<i32>} : memref<400x64xf32, #tpu.memory_space<vmem>>, vector<16xf32>,
        tpu.vector_store %arg13[%swap3A_662, %swap3A_663], %mul3A_661 {strides = array<i32>} : memref<400x64xf32, #tpu.memory_space<vmem>>, vector<16xf32>,
        %get3A_665 = arith.index_cast %add3A_648 : i32 to index
        %get3A_666 = arith.constant 32 : index
        %get3A_667 = tpu.vector_load %arg13[%get3A_665, %get3A_666] {strides = array<i32>} : memref<400x64xf32, #tpu.memory_space<vmem>>, vector<16xf32>,
        %mul3A_668 = vector.broadcast %squeeze3A_644 : f32 to vector<16xf32>
        %mul3A_669 = arith.mulf %get3A_667, %mul3A_668 : vector<16xf32>
        %swap3A_670 = arith.index_cast %add3A_648 : i32 to index
        %swap3A_671 = arith.constant 32 : index
        %swap3A_672 = tpu.vector_load %arg13[%swap3A_670, %swap3A_671] {strides = array<i32>} : memref<400x64xf32, #tpu.memory_space<vmem>>, vector<16xf32>,
        tpu.vector_store %arg13[%swap3A_670, %swap3A_671], %mul3A_669 {strides = array<i32>} : memref<400x64xf32, #tpu.memory_space<vmem>>, vector<16xf32>,
        %get3A_673 = arith.index_cast %add3A_648 : i32 to index
        %get3A_674 = arith.constant 48 : index
        %get3A_675 = tpu.vector_load %arg13[%get3A_673, %get3A_674] {strides = array<i32>} : memref<400x64xf32, #tpu.memory_space<vmem>>, vector<16xf32>,
        %mul3A_676 = vector.broadcast %squeeze3A_644 : f32 to vector<16xf32>
        %mul3A_677 = arith.mulf %get3A_675, %mul3A_676 : vector<16xf32>
        %swap3A_678 = arith.index_cast %add3A_648 : i32 to index
        %swap3A_679 = arith.constant 48 : index
        %swap3A_680 = tpu.vector_load %arg13[%swap3A_678, %swap3A_679] {strides = array<i32>} : memref<400x64xf32, #tpu.memory_space<vmem>>, vector<16xf32>,
        tpu.vector_store %arg13[%swap3A_678, %swap3A_679], %mul3A_677 {strides = array<i32>} : memref<400x64xf32, #tpu.memory_space<vmem>>, vector<16xf32>,
        %scan3A_681 = arith.constant 0 : i32
        scf.yield %scan3A_681 : i32
      }
      %scan3A_69 = arith.constant 25 : i32
      "tpu.region"() ({
        %run_scoped3A = tpu.sem_alloc : memref<!tpu.dma_semaphore, #tpu.memory_space<semaphore_mem>>
        %dma_start3A_71 = arith.constant 0 : i32
        %dma_start3A_72 = arith.constant 0 : i32
        %dma_start3A_73 = tpu.memref_slice %arg18[%dma_start3A_71, %dma_start3A_72] : memref<10240x64xf32, #tpu.memory_space<vmem_shared>> -> memref<10240x64xf32, #tpu.memory_space<vmem_shared>>
        tpu.enqueue_indirect_dma source(%arg13 : memref<400x64xf32, #tpu.memory_space<vmem>>) target(%dma_start3A_73 : memref<10240x64xf32, #tpu.memory_space<vmem_shared>>) offsets(%arg16 : memref<400xi32, #tpu.memory_space<vmem>>) semaphore(%run_scoped3A : memref<!tpu.dma_semaphore, #tpu.memory_space<semaphore_mem>>) {add = true}
        %dma_wait3A_74 = arith.constant 0 : i32
        %dma_wait3A_75 = arith.constant 0 : i32
        %dma_wait3A_76 = tpu.memref_slice %arg18[%dma_wait3A_74, %dma_wait3A_75] : memref<10240x64xf32, #tpu.memory_space<vmem_shared>> -> memref<10240x64xf32, #tpu.memory_space<vmem_shared>>
        tpu.wait_indirect_dma semaphore(%run_scoped3A : memref<!tpu.dma_semaphore, #tpu.memory_space<semaphore_mem>>) src(%arg13 : memref<400x64xf32, #tpu.memory_space<vmem>>) dst(%dma_wait3A_76 : memref<10240x64xf32, #tpu.memory_space<vmem_shared>>)
        tpu.yield
      }) : () -> ()
      "tpu.region"() ({
        %run_scoped3A = tpu.sem_alloc : memref<!tpu.dma_semaphore, #tpu.memory_space<semaphore_mem>>
        %dma_start3A_71 = arith.constant 0 : i32
        %dma_start3A_72 = tpu.memref_slice %arg19[%dma_start3A_71] : memref<10240xf32, #tpu.memory_space<vmem_shared>> -> memref<10240xf32, #tpu.memory_space<vmem_shared>>
        tpu.enqueue_indirect_dma source(%arg14 : memref<400xf32, #tpu.memory_space<vmem>>) target(%dma_start3A_72 : memref<10240xf32, #tpu.memory_space<vmem_shared>>) offsets(%arg16 : memref<400xi32, #tpu.memory_space<vmem>>) semaphore(%run_scoped3A : memref<!tpu.dma_semaphore, #tpu.memory_space<semaphore_mem>>) {add = true}
        %dma_wait3A_73 = arith.constant 0 : i32
        %dma_wait3A_74 = tpu.memref_slice %arg19[%dma_wait3A_73] : memref<10240xf32, #tpu.memory_space<vmem_shared>> -> memref<10240xf32, #tpu.memory_space<vmem_shared>>
        tpu.wait_indirect_dma semaphore(%run_scoped3A : memref<!tpu.dma_semaphore, #tpu.memory_space<semaphore_mem>>) src(%arg14 : memref<400xf32, #tpu.memory_space<vmem>>) dst(%dma_wait3A_74 : memref<10240xf32, #tpu.memory_space<vmem_shared>>)
        tpu.yield
      }) : () -> ()
      %scan3A_70 = arith.constant 0 : i32
      scf.yield %scan3A_70 : i32
    }
    %scan3A_31 = arith.constant 25 : i32
    %barrier3A_32 = arith.constant 0 : index
    tpu.barrier barrier_id(%barrier3A_32)
    %add3A_33 = arith.constant 0 : i32
    %add3A_34 = arith.addi %mul3A_2, %add3A_33 : i32
    "tpu.region"() ({
      %run_scoped3A = tpu.sem_alloc : memref<!tpu.dma_semaphore, #tpu.memory_space<semaphore_mem>>
      %dma_start3A = arith.constant 0 : i32
      %dma_start3A_41 = arith.constant 0 : i32
      %dma_start3A_42 = tpu.memref_slice %arg13[%dma_start3A, %dma_start3A_41] : memref<400x64xf32, #tpu.memory_space<vmem>> -> memref<320x64xf32, #tpu.memory_space<vmem>>
      %dma_start3A_43 = arith.constant 0 : i32
      %dma_start3A_44 = tpu.memref_slice %arg18[%add3A_34, %dma_start3A_43] : memref<10240x64xf32, #tpu.memory_space<vmem_shared>> -> memref<320x64xf32, #tpu.memory_space<vmem_shared>>
      %dma_start3A_45 = arith.constant 0 : i32
      %dma_start3A_46 = arith.constant 0 : i32
      %dma_start3A_47 = tpu.memref_slice %arg13[%dma_start3A_45, %dma_start3A_46] : memref<400x64xf32, #tpu.memory_space<vmem>> -> memref<320x64xf32, #tpu.memory_space<vmem>>
      %dma_start3A_48 = arith.constant 0 : i32
      %dma_start3A_49 = tpu.memref_slice %arg18[%add3A_34, %dma_start3A_48] : memref<10240x64xf32, #tpu.memory_space<vmem_shared>> -> memref<320x64xf32, #tpu.memory_space<vmem_shared>>
      tpu.enqueue_dma source(%dma_start3A_49 : memref<320x64xf32, #tpu.memory_space<vmem_shared>>) target(%dma_start3A_47 : memref<320x64xf32, #tpu.memory_space<vmem>>) target_semaphore(%run_scoped3A : memref<!tpu.dma_semaphore, #tpu.memory_space<semaphore_mem>>)
      %dma_wait3A = arith.constant 0 : i32
      %dma_wait3A_50 = arith.constant 0 : i32
      %dma_wait3A_51 = tpu.memref_slice %arg13[%dma_wait3A, %dma_wait3A_50] : memref<400x64xf32, #tpu.memory_space<vmem>> -> memref<320x64xf32, #tpu.memory_space<vmem>>
      %dma_wait3A_52 = arith.constant 0 : i32
      %dma_wait3A_53 = tpu.memref_slice %arg18[%add3A_34, %dma_wait3A_52] : memref<10240x64xf32, #tpu.memory_space<vmem_shared>> -> memref<320x64xf32, #tpu.memory_space<vmem_shared>>
      %dma_wait3A_54 = arith.constant 0 : i32
      %dma_wait3A_55 = arith.constant 0 : i32
      %dma_wait3A_56 = tpu.memref_slice %arg13[%dma_wait3A_54, %dma_wait3A_55] : memref<400x64xf32, #tpu.memory_space<vmem>> -> memref<320x64xf32, #tpu.memory_space<vmem>>
      %dma_wait3A_57 = arith.constant 0 : i32
      %dma_wait3A_58 = tpu.memref_slice %arg18[%add3A_34, %dma_wait3A_57] : memref<10240x64xf32, #tpu.memory_space<vmem_shared>> -> memref<320x64xf32, #tpu.memory_space<vmem_shared>>
      tpu.wait_dma2 semaphore(%run_scoped3A : memref<!tpu.dma_semaphore, #tpu.memory_space<semaphore_mem>>) src(%dma_wait3A_58 : memref<320x64xf32, #tpu.memory_space<vmem_shared>>) dst(%dma_wait3A_56 : memref<320x64xf32, #tpu.memory_space<vmem>>)
      tpu.yield
    }) : () -> ()
    %add3A_35 = arith.constant 0 : i32
    %add3A_36 = arith.addi %mul3A_2, %add3A_35 : i32
    "tpu.region"() ({
      %run_scoped3A = tpu.sem_alloc : memref<!tpu.dma_semaphore, #tpu.memory_space<semaphore_mem>>
      %dma_start3A = arith.constant 0 : i32
      %dma_start3A_41 = arith.constant 0 : i32
      %dma_start3A_42 = tpu.memref_slice %arg13[%dma_start3A, %dma_start3A_41] : memref<400x64xf32, #tpu.memory_space<vmem>> -> memref<320x64xf32, #tpu.memory_space<vmem>>
      %dma_start3A_43 = arith.constant 0 : i32
      %dma_start3A_44 = tpu.memref_slice %arg7[%arg0, %add3A_36, %dma_start3A_43] : memref<2x10240x64xf32, #tpu.memory_space<hbm>> -> memref<1x320x64xf32, #tpu.memory_space<hbm>>
      %dma_start3A_45 = tpu.memref_squeeze %dma_start3A_44 : memref<1x320x64xf32, #tpu.memory_space<hbm>> -> memref<320x64xf32, #tpu.memory_space<hbm>>
      %dma_start3A_46 = arith.constant 0 : i32
      %dma_start3A_47 = tpu.memref_slice %arg7[%arg0, %add3A_36, %dma_start3A_46] : memref<2x10240x64xf32, #tpu.memory_space<hbm>> -> memref<1x320x64xf32, #tpu.memory_space<hbm>>
      %dma_start3A_48 = tpu.memref_squeeze %dma_start3A_47 : memref<1x320x64xf32, #tpu.memory_space<hbm>> -> memref<320x64xf32, #tpu.memory_space<hbm>>
      %dma_start3A_49 = arith.constant 0 : i32
      %dma_start3A_50 = arith.constant 0 : i32
      %dma_start3A_51 = tpu.memref_slice %arg13[%dma_start3A_49, %dma_start3A_50] : memref<400x64xf32, #tpu.memory_space<vmem>> -> memref<320x64xf32, #tpu.memory_space<vmem>>
      tpu.enqueue_dma source(%dma_start3A_51 : memref<320x64xf32, #tpu.memory_space<vmem>>) target(%dma_start3A_48 : memref<320x64xf32, #tpu.memory_space<hbm>>) target_semaphore(%run_scoped3A : memref<!tpu.dma_semaphore, #tpu.memory_space<semaphore_mem>>)
      %dma_wait3A = arith.constant 0 : i32
      %dma_wait3A_52 = arith.constant 0 : i32
      %dma_wait3A_53 = tpu.memref_slice %arg13[%dma_wait3A, %dma_wait3A_52] : memref<400x64xf32, #tpu.memory_space<vmem>> -> memref<320x64xf32, #tpu.memory_space<vmem>>
      %dma_wait3A_54 = arith.constant 0 : i32
      %dma_wait3A_55 = tpu.memref_slice %arg7[%arg0, %add3A_36, %dma_wait3A_54] : memref<2x10240x64xf32, #tpu.memory_space<hbm>> -> memref<1x320x64xf32, #tpu.memory_space<hbm>>
      %dma_wait3A_56 = tpu.memref_squeeze %dma_wait3A_55 : memref<1x320x64xf32, #tpu.memory_space<hbm>> -> memref<320x64xf32, #tpu.memory_space<hbm>>
      %dma_wait3A_57 = arith.constant 0 : i32
      %dma_wait3A_58 = tpu.memref_slice %arg7[%arg0, %add3A_36, %dma_wait3A_57] : memref<2x10240x64xf32, #tpu.memory_space<hbm>> -> memref<1x320x64xf32, #tpu.memory_space<hbm>>
      %dma_wait3A_59 = tpu.memref_squeeze %dma_wait3A_58 : memref<1x320x64xf32, #tpu.memory_space<hbm>> -> memref<320x64xf32, #tpu.memory_space<hbm>>
      %dma_wait3A_60 = arith.constant 0 : i32
      %dma_wait3A_61 = arith.constant 0 : i32
      %dma_wait3A_62 = tpu.memref_slice %arg13[%dma_wait3A_60, %dma_wait3A_61] : memref<400x64xf32, #tpu.memory_space<vmem>> -> memref<320x64xf32, #tpu.memory_space<vmem>>
      tpu.wait_dma2 semaphore(%run_scoped3A : memref<!tpu.dma_semaphore, #tpu.memory_space<semaphore_mem>>) src(%dma_wait3A_62 : memref<320x64xf32, #tpu.memory_space<vmem>>) dst(%dma_wait3A_59 : memref<320x64xf32, #tpu.memory_space<hbm>>)
      tpu.yield
    }) : () -> ()
    %add3A_37 = arith.constant 320 : i32
    %add3A_38 = arith.addi %mul3A_2, %add3A_37 : i32
    "tpu.region"() ({
      %run_scoped3A = tpu.sem_alloc : memref<!tpu.dma_semaphore, #tpu.memory_space<semaphore_mem>>
      %dma_start3A = arith.constant 0 : i32
      %dma_start3A_41 = arith.constant 0 : i32
      %dma_start3A_42 = tpu.memref_slice %arg13[%dma_start3A, %dma_start3A_41] : memref<400x64xf32, #tpu.memory_space<vmem>> -> memref<320x64xf32, #tpu.memory_space<vmem>>
      %dma_start3A_43 = arith.constant 0 : i32
      %dma_start3A_44 = tpu.memref_slice %arg18[%add3A_38, %dma_start3A_43] : memref<10240x64xf32, #tpu.memory_space<vmem_shared>> -> memref<320x64xf32, #tpu.memory_space<vmem_shared>>
      %dma_start3A_45 = arith.constant 0 : i32
      %dma_start3A_46 = arith.constant 0 : i32
      %dma_start3A_47 = tpu.memref_slice %arg13[%dma_start3A_45, %dma_start3A_46] : memref<400x64xf32, #tpu.memory_space<vmem>> -> memref<320x64xf32, #tpu.memory_space<vmem>>
      %dma_start3A_48 = arith.constant 0 : i32
      %dma_start3A_49 = tpu.memref_slice %arg18[%add3A_38, %dma_start3A_48] : memref<10240x64xf32, #tpu.memory_space<vmem_shared>> -> memref<320x64xf32, #tpu.memory_space<vmem_shared>>
      tpu.enqueue_dma source(%dma_start3A_49 : memref<320x64xf32, #tpu.memory_space<vmem_shared>>) target(%dma_start3A_47 : memref<320x64xf32, #tpu.memory_space<vmem>>) target_semaphore(%run_scoped3A : memref<!tpu.dma_semaphore, #tpu.memory_space<semaphore_mem>>)
      %dma_wait3A = arith.constant 0 : i32
      %dma_wait3A_50 = arith.constant 0 : i32
      %dma_wait3A_51 = tpu.memref_slice %arg13[%dma_wait3A, %dma_wait3A_50] : memref<400x64xf32, #tpu.memory_space<vmem>> -> memref<320x64xf32, #tpu.memory_space<vmem>>
      %dma_wait3A_52 = arith.constant 0 : i32
      %dma_wait3A_53 = tpu.memref_slice %arg18[%add3A_38, %dma_wait3A_52] : memref<10240x64xf32, #tpu.memory_space<vmem_shared>> -> memref<320x64xf32, #tpu.memory_space<vmem_shared>>
      %dma_wait3A_54 = arith.constant 0 : i32
      %dma_wait3A_55 = arith.constant 0 : i32
      %dma_wait3A_56 = tpu.memref_slice %arg13[%dma_wait3A_54, %dma_wait3A_55] : memref<400x64xf32, #tpu.memory_space<vmem>> -> memref<320x64xf32, #tpu.memory_space<vmem>>
      %dma_wait3A_57 = arith.constant 0 : i32
      %dma_wait3A_58 = tpu.memref_slice %arg18[%add3A_38, %dma_wait3A_57] : memref<10240x64xf32, #tpu.memory_space<vmem_shared>> -> memref<320x64xf32, #tpu.memory_space<vmem_shared>>
      tpu.wait_dma2 semaphore(%run_scoped3A : memref<!tpu.dma_semaphore, #tpu.memory_space<semaphore_mem>>) src(%dma_wait3A_58 : memref<320x64xf32, #tpu.memory_space<vmem_shared>>) dst(%dma_wait3A_56 : memref<320x64xf32, #tpu.memory_space<vmem>>)
      tpu.yield
    }) : () -> ()
    %add3A_39 = arith.constant 320 : i32
    %add3A_40 = arith.addi %mul3A_2, %add3A_39 : i32
    "tpu.region"() ({
      %run_scoped3A = tpu.sem_alloc : memref<!tpu.dma_semaphore, #tpu.memory_space<semaphore_mem>>
      %dma_start3A = arith.constant 0 : i32
      %dma_start3A_41 = arith.constant 0 : i32
      %dma_start3A_42 = tpu.memref_slice %arg13[%dma_start3A, %dma_start3A_41] : memref<400x64xf32, #tpu.memory_space<vmem>> -> memref<320x64xf32, #tpu.memory_space<vmem>>
      %dma_start3A_43 = arith.constant 0 : i32
      %dma_start3A_44 = tpu.memref_slice %arg7[%arg0, %add3A_40, %dma_start3A_43] : memref<2x10240x64xf32, #tpu.memory_space<hbm>> -> memref<1x320x64xf32, #tpu.memory_space<hbm>>
      %dma_start3A_45 = tpu.memref_squeeze %dma_start3A_44 : memref<1x320x64xf32, #tpu.memory_space<hbm>> -> memref<320x64xf32, #tpu.memory_space<hbm>>
      %dma_start3A_46 = arith.constant 0 : i32
      %dma_start3A_47 = tpu.memref_slice %arg7[%arg0, %add3A_40, %dma_start3A_46] : memref<2x10240x64xf32, #tpu.memory_space<hbm>> -> memref<1x320x64xf32, #tpu.memory_space<hbm>>
      %dma_start3A_48 = tpu.memref_squeeze %dma_start3A_47 : memref<1x320x64xf32, #tpu.memory_space<hbm>> -> memref<320x64xf32, #tpu.memory_space<hbm>>
      %dma_start3A_49 = arith.constant 0 : i32
      %dma_start3A_50 = arith.constant 0 : i32
      %dma_start3A_51 = tpu.memref_slice %arg13[%dma_start3A_49, %dma_start3A_50] : memref<400x64xf32, #tpu.memory_space<vmem>> -> memref<320x64xf32, #tpu.memory_space<vmem>>
      tpu.enqueue_dma source(%dma_start3A_51 : memref<320x64xf32, #tpu.memory_space<vmem>>) target(%dma_start3A_48 : memref<320x64xf32, #tpu.memory_space<hbm>>) target_semaphore(%run_scoped3A : memref<!tpu.dma_semaphore, #tpu.memory_space<semaphore_mem>>)
      %dma_wait3A = arith.constant 0 : i32
      %dma_wait3A_52 = arith.constant 0 : i32
      %dma_wait3A_53 = tpu.memref_slice %arg13[%dma_wait3A, %dma_wait3A_52] : memref<400x64xf32, #tpu.memory_space<vmem>> -> memref<320x64xf32, #tpu.memory_space<vmem>>
      %dma_wait3A_54 = arith.constant 0 : i32
      %dma_wait3A_55 = tpu.memref_slice %arg7[%arg0, %add3A_40, %dma_wait3A_54] : memref<2x10240x64xf32, #tpu.memory_space<hbm>> -> memref<1x320x64xf32, #tpu.memory_space<hbm>>
      %dma_wait3A_56 = tpu.memref_squeeze %dma_wait3A_55 : memref<1x320x64xf32, #tpu.memory_space<hbm>> -> memref<320x64xf32, #tpu.memory_space<hbm>>
      %dma_wait3A_57 = arith.constant 0 : i32
      %dma_wait3A_58 = tpu.memref_slice %arg7[%arg0, %add3A_40, %dma_wait3A_57] : memref<2x10240x64xf32, #tpu.memory_space<hbm>> -> memref<1x320x64xf32, #tpu.memory_space<hbm>>
      %dma_wait3A_59 = tpu.memref_squeeze %dma_wait3A_58 : memref<1x320x64xf32, #tpu.memory_space<hbm>> -> memref<320x64xf32, #tpu.memory_space<hbm>>
      %dma_wait3A_60 = arith.constant 0 : i32
      %dma_wait3A_61 = arith.constant 0 : i32
      %dma_wait3A_62 = tpu.memref_slice %arg13[%dma_wait3A_60, %dma_wait3A_61] : memref<400x64xf32, #tpu.memory_space<vmem>> -> memref<320x64xf32, #tpu.memory_space<vmem>>
      tpu.wait_dma2 semaphore(%run_scoped3A : memref<!tpu.dma_semaphore, #tpu.memory_space<semaphore_mem>>) src(%dma_wait3A_62 : memref<320x64xf32, #tpu.memory_space<vmem>>) dst(%dma_wait3A_59 : memref<320x64xf32, #tpu.memory_space<hbm>>)
      tpu.yield
    }) : () -> ()
    "tpu.region"() ({
      %run_scoped3A = tpu.sem_alloc : memref<!tpu.dma_semaphore, #tpu.memory_space<semaphore_mem>>
      %dma_start3A = tpu.memref_slice %arg19[%mul3A_2] : memref<10240xf32, #tpu.memory_space<vmem_shared>> -> memref<640xf32, #tpu.memory_space<vmem_shared>>
      %dma_start3A_41 = tpu.memref_slice %arg19[%mul3A_2] : memref<10240xf32, #tpu.memory_space<vmem_shared>> -> memref<640xf32, #tpu.memory_space<vmem_shared>>
      tpu.enqueue_dma source(%dma_start3A_41 : memref<640xf32, #tpu.memory_space<vmem_shared>>) target(%arg17 : memref<640xf32, #tpu.memory_space<vmem>>) target_semaphore(%run_scoped3A : memref<!tpu.dma_semaphore, #tpu.memory_space<semaphore_mem>>)
      %dma_wait3A = tpu.memref_slice %arg19[%mul3A_2] : memref<10240xf32, #tpu.memory_space<vmem_shared>> -> memref<640xf32, #tpu.memory_space<vmem_shared>>
      %dma_wait3A_42 = tpu.memref_slice %arg19[%mul3A_2] : memref<10240xf32, #tpu.memory_space<vmem_shared>> -> memref<640xf32, #tpu.memory_space<vmem_shared>>
      tpu.wait_dma2 semaphore(%run_scoped3A : memref<!tpu.dma_semaphore, #tpu.memory_space<semaphore_mem>>) src(%dma_wait3A_42 : memref<640xf32, #tpu.memory_space<vmem_shared>>) dst(%arg17 : memref<640xf32, #tpu.memory_space<vmem>>)
      tpu.yield
    }) : () -> ()
    "tpu.region"() ({
      %run_scoped3A = tpu.sem_alloc : memref<!tpu.dma_semaphore, #tpu.memory_space<semaphore_mem>>
      %dma_start3A = tpu.memref_slice %arg8[%arg0, %mul3A_2] : memref<2x10240xf32, #tpu.memory_space<hbm>> -> memref<1x640xf32, #tpu.memory_space<hbm>>
      %dma_start3A_41 = tpu.memref_squeeze %dma_start3A : memref<1x640xf32, #tpu.memory_space<hbm>> -> memref<640xf32, #tpu.memory_space<hbm>>
      %dma_start3A_42 = tpu.memref_slice %arg8[%arg0, %mul3A_2] : memref<2x10240xf32, #tpu.memory_space<hbm>> -> memref<1x640xf32, #tpu.memory_space<hbm>>
      %dma_start3A_43 = tpu.memref_squeeze %dma_start3A_42 : memref<1x640xf32, #tpu.memory_space<hbm>> -> memref<640xf32, #tpu.memory_space<hbm>>
      tpu.enqueue_dma source(%arg17 : memref<640xf32, #tpu.memory_space<vmem>>) target(%dma_start3A_43 : memref<640xf32, #tpu.memory_space<hbm>>) target_semaphore(%run_scoped3A : memref<!tpu.dma_semaphore, #tpu.memory_space<semaphore_mem>>)
      %dma_wait3A = tpu.memref_slice %arg8[%arg0, %mul3A_2] : memref<2x10240xf32, #tpu.memory_space<hbm>> -> memref<1x640xf32, #tpu.memory_space<hbm>>
      %dma_wait3A_44 = tpu.memref_squeeze %dma_wait3A : memref<1x640xf32, #tpu.memory_space<hbm>> -> memref<640xf32, #tpu.memory_space<hbm>>
      %dma_wait3A_45 = tpu.memref_slice %arg8[%arg0, %mul3A_2] : memref<2x10240xf32, #tpu.memory_space<hbm>> -> memref<1x640xf32, #tpu.memory_space<hbm>>
      %dma_wait3A_46 = tpu.memref_squeeze %dma_wait3A_45 : memref<1x640xf32, #tpu.memory_space<hbm>> -> memref<640xf32, #tpu.memory_space<hbm>>
      tpu.wait_dma2 semaphore(%run_scoped3A : memref<!tpu.dma_semaphore, #tpu.memory_space<semaphore_mem>>) src(%arg17 : memref<640xf32, #tpu.memory_space<vmem>>) dst(%dma_wait3A_46 : memref<640xf32, #tpu.memory_space<hbm>>)
      tpu.yield
    }) : () -> ()
    return
  }
}

#map = affine_map<(d0, d1) -> (0, 0)>
#map1 = affine_map<(d0, d1) -> (0)>
#map2 = affine_map<(d0, d1) -> (0, 0, 0)>
module attributes {stable_mosaic.version = 14 : i64} {
  func.func @edge_kernel(%arg0: i32, %arg1: i32, %arg2: memref<10000x16xf32, #tpu.memory_space<hbm>>, %arg3: memref<10000xf32, #tpu.memory_space<hbm>>, %arg4: memref<10000xf32, #tpu.memory_space<hbm>>, %arg5: memref<320000xi32, #tpu.memory_space<hbm>>, %arg6: memref<320000xi32, #tpu.memory_space<hbm>>, %arg7: memref<2x10240x16xf32, #tpu.memory_space<hbm>>, %arg8: memref<2x10240xf32, #tpu.memory_space<hbm>>, %arg9: memref<10000xi32, #tpu.memory_space<vmem>>, %arg10: memref<10000xi32, #tpu.memory_space<vmem>>, %arg11: memref<10000xf32, #tpu.memory_space<vmem>>, %arg12: memref<10000xf32, #tpu.memory_space<vmem>>, %arg13: memref<400x16xf32, #tpu.memory_space<vmem>>, %arg14: memref<400xf32, #tpu.memory_space<vmem>>, %arg15: memref<400xi32, #tpu.memory_space<vmem>>, %arg16: memref<400xi32, #tpu.memory_space<vmem>>, %arg17: memref<640xf32, #tpu.memory_space<vmem>>, %arg18: memref<10240x16xf32, #tpu.memory_space<vmem_shared>>, %arg19: memref<10240xf32, #tpu.memory_space<vmem_shared>>, %arg20: memref<!tpu.dma_semaphore, #tpu.memory_space<semaphore_mem>>) attributes {dimension_semantics = [#tpu.dimension_semantics<core_parallel>, #tpu.dimension_semantics<subcore_parallel>], iteration_bounds = array<i64: 2, 16>, scalar_prefetch = 0 : i64, scratch_operands = 12 : i64, tpu.core_type = #tpu.core_type<sc_vector_subcore>, window_params = [{transform_indices = #map}, {transform_indices = #map1}, {transform_indices = #map1}, {transform_indices = #map1}, {transform_indices = #map1}, {transform_indices = #map2}, {transform_indices = #map}]} {
    %mul3A = arith.constant 2 : i32
    %mul3A_0 = arith.muli %arg1, %mul3A : i32
    %add3A = arith.addi %mul3A_0, %arg0 : i32
    %mul3A_1 = arith.constant 640 : i32
    %mul3A_2 = arith.muli %arg1, %mul3A_1 : i32
    %mul3A_3 = arith.constant 10000 : i32
    %mul3A_4 = arith.muli %add3A, %mul3A_3 : i32
    "tpu.region"() ({
      %run_scoped3A = tpu.sem_alloc : memref<!tpu.dma_semaphore, #tpu.memory_space<semaphore_mem>>
      %dma_start3A = tpu.memref_slice %arg5[%mul3A_4] : memref<320000xi32, #tpu.memory_space<hbm>> -> memref<10000xi32, #tpu.memory_space<hbm>>
      %dma_start3A_41 = tpu.memref_slice %arg5[%mul3A_4] : memref<320000xi32, #tpu.memory_space<hbm>> -> memref<10000xi32, #tpu.memory_space<hbm>>
      tpu.enqueue_dma source(%dma_start3A_41 : memref<10000xi32, #tpu.memory_space<hbm>>) target(%arg9 : memref<10000xi32, #tpu.memory_space<vmem>>) target_semaphore(%run_scoped3A : memref<!tpu.dma_semaphore, #tpu.memory_space<semaphore_mem>>)
      %dma_wait3A = tpu.memref_slice %arg5[%mul3A_4] : memref<320000xi32, #tpu.memory_space<hbm>> -> memref<10000xi32, #tpu.memory_space<hbm>>
      %dma_wait3A_42 = tpu.memref_slice %arg5[%mul3A_4] : memref<320000xi32, #tpu.memory_space<hbm>> -> memref<10000xi32, #tpu.memory_space<hbm>>
      tpu.wait_dma2 semaphore(%run_scoped3A : memref<!tpu.dma_semaphore, #tpu.memory_space<semaphore_mem>>) src(%dma_wait3A_42 : memref<10000xi32, #tpu.memory_space<hbm>>) dst(%arg9 : memref<10000xi32, #tpu.memory_space<vmem>>)
      tpu.yield
    }) : () -> ()
    %mul3A_5 = arith.constant 10000 : i32
    %mul3A_6 = arith.muli %add3A, %mul3A_5 : i32
    "tpu.region"() ({
      %run_scoped3A = tpu.sem_alloc : memref<!tpu.dma_semaphore, #tpu.memory_space<semaphore_mem>>
      %dma_start3A = tpu.memref_slice %arg6[%mul3A_6] : memref<320000xi32, #tpu.memory_space<hbm>> -> memref<10000xi32, #tpu.memory_space<hbm>>
      %dma_start3A_41 = tpu.memref_slice %arg6[%mul3A_6] : memref<320000xi32, #tpu.memory_space<hbm>> -> memref<10000xi32, #tpu.memory_space<hbm>>
      tpu.enqueue_dma source(%dma_start3A_41 : memref<10000xi32, #tpu.memory_space<hbm>>) target(%arg10 : memref<10000xi32, #tpu.memory_space<vmem>>) target_semaphore(%run_scoped3A : memref<!tpu.dma_semaphore, #tpu.memory_space<semaphore_mem>>)
      %dma_wait3A = tpu.memref_slice %arg6[%mul3A_6] : memref<320000xi32, #tpu.memory_space<hbm>> -> memref<10000xi32, #tpu.memory_space<hbm>>
      %dma_wait3A_42 = tpu.memref_slice %arg6[%mul3A_6] : memref<320000xi32, #tpu.memory_space<hbm>> -> memref<10000xi32, #tpu.memory_space<hbm>>
      tpu.wait_dma2 semaphore(%run_scoped3A : memref<!tpu.dma_semaphore, #tpu.memory_space<semaphore_mem>>) src(%dma_wait3A_42 : memref<10000xi32, #tpu.memory_space<hbm>>) dst(%arg10 : memref<10000xi32, #tpu.memory_space<vmem>>)
      tpu.yield
    }) : () -> ()
    "tpu.region"() ({
      %run_scoped3A = tpu.sem_alloc : memref<!tpu.dma_semaphore, #tpu.memory_space<semaphore_mem>>
      tpu.enqueue_dma source(%arg3 : memref<10000xf32, #tpu.memory_space<hbm>>) target(%arg11 : memref<10000xf32, #tpu.memory_space<vmem>>) target_semaphore(%run_scoped3A : memref<!tpu.dma_semaphore, #tpu.memory_space<semaphore_mem>>)
      tpu.wait_dma2 semaphore(%run_scoped3A : memref<!tpu.dma_semaphore, #tpu.memory_space<semaphore_mem>>) src(%arg3 : memref<10000xf32, #tpu.memory_space<hbm>>) dst(%arg11 : memref<10000xf32, #tpu.memory_space<vmem>>)
      tpu.yield
    }) : () -> ()
    "tpu.region"() ({
      %run_scoped3A = tpu.sem_alloc : memref<!tpu.dma_semaphore, #tpu.memory_space<semaphore_mem>>
      tpu.enqueue_dma source(%arg4 : memref<10000xf32, #tpu.memory_space<hbm>>) target(%arg12 : memref<10000xf32, #tpu.memory_space<vmem>>) target_semaphore(%run_scoped3A : memref<!tpu.dma_semaphore, #tpu.memory_space<semaphore_mem>>)
      tpu.wait_dma2 semaphore(%run_scoped3A : memref<!tpu.dma_semaphore, #tpu.memory_space<semaphore_mem>>) src(%arg4 : memref<10000xf32, #tpu.memory_space<hbm>>) dst(%arg12 : memref<10000xf32, #tpu.memory_space<vmem>>)
      tpu.yield
    }) : () -> ()
    %broadcast_in_dim3A = arith.constant 0.000000e+00 : f32
    %broadcast_in_dim3A_7 = vector.broadcast %broadcast_in_dim3A : f32 to vector<16xf32>
    %scan3A = arith.constant 0 : i32
    %scan3A_8 = arith.constant 0 : i32
    %scan3A_9 = arith.constant 400 : i32
    %scan3A_10 = arith.addi %scan3A_8, %scan3A_9 : i32
    %scan3A_11 = arith.constant 1 : i32
    %scan3A_12 = scf.for %scan3A_41 = %scan3A_8 to %scan3A_10 step %scan3A_11 iter_args(%scan3A_42 = %scan3A) -> (i32)  : i32 {
      %swap3A = arith.index_cast %scan3A_41 : i32 to index
      %swap3A_43 = arith.constant 0 : index
      %swap3A_44 = tpu.vector_load %arg13[%swap3A, %swap3A_43] {strides = array<i32>} : memref<400x16xf32, #tpu.memory_space<vmem>>, vector<16xf32>,
      tpu.vector_store %arg13[%swap3A, %swap3A_43], %broadcast_in_dim3A_7 {strides = array<i32>} : memref<400x16xf32, #tpu.memory_space<vmem>>, vector<16xf32>,
      %scan3A_45 = arith.constant 0 : i32
      scf.yield %scan3A_45 : i32
    }
    %scan3A_13 = arith.constant 400 : i32
    %scan3A_14 = arith.constant 0 : i32
    %scan3A_15 = arith.constant 0 : i32
    %scan3A_16 = arith.constant 25 : i32
    %scan3A_17 = arith.addi %scan3A_15, %scan3A_16 : i32
    %scan3A_18 = arith.constant 1 : i32
    %scan3A_19 = scf.for %scan3A_41 = %scan3A_15 to %scan3A_17 step %scan3A_18 iter_args(%scan3A_42 = %scan3A_14) -> (i32)  : i32 {
      %mul3A_43 = arith.constant 16 : i32
      %mul3A_44 = arith.muli %scan3A_41, %mul3A_43 : i32
      %swap3A = arith.index_cast %mul3A_44 : i32 to index
      %swap3A_45 = tpu.vector_load %arg14[%swap3A] {strides = array<i32>} : memref<400xf32, #tpu.memory_space<vmem>>, vector<16xf32>,
      tpu.vector_store %arg14[%swap3A], %broadcast_in_dim3A_7 {strides = array<i32>} : memref<400xf32, #tpu.memory_space<vmem>>, vector<16xf32>,
      %scan3A_46 = arith.constant 0 : i32
      scf.yield %scan3A_46 : i32
    }
    %scan3A_20 = arith.constant 25 : i32
    "tpu.region"() ({
      %run_scoped3A = tpu.sem_alloc : memref<!tpu.dma_semaphore, #tpu.memory_space<semaphore_mem>>
      %dma_start3A = arith.constant 0 : i32
      %dma_start3A_41 = tpu.memref_slice %arg18[%mul3A_2, %dma_start3A] : memref<10240x16xf32, #tpu.memory_space<vmem_shared>> -> memref<400x16xf32, #tpu.memory_space<vmem_shared>>
      %dma_start3A_42 = arith.constant 0 : i32
      %dma_start3A_43 = tpu.memref_slice %arg18[%mul3A_2, %dma_start3A_42] : memref<10240x16xf32, #tpu.memory_space<vmem_shared>> -> memref<400x16xf32, #tpu.memory_space<vmem_shared>>
      tpu.enqueue_dma source(%arg13 : memref<400x16xf32, #tpu.memory_space<vmem>>) target(%dma_start3A_43 : memref<400x16xf32, #tpu.memory_space<vmem_shared>>) target_semaphore(%run_scoped3A : memref<!tpu.dma_semaphore, #tpu.memory_space<semaphore_mem>>)
      %dma_wait3A = arith.constant 0 : i32
      %dma_wait3A_44 = tpu.memref_slice %arg18[%mul3A_2, %dma_wait3A] : memref<10240x16xf32, #tpu.memory_space<vmem_shared>> -> memref<400x16xf32, #tpu.memory_space<vmem_shared>>
      %dma_wait3A_45 = arith.constant 0 : i32
      %dma_wait3A_46 = tpu.memref_slice %arg18[%mul3A_2, %dma_wait3A_45] : memref<10240x16xf32, #tpu.memory_space<vmem_shared>> -> memref<400x16xf32, #tpu.memory_space<vmem_shared>>
      tpu.wait_dma2 semaphore(%run_scoped3A : memref<!tpu.dma_semaphore, #tpu.memory_space<semaphore_mem>>) src(%arg13 : memref<400x16xf32, #tpu.memory_space<vmem>>) dst(%dma_wait3A_46 : memref<400x16xf32, #tpu.memory_space<vmem_shared>>)
      tpu.yield
    }) : () -> ()
    %add3A_21 = arith.constant 400 : i32
    %add3A_22 = arith.addi %mul3A_2, %add3A_21 : i32
    "tpu.region"() ({
      %run_scoped3A = tpu.sem_alloc : memref<!tpu.dma_semaphore, #tpu.memory_space<semaphore_mem>>
      %dma_start3A = arith.constant 0 : i32
      %dma_start3A_41 = arith.constant 0 : i32
      %dma_start3A_42 = tpu.memref_slice %arg13[%dma_start3A, %dma_start3A_41] : memref<400x16xf32, #tpu.memory_space<vmem>> -> memref<240x16xf32, #tpu.memory_space<vmem>>
      %dma_start3A_43 = arith.constant 0 : i32
      %dma_start3A_44 = tpu.memref_slice %arg18[%add3A_22, %dma_start3A_43] : memref<10240x16xf32, #tpu.memory_space<vmem_shared>> -> memref<240x16xf32, #tpu.memory_space<vmem_shared>>
      %dma_start3A_45 = arith.constant 0 : i32
      %dma_start3A_46 = tpu.memref_slice %arg18[%add3A_22, %dma_start3A_45] : memref<10240x16xf32, #tpu.memory_space<vmem_shared>> -> memref<240x16xf32, #tpu.memory_space<vmem_shared>>
      %dma_start3A_47 = arith.constant 0 : i32
      %dma_start3A_48 = arith.constant 0 : i32
      %dma_start3A_49 = tpu.memref_slice %arg13[%dma_start3A_47, %dma_start3A_48] : memref<400x16xf32, #tpu.memory_space<vmem>> -> memref<240x16xf32, #tpu.memory_space<vmem>>
      tpu.enqueue_dma source(%dma_start3A_49 : memref<240x16xf32, #tpu.memory_space<vmem>>) target(%dma_start3A_46 : memref<240x16xf32, #tpu.memory_space<vmem_shared>>) target_semaphore(%run_scoped3A : memref<!tpu.dma_semaphore, #tpu.memory_space<semaphore_mem>>)
      %dma_wait3A = arith.constant 0 : i32
      %dma_wait3A_50 = arith.constant 0 : i32
      %dma_wait3A_51 = tpu.memref_slice %arg13[%dma_wait3A, %dma_wait3A_50] : memref<400x16xf32, #tpu.memory_space<vmem>> -> memref<240x16xf32, #tpu.memory_space<vmem>>
      %dma_wait3A_52 = arith.constant 0 : i32
      %dma_wait3A_53 = tpu.memref_slice %arg18[%add3A_22, %dma_wait3A_52] : memref<10240x16xf32, #tpu.memory_space<vmem_shared>> -> memref<240x16xf32, #tpu.memory_space<vmem_shared>>
      %dma_wait3A_54 = arith.constant 0 : i32
      %dma_wait3A_55 = tpu.memref_slice %arg18[%add3A_22, %dma_wait3A_54] : memref<10240x16xf32, #tpu.memory_space<vmem_shared>> -> memref<240x16xf32, #tpu.memory_space<vmem_shared>>
      %dma_wait3A_56 = arith.constant 0 : i32
      %dma_wait3A_57 = arith.constant 0 : i32
      %dma_wait3A_58 = tpu.memref_slice %arg13[%dma_wait3A_56, %dma_wait3A_57] : memref<400x16xf32, #tpu.memory_space<vmem>> -> memref<240x16xf32, #tpu.memory_space<vmem>>
      tpu.wait_dma2 semaphore(%run_scoped3A : memref<!tpu.dma_semaphore, #tpu.memory_space<semaphore_mem>>) src(%dma_wait3A_58 : memref<240x16xf32, #tpu.memory_space<vmem>>) dst(%dma_wait3A_55 : memref<240x16xf32, #tpu.memory_space<vmem_shared>>)
      tpu.yield
    }) : () -> ()
    "tpu.region"() ({
      %run_scoped3A = tpu.sem_alloc : memref<!tpu.dma_semaphore, #tpu.memory_space<semaphore_mem>>
      %dma_start3A = tpu.memref_slice %arg19[%mul3A_2] : memref<10240xf32, #tpu.memory_space<vmem_shared>> -> memref<400xf32, #tpu.memory_space<vmem_shared>>
      %dma_start3A_41 = tpu.memref_slice %arg19[%mul3A_2] : memref<10240xf32, #tpu.memory_space<vmem_shared>> -> memref<400xf32, #tpu.memory_space<vmem_shared>>
      tpu.enqueue_dma source(%arg14 : memref<400xf32, #tpu.memory_space<vmem>>) target(%dma_start3A_41 : memref<400xf32, #tpu.memory_space<vmem_shared>>) target_semaphore(%run_scoped3A : memref<!tpu.dma_semaphore, #tpu.memory_space<semaphore_mem>>)
      %dma_wait3A = tpu.memref_slice %arg19[%mul3A_2] : memref<10240xf32, #tpu.memory_space<vmem_shared>> -> memref<400xf32, #tpu.memory_space<vmem_shared>>
      %dma_wait3A_42 = tpu.memref_slice %arg19[%mul3A_2] : memref<10240xf32, #tpu.memory_space<vmem_shared>> -> memref<400xf32, #tpu.memory_space<vmem_shared>>
      tpu.wait_dma2 semaphore(%run_scoped3A : memref<!tpu.dma_semaphore, #tpu.memory_space<semaphore_mem>>) src(%arg14 : memref<400xf32, #tpu.memory_space<vmem>>) dst(%dma_wait3A_42 : memref<400xf32, #tpu.memory_space<vmem_shared>>)
      tpu.yield
    }) : () -> ()
    %add3A_23 = arith.constant 400 : i32
    %add3A_24 = arith.addi %mul3A_2, %add3A_23 : i32
    "tpu.region"() ({
      %run_scoped3A = tpu.sem_alloc : memref<!tpu.dma_semaphore, #tpu.memory_space<semaphore_mem>>
      %dma_start3A = arith.constant 0 : i32
      %dma_start3A_41 = tpu.memref_slice %arg14[%dma_start3A] : memref<400xf32, #tpu.memory_space<vmem>> -> memref<240xf32, #tpu.memory_space<vmem>>
      %dma_start3A_42 = tpu.memref_slice %arg19[%add3A_24] : memref<10240xf32, #tpu.memory_space<vmem_shared>> -> memref<240xf32, #tpu.memory_space<vmem_shared>>
      %dma_start3A_43 = tpu.memref_slice %arg19[%add3A_24] : memref<10240xf32, #tpu.memory_space<vmem_shared>> -> memref<240xf32, #tpu.memory_space<vmem_shared>>
      %dma_start3A_44 = arith.constant 0 : i32
      %dma_start3A_45 = tpu.memref_slice %arg14[%dma_start3A_44] : memref<400xf32, #tpu.memory_space<vmem>> -> memref<240xf32, #tpu.memory_space<vmem>>
      tpu.enqueue_dma source(%dma_start3A_45 : memref<240xf32, #tpu.memory_space<vmem>>) target(%dma_start3A_43 : memref<240xf32, #tpu.memory_space<vmem_shared>>) target_semaphore(%run_scoped3A : memref<!tpu.dma_semaphore, #tpu.memory_space<semaphore_mem>>)
      %dma_wait3A = arith.constant 0 : i32
      %dma_wait3A_46 = tpu.memref_slice %arg14[%dma_wait3A] : memref<400xf32, #tpu.memory_space<vmem>> -> memref<240xf32, #tpu.memory_space<vmem>>
      %dma_wait3A_47 = tpu.memref_slice %arg19[%add3A_24] : memref<10240xf32, #tpu.memory_space<vmem_shared>> -> memref<240xf32, #tpu.memory_space<vmem_shared>>
      %dma_wait3A_48 = tpu.memref_slice %arg19[%add3A_24] : memref<10240xf32, #tpu.memory_space<vmem_shared>> -> memref<240xf32, #tpu.memory_space<vmem_shared>>
      %dma_wait3A_49 = arith.constant 0 : i32
      %dma_wait3A_50 = tpu.memref_slice %arg14[%dma_wait3A_49] : memref<400xf32, #tpu.memory_space<vmem>> -> memref<240xf32, #tpu.memory_space<vmem>>
      tpu.wait_dma2 semaphore(%run_scoped3A : memref<!tpu.dma_semaphore, #tpu.memory_space<semaphore_mem>>) src(%dma_wait3A_50 : memref<240xf32, #tpu.memory_space<vmem>>) dst(%dma_wait3A_48 : memref<240xf32, #tpu.memory_space<vmem_shared>>)
      tpu.yield
    }) : () -> ()
    %barrier3A = arith.constant 0 : index
    tpu.barrier barrier_id(%barrier3A)
    %scan3A_25 = arith.constant 0 : i32
    %scan3A_26 = arith.constant 0 : i32
    %scan3A_27 = arith.constant 25 : i32
    %scan3A_28 = arith.addi %scan3A_26, %scan3A_27 : i32
    %scan3A_29 = arith.constant 1 : i32
    %scan3A_30 = scf.for %scan3A_41 = %scan3A_26 to %scan3A_28 step %scan3A_29 iter_args(%scan3A_42 = %scan3A_25) -> (i32)  : i32 {
      %mul3A_43 = arith.constant 400 : i32
      %mul3A_44 = arith.muli %scan3A_41, %mul3A_43 : i32
      %scan3A_45 = arith.constant 0 : i32
      %scan3A_46 = arith.constant 0 : i32
      %scan3A_47 = arith.constant 25 : i32
      %scan3A_48 = arith.addi %scan3A_46, %scan3A_47 : i32
      %scan3A_49 = arith.constant 1 : i32
      %scan3A_50 = scf.for %scan3A_71 = %scan3A_46 to %scan3A_48 step %scan3A_49 iter_args(%scan3A_72 = %scan3A_45) -> (i32)  : i32 {
        %mul3A_73 = arith.constant 16 : i32
        %mul3A_74 = arith.muli %scan3A_71, %mul3A_73 : i32
        %add3A_75 = arith.addi %mul3A_44, %mul3A_74 : i32
        %get3A = arith.index_cast %add3A_75 : i32 to index
        %get3A_76 = tpu.vector_load %arg9[%get3A] {strides = array<i32>} : memref<10000xi32, #tpu.memory_space<vmem>>, vector<16xi32>,
        %mul3A_77 = arith.constant 16 : i32
        %mul3A_78 = arith.muli %scan3A_71, %mul3A_77 : i32
        %swap3A = arith.index_cast %mul3A_78 : i32 to index
        %swap3A_79 = tpu.vector_load %arg15[%swap3A] {strides = array<i32>} : memref<400xi32, #tpu.memory_space<vmem>>, vector<16xi32>,
        tpu.vector_store %arg15[%swap3A], %get3A_76 {strides = array<i32>} : memref<400xi32, #tpu.memory_space<vmem>>, vector<16xi32>,
        %mul3A_80 = arith.constant 16 : i32
        %mul3A_81 = arith.muli %scan3A_71, %mul3A_80 : i32
        %add3A_82 = arith.addi %mul3A_44, %mul3A_81 : i32
        %get3A_83 = arith.index_cast %add3A_82 : i32 to index
        %get3A_84 = tpu.vector_load %arg10[%get3A_83] {strides = array<i32>} : memref<10000xi32, #tpu.memory_space<vmem>>, vector<16xi32>,
        %mul3A_85 = arith.constant 16 : i32
        %mul3A_86 = arith.muli %scan3A_71, %mul3A_85 : i32
        %swap3A_87 = arith.index_cast %mul3A_86 : i32 to index
        %swap3A_88 = tpu.vector_load %arg16[%swap3A_87] {strides = array<i32>} : memref<400xi32, #tpu.memory_space<vmem>>, vector<16xi32>,
        tpu.vector_store %arg16[%swap3A_87], %get3A_84 {strides = array<i32>} : memref<400xi32, #tpu.memory_space<vmem>>, vector<16xi32>,
        %scan3A_89 = arith.constant 0 : i32
        scf.yield %scan3A_89 : i32
      }
      %scan3A_51 = arith.constant 25 : i32
      %dma_start3A = arith.constant 0 : i32
      %dma_start3A_52 = arith.constant 0 : i32
      %dma_start3A_53 = tpu.memref_slice %arg2[%dma_start3A, %dma_start3A_52] : memref<10000x16xf32, #tpu.memory_space<hbm>> -> memref<10000x16xf32, #tpu.memory_space<hbm>>
      tpu.enqueue_indirect_dma source(%dma_start3A_53 : memref<10000x16xf32, #tpu.memory_space<hbm>>) target(%arg13 : memref<400x16xf32, #tpu.memory_space<vmem>>) offsets(%arg15 : memref<400xi32, #tpu.memory_space<vmem>>) semaphore(%arg20 : memref<!tpu.dma_semaphore, #tpu.memory_space<semaphore_mem>>)
      %dma_wait3A = arith.constant 0 : i32
      %dma_wait3A_54 = arith.constant 0 : i32
      %dma_wait3A_55 = tpu.memref_slice %arg2[%dma_wait3A, %dma_wait3A_54] : memref<10000x16xf32, #tpu.memory_space<hbm>> -> memref<10000x16xf32, #tpu.memory_space<hbm>>
      tpu.wait_indirect_dma semaphore(%arg20 : memref<!tpu.dma_semaphore, #tpu.memory_space<semaphore_mem>>) src(%dma_wait3A_55 : memref<10000x16xf32, #tpu.memory_space<hbm>>) dst(%arg13 : memref<400x16xf32, #tpu.memory_space<vmem>>)
      %scan3A_56 = arith.constant 0 : i32
      %scan3A_57 = arith.constant 0 : i32
      %scan3A_58 = arith.constant 25 : i32
      %scan3A_59 = arith.addi %scan3A_57, %scan3A_58 : i32
      %scan3A_60 = arith.constant 1 : i32
      %scan3A_61 = scf.for %scan3A_71 = %scan3A_57 to %scan3A_59 step %scan3A_60 iter_args(%scan3A_72 = %scan3A_56) -> (i32)  : i32 {
        %mul3A_73 = arith.constant 16 : i32
        %mul3A_74 = arith.muli %scan3A_71, %mul3A_73 : i32
        %add3A_75 = arith.addi %mul3A_44, %mul3A_74 : i32
        %get3A = arith.index_cast %add3A_75 : i32 to index
        %get3A_76 = tpu.vector_load %arg9[%get3A] {strides = array<i32>} : memref<10000xi32, #tpu.memory_space<vmem>>, vector<16xi32>,
        %mul3A_77 = arith.constant 16 : i32
        %mul3A_78 = arith.muli %scan3A_71, %mul3A_77 : i32
        %add3A_79 = arith.addi %mul3A_44, %mul3A_78 : i32
        %get3A_80 = arith.index_cast %add3A_79 : i32 to index
        %get3A_81 = tpu.vector_load %arg10[%get3A_80] {strides = array<i32>} : memref<10000xi32, #tpu.memory_space<vmem>>, vector<16xi32>,
        %gather3A = tpu.vector_load_idx %arg11[%get3A_76] : memref<10000xf32, #tpu.memory_space<vmem>>[vector<16xi32>], vector<16xf32>,
        %gather3A_82 = tpu.vector_load_idx %arg12[%get3A_81] : memref<10000xf32, #tpu.memory_space<vmem>>[vector<16xi32>], vector<16xf32>,
        %add3A_83 = arith.addf %gather3A, %gather3A_82 : vector<16xf32>
        %mul3A_84 = arith.constant 2.000000e-01 : f32
        %mul3A_85 = vector.broadcast %mul3A_84 : f32 to vector<16xf32>
        %mul3A_86 = arith.mulf %add3A_83, %mul3A_85 : vector<16xf32>
        %max3A = arith.maximumf %add3A_83, %mul3A_86 : vector<16xf32>
        %exp3A = math.exp %max3A : vector<16xf32>
        %mul3A_87 = arith.constant 16 : i32
        %mul3A_88 = arith.muli %scan3A_71, %mul3A_87 : i32
        %swap3A = arith.index_cast %mul3A_88 : i32 to index
        %swap3A_89 = tpu.vector_load %arg14[%swap3A] {strides = array<i32>} : memref<400xf32, #tpu.memory_space<vmem>>, vector<16xf32>,
        tpu.vector_store %arg14[%swap3A], %exp3A {strides = array<i32>} : memref<400xf32, #tpu.memory_space<vmem>>, vector<16xf32>,
        %scan3A_90 = arith.constant 0 : i32
        scf.yield %scan3A_90 : i32
      }
      %scan3A_62 = arith.constant 25 : i32
      %scan3A_63 = arith.constant 0 : i32
      %scan3A_64 = arith.constant 0 : i32
      %scan3A_65 = arith.constant 25 : i32
      %scan3A_66 = arith.addi %scan3A_64, %scan3A_65 : i32
      %scan3A_67 = arith.constant 1 : i32
      %scan3A_68 = scf.for %scan3A_71 = %scan3A_64 to %scan3A_66 step %scan3A_67 iter_args(%scan3A_72 = %scan3A_63) -> (i32)  : i32 {
        %mul3A_73 = arith.constant 16 : i32
        %mul3A_74 = arith.muli %scan3A_71, %mul3A_73 : i32
        %get3A = arith.index_cast %mul3A_74 : i32 to index
        %get3A_75 = tpu.vector_load %arg14[%get3A] {strides = array<i32>} : memref<400xf32, #tpu.memory_space<vmem>>, vector<16xf32>,
        %slice3A = vector.extract_strided_slice %get3A_75 {offsets = [0], sizes = [1], strides = [1]} : vector<16xf32> to vector<1xf32>
        %squeeze3A = vector.extract %slice3A[0] : f32 from vector<1xf32>
        %mul3A_76 = arith.constant 16 : i32
        %mul3A_77 = arith.muli %scan3A_71, %mul3A_76 : i32
        %add3A_78 = arith.constant 0 : i32
        %add3A_79 = arith.addi %mul3A_77, %add3A_78 : i32
        %get3A_80 = arith.index_cast %add3A_79 : i32 to index
        %get3A_81 = arith.constant 0 : index
        %get3A_82 = tpu.vector_load %arg13[%get3A_80, %get3A_81] {strides = array<i32>} : memref<400x16xf32, #tpu.memory_space<vmem>>, vector<16xf32>,
        %mul3A_83 = vector.broadcast %squeeze3A : f32 to vector<16xf32>
        %mul3A_84 = arith.mulf %get3A_82, %mul3A_83 : vector<16xf32>
        %swap3A = arith.index_cast %add3A_79 : i32 to index
        %swap3A_85 = arith.constant 0 : index
        %swap3A_86 = tpu.vector_load %arg13[%swap3A, %swap3A_85] {strides = array<i32>} : memref<400x16xf32, #tpu.memory_space<vmem>>, vector<16xf32>,
        tpu.vector_store %arg13[%swap3A, %swap3A_85], %mul3A_84 {strides = array<i32>} : memref<400x16xf32, #tpu.memory_space<vmem>>, vector<16xf32>,
        %slice3A_87 = vector.extract_strided_slice %get3A_75 {offsets = [1], sizes = [1], strides = [1]} : vector<16xf32> to vector<1xf32>
        %squeeze3A_88 = vector.extract %slice3A_87[0] : f32 from vector<1xf32>
        %mul3A_89 = arith.constant 16 : i32
        %mul3A_90 = arith.muli %scan3A_71, %mul3A_89 : i32
        %add3A_91 = arith.constant 1 : i32
        %add3A_92 = arith.addi %mul3A_90, %add3A_91 : i32
        %get3A_93 = arith.index_cast %add3A_92 : i32 to index
        %get3A_94 = arith.constant 0 : index
        %get3A_95 = tpu.vector_load %arg13[%get3A_93, %get3A_94] {strides = array<i32>} : memref<400x16xf32, #tpu.memory_space<vmem>>, vector<16xf32>,
        %mul3A_96 = vector.broadcast %squeeze3A_88 : f32 to vector<16xf32>
        %mul3A_97 = arith.mulf %get3A_95, %mul3A_96 : vector<16xf32>
        %swap3A_98 = arith.index_cast %add3A_92 : i32 to index
        %swap3A_99 = arith.constant 0 : index
        %swap3A_100 = tpu.vector_load %arg13[%swap3A_98, %swap3A_99] {strides = array<i32>} : memref<400x16xf32, #tpu.memory_space<vmem>>, vector<16xf32>,
        tpu.vector_store %arg13[%swap3A_98, %swap3A_99], %mul3A_97 {strides = array<i32>} : memref<400x16xf32, #tpu.memory_space<vmem>>, vector<16xf32>,
        %slice3A_101 = vector.extract_strided_slice %get3A_75 {offsets = [2], sizes = [1], strides = [1]} : vector<16xf32> to vector<1xf32>
        %squeeze3A_102 = vector.extract %slice3A_101[0] : f32 from vector<1xf32>
        %mul3A_103 = arith.constant 16 : i32
        %mul3A_104 = arith.muli %scan3A_71, %mul3A_103 : i32
        %add3A_105 = arith.constant 2 : i32
        %add3A_106 = arith.addi %mul3A_104, %add3A_105 : i32
        %get3A_107 = arith.index_cast %add3A_106 : i32 to index
        %get3A_108 = arith.constant 0 : index
        %get3A_109 = tpu.vector_load %arg13[%get3A_107, %get3A_108] {strides = array<i32>} : memref<400x16xf32, #tpu.memory_space<vmem>>, vector<16xf32>,
        %mul3A_110 = vector.broadcast %squeeze3A_102 : f32 to vector<16xf32>
        %mul3A_111 = arith.mulf %get3A_109, %mul3A_110 : vector<16xf32>
        %swap3A_112 = arith.index_cast %add3A_106 : i32 to index
        %swap3A_113 = arith.constant 0 : index
        %swap3A_114 = tpu.vector_load %arg13[%swap3A_112, %swap3A_113] {strides = array<i32>} : memref<400x16xf32, #tpu.memory_space<vmem>>, vector<16xf32>,
        tpu.vector_store %arg13[%swap3A_112, %swap3A_113], %mul3A_111 {strides = array<i32>} : memref<400x16xf32, #tpu.memory_space<vmem>>, vector<16xf32>,
        %slice3A_115 = vector.extract_strided_slice %get3A_75 {offsets = [3], sizes = [1], strides = [1]} : vector<16xf32> to vector<1xf32>
        %squeeze3A_116 = vector.extract %slice3A_115[0] : f32 from vector<1xf32>
        %mul3A_117 = arith.constant 16 : i32
        %mul3A_118 = arith.muli %scan3A_71, %mul3A_117 : i32
        %add3A_119 = arith.constant 3 : i32
        %add3A_120 = arith.addi %mul3A_118, %add3A_119 : i32
        %get3A_121 = arith.index_cast %add3A_120 : i32 to index
        %get3A_122 = arith.constant 0 : index
        %get3A_123 = tpu.vector_load %arg13[%get3A_121, %get3A_122] {strides = array<i32>} : memref<400x16xf32, #tpu.memory_space<vmem>>, vector<16xf32>,
        %mul3A_124 = vector.broadcast %squeeze3A_116 : f32 to vector<16xf32>
        %mul3A_125 = arith.mulf %get3A_123, %mul3A_124 : vector<16xf32>
        %swap3A_126 = arith.index_cast %add3A_120 : i32 to index
        %swap3A_127 = arith.constant 0 : index
        %swap3A_128 = tpu.vector_load %arg13[%swap3A_126, %swap3A_127] {strides = array<i32>} : memref<400x16xf32, #tpu.memory_space<vmem>>, vector<16xf32>,
        tpu.vector_store %arg13[%swap3A_126, %swap3A_127], %mul3A_125 {strides = array<i32>} : memref<400x16xf32, #tpu.memory_space<vmem>>, vector<16xf32>,
        %slice3A_129 = vector.extract_strided_slice %get3A_75 {offsets = [4], sizes = [1], strides = [1]} : vector<16xf32> to vector<1xf32>
        %squeeze3A_130 = vector.extract %slice3A_129[0] : f32 from vector<1xf32>
        %mul3A_131 = arith.constant 16 : i32
        %mul3A_132 = arith.muli %scan3A_71, %mul3A_131 : i32
        %add3A_133 = arith.constant 4 : i32
        %add3A_134 = arith.addi %mul3A_132, %add3A_133 : i32
        %get3A_135 = arith.index_cast %add3A_134 : i32 to index
        %get3A_136 = arith.constant 0 : index
        %get3A_137 = tpu.vector_load %arg13[%get3A_135, %get3A_136] {strides = array<i32>} : memref<400x16xf32, #tpu.memory_space<vmem>>, vector<16xf32>,
        %mul3A_138 = vector.broadcast %squeeze3A_130 : f32 to vector<16xf32>
        %mul3A_139 = arith.mulf %get3A_137, %mul3A_138 : vector<16xf32>
        %swap3A_140 = arith.index_cast %add3A_134 : i32 to index
        %swap3A_141 = arith.constant 0 : index
        %swap3A_142 = tpu.vector_load %arg13[%swap3A_140, %swap3A_141] {strides = array<i32>} : memref<400x16xf32, #tpu.memory_space<vmem>>, vector<16xf32>,
        tpu.vector_store %arg13[%swap3A_140, %swap3A_141], %mul3A_139 {strides = array<i32>} : memref<400x16xf32, #tpu.memory_space<vmem>>, vector<16xf32>,
        %slice3A_143 = vector.extract_strided_slice %get3A_75 {offsets = [5], sizes = [1], strides = [1]} : vector<16xf32> to vector<1xf32>
        %squeeze3A_144 = vector.extract %slice3A_143[0] : f32 from vector<1xf32>
        %mul3A_145 = arith.constant 16 : i32
        %mul3A_146 = arith.muli %scan3A_71, %mul3A_145 : i32
        %add3A_147 = arith.constant 5 : i32
        %add3A_148 = arith.addi %mul3A_146, %add3A_147 : i32
        %get3A_149 = arith.index_cast %add3A_148 : i32 to index
        %get3A_150 = arith.constant 0 : index
        %get3A_151 = tpu.vector_load %arg13[%get3A_149, %get3A_150] {strides = array<i32>} : memref<400x16xf32, #tpu.memory_space<vmem>>, vector<16xf32>,
        %mul3A_152 = vector.broadcast %squeeze3A_144 : f32 to vector<16xf32>
        %mul3A_153 = arith.mulf %get3A_151, %mul3A_152 : vector<16xf32>
        %swap3A_154 = arith.index_cast %add3A_148 : i32 to index
        %swap3A_155 = arith.constant 0 : index
        %swap3A_156 = tpu.vector_load %arg13[%swap3A_154, %swap3A_155] {strides = array<i32>} : memref<400x16xf32, #tpu.memory_space<vmem>>, vector<16xf32>,
        tpu.vector_store %arg13[%swap3A_154, %swap3A_155], %mul3A_153 {strides = array<i32>} : memref<400x16xf32, #tpu.memory_space<vmem>>, vector<16xf32>,
        %slice3A_157 = vector.extract_strided_slice %get3A_75 {offsets = [6], sizes = [1], strides = [1]} : vector<16xf32> to vector<1xf32>
        %squeeze3A_158 = vector.extract %slice3A_157[0] : f32 from vector<1xf32>
        %mul3A_159 = arith.constant 16 : i32
        %mul3A_160 = arith.muli %scan3A_71, %mul3A_159 : i32
        %add3A_161 = arith.constant 6 : i32
        %add3A_162 = arith.addi %mul3A_160, %add3A_161 : i32
        %get3A_163 = arith.index_cast %add3A_162 : i32 to index
        %get3A_164 = arith.constant 0 : index
        %get3A_165 = tpu.vector_load %arg13[%get3A_163, %get3A_164] {strides = array<i32>} : memref<400x16xf32, #tpu.memory_space<vmem>>, vector<16xf32>,
        %mul3A_166 = vector.broadcast %squeeze3A_158 : f32 to vector<16xf32>
        %mul3A_167 = arith.mulf %get3A_165, %mul3A_166 : vector<16xf32>
        %swap3A_168 = arith.index_cast %add3A_162 : i32 to index
        %swap3A_169 = arith.constant 0 : index
        %swap3A_170 = tpu.vector_load %arg13[%swap3A_168, %swap3A_169] {strides = array<i32>} : memref<400x16xf32, #tpu.memory_space<vmem>>, vector<16xf32>,
        tpu.vector_store %arg13[%swap3A_168, %swap3A_169], %mul3A_167 {strides = array<i32>} : memref<400x16xf32, #tpu.memory_space<vmem>>, vector<16xf32>,
        %slice3A_171 = vector.extract_strided_slice %get3A_75 {offsets = [7], sizes = [1], strides = [1]} : vector<16xf32> to vector<1xf32>
        %squeeze3A_172 = vector.extract %slice3A_171[0] : f32 from vector<1xf32>
        %mul3A_173 = arith.constant 16 : i32
        %mul3A_174 = arith.muli %scan3A_71, %mul3A_173 : i32
        %add3A_175 = arith.constant 7 : i32
        %add3A_176 = arith.addi %mul3A_174, %add3A_175 : i32
        %get3A_177 = arith.index_cast %add3A_176 : i32 to index
        %get3A_178 = arith.constant 0 : index
        %get3A_179 = tpu.vector_load %arg13[%get3A_177, %get3A_178] {strides = array<i32>} : memref<400x16xf32, #tpu.memory_space<vmem>>, vector<16xf32>,
        %mul3A_180 = vector.broadcast %squeeze3A_172 : f32 to vector<16xf32>
        %mul3A_181 = arith.mulf %get3A_179, %mul3A_180 : vector<16xf32>
        %swap3A_182 = arith.index_cast %add3A_176 : i32 to index
        %swap3A_183 = arith.constant 0 : index
        %swap3A_184 = tpu.vector_load %arg13[%swap3A_182, %swap3A_183] {strides = array<i32>} : memref<400x16xf32, #tpu.memory_space<vmem>>, vector<16xf32>,
        tpu.vector_store %arg13[%swap3A_182, %swap3A_183], %mul3A_181 {strides = array<i32>} : memref<400x16xf32, #tpu.memory_space<vmem>>, vector<16xf32>,
        %slice3A_185 = vector.extract_strided_slice %get3A_75 {offsets = [8], sizes = [1], strides = [1]} : vector<16xf32> to vector<1xf32>
        %squeeze3A_186 = vector.extract %slice3A_185[0] : f32 from vector<1xf32>
        %mul3A_187 = arith.constant 16 : i32
        %mul3A_188 = arith.muli %scan3A_71, %mul3A_187 : i32
        %add3A_189 = arith.constant 8 : i32
        %add3A_190 = arith.addi %mul3A_188, %add3A_189 : i32
        %get3A_191 = arith.index_cast %add3A_190 : i32 to index
        %get3A_192 = arith.constant 0 : index
        %get3A_193 = tpu.vector_load %arg13[%get3A_191, %get3A_192] {strides = array<i32>} : memref<400x16xf32, #tpu.memory_space<vmem>>, vector<16xf32>,
        %mul3A_194 = vector.broadcast %squeeze3A_186 : f32 to vector<16xf32>
        %mul3A_195 = arith.mulf %get3A_193, %mul3A_194 : vector<16xf32>
        %swap3A_196 = arith.index_cast %add3A_190 : i32 to index
        %swap3A_197 = arith.constant 0 : index
        %swap3A_198 = tpu.vector_load %arg13[%swap3A_196, %swap3A_197] {strides = array<i32>} : memref<400x16xf32, #tpu.memory_space<vmem>>, vector<16xf32>,
        tpu.vector_store %arg13[%swap3A_196, %swap3A_197], %mul3A_195 {strides = array<i32>} : memref<400x16xf32, #tpu.memory_space<vmem>>, vector<16xf32>,
        %slice3A_199 = vector.extract_strided_slice %get3A_75 {offsets = [9], sizes = [1], strides = [1]} : vector<16xf32> to vector<1xf32>
        %squeeze3A_200 = vector.extract %slice3A_199[0] : f32 from vector<1xf32>
        %mul3A_201 = arith.constant 16 : i32
        %mul3A_202 = arith.muli %scan3A_71, %mul3A_201 : i32
        %add3A_203 = arith.constant 9 : i32
        %add3A_204 = arith.addi %mul3A_202, %add3A_203 : i32
        %get3A_205 = arith.index_cast %add3A_204 : i32 to index
        %get3A_206 = arith.constant 0 : index
        %get3A_207 = tpu.vector_load %arg13[%get3A_205, %get3A_206] {strides = array<i32>} : memref<400x16xf32, #tpu.memory_space<vmem>>, vector<16xf32>,
        %mul3A_208 = vector.broadcast %squeeze3A_200 : f32 to vector<16xf32>
        %mul3A_209 = arith.mulf %get3A_207, %mul3A_208 : vector<16xf32>
        %swap3A_210 = arith.index_cast %add3A_204 : i32 to index
        %swap3A_211 = arith.constant 0 : index
        %swap3A_212 = tpu.vector_load %arg13[%swap3A_210, %swap3A_211] {strides = array<i32>} : memref<400x16xf32, #tpu.memory_space<vmem>>, vector<16xf32>,
        tpu.vector_store %arg13[%swap3A_210, %swap3A_211], %mul3A_209 {strides = array<i32>} : memref<400x16xf32, #tpu.memory_space<vmem>>, vector<16xf32>,
        %slice3A_213 = vector.extract_strided_slice %get3A_75 {offsets = [10], sizes = [1], strides = [1]} : vector<16xf32> to vector<1xf32>
        %squeeze3A_214 = vector.extract %slice3A_213[0] : f32 from vector<1xf32>
        %mul3A_215 = arith.constant 16 : i32
        %mul3A_216 = arith.muli %scan3A_71, %mul3A_215 : i32
        %add3A_217 = arith.constant 10 : i32
        %add3A_218 = arith.addi %mul3A_216, %add3A_217 : i32
        %get3A_219 = arith.index_cast %add3A_218 : i32 to index
        %get3A_220 = arith.constant 0 : index
        %get3A_221 = tpu.vector_load %arg13[%get3A_219, %get3A_220] {strides = array<i32>} : memref<400x16xf32, #tpu.memory_space<vmem>>, vector<16xf32>,
        %mul3A_222 = vector.broadcast %squeeze3A_214 : f32 to vector<16xf32>
        %mul3A_223 = arith.mulf %get3A_221, %mul3A_222 : vector<16xf32>
        %swap3A_224 = arith.index_cast %add3A_218 : i32 to index
        %swap3A_225 = arith.constant 0 : index
        %swap3A_226 = tpu.vector_load %arg13[%swap3A_224, %swap3A_225] {strides = array<i32>} : memref<400x16xf32, #tpu.memory_space<vmem>>, vector<16xf32>,
        tpu.vector_store %arg13[%swap3A_224, %swap3A_225], %mul3A_223 {strides = array<i32>} : memref<400x16xf32, #tpu.memory_space<vmem>>, vector<16xf32>,
        %slice3A_227 = vector.extract_strided_slice %get3A_75 {offsets = [11], sizes = [1], strides = [1]} : vector<16xf32> to vector<1xf32>
        %squeeze3A_228 = vector.extract %slice3A_227[0] : f32 from vector<1xf32>
        %mul3A_229 = arith.constant 16 : i32
        %mul3A_230 = arith.muli %scan3A_71, %mul3A_229 : i32
        %add3A_231 = arith.constant 11 : i32
        %add3A_232 = arith.addi %mul3A_230, %add3A_231 : i32
        %get3A_233 = arith.index_cast %add3A_232 : i32 to index
        %get3A_234 = arith.constant 0 : index
        %get3A_235 = tpu.vector_load %arg13[%get3A_233, %get3A_234] {strides = array<i32>} : memref<400x16xf32, #tpu.memory_space<vmem>>, vector<16xf32>,
        %mul3A_236 = vector.broadcast %squeeze3A_228 : f32 to vector<16xf32>
        %mul3A_237 = arith.mulf %get3A_235, %mul3A_236 : vector<16xf32>
        %swap3A_238 = arith.index_cast %add3A_232 : i32 to index
        %swap3A_239 = arith.constant 0 : index
        %swap3A_240 = tpu.vector_load %arg13[%swap3A_238, %swap3A_239] {strides = array<i32>} : memref<400x16xf32, #tpu.memory_space<vmem>>, vector<16xf32>,
        tpu.vector_store %arg13[%swap3A_238, %swap3A_239], %mul3A_237 {strides = array<i32>} : memref<400x16xf32, #tpu.memory_space<vmem>>, vector<16xf32>,
        %slice3A_241 = vector.extract_strided_slice %get3A_75 {offsets = [12], sizes = [1], strides = [1]} : vector<16xf32> to vector<1xf32>
        %squeeze3A_242 = vector.extract %slice3A_241[0] : f32 from vector<1xf32>
        %mul3A_243 = arith.constant 16 : i32
        %mul3A_244 = arith.muli %scan3A_71, %mul3A_243 : i32
        %add3A_245 = arith.constant 12 : i32
        %add3A_246 = arith.addi %mul3A_244, %add3A_245 : i32
        %get3A_247 = arith.index_cast %add3A_246 : i32 to index
        %get3A_248 = arith.constant 0 : index
        %get3A_249 = tpu.vector_load %arg13[%get3A_247, %get3A_248] {strides = array<i32>} : memref<400x16xf32, #tpu.memory_space<vmem>>, vector<16xf32>,
        %mul3A_250 = vector.broadcast %squeeze3A_242 : f32 to vector<16xf32>
        %mul3A_251 = arith.mulf %get3A_249, %mul3A_250 : vector<16xf32>
        %swap3A_252 = arith.index_cast %add3A_246 : i32 to index
        %swap3A_253 = arith.constant 0 : index
        %swap3A_254 = tpu.vector_load %arg13[%swap3A_252, %swap3A_253] {strides = array<i32>} : memref<400x16xf32, #tpu.memory_space<vmem>>, vector<16xf32>,
        tpu.vector_store %arg13[%swap3A_252, %swap3A_253], %mul3A_251 {strides = array<i32>} : memref<400x16xf32, #tpu.memory_space<vmem>>, vector<16xf32>,
        %slice3A_255 = vector.extract_strided_slice %get3A_75 {offsets = [13], sizes = [1], strides = [1]} : vector<16xf32> to vector<1xf32>
        %squeeze3A_256 = vector.extract %slice3A_255[0] : f32 from vector<1xf32>
        %mul3A_257 = arith.constant 16 : i32
        %mul3A_258 = arith.muli %scan3A_71, %mul3A_257 : i32
        %add3A_259 = arith.constant 13 : i32
        %add3A_260 = arith.addi %mul3A_258, %add3A_259 : i32
        %get3A_261 = arith.index_cast %add3A_260 : i32 to index
        %get3A_262 = arith.constant 0 : index
        %get3A_263 = tpu.vector_load %arg13[%get3A_261, %get3A_262] {strides = array<i32>} : memref<400x16xf32, #tpu.memory_space<vmem>>, vector<16xf32>,
        %mul3A_264 = vector.broadcast %squeeze3A_256 : f32 to vector<16xf32>
        %mul3A_265 = arith.mulf %get3A_263, %mul3A_264 : vector<16xf32>
        %swap3A_266 = arith.index_cast %add3A_260 : i32 to index
        %swap3A_267 = arith.constant 0 : index
        %swap3A_268 = tpu.vector_load %arg13[%swap3A_266, %swap3A_267] {strides = array<i32>} : memref<400x16xf32, #tpu.memory_space<vmem>>, vector<16xf32>,
        tpu.vector_store %arg13[%swap3A_266, %swap3A_267], %mul3A_265 {strides = array<i32>} : memref<400x16xf32, #tpu.memory_space<vmem>>, vector<16xf32>,
        %slice3A_269 = vector.extract_strided_slice %get3A_75 {offsets = [14], sizes = [1], strides = [1]} : vector<16xf32> to vector<1xf32>
        %squeeze3A_270 = vector.extract %slice3A_269[0] : f32 from vector<1xf32>
        %mul3A_271 = arith.constant 16 : i32
        %mul3A_272 = arith.muli %scan3A_71, %mul3A_271 : i32
        %add3A_273 = arith.constant 14 : i32
        %add3A_274 = arith.addi %mul3A_272, %add3A_273 : i32
        %get3A_275 = arith.index_cast %add3A_274 : i32 to index
        %get3A_276 = arith.constant 0 : index
        %get3A_277 = tpu.vector_load %arg13[%get3A_275, %get3A_276] {strides = array<i32>} : memref<400x16xf32, #tpu.memory_space<vmem>>, vector<16xf32>,
        %mul3A_278 = vector.broadcast %squeeze3A_270 : f32 to vector<16xf32>
        %mul3A_279 = arith.mulf %get3A_277, %mul3A_278 : vector<16xf32>
        %swap3A_280 = arith.index_cast %add3A_274 : i32 to index
        %swap3A_281 = arith.constant 0 : index
        %swap3A_282 = tpu.vector_load %arg13[%swap3A_280, %swap3A_281] {strides = array<i32>} : memref<400x16xf32, #tpu.memory_space<vmem>>, vector<16xf32>,
        tpu.vector_store %arg13[%swap3A_280, %swap3A_281], %mul3A_279 {strides = array<i32>} : memref<400x16xf32, #tpu.memory_space<vmem>>, vector<16xf32>,
        %slice3A_283 = vector.extract_strided_slice %get3A_75 {offsets = [15], sizes = [1], strides = [1]} : vector<16xf32> to vector<1xf32>
        %squeeze3A_284 = vector.extract %slice3A_283[0] : f32 from vector<1xf32>
        %mul3A_285 = arith.constant 16 : i32
        %mul3A_286 = arith.muli %scan3A_71, %mul3A_285 : i32
        %add3A_287 = arith.constant 15 : i32
        %add3A_288 = arith.addi %mul3A_286, %add3A_287 : i32
        %get3A_289 = arith.index_cast %add3A_288 : i32 to index
        %get3A_290 = arith.constant 0 : index
        %get3A_291 = tpu.vector_load %arg13[%get3A_289, %get3A_290] {strides = array<i32>} : memref<400x16xf32, #tpu.memory_space<vmem>>, vector<16xf32>,
        %mul3A_292 = vector.broadcast %squeeze3A_284 : f32 to vector<16xf32>
        %mul3A_293 = arith.mulf %get3A_291, %mul3A_292 : vector<16xf32>
        %swap3A_294 = arith.index_cast %add3A_288 : i32 to index
        %swap3A_295 = arith.constant 0 : index
        %swap3A_296 = tpu.vector_load %arg13[%swap3A_294, %swap3A_295] {strides = array<i32>} : memref<400x16xf32, #tpu.memory_space<vmem>>, vector<16xf32>,
        tpu.vector_store %arg13[%swap3A_294, %swap3A_295], %mul3A_293 {strides = array<i32>} : memref<400x16xf32, #tpu.memory_space<vmem>>, vector<16xf32>,
        %scan3A_297 = arith.constant 0 : i32
        scf.yield %scan3A_297 : i32
      }
      %scan3A_69 = arith.constant 25 : i32
      "tpu.region"() ({
        %run_scoped3A = tpu.sem_alloc : memref<!tpu.dma_semaphore, #tpu.memory_space<semaphore_mem>>
        %dma_start3A_71 = arith.constant 0 : i32
        %dma_start3A_72 = arith.constant 0 : i32
        %dma_start3A_73 = tpu.memref_slice %arg18[%dma_start3A_71, %dma_start3A_72] : memref<10240x16xf32, #tpu.memory_space<vmem_shared>> -> memref<10240x16xf32, #tpu.memory_space<vmem_shared>>
        tpu.enqueue_indirect_dma source(%arg13 : memref<400x16xf32, #tpu.memory_space<vmem>>) target(%dma_start3A_73 : memref<10240x16xf32, #tpu.memory_space<vmem_shared>>) offsets(%arg16 : memref<400xi32, #tpu.memory_space<vmem>>) semaphore(%run_scoped3A : memref<!tpu.dma_semaphore, #tpu.memory_space<semaphore_mem>>) {add = true}
        %dma_wait3A_74 = arith.constant 0 : i32
        %dma_wait3A_75 = arith.constant 0 : i32
        %dma_wait3A_76 = tpu.memref_slice %arg18[%dma_wait3A_74, %dma_wait3A_75] : memref<10240x16xf32, #tpu.memory_space<vmem_shared>> -> memref<10240x16xf32, #tpu.memory_space<vmem_shared>>
        tpu.wait_indirect_dma semaphore(%run_scoped3A : memref<!tpu.dma_semaphore, #tpu.memory_space<semaphore_mem>>) src(%arg13 : memref<400x16xf32, #tpu.memory_space<vmem>>) dst(%dma_wait3A_76 : memref<10240x16xf32, #tpu.memory_space<vmem_shared>>)
        tpu.yield
      }) : () -> ()
      "tpu.region"() ({
        %run_scoped3A = tpu.sem_alloc : memref<!tpu.dma_semaphore, #tpu.memory_space<semaphore_mem>>
        %dma_start3A_71 = arith.constant 0 : i32
        %dma_start3A_72 = tpu.memref_slice %arg19[%dma_start3A_71] : memref<10240xf32, #tpu.memory_space<vmem_shared>> -> memref<10240xf32, #tpu.memory_space<vmem_shared>>
        tpu.enqueue_indirect_dma source(%arg14 : memref<400xf32, #tpu.memory_space<vmem>>) target(%dma_start3A_72 : memref<10240xf32, #tpu.memory_space<vmem_shared>>) offsets(%arg16 : memref<400xi32, #tpu.memory_space<vmem>>) semaphore(%run_scoped3A : memref<!tpu.dma_semaphore, #tpu.memory_space<semaphore_mem>>) {add = true}
        %dma_wait3A_73 = arith.constant 0 : i32
        %dma_wait3A_74 = tpu.memref_slice %arg19[%dma_wait3A_73] : memref<10240xf32, #tpu.memory_space<vmem_shared>> -> memref<10240xf32, #tpu.memory_space<vmem_shared>>
        tpu.wait_indirect_dma semaphore(%run_scoped3A : memref<!tpu.dma_semaphore, #tpu.memory_space<semaphore_mem>>) src(%arg14 : memref<400xf32, #tpu.memory_space<vmem>>) dst(%dma_wait3A_74 : memref<10240xf32, #tpu.memory_space<vmem_shared>>)
        tpu.yield
      }) : () -> ()
      %scan3A_70 = arith.constant 0 : i32
      scf.yield %scan3A_70 : i32
    }
    %scan3A_31 = arith.constant 25 : i32
    %barrier3A_32 = arith.constant 0 : index
    tpu.barrier barrier_id(%barrier3A_32)
    %add3A_33 = arith.constant 0 : i32
    %add3A_34 = arith.addi %mul3A_2, %add3A_33 : i32
    "tpu.region"() ({
      %run_scoped3A = tpu.sem_alloc : memref<!tpu.dma_semaphore, #tpu.memory_space<semaphore_mem>>
      %dma_start3A = arith.constant 0 : i32
      %dma_start3A_41 = arith.constant 0 : i32
      %dma_start3A_42 = tpu.memref_slice %arg13[%dma_start3A, %dma_start3A_41] : memref<400x16xf32, #tpu.memory_space<vmem>> -> memref<320x16xf32, #tpu.memory_space<vmem>>
      %dma_start3A_43 = arith.constant 0 : i32
      %dma_start3A_44 = tpu.memref_slice %arg18[%add3A_34, %dma_start3A_43] : memref<10240x16xf32, #tpu.memory_space<vmem_shared>> -> memref<320x16xf32, #tpu.memory_space<vmem_shared>>
      %dma_start3A_45 = arith.constant 0 : i32
      %dma_start3A_46 = arith.constant 0 : i32
      %dma_start3A_47 = tpu.memref_slice %arg13[%dma_start3A_45, %dma_start3A_46] : memref<400x16xf32, #tpu.memory_space<vmem>> -> memref<320x16xf32, #tpu.memory_space<vmem>>
      %dma_start3A_48 = arith.constant 0 : i32
      %dma_start3A_49 = tpu.memref_slice %arg18[%add3A_34, %dma_start3A_48] : memref<10240x16xf32, #tpu.memory_space<vmem_shared>> -> memref<320x16xf32, #tpu.memory_space<vmem_shared>>
      tpu.enqueue_dma source(%dma_start3A_49 : memref<320x16xf32, #tpu.memory_space<vmem_shared>>) target(%dma_start3A_47 : memref<320x16xf32, #tpu.memory_space<vmem>>) target_semaphore(%run_scoped3A : memref<!tpu.dma_semaphore, #tpu.memory_space<semaphore_mem>>)
      %dma_wait3A = arith.constant 0 : i32
      %dma_wait3A_50 = arith.constant 0 : i32
      %dma_wait3A_51 = tpu.memref_slice %arg13[%dma_wait3A, %dma_wait3A_50] : memref<400x16xf32, #tpu.memory_space<vmem>> -> memref<320x16xf32, #tpu.memory_space<vmem>>
      %dma_wait3A_52 = arith.constant 0 : i32
      %dma_wait3A_53 = tpu.memref_slice %arg18[%add3A_34, %dma_wait3A_52] : memref<10240x16xf32, #tpu.memory_space<vmem_shared>> -> memref<320x16xf32, #tpu.memory_space<vmem_shared>>
      %dma_wait3A_54 = arith.constant 0 : i32
      %dma_wait3A_55 = arith.constant 0 : i32
      %dma_wait3A_56 = tpu.memref_slice %arg13[%dma_wait3A_54, %dma_wait3A_55] : memref<400x16xf32, #tpu.memory_space<vmem>> -> memref<320x16xf32, #tpu.memory_space<vmem>>
      %dma_wait3A_57 = arith.constant 0 : i32
      %dma_wait3A_58 = tpu.memref_slice %arg18[%add3A_34, %dma_wait3A_57] : memref<10240x16xf32, #tpu.memory_space<vmem_shared>> -> memref<320x16xf32, #tpu.memory_space<vmem_shared>>
      tpu.wait_dma2 semaphore(%run_scoped3A : memref<!tpu.dma_semaphore, #tpu.memory_space<semaphore_mem>>) src(%dma_wait3A_58 : memref<320x16xf32, #tpu.memory_space<vmem_shared>>) dst(%dma_wait3A_56 : memref<320x16xf32, #tpu.memory_space<vmem>>)
      tpu.yield
    }) : () -> ()
    %add3A_35 = arith.constant 0 : i32
    %add3A_36 = arith.addi %mul3A_2, %add3A_35 : i32
    "tpu.region"() ({
      %run_scoped3A = tpu.sem_alloc : memref<!tpu.dma_semaphore, #tpu.memory_space<semaphore_mem>>
      %dma_start3A = arith.constant 0 : i32
      %dma_start3A_41 = arith.constant 0 : i32
      %dma_start3A_42 = tpu.memref_slice %arg13[%dma_start3A, %dma_start3A_41] : memref<400x16xf32, #tpu.memory_space<vmem>> -> memref<320x16xf32, #tpu.memory_space<vmem>>
      %dma_start3A_43 = arith.constant 0 : i32
      %dma_start3A_44 = tpu.memref_slice %arg7[%arg0, %add3A_36, %dma_start3A_43] : memref<2x10240x16xf32, #tpu.memory_space<hbm>> -> memref<1x320x16xf32, #tpu.memory_space<hbm>>
      %dma_start3A_45 = tpu.memref_squeeze %dma_start3A_44 : memref<1x320x16xf32, #tpu.memory_space<hbm>> -> memref<320x16xf32, #tpu.memory_space<hbm>>
      %dma_start3A_46 = arith.constant 0 : i32
      %dma_start3A_47 = tpu.memref_slice %arg7[%arg0, %add3A_36, %dma_start3A_46] : memref<2x10240x16xf32, #tpu.memory_space<hbm>> -> memref<1x320x16xf32, #tpu.memory_space<hbm>>
      %dma_start3A_48 = tpu.memref_squeeze %dma_start3A_47 : memref<1x320x16xf32, #tpu.memory_space<hbm>> -> memref<320x16xf32, #tpu.memory_space<hbm>>
      %dma_start3A_49 = arith.constant 0 : i32
      %dma_start3A_50 = arith.constant 0 : i32
      %dma_start3A_51 = tpu.memref_slice %arg13[%dma_start3A_49, %dma_start3A_50] : memref<400x16xf32, #tpu.memory_space<vmem>> -> memref<320x16xf32, #tpu.memory_space<vmem>>
      tpu.enqueue_dma source(%dma_start3A_51 : memref<320x16xf32, #tpu.memory_space<vmem>>) target(%dma_start3A_48 : memref<320x16xf32, #tpu.memory_space<hbm>>) target_semaphore(%run_scoped3A : memref<!tpu.dma_semaphore, #tpu.memory_space<semaphore_mem>>)
      %dma_wait3A = arith.constant 0 : i32
      %dma_wait3A_52 = arith.constant 0 : i32
      %dma_wait3A_53 = tpu.memref_slice %arg13[%dma_wait3A, %dma_wait3A_52] : memref<400x16xf32, #tpu.memory_space<vmem>> -> memref<320x16xf32, #tpu.memory_space<vmem>>
      %dma_wait3A_54 = arith.constant 0 : i32
      %dma_wait3A_55 = tpu.memref_slice %arg7[%arg0, %add3A_36, %dma_wait3A_54] : memref<2x10240x16xf32, #tpu.memory_space<hbm>> -> memref<1x320x16xf32, #tpu.memory_space<hbm>>
      %dma_wait3A_56 = tpu.memref_squeeze %dma_wait3A_55 : memref<1x320x16xf32, #tpu.memory_space<hbm>> -> memref<320x16xf32, #tpu.memory_space<hbm>>
      %dma_wait3A_57 = arith.constant 0 : i32
      %dma_wait3A_58 = tpu.memref_slice %arg7[%arg0, %add3A_36, %dma_wait3A_57] : memref<2x10240x16xf32, #tpu.memory_space<hbm>> -> memref<1x320x16xf32, #tpu.memory_space<hbm>>
      %dma_wait3A_59 = tpu.memref_squeeze %dma_wait3A_58 : memref<1x320x16xf32, #tpu.memory_space<hbm>> -> memref<320x16xf32, #tpu.memory_space<hbm>>
      %dma_wait3A_60 = arith.constant 0 : i32
      %dma_wait3A_61 = arith.constant 0 : i32
      %dma_wait3A_62 = tpu.memref_slice %arg13[%dma_wait3A_60, %dma_wait3A_61] : memref<400x16xf32, #tpu.memory_space<vmem>> -> memref<320x16xf32, #tpu.memory_space<vmem>>
      tpu.wait_dma2 semaphore(%run_scoped3A : memref<!tpu.dma_semaphore, #tpu.memory_space<semaphore_mem>>) src(%dma_wait3A_62 : memref<320x16xf32, #tpu.memory_space<vmem>>) dst(%dma_wait3A_59 : memref<320x16xf32, #tpu.memory_space<hbm>>)
      tpu.yield
    }) : () -> ()
    %add3A_37 = arith.constant 320 : i32
    %add3A_38 = arith.addi %mul3A_2, %add3A_37 : i32
    "tpu.region"() ({
      %run_scoped3A = tpu.sem_alloc : memref<!tpu.dma_semaphore, #tpu.memory_space<semaphore_mem>>
      %dma_start3A = arith.constant 0 : i32
      %dma_start3A_41 = arith.constant 0 : i32
      %dma_start3A_42 = tpu.memref_slice %arg13[%dma_start3A, %dma_start3A_41] : memref<400x16xf32, #tpu.memory_space<vmem>> -> memref<320x16xf32, #tpu.memory_space<vmem>>
      %dma_start3A_43 = arith.constant 0 : i32
      %dma_start3A_44 = tpu.memref_slice %arg18[%add3A_38, %dma_start3A_43] : memref<10240x16xf32, #tpu.memory_space<vmem_shared>> -> memref<320x16xf32, #tpu.memory_space<vmem_shared>>
      %dma_start3A_45 = arith.constant 0 : i32
      %dma_start3A_46 = arith.constant 0 : i32
      %dma_start3A_47 = tpu.memref_slice %arg13[%dma_start3A_45, %dma_start3A_46] : memref<400x16xf32, #tpu.memory_space<vmem>> -> memref<320x16xf32, #tpu.memory_space<vmem>>
      %dma_start3A_48 = arith.constant 0 : i32
      %dma_start3A_49 = tpu.memref_slice %arg18[%add3A_38, %dma_start3A_48] : memref<10240x16xf32, #tpu.memory_space<vmem_shared>> -> memref<320x16xf32, #tpu.memory_space<vmem_shared>>
      tpu.enqueue_dma source(%dma_start3A_49 : memref<320x16xf32, #tpu.memory_space<vmem_shared>>) target(%dma_start3A_47 : memref<320x16xf32, #tpu.memory_space<vmem>>) target_semaphore(%run_scoped3A : memref<!tpu.dma_semaphore, #tpu.memory_space<semaphore_mem>>)
      %dma_wait3A = arith.constant 0 : i32
      %dma_wait3A_50 = arith.constant 0 : i32
      %dma_wait3A_51 = tpu.memref_slice %arg13[%dma_wait3A, %dma_wait3A_50] : memref<400x16xf32, #tpu.memory_space<vmem>> -> memref<320x16xf32, #tpu.memory_space<vmem>>
      %dma_wait3A_52 = arith.constant 0 : i32
      %dma_wait3A_53 = tpu.memref_slice %arg18[%add3A_38, %dma_wait3A_52] : memref<10240x16xf32, #tpu.memory_space<vmem_shared>> -> memref<320x16xf32, #tpu.memory_space<vmem_shared>>
      %dma_wait3A_54 = arith.constant 0 : i32
      %dma_wait3A_55 = arith.constant 0 : i32
      %dma_wait3A_56 = tpu.memref_slice %arg13[%dma_wait3A_54, %dma_wait3A_55] : memref<400x16xf32, #tpu.memory_space<vmem>> -> memref<320x16xf32, #tpu.memory_space<vmem>>
      %dma_wait3A_57 = arith.constant 0 : i32
      %dma_wait3A_58 = tpu.memref_slice %arg18[%add3A_38, %dma_wait3A_57] : memref<10240x16xf32, #tpu.memory_space<vmem_shared>> -> memref<320x16xf32, #tpu.memory_space<vmem_shared>>
      tpu.wait_dma2 semaphore(%run_scoped3A : memref<!tpu.dma_semaphore, #tpu.memory_space<semaphore_mem>>) src(%dma_wait3A_58 : memref<320x16xf32, #tpu.memory_space<vmem_shared>>) dst(%dma_wait3A_56 : memref<320x16xf32, #tpu.memory_space<vmem>>)
      tpu.yield
    }) : () -> ()
    %add3A_39 = arith.constant 320 : i32
    %add3A_40 = arith.addi %mul3A_2, %add3A_39 : i32
    "tpu.region"() ({
      %run_scoped3A = tpu.sem_alloc : memref<!tpu.dma_semaphore, #tpu.memory_space<semaphore_mem>>
      %dma_start3A = arith.constant 0 : i32
      %dma_start3A_41 = arith.constant 0 : i32
      %dma_start3A_42 = tpu.memref_slice %arg13[%dma_start3A, %dma_start3A_41] : memref<400x16xf32, #tpu.memory_space<vmem>> -> memref<320x16xf32, #tpu.memory_space<vmem>>
      %dma_start3A_43 = arith.constant 0 : i32
      %dma_start3A_44 = tpu.memref_slice %arg7[%arg0, %add3A_40, %dma_start3A_43] : memref<2x10240x16xf32, #tpu.memory_space<hbm>> -> memref<1x320x16xf32, #tpu.memory_space<hbm>>
      %dma_start3A_45 = tpu.memref_squeeze %dma_start3A_44 : memref<1x320x16xf32, #tpu.memory_space<hbm>> -> memref<320x16xf32, #tpu.memory_space<hbm>>
      %dma_start3A_46 = arith.constant 0 : i32
      %dma_start3A_47 = tpu.memref_slice %arg7[%arg0, %add3A_40, %dma_start3A_46] : memref<2x10240x16xf32, #tpu.memory_space<hbm>> -> memref<1x320x16xf32, #tpu.memory_space<hbm>>
      %dma_start3A_48 = tpu.memref_squeeze %dma_start3A_47 : memref<1x320x16xf32, #tpu.memory_space<hbm>> -> memref<320x16xf32, #tpu.memory_space<hbm>>
      %dma_start3A_49 = arith.constant 0 : i32
      %dma_start3A_50 = arith.constant 0 : i32
      %dma_start3A_51 = tpu.memref_slice %arg13[%dma_start3A_49, %dma_start3A_50] : memref<400x16xf32, #tpu.memory_space<vmem>> -> memref<320x16xf32, #tpu.memory_space<vmem>>
      tpu.enqueue_dma source(%dma_start3A_51 : memref<320x16xf32, #tpu.memory_space<vmem>>) target(%dma_start3A_48 : memref<320x16xf32, #tpu.memory_space<hbm>>) target_semaphore(%run_scoped3A : memref<!tpu.dma_semaphore, #tpu.memory_space<semaphore_mem>>)
      %dma_wait3A = arith.constant 0 : i32
      %dma_wait3A_52 = arith.constant 0 : i32
      %dma_wait3A_53 = tpu.memref_slice %arg13[%dma_wait3A, %dma_wait3A_52] : memref<400x16xf32, #tpu.memory_space<vmem>> -> memref<320x16xf32, #tpu.memory_space<vmem>>
      %dma_wait3A_54 = arith.constant 0 : i32
      %dma_wait3A_55 = tpu.memref_slice %arg7[%arg0, %add3A_40, %dma_wait3A_54] : memref<2x10240x16xf32, #tpu.memory_space<hbm>> -> memref<1x320x16xf32, #tpu.memory_space<hbm>>
      %dma_wait3A_56 = tpu.memref_squeeze %dma_wait3A_55 : memref<1x320x16xf32, #tpu.memory_space<hbm>> -> memref<320x16xf32, #tpu.memory_space<hbm>>
      %dma_wait3A_57 = arith.constant 0 : i32
      %dma_wait3A_58 = tpu.memref_slice %arg7[%arg0, %add3A_40, %dma_wait3A_57] : memref<2x10240x16xf32, #tpu.memory_space<hbm>> -> memref<1x320x16xf32, #tpu.memory_space<hbm>>
      %dma_wait3A_59 = tpu.memref_squeeze %dma_wait3A_58 : memref<1x320x16xf32, #tpu.memory_space<hbm>> -> memref<320x16xf32, #tpu.memory_space<hbm>>
      %dma_wait3A_60 = arith.constant 0 : i32
      %dma_wait3A_61 = arith.constant 0 : i32
      %dma_wait3A_62 = tpu.memref_slice %arg13[%dma_wait3A_60, %dma_wait3A_61] : memref<400x16xf32, #tpu.memory_space<vmem>> -> memref<320x16xf32, #tpu.memory_space<vmem>>
      tpu.wait_dma2 semaphore(%run_scoped3A : memref<!tpu.dma_semaphore, #tpu.memory_space<semaphore_mem>>) src(%dma_wait3A_62 : memref<320x16xf32, #tpu.memory_space<vmem>>) dst(%dma_wait3A_59 : memref<320x16xf32, #tpu.memory_space<hbm>>)
      tpu.yield
    }) : () -> ()
    "tpu.region"() ({
      %run_scoped3A = tpu.sem_alloc : memref<!tpu.dma_semaphore, #tpu.memory_space<semaphore_mem>>
      %dma_start3A = tpu.memref_slice %arg19[%mul3A_2] : memref<10240xf32, #tpu.memory_space<vmem_shared>> -> memref<640xf32, #tpu.memory_space<vmem_shared>>
      %dma_start3A_41 = tpu.memref_slice %arg19[%mul3A_2] : memref<10240xf32, #tpu.memory_space<vmem_shared>> -> memref<640xf32, #tpu.memory_space<vmem_shared>>
      tpu.enqueue_dma source(%dma_start3A_41 : memref<640xf32, #tpu.memory_space<vmem_shared>>) target(%arg17 : memref<640xf32, #tpu.memory_space<vmem>>) target_semaphore(%run_scoped3A : memref<!tpu.dma_semaphore, #tpu.memory_space<semaphore_mem>>)
      %dma_wait3A = tpu.memref_slice %arg19[%mul3A_2] : memref<10240xf32, #tpu.memory_space<vmem_shared>> -> memref<640xf32, #tpu.memory_space<vmem_shared>>
      %dma_wait3A_42 = tpu.memref_slice %arg19[%mul3A_2] : memref<10240xf32, #tpu.memory_space<vmem_shared>> -> memref<640xf32, #tpu.memory_space<vmem_shared>>
      tpu.wait_dma2 semaphore(%run_scoped3A : memref<!tpu.dma_semaphore, #tpu.memory_space<semaphore_mem>>) src(%dma_wait3A_42 : memref<640xf32, #tpu.memory_space<vmem_shared>>) dst(%arg17 : memref<640xf32, #tpu.memory_space<vmem>>)
      tpu.yield
    }) : () -> ()
    "tpu.region"() ({
      %run_scoped3A = tpu.sem_alloc : memref<!tpu.dma_semaphore, #tpu.memory_space<semaphore_mem>>
      %dma_start3A = tpu.memref_slice %arg8[%arg0, %mul3A_2] : memref<2x10240xf32, #tpu.memory_space<hbm>> -> memref<1x640xf32, #tpu.memory_space<hbm>>
      %dma_start3A_41 = tpu.memref_squeeze %dma_start3A : memref<1x640xf32, #tpu.memory_space<hbm>> -> memref<640xf32, #tpu.memory_space<hbm>>
      %dma_start3A_42 = tpu.memref_slice %arg8[%arg0, %mul3A_2] : memref<2x10240xf32, #tpu.memory_space<hbm>> -> memref<1x640xf32, #tpu.memory_space<hbm>>
      %dma_start3A_43 = tpu.memref_squeeze %dma_start3A_42 : memref<1x640xf32, #tpu.memory_space<hbm>> -> memref<640xf32, #tpu.memory_space<hbm>>
      tpu.enqueue_dma source(%arg17 : memref<640xf32, #tpu.memory_space<vmem>>) target(%dma_start3A_43 : memref<640xf32, #tpu.memory_space<hbm>>) target_semaphore(%run_scoped3A : memref<!tpu.dma_semaphore, #tpu.memory_space<semaphore_mem>>)
      %dma_wait3A = tpu.memref_slice %arg8[%arg0, %mul3A_2] : memref<2x10240xf32, #tpu.memory_space<hbm>> -> memref<1x640xf32, #tpu.memory_space<hbm>>
      %dma_wait3A_44 = tpu.memref_squeeze %dma_wait3A : memref<1x640xf32, #tpu.memory_space<hbm>> -> memref<640xf32, #tpu.memory_space<hbm>>
      %dma_wait3A_45 = tpu.memref_slice %arg8[%arg0, %mul3A_2] : memref<2x10240xf32, #tpu.memory_space<hbm>> -> memref<1x640xf32, #tpu.memory_space<hbm>>
      %dma_wait3A_46 = tpu.memref_squeeze %dma_wait3A_45 : memref<1x640xf32, #tpu.memory_space<hbm>> -> memref<640xf32, #tpu.memory_space<hbm>>
      tpu.wait_dma2 semaphore(%run_scoped3A : memref<!tpu.dma_semaphore, #tpu.memory_space<semaphore_mem>>) src(%arg17 : memref<640xf32, #tpu.memory_space<vmem>>) dst(%dma_wait3A_46 : memref<640xf32, #tpu.memory_space<hbm>>)
      tpu.yield
    }) : () -> ()
    return
  }
}

#map = affine_map<(d0, d1) -> (0, 0)>
#map1 = affine_map<(d0, d1) -> (0)>
#map2 = affine_map<(d0, d1) -> (0, 0, 0)>
module attributes {stable_mosaic.version = 14 : i64} {
  func.func @edge_kernel(%arg0: i32, %arg1: i32, %arg2: memref<10000x16xf32, #tpu.memory_space<hbm>>, %arg3: memref<10000xf32, #tpu.memory_space<hbm>>, %arg4: memref<10000xf32, #tpu.memory_space<hbm>>, %arg5: memref<320000xi32, #tpu.memory_space<hbm>>, %arg6: memref<320000xi32, #tpu.memory_space<hbm>>, %arg7: memref<2x10240x16xf32, #tpu.memory_space<hbm>>, %arg8: memref<2x10240xf32, #tpu.memory_space<hbm>>, %arg9: memref<10000xi32, #tpu.memory_space<vmem>>, %arg10: memref<10000xi32, #tpu.memory_space<vmem>>, %arg11: memref<10000xf32, #tpu.memory_space<vmem>>, %arg12: memref<10000xf32, #tpu.memory_space<vmem>>, %arg13: memref<400x16xf32, #tpu.memory_space<vmem>>, %arg14: memref<400xf32, #tpu.memory_space<vmem>>, %arg15: memref<400xi32, #tpu.memory_space<vmem>>, %arg16: memref<400xi32, #tpu.memory_space<vmem>>, %arg17: memref<640xf32, #tpu.memory_space<vmem>>, %arg18: memref<10240x16xf32, #tpu.memory_space<vmem_shared>>, %arg19: memref<10240xf32, #tpu.memory_space<vmem_shared>>, %arg20: memref<!tpu.dma_semaphore, #tpu.memory_space<semaphore_mem>>) attributes {dimension_semantics = [#tpu.dimension_semantics<core_parallel>, #tpu.dimension_semantics<subcore_parallel>], iteration_bounds = array<i64: 2, 16>, scalar_prefetch = 0 : i64, scratch_operands = 12 : i64, tpu.core_type = #tpu.core_type<sc_vector_subcore>, window_params = [{transform_indices = #map}, {transform_indices = #map1}, {transform_indices = #map1}, {transform_indices = #map1}, {transform_indices = #map1}, {transform_indices = #map2}, {transform_indices = #map}]} {
    %mul3A = arith.constant 2 : i32
    %mul3A_0 = arith.muli %arg1, %mul3A : i32
    %add3A = arith.addi %mul3A_0, %arg0 : i32
    %mul3A_1 = arith.constant 640 : i32
    %mul3A_2 = arith.muli %arg1, %mul3A_1 : i32
    %mul3A_3 = arith.constant 10000 : i32
    %mul3A_4 = arith.muli %add3A, %mul3A_3 : i32
    "tpu.region"() ({
      %run_scoped3A = tpu.sem_alloc : memref<!tpu.dma_semaphore, #tpu.memory_space<semaphore_mem>>
      %dma_start3A = tpu.memref_slice %arg5[%mul3A_4] : memref<320000xi32, #tpu.memory_space<hbm>> -> memref<10000xi32, #tpu.memory_space<hbm>>
      %dma_start3A_41 = tpu.memref_slice %arg5[%mul3A_4] : memref<320000xi32, #tpu.memory_space<hbm>> -> memref<10000xi32, #tpu.memory_space<hbm>>
      tpu.enqueue_dma source(%dma_start3A_41 : memref<10000xi32, #tpu.memory_space<hbm>>) target(%arg9 : memref<10000xi32, #tpu.memory_space<vmem>>) target_semaphore(%run_scoped3A : memref<!tpu.dma_semaphore, #tpu.memory_space<semaphore_mem>>)
      %dma_wait3A = tpu.memref_slice %arg5[%mul3A_4] : memref<320000xi32, #tpu.memory_space<hbm>> -> memref<10000xi32, #tpu.memory_space<hbm>>
      %dma_wait3A_42 = tpu.memref_slice %arg5[%mul3A_4] : memref<320000xi32, #tpu.memory_space<hbm>> -> memref<10000xi32, #tpu.memory_space<hbm>>
      tpu.wait_dma2 semaphore(%run_scoped3A : memref<!tpu.dma_semaphore, #tpu.memory_space<semaphore_mem>>) src(%dma_wait3A_42 : memref<10000xi32, #tpu.memory_space<hbm>>) dst(%arg9 : memref<10000xi32, #tpu.memory_space<vmem>>)
      tpu.yield
    }) : () -> ()
    %mul3A_5 = arith.constant 10000 : i32
    %mul3A_6 = arith.muli %add3A, %mul3A_5 : i32
    "tpu.region"() ({
      %run_scoped3A = tpu.sem_alloc : memref<!tpu.dma_semaphore, #tpu.memory_space<semaphore_mem>>
      %dma_start3A = tpu.memref_slice %arg6[%mul3A_6] : memref<320000xi32, #tpu.memory_space<hbm>> -> memref<10000xi32, #tpu.memory_space<hbm>>
      %dma_start3A_41 = tpu.memref_slice %arg6[%mul3A_6] : memref<320000xi32, #tpu.memory_space<hbm>> -> memref<10000xi32, #tpu.memory_space<hbm>>
      tpu.enqueue_dma source(%dma_start3A_41 : memref<10000xi32, #tpu.memory_space<hbm>>) target(%arg10 : memref<10000xi32, #tpu.memory_space<vmem>>) target_semaphore(%run_scoped3A : memref<!tpu.dma_semaphore, #tpu.memory_space<semaphore_mem>>)
      %dma_wait3A = tpu.memref_slice %arg6[%mul3A_6] : memref<320000xi32, #tpu.memory_space<hbm>> -> memref<10000xi32, #tpu.memory_space<hbm>>
      %dma_wait3A_42 = tpu.memref_slice %arg6[%mul3A_6] : memref<320000xi32, #tpu.memory_space<hbm>> -> memref<10000xi32, #tpu.memory_space<hbm>>
      tpu.wait_dma2 semaphore(%run_scoped3A : memref<!tpu.dma_semaphore, #tpu.memory_space<semaphore_mem>>) src(%dma_wait3A_42 : memref<10000xi32, #tpu.memory_space<hbm>>) dst(%arg10 : memref<10000xi32, #tpu.memory_space<vmem>>)
      tpu.yield
    }) : () -> ()
    "tpu.region"() ({
      %run_scoped3A = tpu.sem_alloc : memref<!tpu.dma_semaphore, #tpu.memory_space<semaphore_mem>>
      tpu.enqueue_dma source(%arg3 : memref<10000xf32, #tpu.memory_space<hbm>>) target(%arg11 : memref<10000xf32, #tpu.memory_space<vmem>>) target_semaphore(%run_scoped3A : memref<!tpu.dma_semaphore, #tpu.memory_space<semaphore_mem>>)
      tpu.wait_dma2 semaphore(%run_scoped3A : memref<!tpu.dma_semaphore, #tpu.memory_space<semaphore_mem>>) src(%arg3 : memref<10000xf32, #tpu.memory_space<hbm>>) dst(%arg11 : memref<10000xf32, #tpu.memory_space<vmem>>)
      tpu.yield
    }) : () -> ()
    "tpu.region"() ({
      %run_scoped3A = tpu.sem_alloc : memref<!tpu.dma_semaphore, #tpu.memory_space<semaphore_mem>>
      tpu.enqueue_dma source(%arg4 : memref<10000xf32, #tpu.memory_space<hbm>>) target(%arg12 : memref<10000xf32, #tpu.memory_space<vmem>>) target_semaphore(%run_scoped3A : memref<!tpu.dma_semaphore, #tpu.memory_space<semaphore_mem>>)
      tpu.wait_dma2 semaphore(%run_scoped3A : memref<!tpu.dma_semaphore, #tpu.memory_space<semaphore_mem>>) src(%arg4 : memref<10000xf32, #tpu.memory_space<hbm>>) dst(%arg12 : memref<10000xf32, #tpu.memory_space<vmem>>)
      tpu.yield
    }) : () -> ()
    %broadcast_in_dim3A = arith.constant 0.000000e+00 : f32
    %broadcast_in_dim3A_7 = vector.broadcast %broadcast_in_dim3A : f32 to vector<16xf32>
    %scan3A = arith.constant 0 : i32
    %scan3A_8 = arith.constant 0 : i32
    %scan3A_9 = arith.constant 400 : i32
    %scan3A_10 = arith.addi %scan3A_8, %scan3A_9 : i32
    %scan3A_11 = arith.constant 1 : i32
    %scan3A_12 = scf.for %scan3A_41 = %scan3A_8 to %scan3A_10 step %scan3A_11 iter_args(%scan3A_42 = %scan3A) -> (i32)  : i32 {
      %swap3A = arith.index_cast %scan3A_41 : i32 to index
      %swap3A_43 = arith.constant 0 : index
      %swap3A_44 = tpu.vector_load %arg13[%swap3A, %swap3A_43] {strides = array<i32>} : memref<400x16xf32, #tpu.memory_space<vmem>>, vector<16xf32>,
      tpu.vector_store %arg13[%swap3A, %swap3A_43], %broadcast_in_dim3A_7 {strides = array<i32>} : memref<400x16xf32, #tpu.memory_space<vmem>>, vector<16xf32>,
      %scan3A_45 = arith.constant 0 : i32
      scf.yield %scan3A_45 : i32
    }
    %scan3A_13 = arith.constant 400 : i32
    %scan3A_14 = arith.constant 0 : i32
    %scan3A_15 = arith.constant 0 : i32
    %scan3A_16 = arith.constant 25 : i32
    %scan3A_17 = arith.addi %scan3A_15, %scan3A_16 : i32
    %scan3A_18 = arith.constant 1 : i32
    %scan3A_19 = scf.for %scan3A_41 = %scan3A_15 to %scan3A_17 step %scan3A_18 iter_args(%scan3A_42 = %scan3A_14) -> (i32)  : i32 {
      %mul3A_43 = arith.constant 16 : i32
      %mul3A_44 = arith.muli %scan3A_41, %mul3A_43 : i32
      %swap3A = arith.index_cast %mul3A_44 : i32 to index
      %swap3A_45 = tpu.vector_load %arg14[%swap3A] {strides = array<i32>} : memref<400xf32, #tpu.memory_space<vmem>>, vector<16xf32>,
      tpu.vector_store %arg14[%swap3A], %broadcast_in_dim3A_7 {strides = array<i32>} : memref<400xf32, #tpu.memory_space<vmem>>, vector<16xf32>,
      %scan3A_46 = arith.constant 0 : i32
      scf.yield %scan3A_46 : i32
    }
    %scan3A_20 = arith.constant 25 : i32
    "tpu.region"() ({
      %run_scoped3A = tpu.sem_alloc : memref<!tpu.dma_semaphore, #tpu.memory_space<semaphore_mem>>
      %dma_start3A = arith.constant 0 : i32
      %dma_start3A_41 = tpu.memref_slice %arg18[%mul3A_2, %dma_start3A] : memref<10240x16xf32, #tpu.memory_space<vmem_shared>> -> memref<400x16xf32, #tpu.memory_space<vmem_shared>>
      %dma_start3A_42 = arith.constant 0 : i32
      %dma_start3A_43 = tpu.memref_slice %arg18[%mul3A_2, %dma_start3A_42] : memref<10240x16xf32, #tpu.memory_space<vmem_shared>> -> memref<400x16xf32, #tpu.memory_space<vmem_shared>>
      tpu.enqueue_dma source(%arg13 : memref<400x16xf32, #tpu.memory_space<vmem>>) target(%dma_start3A_43 : memref<400x16xf32, #tpu.memory_space<vmem_shared>>) target_semaphore(%run_scoped3A : memref<!tpu.dma_semaphore, #tpu.memory_space<semaphore_mem>>)
      %dma_wait3A = arith.constant 0 : i32
      %dma_wait3A_44 = tpu.memref_slice %arg18[%mul3A_2, %dma_wait3A] : memref<10240x16xf32, #tpu.memory_space<vmem_shared>> -> memref<400x16xf32, #tpu.memory_space<vmem_shared>>
      %dma_wait3A_45 = arith.constant 0 : i32
      %dma_wait3A_46 = tpu.memref_slice %arg18[%mul3A_2, %dma_wait3A_45] : memref<10240x16xf32, #tpu.memory_space<vmem_shared>> -> memref<400x16xf32, #tpu.memory_space<vmem_shared>>
      tpu.wait_dma2 semaphore(%run_scoped3A : memref<!tpu.dma_semaphore, #tpu.memory_space<semaphore_mem>>) src(%arg13 : memref<400x16xf32, #tpu.memory_space<vmem>>) dst(%dma_wait3A_46 : memref<400x16xf32, #tpu.memory_space<vmem_shared>>)
      tpu.yield
    }) : () -> ()
    %add3A_21 = arith.constant 400 : i32
    %add3A_22 = arith.addi %mul3A_2, %add3A_21 : i32
    "tpu.region"() ({
      %run_scoped3A = tpu.sem_alloc : memref<!tpu.dma_semaphore, #tpu.memory_space<semaphore_mem>>
      %dma_start3A = arith.constant 0 : i32
      %dma_start3A_41 = arith.constant 0 : i32
      %dma_start3A_42 = tpu.memref_slice %arg13[%dma_start3A, %dma_start3A_41] : memref<400x16xf32, #tpu.memory_space<vmem>> -> memref<240x16xf32, #tpu.memory_space<vmem>>
      %dma_start3A_43 = arith.constant 0 : i32
      %dma_start3A_44 = tpu.memref_slice %arg18[%add3A_22, %dma_start3A_43] : memref<10240x16xf32, #tpu.memory_space<vmem_shared>> -> memref<240x16xf32, #tpu.memory_space<vmem_shared>>
      %dma_start3A_45 = arith.constant 0 : i32
      %dma_start3A_46 = tpu.memref_slice %arg18[%add3A_22, %dma_start3A_45] : memref<10240x16xf32, #tpu.memory_space<vmem_shared>> -> memref<240x16xf32, #tpu.memory_space<vmem_shared>>
      %dma_start3A_47 = arith.constant 0 : i32
      %dma_start3A_48 = arith.constant 0 : i32
      %dma_start3A_49 = tpu.memref_slice %arg13[%dma_start3A_47, %dma_start3A_48] : memref<400x16xf32, #tpu.memory_space<vmem>> -> memref<240x16xf32, #tpu.memory_space<vmem>>
      tpu.enqueue_dma source(%dma_start3A_49 : memref<240x16xf32, #tpu.memory_space<vmem>>) target(%dma_start3A_46 : memref<240x16xf32, #tpu.memory_space<vmem_shared>>) target_semaphore(%run_scoped3A : memref<!tpu.dma_semaphore, #tpu.memory_space<semaphore_mem>>)
      %dma_wait3A = arith.constant 0 : i32
      %dma_wait3A_50 = arith.constant 0 : i32
      %dma_wait3A_51 = tpu.memref_slice %arg13[%dma_wait3A, %dma_wait3A_50] : memref<400x16xf32, #tpu.memory_space<vmem>> -> memref<240x16xf32, #tpu.memory_space<vmem>>
      %dma_wait3A_52 = arith.constant 0 : i32
      %dma_wait3A_53 = tpu.memref_slice %arg18[%add3A_22, %dma_wait3A_52] : memref<10240x16xf32, #tpu.memory_space<vmem_shared>> -> memref<240x16xf32, #tpu.memory_space<vmem_shared>>
      %dma_wait3A_54 = arith.constant 0 : i32
      %dma_wait3A_55 = tpu.memref_slice %arg18[%add3A_22, %dma_wait3A_54] : memref<10240x16xf32, #tpu.memory_space<vmem_shared>> -> memref<240x16xf32, #tpu.memory_space<vmem_shared>>
      %dma_wait3A_56 = arith.constant 0 : i32
      %dma_wait3A_57 = arith.constant 0 : i32
      %dma_wait3A_58 = tpu.memref_slice %arg13[%dma_wait3A_56, %dma_wait3A_57] : memref<400x16xf32, #tpu.memory_space<vmem>> -> memref<240x16xf32, #tpu.memory_space<vmem>>
      tpu.wait_dma2 semaphore(%run_scoped3A : memref<!tpu.dma_semaphore, #tpu.memory_space<semaphore_mem>>) src(%dma_wait3A_58 : memref<240x16xf32, #tpu.memory_space<vmem>>) dst(%dma_wait3A_55 : memref<240x16xf32, #tpu.memory_space<vmem_shared>>)
      tpu.yield
    }) : () -> ()
    "tpu.region"() ({
      %run_scoped3A = tpu.sem_alloc : memref<!tpu.dma_semaphore, #tpu.memory_space<semaphore_mem>>
      %dma_start3A = tpu.memref_slice %arg19[%mul3A_2] : memref<10240xf32, #tpu.memory_space<vmem_shared>> -> memref<400xf32, #tpu.memory_space<vmem_shared>>
      %dma_start3A_41 = tpu.memref_slice %arg19[%mul3A_2] : memref<10240xf32, #tpu.memory_space<vmem_shared>> -> memref<400xf32, #tpu.memory_space<vmem_shared>>
      tpu.enqueue_dma source(%arg14 : memref<400xf32, #tpu.memory_space<vmem>>) target(%dma_start3A_41 : memref<400xf32, #tpu.memory_space<vmem_shared>>) target_semaphore(%run_scoped3A : memref<!tpu.dma_semaphore, #tpu.memory_space<semaphore_mem>>)
      %dma_wait3A = tpu.memref_slice %arg19[%mul3A_2] : memref<10240xf32, #tpu.memory_space<vmem_shared>> -> memref<400xf32, #tpu.memory_space<vmem_shared>>
      %dma_wait3A_42 = tpu.memref_slice %arg19[%mul3A_2] : memref<10240xf32, #tpu.memory_space<vmem_shared>> -> memref<400xf32, #tpu.memory_space<vmem_shared>>
      tpu.wait_dma2 semaphore(%run_scoped3A : memref<!tpu.dma_semaphore, #tpu.memory_space<semaphore_mem>>) src(%arg14 : memref<400xf32, #tpu.memory_space<vmem>>) dst(%dma_wait3A_42 : memref<400xf32, #tpu.memory_space<vmem_shared>>)
      tpu.yield
    }) : () -> ()
    %add3A_23 = arith.constant 400 : i32
    %add3A_24 = arith.addi %mul3A_2, %add3A_23 : i32
    "tpu.region"() ({
      %run_scoped3A = tpu.sem_alloc : memref<!tpu.dma_semaphore, #tpu.memory_space<semaphore_mem>>
      %dma_start3A = arith.constant 0 : i32
      %dma_start3A_41 = tpu.memref_slice %arg14[%dma_start3A] : memref<400xf32, #tpu.memory_space<vmem>> -> memref<240xf32, #tpu.memory_space<vmem>>
      %dma_start3A_42 = tpu.memref_slice %arg19[%add3A_24] : memref<10240xf32, #tpu.memory_space<vmem_shared>> -> memref<240xf32, #tpu.memory_space<vmem_shared>>
      %dma_start3A_43 = tpu.memref_slice %arg19[%add3A_24] : memref<10240xf32, #tpu.memory_space<vmem_shared>> -> memref<240xf32, #tpu.memory_space<vmem_shared>>
      %dma_start3A_44 = arith.constant 0 : i32
      %dma_start3A_45 = tpu.memref_slice %arg14[%dma_start3A_44] : memref<400xf32, #tpu.memory_space<vmem>> -> memref<240xf32, #tpu.memory_space<vmem>>
      tpu.enqueue_dma source(%dma_start3A_45 : memref<240xf32, #tpu.memory_space<vmem>>) target(%dma_start3A_43 : memref<240xf32, #tpu.memory_space<vmem_shared>>) target_semaphore(%run_scoped3A : memref<!tpu.dma_semaphore, #tpu.memory_space<semaphore_mem>>)
      %dma_wait3A = arith.constant 0 : i32
      %dma_wait3A_46 = tpu.memref_slice %arg14[%dma_wait3A] : memref<400xf32, #tpu.memory_space<vmem>> -> memref<240xf32, #tpu.memory_space<vmem>>
      %dma_wait3A_47 = tpu.memref_slice %arg19[%add3A_24] : memref<10240xf32, #tpu.memory_space<vmem_shared>> -> memref<240xf32, #tpu.memory_space<vmem_shared>>
      %dma_wait3A_48 = tpu.memref_slice %arg19[%add3A_24] : memref<10240xf32, #tpu.memory_space<vmem_shared>> -> memref<240xf32, #tpu.memory_space<vmem_shared>>
      %dma_wait3A_49 = arith.constant 0 : i32
      %dma_wait3A_50 = tpu.memref_slice %arg14[%dma_wait3A_49] : memref<400xf32, #tpu.memory_space<vmem>> -> memref<240xf32, #tpu.memory_space<vmem>>
      tpu.wait_dma2 semaphore(%run_scoped3A : memref<!tpu.dma_semaphore, #tpu.memory_space<semaphore_mem>>) src(%dma_wait3A_50 : memref<240xf32, #tpu.memory_space<vmem>>) dst(%dma_wait3A_48 : memref<240xf32, #tpu.memory_space<vmem_shared>>)
      tpu.yield
    }) : () -> ()
    %barrier3A = arith.constant 0 : index
    tpu.barrier barrier_id(%barrier3A)
    %scan3A_25 = arith.constant 0 : i32
    %scan3A_26 = arith.constant 0 : i32
    %scan3A_27 = arith.constant 25 : i32
    %scan3A_28 = arith.addi %scan3A_26, %scan3A_27 : i32
    %scan3A_29 = arith.constant 1 : i32
    %scan3A_30 = scf.for %scan3A_41 = %scan3A_26 to %scan3A_28 step %scan3A_29 iter_args(%scan3A_42 = %scan3A_25) -> (i32)  : i32 {
      %mul3A_43 = arith.constant 400 : i32
      %mul3A_44 = arith.muli %scan3A_41, %mul3A_43 : i32
      %scan3A_45 = arith.constant 0 : i32
      %scan3A_46 = arith.constant 0 : i32
      %scan3A_47 = arith.constant 25 : i32
      %scan3A_48 = arith.addi %scan3A_46, %scan3A_47 : i32
      %scan3A_49 = arith.constant 1 : i32
      %scan3A_50 = scf.for %scan3A_71 = %scan3A_46 to %scan3A_48 step %scan3A_49 iter_args(%scan3A_72 = %scan3A_45) -> (i32)  : i32 {
        %mul3A_73 = arith.constant 16 : i32
        %mul3A_74 = arith.muli %scan3A_71, %mul3A_73 : i32
        %add3A_75 = arith.addi %mul3A_44, %mul3A_74 : i32
        %get3A = arith.index_cast %add3A_75 : i32 to index
        %get3A_76 = tpu.vector_load %arg9[%get3A] {strides = array<i32>} : memref<10000xi32, #tpu.memory_space<vmem>>, vector<16xi32>,
        %mul3A_77 = arith.constant 16 : i32
        %mul3A_78 = arith.muli %scan3A_71, %mul3A_77 : i32
        %swap3A = arith.index_cast %mul3A_78 : i32 to index
        %swap3A_79 = tpu.vector_load %arg15[%swap3A] {strides = array<i32>} : memref<400xi32, #tpu.memory_space<vmem>>, vector<16xi32>,
        tpu.vector_store %arg15[%swap3A], %get3A_76 {strides = array<i32>} : memref<400xi32, #tpu.memory_space<vmem>>, vector<16xi32>,
        %mul3A_80 = arith.constant 16 : i32
        %mul3A_81 = arith.muli %scan3A_71, %mul3A_80 : i32
        %add3A_82 = arith.addi %mul3A_44, %mul3A_81 : i32
        %get3A_83 = arith.index_cast %add3A_82 : i32 to index
        %get3A_84 = tpu.vector_load %arg10[%get3A_83] {strides = array<i32>} : memref<10000xi32, #tpu.memory_space<vmem>>, vector<16xi32>,
        %mul3A_85 = arith.constant 16 : i32
        %mul3A_86 = arith.muli %scan3A_71, %mul3A_85 : i32
        %swap3A_87 = arith.index_cast %mul3A_86 : i32 to index
        %swap3A_88 = tpu.vector_load %arg16[%swap3A_87] {strides = array<i32>} : memref<400xi32, #tpu.memory_space<vmem>>, vector<16xi32>,
        tpu.vector_store %arg16[%swap3A_87], %get3A_84 {strides = array<i32>} : memref<400xi32, #tpu.memory_space<vmem>>, vector<16xi32>,
        %scan3A_89 = arith.constant 0 : i32
        scf.yield %scan3A_89 : i32
      }
      %scan3A_51 = arith.constant 25 : i32
      %dma_start3A = arith.constant 0 : i32
      %dma_start3A_52 = arith.constant 0 : i32
      %dma_start3A_53 = tpu.memref_slice %arg2[%dma_start3A, %dma_start3A_52] : memref<10000x16xf32, #tpu.memory_space<hbm>> -> memref<10000x16xf32, #tpu.memory_space<hbm>>
      tpu.enqueue_indirect_dma source(%dma_start3A_53 : memref<10000x16xf32, #tpu.memory_space<hbm>>) target(%arg13 : memref<400x16xf32, #tpu.memory_space<vmem>>) offsets(%arg15 : memref<400xi32, #tpu.memory_space<vmem>>) semaphore(%arg20 : memref<!tpu.dma_semaphore, #tpu.memory_space<semaphore_mem>>)
      %dma_wait3A = arith.constant 0 : i32
      %dma_wait3A_54 = arith.constant 0 : i32
      %dma_wait3A_55 = tpu.memref_slice %arg2[%dma_wait3A, %dma_wait3A_54] : memref<10000x16xf32, #tpu.memory_space<hbm>> -> memref<10000x16xf32, #tpu.memory_space<hbm>>
      tpu.wait_indirect_dma semaphore(%arg20 : memref<!tpu.dma_semaphore, #tpu.memory_space<semaphore_mem>>) src(%dma_wait3A_55 : memref<10000x16xf32, #tpu.memory_space<hbm>>) dst(%arg13 : memref<400x16xf32, #tpu.memory_space<vmem>>)
      %scan3A_56 = arith.constant 0 : i32
      %scan3A_57 = arith.constant 0 : i32
      %scan3A_58 = arith.constant 25 : i32
      %scan3A_59 = arith.addi %scan3A_57, %scan3A_58 : i32
      %scan3A_60 = arith.constant 1 : i32
      %scan3A_61 = scf.for %scan3A_71 = %scan3A_57 to %scan3A_59 step %scan3A_60 iter_args(%scan3A_72 = %scan3A_56) -> (i32)  : i32 {
        %mul3A_73 = arith.constant 16 : i32
        %mul3A_74 = arith.muli %scan3A_71, %mul3A_73 : i32
        %add3A_75 = arith.addi %mul3A_44, %mul3A_74 : i32
        %get3A = arith.index_cast %add3A_75 : i32 to index
        %get3A_76 = tpu.vector_load %arg9[%get3A] {strides = array<i32>} : memref<10000xi32, #tpu.memory_space<vmem>>, vector<16xi32>,
        %mul3A_77 = arith.constant 16 : i32
        %mul3A_78 = arith.muli %scan3A_71, %mul3A_77 : i32
        %add3A_79 = arith.addi %mul3A_44, %mul3A_78 : i32
        %get3A_80 = arith.index_cast %add3A_79 : i32 to index
        %get3A_81 = tpu.vector_load %arg10[%get3A_80] {strides = array<i32>} : memref<10000xi32, #tpu.memory_space<vmem>>, vector<16xi32>,
        %gather3A = tpu.vector_load_idx %arg11[%get3A_76] : memref<10000xf32, #tpu.memory_space<vmem>>[vector<16xi32>], vector<16xf32>,
        %gather3A_82 = tpu.vector_load_idx %arg12[%get3A_81] : memref<10000xf32, #tpu.memory_space<vmem>>[vector<16xi32>], vector<16xf32>,
        %add3A_83 = arith.addf %gather3A, %gather3A_82 : vector<16xf32>
        %mul3A_84 = arith.constant 2.000000e-01 : f32
        %mul3A_85 = vector.broadcast %mul3A_84 : f32 to vector<16xf32>
        %mul3A_86 = arith.mulf %add3A_83, %mul3A_85 : vector<16xf32>
        %max3A = arith.maximumf %add3A_83, %mul3A_86 : vector<16xf32>
        %exp3A = math.exp %max3A : vector<16xf32>
        %mul3A_87 = arith.constant 16 : i32
        %mul3A_88 = arith.muli %scan3A_71, %mul3A_87 : i32
        %swap3A = arith.index_cast %mul3A_88 : i32 to index
        %swap3A_89 = tpu.vector_load %arg14[%swap3A] {strides = array<i32>} : memref<400xf32, #tpu.memory_space<vmem>>, vector<16xf32>,
        tpu.vector_store %arg14[%swap3A], %exp3A {strides = array<i32>} : memref<400xf32, #tpu.memory_space<vmem>>, vector<16xf32>,
        %scan3A_90 = arith.constant 0 : i32
        scf.yield %scan3A_90 : i32
      }
      %scan3A_62 = arith.constant 25 : i32
      %scan3A_63 = arith.constant 0 : i32
      %scan3A_64 = arith.constant 0 : i32
      %scan3A_65 = arith.constant 25 : i32
      %scan3A_66 = arith.addi %scan3A_64, %scan3A_65 : i32
      %scan3A_67 = arith.constant 1 : i32
      %scan3A_68 = scf.for %scan3A_71 = %scan3A_64 to %scan3A_66 step %scan3A_67 iter_args(%scan3A_72 = %scan3A_63) -> (i32)  : i32 {
        %mul3A_73 = arith.constant 16 : i32
        %mul3A_74 = arith.muli %scan3A_71, %mul3A_73 : i32
        %get3A = arith.index_cast %mul3A_74 : i32 to index
        %get3A_75 = tpu.vector_load %arg14[%get3A] {strides = array<i32>} : memref<400xf32, #tpu.memory_space<vmem>>, vector<16xf32>,
        %slice3A = vector.extract_strided_slice %get3A_75 {offsets = [0], sizes = [1], strides = [1]} : vector<16xf32> to vector<1xf32>
        %squeeze3A = vector.extract %slice3A[0] : f32 from vector<1xf32>
        %mul3A_76 = arith.constant 16 : i32
        %mul3A_77 = arith.muli %scan3A_71, %mul3A_76 : i32
        %add3A_78 = arith.constant 0 : i32
        %add3A_79 = arith.addi %mul3A_77, %add3A_78 : i32
        %get3A_80 = arith.index_cast %add3A_79 : i32 to index
        %get3A_81 = arith.constant 0 : index
        %get3A_82 = tpu.vector_load %arg13[%get3A_80, %get3A_81] {strides = array<i32>} : memref<400x16xf32, #tpu.memory_space<vmem>>, vector<16xf32>,
        %mul3A_83 = vector.broadcast %squeeze3A : f32 to vector<16xf32>
        %mul3A_84 = arith.mulf %get3A_82, %mul3A_83 : vector<16xf32>
        %swap3A = arith.index_cast %add3A_79 : i32 to index
        %swap3A_85 = arith.constant 0 : index
        %swap3A_86 = tpu.vector_load %arg13[%swap3A, %swap3A_85] {strides = array<i32>} : memref<400x16xf32, #tpu.memory_space<vmem>>, vector<16xf32>,
        tpu.vector_store %arg13[%swap3A, %swap3A_85], %mul3A_84 {strides = array<i32>} : memref<400x16xf32, #tpu.memory_space<vmem>>, vector<16xf32>,
        %slice3A_87 = vector.extract_strided_slice %get3A_75 {offsets = [1], sizes = [1], strides = [1]} : vector<16xf32> to vector<1xf32>
        %squeeze3A_88 = vector.extract %slice3A_87[0] : f32 from vector<1xf32>
        %mul3A_89 = arith.constant 16 : i32
        %mul3A_90 = arith.muli %scan3A_71, %mul3A_89 : i32
        %add3A_91 = arith.constant 1 : i32
        %add3A_92 = arith.addi %mul3A_90, %add3A_91 : i32
        %get3A_93 = arith.index_cast %add3A_92 : i32 to index
        %get3A_94 = arith.constant 0 : index
        %get3A_95 = tpu.vector_load %arg13[%get3A_93, %get3A_94] {strides = array<i32>} : memref<400x16xf32, #tpu.memory_space<vmem>>, vector<16xf32>,
        %mul3A_96 = vector.broadcast %squeeze3A_88 : f32 to vector<16xf32>
        %mul3A_97 = arith.mulf %get3A_95, %mul3A_96 : vector<16xf32>
        %swap3A_98 = arith.index_cast %add3A_92 : i32 to index
        %swap3A_99 = arith.constant 0 : index
        %swap3A_100 = tpu.vector_load %arg13[%swap3A_98, %swap3A_99] {strides = array<i32>} : memref<400x16xf32, #tpu.memory_space<vmem>>, vector<16xf32>,
        tpu.vector_store %arg13[%swap3A_98, %swap3A_99], %mul3A_97 {strides = array<i32>} : memref<400x16xf32, #tpu.memory_space<vmem>>, vector<16xf32>,
        %slice3A_101 = vector.extract_strided_slice %get3A_75 {offsets = [2], sizes = [1], strides = [1]} : vector<16xf32> to vector<1xf32>
        %squeeze3A_102 = vector.extract %slice3A_101[0] : f32 from vector<1xf32>
        %mul3A_103 = arith.constant 16 : i32
        %mul3A_104 = arith.muli %scan3A_71, %mul3A_103 : i32
        %add3A_105 = arith.constant 2 : i32
        %add3A_106 = arith.addi %mul3A_104, %add3A_105 : i32
        %get3A_107 = arith.index_cast %add3A_106 : i32 to index
        %get3A_108 = arith.constant 0 : index
        %get3A_109 = tpu.vector_load %arg13[%get3A_107, %get3A_108] {strides = array<i32>} : memref<400x16xf32, #tpu.memory_space<vmem>>, vector<16xf32>,
        %mul3A_110 = vector.broadcast %squeeze3A_102 : f32 to vector<16xf32>
        %mul3A_111 = arith.mulf %get3A_109, %mul3A_110 : vector<16xf32>
        %swap3A_112 = arith.index_cast %add3A_106 : i32 to index
        %swap3A_113 = arith.constant 0 : index
        %swap3A_114 = tpu.vector_load %arg13[%swap3A_112, %swap3A_113] {strides = array<i32>} : memref<400x16xf32, #tpu.memory_space<vmem>>, vector<16xf32>,
        tpu.vector_store %arg13[%swap3A_112, %swap3A_113], %mul3A_111 {strides = array<i32>} : memref<400x16xf32, #tpu.memory_space<vmem>>, vector<16xf32>,
        %slice3A_115 = vector.extract_strided_slice %get3A_75 {offsets = [3], sizes = [1], strides = [1]} : vector<16xf32> to vector<1xf32>
        %squeeze3A_116 = vector.extract %slice3A_115[0] : f32 from vector<1xf32>
        %mul3A_117 = arith.constant 16 : i32
        %mul3A_118 = arith.muli %scan3A_71, %mul3A_117 : i32
        %add3A_119 = arith.constant 3 : i32
        %add3A_120 = arith.addi %mul3A_118, %add3A_119 : i32
        %get3A_121 = arith.index_cast %add3A_120 : i32 to index
        %get3A_122 = arith.constant 0 : index
        %get3A_123 = tpu.vector_load %arg13[%get3A_121, %get3A_122] {strides = array<i32>} : memref<400x16xf32, #tpu.memory_space<vmem>>, vector<16xf32>,
        %mul3A_124 = vector.broadcast %squeeze3A_116 : f32 to vector<16xf32>
        %mul3A_125 = arith.mulf %get3A_123, %mul3A_124 : vector<16xf32>
        %swap3A_126 = arith.index_cast %add3A_120 : i32 to index
        %swap3A_127 = arith.constant 0 : index
        %swap3A_128 = tpu.vector_load %arg13[%swap3A_126, %swap3A_127] {strides = array<i32>} : memref<400x16xf32, #tpu.memory_space<vmem>>, vector<16xf32>,
        tpu.vector_store %arg13[%swap3A_126, %swap3A_127], %mul3A_125 {strides = array<i32>} : memref<400x16xf32, #tpu.memory_space<vmem>>, vector<16xf32>,
        %slice3A_129 = vector.extract_strided_slice %get3A_75 {offsets = [4], sizes = [1], strides = [1]} : vector<16xf32> to vector<1xf32>
        %squeeze3A_130 = vector.extract %slice3A_129[0] : f32 from vector<1xf32>
        %mul3A_131 = arith.constant 16 : i32
        %mul3A_132 = arith.muli %scan3A_71, %mul3A_131 : i32
        %add3A_133 = arith.constant 4 : i32
        %add3A_134 = arith.addi %mul3A_132, %add3A_133 : i32
        %get3A_135 = arith.index_cast %add3A_134 : i32 to index
        %get3A_136 = arith.constant 0 : index
        %get3A_137 = tpu.vector_load %arg13[%get3A_135, %get3A_136] {strides = array<i32>} : memref<400x16xf32, #tpu.memory_space<vmem>>, vector<16xf32>,
        %mul3A_138 = vector.broadcast %squeeze3A_130 : f32 to vector<16xf32>
        %mul3A_139 = arith.mulf %get3A_137, %mul3A_138 : vector<16xf32>
        %swap3A_140 = arith.index_cast %add3A_134 : i32 to index
        %swap3A_141 = arith.constant 0 : index
        %swap3A_142 = tpu.vector_load %arg13[%swap3A_140, %swap3A_141] {strides = array<i32>} : memref<400x16xf32, #tpu.memory_space<vmem>>, vector<16xf32>,
        tpu.vector_store %arg13[%swap3A_140, %swap3A_141], %mul3A_139 {strides = array<i32>} : memref<400x16xf32, #tpu.memory_space<vmem>>, vector<16xf32>,
        %slice3A_143 = vector.extract_strided_slice %get3A_75 {offsets = [5], sizes = [1], strides = [1]} : vector<16xf32> to vector<1xf32>
        %squeeze3A_144 = vector.extract %slice3A_143[0] : f32 from vector<1xf32>
        %mul3A_145 = arith.constant 16 : i32
        %mul3A_146 = arith.muli %scan3A_71, %mul3A_145 : i32
        %add3A_147 = arith.constant 5 : i32
        %add3A_148 = arith.addi %mul3A_146, %add3A_147 : i32
        %get3A_149 = arith.index_cast %add3A_148 : i32 to index
        %get3A_150 = arith.constant 0 : index
        %get3A_151 = tpu.vector_load %arg13[%get3A_149, %get3A_150] {strides = array<i32>} : memref<400x16xf32, #tpu.memory_space<vmem>>, vector<16xf32>,
        %mul3A_152 = vector.broadcast %squeeze3A_144 : f32 to vector<16xf32>
        %mul3A_153 = arith.mulf %get3A_151, %mul3A_152 : vector<16xf32>
        %swap3A_154 = arith.index_cast %add3A_148 : i32 to index
        %swap3A_155 = arith.constant 0 : index
        %swap3A_156 = tpu.vector_load %arg13[%swap3A_154, %swap3A_155] {strides = array<i32>} : memref<400x16xf32, #tpu.memory_space<vmem>>, vector<16xf32>,
        tpu.vector_store %arg13[%swap3A_154, %swap3A_155], %mul3A_153 {strides = array<i32>} : memref<400x16xf32, #tpu.memory_space<vmem>>, vector<16xf32>,
        %slice3A_157 = vector.extract_strided_slice %get3A_75 {offsets = [6], sizes = [1], strides = [1]} : vector<16xf32> to vector<1xf32>
        %squeeze3A_158 = vector.extract %slice3A_157[0] : f32 from vector<1xf32>
        %mul3A_159 = arith.constant 16 : i32
        %mul3A_160 = arith.muli %scan3A_71, %mul3A_159 : i32
        %add3A_161 = arith.constant 6 : i32
        %add3A_162 = arith.addi %mul3A_160, %add3A_161 : i32
        %get3A_163 = arith.index_cast %add3A_162 : i32 to index
        %get3A_164 = arith.constant 0 : index
        %get3A_165 = tpu.vector_load %arg13[%get3A_163, %get3A_164] {strides = array<i32>} : memref<400x16xf32, #tpu.memory_space<vmem>>, vector<16xf32>,
        %mul3A_166 = vector.broadcast %squeeze3A_158 : f32 to vector<16xf32>
        %mul3A_167 = arith.mulf %get3A_165, %mul3A_166 : vector<16xf32>
        %swap3A_168 = arith.index_cast %add3A_162 : i32 to index
        %swap3A_169 = arith.constant 0 : index
        %swap3A_170 = tpu.vector_load %arg13[%swap3A_168, %swap3A_169] {strides = array<i32>} : memref<400x16xf32, #tpu.memory_space<vmem>>, vector<16xf32>,
        tpu.vector_store %arg13[%swap3A_168, %swap3A_169], %mul3A_167 {strides = array<i32>} : memref<400x16xf32, #tpu.memory_space<vmem>>, vector<16xf32>,
        %slice3A_171 = vector.extract_strided_slice %get3A_75 {offsets = [7], sizes = [1], strides = [1]} : vector<16xf32> to vector<1xf32>
        %squeeze3A_172 = vector.extract %slice3A_171[0] : f32 from vector<1xf32>
        %mul3A_173 = arith.constant 16 : i32
        %mul3A_174 = arith.muli %scan3A_71, %mul3A_173 : i32
        %add3A_175 = arith.constant 7 : i32
        %add3A_176 = arith.addi %mul3A_174, %add3A_175 : i32
        %get3A_177 = arith.index_cast %add3A_176 : i32 to index
        %get3A_178 = arith.constant 0 : index
        %get3A_179 = tpu.vector_load %arg13[%get3A_177, %get3A_178] {strides = array<i32>} : memref<400x16xf32, #tpu.memory_space<vmem>>, vector<16xf32>,
        %mul3A_180 = vector.broadcast %squeeze3A_172 : f32 to vector<16xf32>
        %mul3A_181 = arith.mulf %get3A_179, %mul3A_180 : vector<16xf32>
        %swap3A_182 = arith.index_cast %add3A_176 : i32 to index
        %swap3A_183 = arith.constant 0 : index
        %swap3A_184 = tpu.vector_load %arg13[%swap3A_182, %swap3A_183] {strides = array<i32>} : memref<400x16xf32, #tpu.memory_space<vmem>>, vector<16xf32>,
        tpu.vector_store %arg13[%swap3A_182, %swap3A_183], %mul3A_181 {strides = array<i32>} : memref<400x16xf32, #tpu.memory_space<vmem>>, vector<16xf32>,
        %slice3A_185 = vector.extract_strided_slice %get3A_75 {offsets = [8], sizes = [1], strides = [1]} : vector<16xf32> to vector<1xf32>
        %squeeze3A_186 = vector.extract %slice3A_185[0] : f32 from vector<1xf32>
        %mul3A_187 = arith.constant 16 : i32
        %mul3A_188 = arith.muli %scan3A_71, %mul3A_187 : i32
        %add3A_189 = arith.constant 8 : i32
        %add3A_190 = arith.addi %mul3A_188, %add3A_189 : i32
        %get3A_191 = arith.index_cast %add3A_190 : i32 to index
        %get3A_192 = arith.constant 0 : index
        %get3A_193 = tpu.vector_load %arg13[%get3A_191, %get3A_192] {strides = array<i32>} : memref<400x16xf32, #tpu.memory_space<vmem>>, vector<16xf32>,
        %mul3A_194 = vector.broadcast %squeeze3A_186 : f32 to vector<16xf32>
        %mul3A_195 = arith.mulf %get3A_193, %mul3A_194 : vector<16xf32>
        %swap3A_196 = arith.index_cast %add3A_190 : i32 to index
        %swap3A_197 = arith.constant 0 : index
        %swap3A_198 = tpu.vector_load %arg13[%swap3A_196, %swap3A_197] {strides = array<i32>} : memref<400x16xf32, #tpu.memory_space<vmem>>, vector<16xf32>,
        tpu.vector_store %arg13[%swap3A_196, %swap3A_197], %mul3A_195 {strides = array<i32>} : memref<400x16xf32, #tpu.memory_space<vmem>>, vector<16xf32>,
        %slice3A_199 = vector.extract_strided_slice %get3A_75 {offsets = [9], sizes = [1], strides = [1]} : vector<16xf32> to vector<1xf32>
        %squeeze3A_200 = vector.extract %slice3A_199[0] : f32 from vector<1xf32>
        %mul3A_201 = arith.constant 16 : i32
        %mul3A_202 = arith.muli %scan3A_71, %mul3A_201 : i32
        %add3A_203 = arith.constant 9 : i32
        %add3A_204 = arith.addi %mul3A_202, %add3A_203 : i32
        %get3A_205 = arith.index_cast %add3A_204 : i32 to index
        %get3A_206 = arith.constant 0 : index
        %get3A_207 = tpu.vector_load %arg13[%get3A_205, %get3A_206] {strides = array<i32>} : memref<400x16xf32, #tpu.memory_space<vmem>>, vector<16xf32>,
        %mul3A_208 = vector.broadcast %squeeze3A_200 : f32 to vector<16xf32>
        %mul3A_209 = arith.mulf %get3A_207, %mul3A_208 : vector<16xf32>
        %swap3A_210 = arith.index_cast %add3A_204 : i32 to index
        %swap3A_211 = arith.constant 0 : index
        %swap3A_212 = tpu.vector_load %arg13[%swap3A_210, %swap3A_211] {strides = array<i32>} : memref<400x16xf32, #tpu.memory_space<vmem>>, vector<16xf32>,
        tpu.vector_store %arg13[%swap3A_210, %swap3A_211], %mul3A_209 {strides = array<i32>} : memref<400x16xf32, #tpu.memory_space<vmem>>, vector<16xf32>,
        %slice3A_213 = vector.extract_strided_slice %get3A_75 {offsets = [10], sizes = [1], strides = [1]} : vector<16xf32> to vector<1xf32>
        %squeeze3A_214 = vector.extract %slice3A_213[0] : f32 from vector<1xf32>
        %mul3A_215 = arith.constant 16 : i32
        %mul3A_216 = arith.muli %scan3A_71, %mul3A_215 : i32
        %add3A_217 = arith.constant 10 : i32
        %add3A_218 = arith.addi %mul3A_216, %add3A_217 : i32
        %get3A_219 = arith.index_cast %add3A_218 : i32 to index
        %get3A_220 = arith.constant 0 : index
        %get3A_221 = tpu.vector_load %arg13[%get3A_219, %get3A_220] {strides = array<i32>} : memref<400x16xf32, #tpu.memory_space<vmem>>, vector<16xf32>,
        %mul3A_222 = vector.broadcast %squeeze3A_214 : f32 to vector<16xf32>
        %mul3A_223 = arith.mulf %get3A_221, %mul3A_222 : vector<16xf32>
        %swap3A_224 = arith.index_cast %add3A_218 : i32 to index
        %swap3A_225 = arith.constant 0 : index
        %swap3A_226 = tpu.vector_load %arg13[%swap3A_224, %swap3A_225] {strides = array<i32>} : memref<400x16xf32, #tpu.memory_space<vmem>>, vector<16xf32>,
        tpu.vector_store %arg13[%swap3A_224, %swap3A_225], %mul3A_223 {strides = array<i32>} : memref<400x16xf32, #tpu.memory_space<vmem>>, vector<16xf32>,
        %slice3A_227 = vector.extract_strided_slice %get3A_75 {offsets = [11], sizes = [1], strides = [1]} : vector<16xf32> to vector<1xf32>
        %squeeze3A_228 = vector.extract %slice3A_227[0] : f32 from vector<1xf32>
        %mul3A_229 = arith.constant 16 : i32
        %mul3A_230 = arith.muli %scan3A_71, %mul3A_229 : i32
        %add3A_231 = arith.constant 11 : i32
        %add3A_232 = arith.addi %mul3A_230, %add3A_231 : i32
        %get3A_233 = arith.index_cast %add3A_232 : i32 to index
        %get3A_234 = arith.constant 0 : index
        %get3A_235 = tpu.vector_load %arg13[%get3A_233, %get3A_234] {strides = array<i32>} : memref<400x16xf32, #tpu.memory_space<vmem>>, vector<16xf32>,
        %mul3A_236 = vector.broadcast %squeeze3A_228 : f32 to vector<16xf32>
        %mul3A_237 = arith.mulf %get3A_235, %mul3A_236 : vector<16xf32>
        %swap3A_238 = arith.index_cast %add3A_232 : i32 to index
        %swap3A_239 = arith.constant 0 : index
        %swap3A_240 = tpu.vector_load %arg13[%swap3A_238, %swap3A_239] {strides = array<i32>} : memref<400x16xf32, #tpu.memory_space<vmem>>, vector<16xf32>,
        tpu.vector_store %arg13[%swap3A_238, %swap3A_239], %mul3A_237 {strides = array<i32>} : memref<400x16xf32, #tpu.memory_space<vmem>>, vector<16xf32>,
        %slice3A_241 = vector.extract_strided_slice %get3A_75 {offsets = [12], sizes = [1], strides = [1]} : vector<16xf32> to vector<1xf32>
        %squeeze3A_242 = vector.extract %slice3A_241[0] : f32 from vector<1xf32>
        %mul3A_243 = arith.constant 16 : i32
        %mul3A_244 = arith.muli %scan3A_71, %mul3A_243 : i32
        %add3A_245 = arith.constant 12 : i32
        %add3A_246 = arith.addi %mul3A_244, %add3A_245 : i32
        %get3A_247 = arith.index_cast %add3A_246 : i32 to index
        %get3A_248 = arith.constant 0 : index
        %get3A_249 = tpu.vector_load %arg13[%get3A_247, %get3A_248] {strides = array<i32>} : memref<400x16xf32, #tpu.memory_space<vmem>>, vector<16xf32>,
        %mul3A_250 = vector.broadcast %squeeze3A_242 : f32 to vector<16xf32>
        %mul3A_251 = arith.mulf %get3A_249, %mul3A_250 : vector<16xf32>
        %swap3A_252 = arith.index_cast %add3A_246 : i32 to index
        %swap3A_253 = arith.constant 0 : index
        %swap3A_254 = tpu.vector_load %arg13[%swap3A_252, %swap3A_253] {strides = array<i32>} : memref<400x16xf32, #tpu.memory_space<vmem>>, vector<16xf32>,
        tpu.vector_store %arg13[%swap3A_252, %swap3A_253], %mul3A_251 {strides = array<i32>} : memref<400x16xf32, #tpu.memory_space<vmem>>, vector<16xf32>,
        %slice3A_255 = vector.extract_strided_slice %get3A_75 {offsets = [13], sizes = [1], strides = [1]} : vector<16xf32> to vector<1xf32>
        %squeeze3A_256 = vector.extract %slice3A_255[0] : f32 from vector<1xf32>
        %mul3A_257 = arith.constant 16 : i32
        %mul3A_258 = arith.muli %scan3A_71, %mul3A_257 : i32
        %add3A_259 = arith.constant 13 : i32
        %add3A_260 = arith.addi %mul3A_258, %add3A_259 : i32
        %get3A_261 = arith.index_cast %add3A_260 : i32 to index
        %get3A_262 = arith.constant 0 : index
        %get3A_263 = tpu.vector_load %arg13[%get3A_261, %get3A_262] {strides = array<i32>} : memref<400x16xf32, #tpu.memory_space<vmem>>, vector<16xf32>,
        %mul3A_264 = vector.broadcast %squeeze3A_256 : f32 to vector<16xf32>
        %mul3A_265 = arith.mulf %get3A_263, %mul3A_264 : vector<16xf32>
        %swap3A_266 = arith.index_cast %add3A_260 : i32 to index
        %swap3A_267 = arith.constant 0 : index
        %swap3A_268 = tpu.vector_load %arg13[%swap3A_266, %swap3A_267] {strides = array<i32>} : memref<400x16xf32, #tpu.memory_space<vmem>>, vector<16xf32>,
        tpu.vector_store %arg13[%swap3A_266, %swap3A_267], %mul3A_265 {strides = array<i32>} : memref<400x16xf32, #tpu.memory_space<vmem>>, vector<16xf32>,
        %slice3A_269 = vector.extract_strided_slice %get3A_75 {offsets = [14], sizes = [1], strides = [1]} : vector<16xf32> to vector<1xf32>
        %squeeze3A_270 = vector.extract %slice3A_269[0] : f32 from vector<1xf32>
        %mul3A_271 = arith.constant 16 : i32
        %mul3A_272 = arith.muli %scan3A_71, %mul3A_271 : i32
        %add3A_273 = arith.constant 14 : i32
        %add3A_274 = arith.addi %mul3A_272, %add3A_273 : i32
        %get3A_275 = arith.index_cast %add3A_274 : i32 to index
        %get3A_276 = arith.constant 0 : index
        %get3A_277 = tpu.vector_load %arg13[%get3A_275, %get3A_276] {strides = array<i32>} : memref<400x16xf32, #tpu.memory_space<vmem>>, vector<16xf32>,
        %mul3A_278 = vector.broadcast %squeeze3A_270 : f32 to vector<16xf32>
        %mul3A_279 = arith.mulf %get3A_277, %mul3A_278 : vector<16xf32>
        %swap3A_280 = arith.index_cast %add3A_274 : i32 to index
        %swap3A_281 = arith.constant 0 : index
        %swap3A_282 = tpu.vector_load %arg13[%swap3A_280, %swap3A_281] {strides = array<i32>} : memref<400x16xf32, #tpu.memory_space<vmem>>, vector<16xf32>,
        tpu.vector_store %arg13[%swap3A_280, %swap3A_281], %mul3A_279 {strides = array<i32>} : memref<400x16xf32, #tpu.memory_space<vmem>>, vector<16xf32>,
        %slice3A_283 = vector.extract_strided_slice %get3A_75 {offsets = [15], sizes = [1], strides = [1]} : vector<16xf32> to vector<1xf32>
        %squeeze3A_284 = vector.extract %slice3A_283[0] : f32 from vector<1xf32>
        %mul3A_285 = arith.constant 16 : i32
        %mul3A_286 = arith.muli %scan3A_71, %mul3A_285 : i32
        %add3A_287 = arith.constant 15 : i32
        %add3A_288 = arith.addi %mul3A_286, %add3A_287 : i32
        %get3A_289 = arith.index_cast %add3A_288 : i32 to index
        %get3A_290 = arith.constant 0 : index
        %get3A_291 = tpu.vector_load %arg13[%get3A_289, %get3A_290] {strides = array<i32>} : memref<400x16xf32, #tpu.memory_space<vmem>>, vector<16xf32>,
        %mul3A_292 = vector.broadcast %squeeze3A_284 : f32 to vector<16xf32>
        %mul3A_293 = arith.mulf %get3A_291, %mul3A_292 : vector<16xf32>
        %swap3A_294 = arith.index_cast %add3A_288 : i32 to index
        %swap3A_295 = arith.constant 0 : index
        %swap3A_296 = tpu.vector_load %arg13[%swap3A_294, %swap3A_295] {strides = array<i32>} : memref<400x16xf32, #tpu.memory_space<vmem>>, vector<16xf32>,
        tpu.vector_store %arg13[%swap3A_294, %swap3A_295], %mul3A_293 {strides = array<i32>} : memref<400x16xf32, #tpu.memory_space<vmem>>, vector<16xf32>,
        %scan3A_297 = arith.constant 0 : i32
        scf.yield %scan3A_297 : i32
      }
      %scan3A_69 = arith.constant 25 : i32
      "tpu.region"() ({
        %run_scoped3A = tpu.sem_alloc : memref<!tpu.dma_semaphore, #tpu.memory_space<semaphore_mem>>
        %dma_start3A_71 = arith.constant 0 : i32
        %dma_start3A_72 = arith.constant 0 : i32
        %dma_start3A_73 = tpu.memref_slice %arg18[%dma_start3A_71, %dma_start3A_72] : memref<10240x16xf32, #tpu.memory_space<vmem_shared>> -> memref<10240x16xf32, #tpu.memory_space<vmem_shared>>
        tpu.enqueue_indirect_dma source(%arg13 : memref<400x16xf32, #tpu.memory_space<vmem>>) target(%dma_start3A_73 : memref<10240x16xf32, #tpu.memory_space<vmem_shared>>) offsets(%arg16 : memref<400xi32, #tpu.memory_space<vmem>>) semaphore(%run_scoped3A : memref<!tpu.dma_semaphore, #tpu.memory_space<semaphore_mem>>) {add = true}
        %dma_wait3A_74 = arith.constant 0 : i32
        %dma_wait3A_75 = arith.constant 0 : i32
        %dma_wait3A_76 = tpu.memref_slice %arg18[%dma_wait3A_74, %dma_wait3A_75] : memref<10240x16xf32, #tpu.memory_space<vmem_shared>> -> memref<10240x16xf32, #tpu.memory_space<vmem_shared>>
        tpu.wait_indirect_dma semaphore(%run_scoped3A : memref<!tpu.dma_semaphore, #tpu.memory_space<semaphore_mem>>) src(%arg13 : memref<400x16xf32, #tpu.memory_space<vmem>>) dst(%dma_wait3A_76 : memref<10240x16xf32, #tpu.memory_space<vmem_shared>>)
        tpu.yield
      }) : () -> ()
      "tpu.region"() ({
        %run_scoped3A = tpu.sem_alloc : memref<!tpu.dma_semaphore, #tpu.memory_space<semaphore_mem>>
        %dma_start3A_71 = arith.constant 0 : i32
        %dma_start3A_72 = tpu.memref_slice %arg19[%dma_start3A_71] : memref<10240xf32, #tpu.memory_space<vmem_shared>> -> memref<10240xf32, #tpu.memory_space<vmem_shared>>
        tpu.enqueue_indirect_dma source(%arg14 : memref<400xf32, #tpu.memory_space<vmem>>) target(%dma_start3A_72 : memref<10240xf32, #tpu.memory_space<vmem_shared>>) offsets(%arg16 : memref<400xi32, #tpu.memory_space<vmem>>) semaphore(%run_scoped3A : memref<!tpu.dma_semaphore, #tpu.memory_space<semaphore_mem>>) {add = true}
        %dma_wait3A_73 = arith.constant 0 : i32
        %dma_wait3A_74 = tpu.memref_slice %arg19[%dma_wait3A_73] : memref<10240xf32, #tpu.memory_space<vmem_shared>> -> memref<10240xf32, #tpu.memory_space<vmem_shared>>
        tpu.wait_indirect_dma semaphore(%run_scoped3A : memref<!tpu.dma_semaphore, #tpu.memory_space<semaphore_mem>>) src(%arg14 : memref<400xf32, #tpu.memory_space<vmem>>) dst(%dma_wait3A_74 : memref<10240xf32, #tpu.memory_space<vmem_shared>>)
        tpu.yield
      }) : () -> ()
      %scan3A_70 = arith.constant 0 : i32
      scf.yield %scan3A_70 : i32
    }
    %scan3A_31 = arith.constant 25 : i32
    %barrier3A_32 = arith.constant 0 : index
    tpu.barrier barrier_id(%barrier3A_32)
    %add3A_33 = arith.constant 0 : i32
    %add3A_34 = arith.addi %mul3A_2, %add3A_33 : i32
    "tpu.region"() ({
      %run_scoped3A = tpu.sem_alloc : memref<!tpu.dma_semaphore, #tpu.memory_space<semaphore_mem>>
      %dma_start3A = arith.constant 0 : i32
      %dma_start3A_41 = arith.constant 0 : i32
      %dma_start3A_42 = tpu.memref_slice %arg13[%dma_start3A, %dma_start3A_41] : memref<400x16xf32, #tpu.memory_space<vmem>> -> memref<320x16xf32, #tpu.memory_space<vmem>>
      %dma_start3A_43 = arith.constant 0 : i32
      %dma_start3A_44 = tpu.memref_slice %arg18[%add3A_34, %dma_start3A_43] : memref<10240x16xf32, #tpu.memory_space<vmem_shared>> -> memref<320x16xf32, #tpu.memory_space<vmem_shared>>
      %dma_start3A_45 = arith.constant 0 : i32
      %dma_start3A_46 = arith.constant 0 : i32
      %dma_start3A_47 = tpu.memref_slice %arg13[%dma_start3A_45, %dma_start3A_46] : memref<400x16xf32, #tpu.memory_space<vmem>> -> memref<320x16xf32, #tpu.memory_space<vmem>>
      %dma_start3A_48 = arith.constant 0 : i32
      %dma_start3A_49 = tpu.memref_slice %arg18[%add3A_34, %dma_start3A_48] : memref<10240x16xf32, #tpu.memory_space<vmem_shared>> -> memref<320x16xf32, #tpu.memory_space<vmem_shared>>
      tpu.enqueue_dma source(%dma_start3A_49 : memref<320x16xf32, #tpu.memory_space<vmem_shared>>) target(%dma_start3A_47 : memref<320x16xf32, #tpu.memory_space<vmem>>) target_semaphore(%run_scoped3A : memref<!tpu.dma_semaphore, #tpu.memory_space<semaphore_mem>>)
      %dma_wait3A = arith.constant 0 : i32
      %dma_wait3A_50 = arith.constant 0 : i32
      %dma_wait3A_51 = tpu.memref_slice %arg13[%dma_wait3A, %dma_wait3A_50] : memref<400x16xf32, #tpu.memory_space<vmem>> -> memref<320x16xf32, #tpu.memory_space<vmem>>
      %dma_wait3A_52 = arith.constant 0 : i32
      %dma_wait3A_53 = tpu.memref_slice %arg18[%add3A_34, %dma_wait3A_52] : memref<10240x16xf32, #tpu.memory_space<vmem_shared>> -> memref<320x16xf32, #tpu.memory_space<vmem_shared>>
      %dma_wait3A_54 = arith.constant 0 : i32
      %dma_wait3A_55 = arith.constant 0 : i32
      %dma_wait3A_56 = tpu.memref_slice %arg13[%dma_wait3A_54, %dma_wait3A_55] : memref<400x16xf32, #tpu.memory_space<vmem>> -> memref<320x16xf32, #tpu.memory_space<vmem>>
      %dma_wait3A_57 = arith.constant 0 : i32
      %dma_wait3A_58 = tpu.memref_slice %arg18[%add3A_34, %dma_wait3A_57] : memref<10240x16xf32, #tpu.memory_space<vmem_shared>> -> memref<320x16xf32, #tpu.memory_space<vmem_shared>>
      tpu.wait_dma2 semaphore(%run_scoped3A : memref<!tpu.dma_semaphore, #tpu.memory_space<semaphore_mem>>) src(%dma_wait3A_58 : memref<320x16xf32, #tpu.memory_space<vmem_shared>>) dst(%dma_wait3A_56 : memref<320x16xf32, #tpu.memory_space<vmem>>)
      tpu.yield
    }) : () -> ()
    %add3A_35 = arith.constant 0 : i32
    %add3A_36 = arith.addi %mul3A_2, %add3A_35 : i32
    "tpu.region"() ({
      %run_scoped3A = tpu.sem_alloc : memref<!tpu.dma_semaphore, #tpu.memory_space<semaphore_mem>>
      %dma_start3A = arith.constant 0 : i32
      %dma_start3A_41 = arith.constant 0 : i32
      %dma_start3A_42 = tpu.memref_slice %arg13[%dma_start3A, %dma_start3A_41] : memref<400x16xf32, #tpu.memory_space<vmem>> -> memref<320x16xf32, #tpu.memory_space<vmem>>
      %dma_start3A_43 = arith.constant 0 : i32
      %dma_start3A_44 = tpu.memref_slice %arg7[%arg0, %add3A_36, %dma_start3A_43] : memref<2x10240x16xf32, #tpu.memory_space<hbm>> -> memref<1x320x16xf32, #tpu.memory_space<hbm>>
      %dma_start3A_45 = tpu.memref_squeeze %dma_start3A_44 : memref<1x320x16xf32, #tpu.memory_space<hbm>> -> memref<320x16xf32, #tpu.memory_space<hbm>>
      %dma_start3A_46 = arith.constant 0 : i32
      %dma_start3A_47 = tpu.memref_slice %arg7[%arg0, %add3A_36, %dma_start3A_46] : memref<2x10240x16xf32, #tpu.memory_space<hbm>> -> memref<1x320x16xf32, #tpu.memory_space<hbm>>
      %dma_start3A_48 = tpu.memref_squeeze %dma_start3A_47 : memref<1x320x16xf32, #tpu.memory_space<hbm>> -> memref<320x16xf32, #tpu.memory_space<hbm>>
      %dma_start3A_49 = arith.constant 0 : i32
      %dma_start3A_50 = arith.constant 0 : i32
      %dma_start3A_51 = tpu.memref_slice %arg13[%dma_start3A_49, %dma_start3A_50] : memref<400x16xf32, #tpu.memory_space<vmem>> -> memref<320x16xf32, #tpu.memory_space<vmem>>
      tpu.enqueue_dma source(%dma_start3A_51 : memref<320x16xf32, #tpu.memory_space<vmem>>) target(%dma_start3A_48 : memref<320x16xf32, #tpu.memory_space<hbm>>) target_semaphore(%run_scoped3A : memref<!tpu.dma_semaphore, #tpu.memory_space<semaphore_mem>>)
      %dma_wait3A = arith.constant 0 : i32
      %dma_wait3A_52 = arith.constant 0 : i32
      %dma_wait3A_53 = tpu.memref_slice %arg13[%dma_wait3A, %dma_wait3A_52] : memref<400x16xf32, #tpu.memory_space<vmem>> -> memref<320x16xf32, #tpu.memory_space<vmem>>
      %dma_wait3A_54 = arith.constant 0 : i32
      %dma_wait3A_55 = tpu.memref_slice %arg7[%arg0, %add3A_36, %dma_wait3A_54] : memref<2x10240x16xf32, #tpu.memory_space<hbm>> -> memref<1x320x16xf32, #tpu.memory_space<hbm>>
      %dma_wait3A_56 = tpu.memref_squeeze %dma_wait3A_55 : memref<1x320x16xf32, #tpu.memory_space<hbm>> -> memref<320x16xf32, #tpu.memory_space<hbm>>
      %dma_wait3A_57 = arith.constant 0 : i32
      %dma_wait3A_58 = tpu.memref_slice %arg7[%arg0, %add3A_36, %dma_wait3A_57] : memref<2x10240x16xf32, #tpu.memory_space<hbm>> -> memref<1x320x16xf32, #tpu.memory_space<hbm>>
      %dma_wait3A_59 = tpu.memref_squeeze %dma_wait3A_58 : memref<1x320x16xf32, #tpu.memory_space<hbm>> -> memref<320x16xf32, #tpu.memory_space<hbm>>
      %dma_wait3A_60 = arith.constant 0 : i32
      %dma_wait3A_61 = arith.constant 0 : i32
      %dma_wait3A_62 = tpu.memref_slice %arg13[%dma_wait3A_60, %dma_wait3A_61] : memref<400x16xf32, #tpu.memory_space<vmem>> -> memref<320x16xf32, #tpu.memory_space<vmem>>
      tpu.wait_dma2 semaphore(%run_scoped3A : memref<!tpu.dma_semaphore, #tpu.memory_space<semaphore_mem>>) src(%dma_wait3A_62 : memref<320x16xf32, #tpu.memory_space<vmem>>) dst(%dma_wait3A_59 : memref<320x16xf32, #tpu.memory_space<hbm>>)
      tpu.yield
    }) : () -> ()
    %add3A_37 = arith.constant 320 : i32
    %add3A_38 = arith.addi %mul3A_2, %add3A_37 : i32
    "tpu.region"() ({
      %run_scoped3A = tpu.sem_alloc : memref<!tpu.dma_semaphore, #tpu.memory_space<semaphore_mem>>
      %dma_start3A = arith.constant 0 : i32
      %dma_start3A_41 = arith.constant 0 : i32
      %dma_start3A_42 = tpu.memref_slice %arg13[%dma_start3A, %dma_start3A_41] : memref<400x16xf32, #tpu.memory_space<vmem>> -> memref<320x16xf32, #tpu.memory_space<vmem>>
      %dma_start3A_43 = arith.constant 0 : i32
      %dma_start3A_44 = tpu.memref_slice %arg18[%add3A_38, %dma_start3A_43] : memref<10240x16xf32, #tpu.memory_space<vmem_shared>> -> memref<320x16xf32, #tpu.memory_space<vmem_shared>>
      %dma_start3A_45 = arith.constant 0 : i32
      %dma_start3A_46 = arith.constant 0 : i32
      %dma_start3A_47 = tpu.memref_slice %arg13[%dma_start3A_45, %dma_start3A_46] : memref<400x16xf32, #tpu.memory_space<vmem>> -> memref<320x16xf32, #tpu.memory_space<vmem>>
      %dma_start3A_48 = arith.constant 0 : i32
      %dma_start3A_49 = tpu.memref_slice %arg18[%add3A_38, %dma_start3A_48] : memref<10240x16xf32, #tpu.memory_space<vmem_shared>> -> memref<320x16xf32, #tpu.memory_space<vmem_shared>>
      tpu.enqueue_dma source(%dma_start3A_49 : memref<320x16xf32, #tpu.memory_space<vmem_shared>>) target(%dma_start3A_47 : memref<320x16xf32, #tpu.memory_space<vmem>>) target_semaphore(%run_scoped3A : memref<!tpu.dma_semaphore, #tpu.memory_space<semaphore_mem>>)
      %dma_wait3A = arith.constant 0 : i32
      %dma_wait3A_50 = arith.constant 0 : i32
      %dma_wait3A_51 = tpu.memref_slice %arg13[%dma_wait3A, %dma_wait3A_50] : memref<400x16xf32, #tpu.memory_space<vmem>> -> memref<320x16xf32, #tpu.memory_space<vmem>>
      %dma_wait3A_52 = arith.constant 0 : i32
      %dma_wait3A_53 = tpu.memref_slice %arg18[%add3A_38, %dma_wait3A_52] : memref<10240x16xf32, #tpu.memory_space<vmem_shared>> -> memref<320x16xf32, #tpu.memory_space<vmem_shared>>
      %dma_wait3A_54 = arith.constant 0 : i32
      %dma_wait3A_55 = arith.constant 0 : i32
      %dma_wait3A_56 = tpu.memref_slice %arg13[%dma_wait3A_54, %dma_wait3A_55] : memref<400x16xf32, #tpu.memory_space<vmem>> -> memref<320x16xf32, #tpu.memory_space<vmem>>
      %dma_wait3A_57 = arith.constant 0 : i32
      %dma_wait3A_58 = tpu.memref_slice %arg18[%add3A_38, %dma_wait3A_57] : memref<10240x16xf32, #tpu.memory_space<vmem_shared>> -> memref<320x16xf32, #tpu.memory_space<vmem_shared>>
      tpu.wait_dma2 semaphore(%run_scoped3A : memref<!tpu.dma_semaphore, #tpu.memory_space<semaphore_mem>>) src(%dma_wait3A_58 : memref<320x16xf32, #tpu.memory_space<vmem_shared>>) dst(%dma_wait3A_56 : memref<320x16xf32, #tpu.memory_space<vmem>>)
      tpu.yield
    }) : () -> ()
    %add3A_39 = arith.constant 320 : i32
    %add3A_40 = arith.addi %mul3A_2, %add3A_39 : i32
    "tpu.region"() ({
      %run_scoped3A = tpu.sem_alloc : memref<!tpu.dma_semaphore, #tpu.memory_space<semaphore_mem>>
      %dma_start3A = arith.constant 0 : i32
      %dma_start3A_41 = arith.constant 0 : i32
      %dma_start3A_42 = tpu.memref_slice %arg13[%dma_start3A, %dma_start3A_41] : memref<400x16xf32, #tpu.memory_space<vmem>> -> memref<320x16xf32, #tpu.memory_space<vmem>>
      %dma_start3A_43 = arith.constant 0 : i32
      %dma_start3A_44 = tpu.memref_slice %arg7[%arg0, %add3A_40, %dma_start3A_43] : memref<2x10240x16xf32, #tpu.memory_space<hbm>> -> memref<1x320x16xf32, #tpu.memory_space<hbm>>
      %dma_start3A_45 = tpu.memref_squeeze %dma_start3A_44 : memref<1x320x16xf32, #tpu.memory_space<hbm>> -> memref<320x16xf32, #tpu.memory_space<hbm>>
      %dma_start3A_46 = arith.constant 0 : i32
      %dma_start3A_47 = tpu.memref_slice %arg7[%arg0, %add3A_40, %dma_start3A_46] : memref<2x10240x16xf32, #tpu.memory_space<hbm>> -> memref<1x320x16xf32, #tpu.memory_space<hbm>>
      %dma_start3A_48 = tpu.memref_squeeze %dma_start3A_47 : memref<1x320x16xf32, #tpu.memory_space<hbm>> -> memref<320x16xf32, #tpu.memory_space<hbm>>
      %dma_start3A_49 = arith.constant 0 : i32
      %dma_start3A_50 = arith.constant 0 : i32
      %dma_start3A_51 = tpu.memref_slice %arg13[%dma_start3A_49, %dma_start3A_50] : memref<400x16xf32, #tpu.memory_space<vmem>> -> memref<320x16xf32, #tpu.memory_space<vmem>>
      tpu.enqueue_dma source(%dma_start3A_51 : memref<320x16xf32, #tpu.memory_space<vmem>>) target(%dma_start3A_48 : memref<320x16xf32, #tpu.memory_space<hbm>>) target_semaphore(%run_scoped3A : memref<!tpu.dma_semaphore, #tpu.memory_space<semaphore_mem>>)
      %dma_wait3A = arith.constant 0 : i32
      %dma_wait3A_52 = arith.constant 0 : i32
      %dma_wait3A_53 = tpu.memref_slice %arg13[%dma_wait3A, %dma_wait3A_52] : memref<400x16xf32, #tpu.memory_space<vmem>> -> memref<320x16xf32, #tpu.memory_space<vmem>>
      %dma_wait3A_54 = arith.constant 0 : i32
      %dma_wait3A_55 = tpu.memref_slice %arg7[%arg0, %add3A_40, %dma_wait3A_54] : memref<2x10240x16xf32, #tpu.memory_space<hbm>> -> memref<1x320x16xf32, #tpu.memory_space<hbm>>
      %dma_wait3A_56 = tpu.memref_squeeze %dma_wait3A_55 : memref<1x320x16xf32, #tpu.memory_space<hbm>> -> memref<320x16xf32, #tpu.memory_space<hbm>>
      %dma_wait3A_57 = arith.constant 0 : i32
      %dma_wait3A_58 = tpu.memref_slice %arg7[%arg0, %add3A_40, %dma_wait3A_57] : memref<2x10240x16xf32, #tpu.memory_space<hbm>> -> memref<1x320x16xf32, #tpu.memory_space<hbm>>
      %dma_wait3A_59 = tpu.memref_squeeze %dma_wait3A_58 : memref<1x320x16xf32, #tpu.memory_space<hbm>> -> memref<320x16xf32, #tpu.memory_space<hbm>>
      %dma_wait3A_60 = arith.constant 0 : i32
      %dma_wait3A_61 = arith.constant 0 : i32
      %dma_wait3A_62 = tpu.memref_slice %arg13[%dma_wait3A_60, %dma_wait3A_61] : memref<400x16xf32, #tpu.memory_space<vmem>> -> memref<320x16xf32, #tpu.memory_space<vmem>>
      tpu.wait_dma2 semaphore(%run_scoped3A : memref<!tpu.dma_semaphore, #tpu.memory_space<semaphore_mem>>) src(%dma_wait3A_62 : memref<320x16xf32, #tpu.memory_space<vmem>>) dst(%dma_wait3A_59 : memref<320x16xf32, #tpu.memory_space<hbm>>)
      tpu.yield
    }) : () -> ()
    "tpu.region"() ({
      %run_scoped3A = tpu.sem_alloc : memref<!tpu.dma_semaphore, #tpu.memory_space<semaphore_mem>>
      %dma_start3A = tpu.memref_slice %arg19[%mul3A_2] : memref<10240xf32, #tpu.memory_space<vmem_shared>> -> memref<640xf32, #tpu.memory_space<vmem_shared>>
      %dma_start3A_41 = tpu.memref_slice %arg19[%mul3A_2] : memref<10240xf32, #tpu.memory_space<vmem_shared>> -> memref<640xf32, #tpu.memory_space<vmem_shared>>
      tpu.enqueue_dma source(%dma_start3A_41 : memref<640xf32, #tpu.memory_space<vmem_shared>>) target(%arg17 : memref<640xf32, #tpu.memory_space<vmem>>) target_semaphore(%run_scoped3A : memref<!tpu.dma_semaphore, #tpu.memory_space<semaphore_mem>>)
      %dma_wait3A = tpu.memref_slice %arg19[%mul3A_2] : memref<10240xf32, #tpu.memory_space<vmem_shared>> -> memref<640xf32, #tpu.memory_space<vmem_shared>>
      %dma_wait3A_42 = tpu.memref_slice %arg19[%mul3A_2] : memref<10240xf32, #tpu.memory_space<vmem_shared>> -> memref<640xf32, #tpu.memory_space<vmem_shared>>
      tpu.wait_dma2 semaphore(%run_scoped3A : memref<!tpu.dma_semaphore, #tpu.memory_space<semaphore_mem>>) src(%dma_wait3A_42 : memref<640xf32, #tpu.memory_space<vmem_shared>>) dst(%arg17 : memref<640xf32, #tpu.memory_space<vmem>>)
      tpu.yield
    }) : () -> ()
    "tpu.region"() ({
      %run_scoped3A = tpu.sem_alloc : memref<!tpu.dma_semaphore, #tpu.memory_space<semaphore_mem>>
      %dma_start3A = tpu.memref_slice %arg8[%arg0, %mul3A_2] : memref<2x10240xf32, #tpu.memory_space<hbm>> -> memref<1x640xf32, #tpu.memory_space<hbm>>
      %dma_start3A_41 = tpu.memref_squeeze %dma_start3A : memref<1x640xf32, #tpu.memory_space<hbm>> -> memref<640xf32, #tpu.memory_space<hbm>>
      %dma_start3A_42 = tpu.memref_slice %arg8[%arg0, %mul3A_2] : memref<2x10240xf32, #tpu.memory_space<hbm>> -> memref<1x640xf32, #tpu.memory_space<hbm>>
      %dma_start3A_43 = tpu.memref_squeeze %dma_start3A_42 : memref<1x640xf32, #tpu.memory_space<hbm>> -> memref<640xf32, #tpu.memory_space<hbm>>
      tpu.enqueue_dma source(%arg17 : memref<640xf32, #tpu.memory_space<vmem>>) target(%dma_start3A_43 : memref<640xf32, #tpu.memory_space<hbm>>) target_semaphore(%run_scoped3A : memref<!tpu.dma_semaphore, #tpu.memory_space<semaphore_mem>>)
      %dma_wait3A = tpu.memref_slice %arg8[%arg0, %mul3A_2] : memref<2x10240xf32, #tpu.memory_space<hbm>> -> memref<1x640xf32, #tpu.memory_space<hbm>>
      %dma_wait3A_44 = tpu.memref_squeeze %dma_wait3A : memref<1x640xf32, #tpu.memory_space<hbm>> -> memref<640xf32, #tpu.memory_space<hbm>>
      %dma_wait3A_45 = tpu.memref_slice %arg8[%arg0, %mul3A_2] : memref<2x10240xf32, #tpu.memory_space<hbm>> -> memref<1x640xf32, #tpu.memory_space<hbm>>
      %dma_wait3A_46 = tpu.memref_squeeze %dma_wait3A_45 : memref<1x640xf32, #tpu.memory_space<hbm>> -> memref<640xf32, #tpu.memory_space<hbm>>
      tpu.wait_dma2 semaphore(%run_scoped3A : memref<!tpu.dma_semaphore, #tpu.memory_space<semaphore_mem>>) src(%arg17 : memref<640xf32, #tpu.memory_space<vmem>>) dst(%dma_wait3A_46 : memref<640xf32, #tpu.memory_space<hbm>>)
      tpu.yield
    }) : () -> ()
    return
  }
}

module attributes {stable_mosaic.version = 14 : i64} {
  func.func @_dense0_body(%arg0: memref<10000x128xf32, #tpu.memory_space<vmem>>, %arg1: memref<128x16xf32, #tpu.memory_space<vmem>>, %arg2: memref<1x16xf32, #tpu.memory_space<vmem>>, %arg3: memref<1x16xf32, #tpu.memory_space<vmem>>, %arg4: memref<10000x16xf32, #tpu.memory_space<vmem>>, %arg5: memref<10000x1xf32, #tpu.memory_space<vmem>>, %arg6: memref<10000x1xf32, #tpu.memory_space<vmem>>) attributes {dimension_semantics = [], scalar_prefetch = 0 : i64, scratch_operands = 0 : i64, tpu.core_type = #tpu.core_type<tc>} {
    %get3A = arith.constant 0 : index
    %get3A_0 = arith.constant 0 : index
    %get3A_1 = vector.load %arg0[%get3A, %get3A_0] : memref<10000x128xf32, #tpu.memory_space<vmem>>, vector<10000x128xf32>
    %get3A_2 = arith.constant 0 : index
    %get3A_3 = arith.constant 0 : index
    %get3A_4 = vector.load %arg1[%get3A_2, %get3A_3] : memref<128x16xf32, #tpu.memory_space<vmem>>, vector<128x16xf32>
    %dot_general3A = arith.constant dense<0.000000e+00> : vector<10000x16xf32>
    %dot_general3A_5 = tpu.matmul %get3A_1, %get3A_4, %dot_general3A {dimension_numbers = #tpu.dot_dimension_numbers<[1], [0], [0], [1], [0, 0, 1, 1], [], []>, transpose_lhs_hint = false} : vector<10000x128xf32>, vector<128x16xf32>, vector<10000x16xf32> -> vector<10000x16xf32>
    %swap3A = arith.constant 0 : index
    %swap3A_6 = arith.constant 0 : index
    %swap3A_7 = vector.load %arg4[%swap3A, %swap3A_6] : memref<10000x16xf32, #tpu.memory_space<vmem>>, vector<10000x16xf32>
    tpu.vector_store %arg4[%swap3A, %swap3A_6], %dot_general3A_5 {strides = array<i32>} : memref<10000x16xf32, #tpu.memory_space<vmem>>, vector<10000x16xf32>,
    %get3A_8 = arith.constant 0 : index
    %get3A_9 = arith.constant 0 : index
    %get3A_10 = vector.load %arg2[%get3A_8, %get3A_9] : memref<1x16xf32, #tpu.memory_space<vmem>>, vector<1x16xf32>
    %mul3A = vector.broadcast %get3A_10 : vector<1x16xf32> to vector<10000x16xf32>
    %mul3A_11 = arith.mulf %dot_general3A_5, %mul3A : vector<10000x16xf32>
    %reduce_sum3A = arith.constant dense<0.000000e+00> : vector<10000xf32>
    %reduce_sum3A_12 = vector.multi_reduction <add>, %mul3A_11, %reduce_sum3A [1] : vector<10000x16xf32> to vector<10000xf32>
    %broadcast_in_dim3A = vector.shape_cast %reduce_sum3A_12 : vector<10000xf32> to vector<10000x1xf32>
    %swap3A_13 = arith.constant 0 : index
    %swap3A_14 = arith.constant 0 : index
    %swap3A_15 = vector.load %arg5[%swap3A_13, %swap3A_14] : memref<10000x1xf32, #tpu.memory_space<vmem>>, vector<10000x1xf32>
    tpu.vector_store %arg5[%swap3A_13, %swap3A_14], %broadcast_in_dim3A {strides = array<i32>} : memref<10000x1xf32, #tpu.memory_space<vmem>>, vector<10000x1xf32>,
    %get3A_16 = arith.constant 0 : index
    %get3A_17 = arith.constant 0 : index
    %get3A_18 = vector.load %arg3[%get3A_16, %get3A_17] : memref<1x16xf32, #tpu.memory_space<vmem>>, vector<1x16xf32>
    %mul3A_19 = vector.broadcast %get3A_18 : vector<1x16xf32> to vector<10000x16xf32>
    %mul3A_20 = arith.mulf %dot_general3A_5, %mul3A_19 : vector<10000x16xf32>
    %reduce_sum3A_21 = arith.constant dense<0.000000e+00> : vector<10000xf32>
    %reduce_sum3A_22 = vector.multi_reduction <add>, %mul3A_20, %reduce_sum3A_21 [1] : vector<10000x16xf32> to vector<10000xf32>
    %broadcast_in_dim3A_23 = vector.shape_cast %reduce_sum3A_22 : vector<10000xf32> to vector<10000x1xf32>
    %swap3A_24 = arith.constant 0 : index
    %swap3A_25 = arith.constant 0 : index
    %swap3A_26 = vector.load %arg6[%swap3A_24, %swap3A_25] : memref<10000x1xf32, #tpu.memory_space<vmem>>, vector<10000x1xf32>
    tpu.vector_store %arg6[%swap3A_24, %swap3A_25], %broadcast_in_dim3A_23 {strides = array<i32>} : memref<10000x1xf32, #tpu.memory_space<vmem>>, vector<10000x1xf32>,
    return
  }
}

module attributes {stable_mosaic.version = 14 : i64} {
  func.func @_combine_body(%arg0: memref<2x10000x16xf32, #tpu.memory_space<vmem>>, %arg1: memref<2x10000x1xf32, #tpu.memory_space<vmem>>, %arg2: memref<1x16xf32, #tpu.memory_space<vmem>>, %arg3: memref<16x16xf32, #tpu.memory_space<vmem>>, %arg4: memref<1x16xf32, #tpu.memory_space<vmem>>, %arg5: memref<1x16xf32, #tpu.memory_space<vmem>>, %arg6: memref<10000x16xf32, #tpu.memory_space<vmem>>, %arg7: memref<10000x1xf32, #tpu.memory_space<vmem>>, %arg8: memref<10000x1xf32, #tpu.memory_space<vmem>>) attributes {dimension_semantics = [], scalar_prefetch = 0 : i64, scratch_operands = 0 : i64, tpu.core_type = #tpu.core_type<tc>} {
    %get3A = arith.constant 0 : index
    %get3A_0 = arith.constant 0 : index
    %get3A_1 = arith.constant 0 : index
    %get3A_2 = vector.load %arg0[%get3A, %get3A_0, %get3A_1] : memref<2x10000x16xf32, #tpu.memory_space<vmem>>, vector<1x10000x16xf32>
    %get3A_3 = vector.shape_cast %get3A_2 : vector<1x10000x16xf32> to vector<10000x16xf32>
    %get3A_4 = arith.constant 1 : index
    %get3A_5 = arith.constant 0 : index
    %get3A_6 = arith.constant 0 : index
    %get3A_7 = vector.load %arg0[%get3A_4, %get3A_5, %get3A_6] : memref<2x10000x16xf32, #tpu.memory_space<vmem>>, vector<1x10000x16xf32>
    %get3A_8 = vector.shape_cast %get3A_7 : vector<1x10000x16xf32> to vector<10000x16xf32>
    %add3A = arith.addf %get3A_3, %get3A_8 : vector<10000x16xf32>
    %get3A_9 = arith.constant 0 : index
    %get3A_10 = arith.constant 0 : index
    %get3A_11 = arith.constant 0 : index
    %get3A_12 = vector.load %arg1[%get3A_9, %get3A_10, %get3A_11] : memref<2x10000x1xf32, #tpu.memory_space<vmem>>, vector<1x10000x1xf32>
    %get3A_13 = vector.shape_cast %get3A_12 : vector<1x10000x1xf32> to vector<10000x1xf32>
    %get3A_14 = arith.constant 1 : index
    %get3A_15 = arith.constant 0 : index
    %get3A_16 = arith.constant 0 : index
    %get3A_17 = vector.load %arg1[%get3A_14, %get3A_15, %get3A_16] : memref<2x10000x1xf32, #tpu.memory_space<vmem>>, vector<1x10000x1xf32>
    %get3A_18 = vector.shape_cast %get3A_17 : vector<1x10000x1xf32> to vector<10000x1xf32>
    %add3A_19 = arith.addf %get3A_13, %get3A_18 : vector<10000x1xf32>
    %gt3A = arith.constant 0.000000e+00 : f32
    %gt3A_20 = vector.broadcast %gt3A : f32 to vector<10000x1xf32>
    %gt3A_21 = arith.cmpf ogt, %add3A_19, %gt3A_20 : vector<10000x1xf32>
    %max3A = arith.constant 1.000000e-30 : f32
    %max3A_22 = vector.broadcast %max3A : f32 to vector<10000x1xf32>
    %max3A_23 = arith.maximumf %add3A_19, %max3A_22 : vector<10000x1xf32>
    %div3A = vector.broadcast %max3A_23 : vector<10000x1xf32> to vector<10000x16xf32>
    %div3A_24 = arith.divf %add3A, %div3A : vector<10000x16xf32>
    %jit3A = arith.constant 0.000000e+00 : f32
    %broadcast_in_dim3A = vector.shape_cast %gt3A_21 : vector<10000x1xi1> to vector<10000x1xi1>
    %broadcast_in_dim3A_25 = vector.broadcast %broadcast_in_dim3A : vector<10000x1xi1> to vector<10000x16xi1>
    %broadcast_in_dim3A_26 = vector.broadcast %jit3A : f32 to vector<10000x16xf32>
    %select_n3A = arith.select %broadcast_in_dim3A_25, %div3A_24, %broadcast_in_dim3A_26 : vector<10000x16xi1>, vector<10000x16xf32>
    %get3A_27 = arith.constant 0 : index
    %get3A_28 = arith.constant 0 : index
    %get3A_29 = vector.load %arg2[%get3A_27, %get3A_28] : memref<1x16xf32, #tpu.memory_space<vmem>>, vector<1x16xf32>
    %add3A_30 = vector.broadcast %get3A_29 : vector<1x16xf32> to vector<10000x16xf32>
    %add3A_31 = arith.addf %select_n3A, %add3A_30 : vector<10000x16xf32>
    %gt3A_32 = arith.constant 0.000000e+00 : f32
    %gt3A_33 = vector.broadcast %gt3A_32 : f32 to vector<10000x16xf32>
    %gt3A_34 = arith.cmpf ogt, %add3A_31, %gt3A_33 : vector<10000x16xf32>
    %min3A = arith.constant 0.000000e+00 : f32
    %min3A_35 = vector.broadcast %min3A : f32 to vector<10000x16xf32>
    %min3A_36 = arith.minimumf %add3A_31, %min3A_35 : vector<10000x16xf32>
    %exp3A = math.exp %min3A_36 : vector<10000x16xf32>
    %sub3A = arith.constant 1.000000e+00 : f32
    %sub3A_37 = vector.broadcast %sub3A : f32 to vector<10000x16xf32>
    %sub3A_38 = arith.subf %exp3A, %sub3A_37 : vector<10000x16xf32>
    %select_n3A_39 = arith.select %gt3A_34, %add3A_31, %sub3A_38 : vector<10000x16xi1>, vector<10000x16xf32>
    %get3A_40 = arith.constant 0 : index
    %get3A_41 = arith.constant 0 : index
    %get3A_42 = vector.load %arg3[%get3A_40, %get3A_41] : memref<16x16xf32, #tpu.memory_space<vmem>>, vector<16x16xf32>
    %dot_general3A = arith.constant dense<0.000000e+00> : vector<10000x16xf32>
    %dot_general3A_43 = tpu.matmul %select_n3A_39, %get3A_42, %dot_general3A {dimension_numbers = #tpu.dot_dimension_numbers<[1], [0], [0], [1], [0, 0, 1, 1], [], []>, transpose_lhs_hint = false} : vector<10000x16xf32>, vector<16x16xf32>, vector<10000x16xf32> -> vector<10000x16xf32>
    %swap3A = arith.constant 0 : index
    %swap3A_44 = arith.constant 0 : index
    %swap3A_45 = vector.load %arg6[%swap3A, %swap3A_44] : memref<10000x16xf32, #tpu.memory_space<vmem>>, vector<10000x16xf32>
    tpu.vector_store %arg6[%swap3A, %swap3A_44], %dot_general3A_43 {strides = array<i32>} : memref<10000x16xf32, #tpu.memory_space<vmem>>, vector<10000x16xf32>,
    %get3A_46 = arith.constant 0 : index
    %get3A_47 = arith.constant 0 : index
    %get3A_48 = vector.load %arg4[%get3A_46, %get3A_47] : memref<1x16xf32, #tpu.memory_space<vmem>>, vector<1x16xf32>
    %mul3A = vector.broadcast %get3A_48 : vector<1x16xf32> to vector<10000x16xf32>
    %mul3A_49 = arith.mulf %dot_general3A_43, %mul3A : vector<10000x16xf32>
    %reduce_sum3A = arith.constant dense<0.000000e+00> : vector<10000xf32>
    %reduce_sum3A_50 = vector.multi_reduction <add>, %mul3A_49, %reduce_sum3A [1] : vector<10000x16xf32> to vector<10000xf32>
    %broadcast_in_dim3A_51 = vector.shape_cast %reduce_sum3A_50 : vector<10000xf32> to vector<10000x1xf32>
    %swap3A_52 = arith.constant 0 : index
    %swap3A_53 = arith.constant 0 : index
    %swap3A_54 = vector.load %arg7[%swap3A_52, %swap3A_53] : memref<10000x1xf32, #tpu.memory_space<vmem>>, vector<10000x1xf32>
    tpu.vector_store %arg7[%swap3A_52, %swap3A_53], %broadcast_in_dim3A_51 {strides = array<i32>} : memref<10000x1xf32, #tpu.memory_space<vmem>>, vector<10000x1xf32>,
    %get3A_55 = arith.constant 0 : index
    %get3A_56 = arith.constant 0 : index
    %get3A_57 = vector.load %arg5[%get3A_55, %get3A_56] : memref<1x16xf32, #tpu.memory_space<vmem>>, vector<1x16xf32>
    %mul3A_58 = vector.broadcast %get3A_57 : vector<1x16xf32> to vector<10000x16xf32>
    %mul3A_59 = arith.mulf %dot_general3A_43, %mul3A_58 : vector<10000x16xf32>
    %reduce_sum3A_60 = arith.constant dense<0.000000e+00> : vector<10000xf32>
    %reduce_sum3A_61 = vector.multi_reduction <add>, %mul3A_59, %reduce_sum3A_60 [1] : vector<10000x16xf32> to vector<10000xf32>
    %broadcast_in_dim3A_62 = vector.shape_cast %reduce_sum3A_61 : vector<10000xf32> to vector<10000x1xf32>
    %swap3A_63 = arith.constant 0 : index
    %swap3A_64 = arith.constant 0 : index
    %swap3A_65 = vector.load %arg8[%swap3A_63, %swap3A_64] : memref<10000x1xf32, #tpu.memory_space<vmem>>, vector<10000x1xf32>
    tpu.vector_store %arg8[%swap3A_63, %swap3A_64], %broadcast_in_dim3A_62 {strides = array<i32>} : memref<10000x1xf32, #tpu.memory_space<vmem>>, vector<10000x1xf32>,
    return
  }
}

module attributes {stable_mosaic.version = 14 : i64} {
  func.func @_combine_body(%arg0: memref<2x10000x16xf32, #tpu.memory_space<vmem>>, %arg1: memref<2x10000x1xf32, #tpu.memory_space<vmem>>, %arg2: memref<1x16xf32, #tpu.memory_space<vmem>>, %arg3: memref<16x64xf32, #tpu.memory_space<vmem>>, %arg4: memref<1x64xf32, #tpu.memory_space<vmem>>, %arg5: memref<1x64xf32, #tpu.memory_space<vmem>>, %arg6: memref<10000x64xf32, #tpu.memory_space<vmem>>, %arg7: memref<10000x1xf32, #tpu.memory_space<vmem>>, %arg8: memref<10000x1xf32, #tpu.memory_space<vmem>>) attributes {dimension_semantics = [], scalar_prefetch = 0 : i64, scratch_operands = 0 : i64, tpu.core_type = #tpu.core_type<tc>} {
    %get3A = arith.constant 0 : index
    %get3A_0 = arith.constant 0 : index
    %get3A_1 = arith.constant 0 : index
    %get3A_2 = vector.load %arg0[%get3A, %get3A_0, %get3A_1] : memref<2x10000x16xf32, #tpu.memory_space<vmem>>, vector<1x10000x16xf32>
    %get3A_3 = vector.shape_cast %get3A_2 : vector<1x10000x16xf32> to vector<10000x16xf32>
    %get3A_4 = arith.constant 1 : index
    %get3A_5 = arith.constant 0 : index
    %get3A_6 = arith.constant 0 : index
    %get3A_7 = vector.load %arg0[%get3A_4, %get3A_5, %get3A_6] : memref<2x10000x16xf32, #tpu.memory_space<vmem>>, vector<1x10000x16xf32>
    %get3A_8 = vector.shape_cast %get3A_7 : vector<1x10000x16xf32> to vector<10000x16xf32>
    %add3A = arith.addf %get3A_3, %get3A_8 : vector<10000x16xf32>
    %get3A_9 = arith.constant 0 : index
    %get3A_10 = arith.constant 0 : index
    %get3A_11 = arith.constant 0 : index
    %get3A_12 = vector.load %arg1[%get3A_9, %get3A_10, %get3A_11] : memref<2x10000x1xf32, #tpu.memory_space<vmem>>, vector<1x10000x1xf32>
    %get3A_13 = vector.shape_cast %get3A_12 : vector<1x10000x1xf32> to vector<10000x1xf32>
    %get3A_14 = arith.constant 1 : index
    %get3A_15 = arith.constant 0 : index
    %get3A_16 = arith.constant 0 : index
    %get3A_17 = vector.load %arg1[%get3A_14, %get3A_15, %get3A_16] : memref<2x10000x1xf32, #tpu.memory_space<vmem>>, vector<1x10000x1xf32>
    %get3A_18 = vector.shape_cast %get3A_17 : vector<1x10000x1xf32> to vector<10000x1xf32>
    %add3A_19 = arith.addf %get3A_13, %get3A_18 : vector<10000x1xf32>
    %gt3A = arith.constant 0.000000e+00 : f32
    %gt3A_20 = vector.broadcast %gt3A : f32 to vector<10000x1xf32>
    %gt3A_21 = arith.cmpf ogt, %add3A_19, %gt3A_20 : vector<10000x1xf32>
    %max3A = arith.constant 1.000000e-30 : f32
    %max3A_22 = vector.broadcast %max3A : f32 to vector<10000x1xf32>
    %max3A_23 = arith.maximumf %add3A_19, %max3A_22 : vector<10000x1xf32>
    %div3A = vector.broadcast %max3A_23 : vector<10000x1xf32> to vector<10000x16xf32>
    %div3A_24 = arith.divf %add3A, %div3A : vector<10000x16xf32>
    %jit3A = arith.constant 0.000000e+00 : f32
    %broadcast_in_dim3A = vector.shape_cast %gt3A_21 : vector<10000x1xi1> to vector<10000x1xi1>
    %broadcast_in_dim3A_25 = vector.broadcast %broadcast_in_dim3A : vector<10000x1xi1> to vector<10000x16xi1>
    %broadcast_in_dim3A_26 = vector.broadcast %jit3A : f32 to vector<10000x16xf32>
    %select_n3A = arith.select %broadcast_in_dim3A_25, %div3A_24, %broadcast_in_dim3A_26 : vector<10000x16xi1>, vector<10000x16xf32>
    %get3A_27 = arith.constant 0 : index
    %get3A_28 = arith.constant 0 : index
    %get3A_29 = vector.load %arg2[%get3A_27, %get3A_28] : memref<1x16xf32, #tpu.memory_space<vmem>>, vector<1x16xf32>
    %add3A_30 = vector.broadcast %get3A_29 : vector<1x16xf32> to vector<10000x16xf32>
    %add3A_31 = arith.addf %select_n3A, %add3A_30 : vector<10000x16xf32>
    %gt3A_32 = arith.constant 0.000000e+00 : f32
    %gt3A_33 = vector.broadcast %gt3A_32 : f32 to vector<10000x16xf32>
    %gt3A_34 = arith.cmpf ogt, %add3A_31, %gt3A_33 : vector<10000x16xf32>
    %min3A = arith.constant 0.000000e+00 : f32
    %min3A_35 = vector.broadcast %min3A : f32 to vector<10000x16xf32>
    %min3A_36 = arith.minimumf %add3A_31, %min3A_35 : vector<10000x16xf32>
    %exp3A = math.exp %min3A_36 : vector<10000x16xf32>
    %sub3A = arith.constant 1.000000e+00 : f32
    %sub3A_37 = vector.broadcast %sub3A : f32 to vector<10000x16xf32>
    %sub3A_38 = arith.subf %exp3A, %sub3A_37 : vector<10000x16xf32>
    %select_n3A_39 = arith.select %gt3A_34, %add3A_31, %sub3A_38 : vector<10000x16xi1>, vector<10000x16xf32>
    %get3A_40 = arith.constant 0 : index
    %get3A_41 = arith.constant 0 : index
    %get3A_42 = vector.load %arg3[%get3A_40, %get3A_41] : memref<16x64xf32, #tpu.memory_space<vmem>>, vector<16x64xf32>
    %dot_general3A = arith.constant dense<0.000000e+00> : vector<10000x64xf32>
    %dot_general3A_43 = tpu.matmul %select_n3A_39, %get3A_42, %dot_general3A {dimension_numbers = #tpu.dot_dimension_numbers<[1], [0], [0], [1], [0, 0, 1, 1], [], []>, transpose_lhs_hint = false} : vector<10000x16xf32>, vector<16x64xf32>, vector<10000x64xf32> -> vector<10000x64xf32>
    %swap3A = arith.constant 0 : index
    %swap3A_44 = arith.constant 0 : index
    %swap3A_45 = vector.load %arg6[%swap3A, %swap3A_44] : memref<10000x64xf32, #tpu.memory_space<vmem>>, vector<10000x64xf32>
    tpu.vector_store %arg6[%swap3A, %swap3A_44], %dot_general3A_43 {strides = array<i32>} : memref<10000x64xf32, #tpu.memory_space<vmem>>, vector<10000x64xf32>,
    %get3A_46 = arith.constant 0 : index
    %get3A_47 = arith.constant 0 : index
    %get3A_48 = vector.load %arg4[%get3A_46, %get3A_47] : memref<1x64xf32, #tpu.memory_space<vmem>>, vector<1x64xf32>
    %mul3A = vector.broadcast %get3A_48 : vector<1x64xf32> to vector<10000x64xf32>
    %mul3A_49 = arith.mulf %dot_general3A_43, %mul3A : vector<10000x64xf32>
    %reduce_sum3A = arith.constant dense<0.000000e+00> : vector<10000xf32>
    %reduce_sum3A_50 = vector.multi_reduction <add>, %mul3A_49, %reduce_sum3A [1] : vector<10000x64xf32> to vector<10000xf32>
    %broadcast_in_dim3A_51 = vector.shape_cast %reduce_sum3A_50 : vector<10000xf32> to vector<10000x1xf32>
    %swap3A_52 = arith.constant 0 : index
    %swap3A_53 = arith.constant 0 : index
    %swap3A_54 = vector.load %arg7[%swap3A_52, %swap3A_53] : memref<10000x1xf32, #tpu.memory_space<vmem>>, vector<10000x1xf32>
    tpu.vector_store %arg7[%swap3A_52, %swap3A_53], %broadcast_in_dim3A_51 {strides = array<i32>} : memref<10000x1xf32, #tpu.memory_space<vmem>>, vector<10000x1xf32>,
    %get3A_55 = arith.constant 0 : index
    %get3A_56 = arith.constant 0 : index
    %get3A_57 = vector.load %arg5[%get3A_55, %get3A_56] : memref<1x64xf32, #tpu.memory_space<vmem>>, vector<1x64xf32>
    %mul3A_58 = vector.broadcast %get3A_57 : vector<1x64xf32> to vector<10000x64xf32>
    %mul3A_59 = arith.mulf %dot_general3A_43, %mul3A_58 : vector<10000x64xf32>
    %reduce_sum3A_60 = arith.constant dense<0.000000e+00> : vector<10000xf32>
    %reduce_sum3A_61 = vector.multi_reduction <add>, %mul3A_59, %reduce_sum3A_60 [1] : vector<10000x64xf32> to vector<10000xf32>
    %broadcast_in_dim3A_62 = vector.shape_cast %reduce_sum3A_61 : vector<10000xf32> to vector<10000x1xf32>
    %swap3A_63 = arith.constant 0 : index
    %swap3A_64 = arith.constant 0 : index
    %swap3A_65 = vector.load %arg8[%swap3A_63, %swap3A_64] : memref<10000x1xf32, #tpu.memory_space<vmem>>, vector<10000x1xf32>
    tpu.vector_store %arg8[%swap3A_63, %swap3A_64], %broadcast_in_dim3A_62 {strides = array<i32>} : memref<10000x1xf32, #tpu.memory_space<vmem>>, vector<10000x1xf32>,
    return
  }
}

module attributes {stable_mosaic.version = 14 : i64} {
  func.func @_final_body(%arg0: memref<2x10000x64xf32, #tpu.memory_space<vmem>>, %arg1: memref<2x10000x1xf32, #tpu.memory_space<vmem>>, %arg2: memref<1x64xf32, #tpu.memory_space<vmem>>, %arg3: memref<10000x64xf32, #tpu.memory_space<vmem>>) attributes {dimension_semantics = [], scalar_prefetch = 0 : i64, scratch_operands = 0 : i64, tpu.core_type = #tpu.core_type<tc>} {
    %get3A = arith.constant 0 : index
    %get3A_0 = arith.constant 0 : index
    %get3A_1 = arith.constant 0 : index
    %get3A_2 = vector.load %arg0[%get3A, %get3A_0, %get3A_1] : memref<2x10000x64xf32, #tpu.memory_space<vmem>>, vector<1x10000x64xf32>
    %get3A_3 = vector.shape_cast %get3A_2 : vector<1x10000x64xf32> to vector<10000x64xf32>
    %get3A_4 = arith.constant 1 : index
    %get3A_5 = arith.constant 0 : index
    %get3A_6 = arith.constant 0 : index
    %get3A_7 = vector.load %arg0[%get3A_4, %get3A_5, %get3A_6] : memref<2x10000x64xf32, #tpu.memory_space<vmem>>, vector<1x10000x64xf32>
    %get3A_8 = vector.shape_cast %get3A_7 : vector<1x10000x64xf32> to vector<10000x64xf32>
    %add3A = arith.addf %get3A_3, %get3A_8 : vector<10000x64xf32>
    %get3A_9 = arith.constant 0 : index
    %get3A_10 = arith.constant 0 : index
    %get3A_11 = arith.constant 0 : index
    %get3A_12 = vector.load %arg1[%get3A_9, %get3A_10, %get3A_11] : memref<2x10000x1xf32, #tpu.memory_space<vmem>>, vector<1x10000x1xf32>
    %get3A_13 = vector.shape_cast %get3A_12 : vector<1x10000x1xf32> to vector<10000x1xf32>
    %get3A_14 = arith.constant 1 : index
    %get3A_15 = arith.constant 0 : index
    %get3A_16 = arith.constant 0 : index
    %get3A_17 = vector.load %arg1[%get3A_14, %get3A_15, %get3A_16] : memref<2x10000x1xf32, #tpu.memory_space<vmem>>, vector<1x10000x1xf32>
    %get3A_18 = vector.shape_cast %get3A_17 : vector<1x10000x1xf32> to vector<10000x1xf32>
    %add3A_19 = arith.addf %get3A_13, %get3A_18 : vector<10000x1xf32>
    %gt3A = arith.constant 0.000000e+00 : f32
    %gt3A_20 = vector.broadcast %gt3A : f32 to vector<10000x1xf32>
    %gt3A_21 = arith.cmpf ogt, %add3A_19, %gt3A_20 : vector<10000x1xf32>
    %max3A = arith.constant 1.000000e-30 : f32
    %max3A_22 = vector.broadcast %max3A : f32 to vector<10000x1xf32>
    %max3A_23 = arith.maximumf %add3A_19, %max3A_22 : vector<10000x1xf32>
    %div3A = vector.broadcast %max3A_23 : vector<10000x1xf32> to vector<10000x64xf32>
    %div3A_24 = arith.divf %add3A, %div3A : vector<10000x64xf32>
    %jit3A = arith.constant 0.000000e+00 : f32
    %broadcast_in_dim3A = vector.shape_cast %gt3A_21 : vector<10000x1xi1> to vector<10000x1xi1>
    %broadcast_in_dim3A_25 = vector.broadcast %broadcast_in_dim3A : vector<10000x1xi1> to vector<10000x64xi1>
    %broadcast_in_dim3A_26 = vector.broadcast %jit3A : f32 to vector<10000x64xf32>
    %select_n3A = arith.select %broadcast_in_dim3A_25, %div3A_24, %broadcast_in_dim3A_26 : vector<10000x64xi1>, vector<10000x64xf32>
    %get3A_27 = arith.constant 0 : index
    %get3A_28 = arith.constant 0 : index
    %get3A_29 = vector.load %arg2[%get3A_27, %get3A_28] : memref<1x64xf32, #tpu.memory_space<vmem>>, vector<1x64xf32>
    %add3A_30 = vector.broadcast %get3A_29 : vector<1x64xf32> to vector<10000x64xf32>
    %add3A_31 = arith.addf %select_n3A, %add3A_30 : vector<10000x64xf32>
    %swap3A = arith.constant 0 : index
    %swap3A_32 = arith.constant 0 : index
    %swap3A_33 = vector.load %arg3[%swap3A, %swap3A_32] : memref<10000x64xf32, #tpu.memory_space<vmem>>, vector<10000x64xf32>
    tpu.vector_store %arg3[%swap3A, %swap3A_32], %add3A_31 {strides = array<i32>} : memref<10000x64xf32, #tpu.memory_space<vmem>>, vector<10000x64xf32>,
    return
  }
}

</mosaic_0001>

<sc_bundles>
// kernel: kernel.12.cloned.1.call-start
scs
__scs_entry_jumppad:
0x0: {  	(pc) =	sbr.rel $0x88, $3  }
0x1: {  	(tag) =	ssettag $0x0;
	lr =	simm.s32 $0x1  }
0x2: {  	[smem:$0x3F93] =	sst lr;
	_ =	strace $0xD0000000  }
0x3: {  	_ = 	snop  }
0x4: {  	_ = 	snop  }
0x5: {  	_ = 	snop  }
0x6: {  	_ = 	snop  }
0x7: {  	_ = 	snop  }
__scs_overlays_trampoline_lowered:
0x8: {  	[smem:$0x3FA2] =	sst s0  }
0x9: {  	[smem:$0x3FA3] =	sst s1  }
0xa: {  	[smem:$0x3FA4] =	sst s2  }
0xb: {  	[smem:$0x3FA5] =	sst s3  }
0xc: {  	[smem:$0x3FA6] =	sst s4  }
0xd: {  	[smem:$0x3FA7] =	sst s5  }
0xe: {  	[smem:$0x3FA8] =	sst s6  }
0xf: {  	[smem:$0x3FA9] =	sst s7  }
0x10: {  	[smem:$0x3FAA] =	sst s8  }
0x11: {  	[smem:$0x3FAB] =	sst s9;
	s0 =	simm.s32 @!p0 $0x0  }
0x12: {  	s1 =	sld [smem:$0x3F91];
	s0 =	simm.s32 @p0 $0x1  }
0x13: {  	[smem:$0x3FAC] =	sst s0;
	s0 =	simm.s32 @!p1 $0x0  }
0x14: {  	s2 =	sld [smem:$0x3F90];
	s0 =	simm.s32 @p1 $0x1  }
0x15: {  	[smem:$0x3FAD] =	sst s0;
	s0 =	simm.s32 @!p2 $0x0  }
0x16: {  	s3 =	sld [smem:$0x3FDB];
	s0 =	simm.s32 @p2 $0x1  }
0x17: {  	s4 =	simm.s32 $0x1BF5;
	[smem:$0x3FAF] =	sst s0  }
0x18: {  	s0 =	sld [smem:$0x3F92];
	_ =	swait.ge [sflag:s4], $0x0  }
0x19: {  	s7 =	sld [smem:$0x3F93]  }
0x1a: {  	s8 =	sadd.s32 $0xFFFFE003, lr  }
0x1b: {  	s9 =	sadd.s32 $0xFFFFFEF7, lr;
	s5 =	simm.s32 $0xFFFFFFFF;
	p2 =	slt.u32 s8, $0xFFFFF086  }
0x1c: {  	p1 =	slt.u32 s9, $0xF7A;
	s5 =	simm.s32 @!p2 $0x0  }
0x1d: {  	s5 =	simm.s32 @p1 $0x1;
	p0 =	seq.s32 s7, s2  }
0x1e: {  	s7 =	smul.u32 @!p0 $0xF7A, s2;
	p2 =	seq.s32 @!p0 s5, $0x0  }
0x1f: {  	s9 =	smul.u32 $0xF7A, s1;
	s8 =	simm.s32 @!p0 $0x1BF5;
	p2 =	por !p2, p0  }
0x20: {  	[sflag:s8] =	ssyncset.s32 @!p0 $0xFFFFF086;
	s6 =	sadd.s32 @!p0 s3, s7;
	s7 =	simm.s32 @!p0 $0x108  }
0x21: {  	s3 =	sadd.s32 s3, s9;
	s6 =	sadd.s32 @!p0 $0x88, s6;
	s7 =	simm.s32 @p2 $0x1082  }
0x22: {  	[simem:s7], [sflag:s8] =	dma.local @!p0 [hbm:s6], $0xF7A  }
0x23: {  	s9 =	sor.u32 $0xD0000000, s2;
	s6 =	simm.s32 $0x108;
	_ =	swait.ge @!p0 [sflag:s8], $0x0  }
0x24: {  	s3 =	sadd.s32 $0x88, s3;
	s6 =	simm.s32 @!p1 $0x1082;
	[sflag:s4] =	ssyncset.s32 $0xFFFFF086  }
0x25: {  	[simem:s6], [sflag:s4] =	dma.local [hbm:s3], $0xF7A  }
0x26: {  	[smem:$0x3F93] =	sst s1;
	(tag) =	ssettag s2;
	_ =	strace s9  }
0x27: {  	s1 =	sld [smem:$0x3FA3]  }
0x28: {  	s2 =	sld [smem:$0x3FA4]  }
0x29: {  	s4 =	sld [smem:$0x3FA6]  }
0x2a: {  	p0 =	seq.s32 s5, $0x0;
	s5 =	sld [smem:$0x3FA7]  }
0x2b: {  	s6 =	sld [smem:$0x3FA8]  }
0x2c: {  	s7 =	sld [smem:$0x3FA9]  }
0x2d: {  	s3 =	simm.s32 $0x108;
	s8 =	sld [smem:$0x3FAA]  }
0x2e: {  	s3 =	simm.s32 @!p0 $0x1082;
	s9 =	sld [smem:$0x3FAB]  }
0x2f: {  	lr =	sadd.s32 s0, s3;
	s0 =	sld [smem:$0x3FA2]  }
0x30: {  	s3 =	sld [smem:$0x3FA5]  }
0x31: {  	[smem:$0x3FAE] =	sst s10  }
0x32: {  	s10 =	sld [smem:$0x3FAC];
	_ =	sdelay $0x3  }
0x33: {  	p0 =	seq.s32 s10, $0x1;
	s10 =	sld [smem:$0x3FAE];
	_ =	sdelay $0x3  }
0x34: {  	[smem:$0x3FAE] =	sst s10  }
0x35: {  	s10 =	sld [smem:$0x3FAD];
	_ =	sdelay $0x3  }
0x36: {  	p1 =	seq.s32 s10, $0x1;
	s10 =	sld [smem:$0x3FAE];
	_ =	sdelay $0x3  }
0x37: {  	[smem:$0x3FAE] =	sst s10  }
0x38: {  	s10 =	sld [smem:$0x3FAF]  }
0x39: {  	_ = 	snop;
	(pc) =	sbr.ind lr, $3  }
0x3a: {  	_ = 	snop  }
0x3b: {  	_ = 	snop  }
0x3c: {  	p2 =	seq.s32 s10, $0x1;
	s10 =	sld [smem:$0x3FAE]  }
0x3d: {  	_ =	shalt  }
0x3e: {  	_ =	shalt  }
0x3f: {  	_ =	shalt  }
0x40: {  	_ =	shalt  }
0x41: {  	_ =	shalt  }
0x42: {  	_ =	shalt  }
0x43: {  	_ =	shalt  }
0x44: {  	_ =	shalt  }
0x45: {  	_ =	shalt  }
0x46: {  	_ =	shalt  }
0x47: {  	_ =	shalt  }
0x48: {  	_ =	shalt  }
0x49: {  	_ =	shalt  }
0x4a: {  	_ =	shalt  }
0x4b: {  	_ =	shalt  }
0x4c: {  	_ =	shalt  }
0x4d: {  	_ =	shalt  }
0x4e: {  	_ =	shalt  }
0x4f: {  	_ =	shalt  }
0x50: {  	_ =	shalt  }
0x51: {  	_ =	shalt  }
0x52: {  	_ =	shalt  }
0x53: {  	_ =	shalt  }
0x54: {  	_ =	shalt  }
0x55: {  	_ =	shalt  }
0x56: {  	_ =	shalt  }
0x57: {  	_ =	shalt  }
0x58: {  	_ =	shalt  }
0x59: {  	_ =	shalt  }
0x5a: {  	_ =	shalt  }
0x5b: {  	_ =	shalt  }
0x5c: {  	_ =	shalt  }
0x5d: {  	_ =	shalt  }
0x5e: {  	_ =	shalt  }
0x5f: {  	_ =	shalt  }
0x60: {  	_ =	shalt  }
0x61: {  	_ =	shalt  }
0x62: {  	_ =	shalt  }
0x63: {  	_ =	shalt  }
0x64: {  	_ =	shalt  }
0x65: {  	_ =	shalt  }
0x66: {  	_ =	shalt  }
0x67: {  	_ =	shalt  }
0x68: {  	_ =	shalt  }
0x69: {  	_ =	shalt  }
0x6a: {  	_ =	shalt  }
0x6b: {  	_ =	shalt  }
0x6c: {  	_ =	shalt  }
0x6d: {  	_ =	shalt  }
0x6e: {  	_ =	shalt  }
0x6f: {  	_ =	shalt  }
0x70: {  	_ =	shalt  }
0x71: {  	_ =	shalt  }
0x72: {  	_ =	shalt  }
0x73: {  	_ =	shalt  }
0x74: {  	_ =	shalt  }
0x75: {  	_ =	shalt  }
0x76: {  	_ =	shalt  }
0x77: {  	_ =	shalt  }
0x78: {  	_ =	shalt  }
0x79: {  	_ =	shalt  }
0x7a: {  	_ =	shalt  }
0x7b: {  	_ =	shalt  }
0x7c: {  	_ =	shalt  }
0x7d: {  	_ =	shalt  }
0x7e: {  	_ =	shalt  }
0x7f: {  	_ =	shalt  }
0x80: {  	_ =	shalt  }
0x81: {  	_ =	shalt  }
0x82: {  	_ =	shalt  }
0x83: {  	_ =	shalt  }
0x84: {  	_ =	shalt  }
0x85: {  	_ =	shalt  }
0x86: {  	_ =	shalt  }
0x87: {  	_ =	shalt  }
.Lfunc_end0:
.L_simem_size_0:
called_computation.1_lowered:
.L_overlay_start_0:
0x88: {  	s2 =	sld [smem:$0x3FD9]  }
0x89: {  	s3 =	sld [smem:$0x3FFE];
	_ =	sdelay $0x1  }
0x8a: {  	s1 =	srdreg.scid  }
0x8b: {  	s0 =	sand.u32 $0x1, s1  }
0x8c: {  	s17 =	sshll.u32 s0, $0xA;
	s2 =	sadd.s32 s3, s2  }
0x8d: {  	s2 =	sadd.s32 s2, s17  }
0x8e: {  	[smem:$0x3FBA] =	sst s2  }
0x8f: {  	_ = 	snop  }
0x90: {  	s2 =	sld [smem:$0x3FD0];
	(tm) =	ssettm $0x1  }
0x91: {  	s18 =	sld [smem:$0x3FFB];
	_ =	sdelay $0x3  }
0x92: {  	_ =	strace s18  }
0x93: {  	s3 =	sld [smem:$0x3FFC];
	_ =	sdelay $0x3  }
0x94: {  	_ =	strace s3  }
0x95: {  	s3 =	sld [smem:$0x3FFD];
	_ =	sdelay $0x3  }
0x96: {  	_ =	strace s3  }
0x97: {  	_ =	strace $0x8FFFFFFF  }
0x98: {  	s19 =	sld [smem:$0x3FDB];
	_ =	sdelay $0x1  }
0x99: {  	s4 =	simm.s32 $_scs_section_size  }
0x9a: {  	s5 =	simm.s32 $_size__tile_overlayer_lowered;
	s6 =	simm.s32 $_tile_overlayer_lowered  }
0x9b: {  	s22 =	simm.s32 $0x1BFF;
	s21 =	sshll.u32 s6, $0x1;
	s3 =	sadd.s32 s4, s19  }
0x9c: {  	s7 =	simm.s32 $0x0;
	s20 =	sshll.u32 s5, $0x1;
	s5 =	sadd.s32 s21, s3  }
0x9d: {  	[timem:s7], [sflag:s22] =	dma.local [hbm:s5], s20  }
0x9e: {  	_ =	swait.ge [sflag:s22], s20  }
0x9f: {  	s4 =	ssub.s32 $0x0, s20;
	[sflag:s22] =	ssyncset.done $0x0  }
0xa0: {  	[sflag:s22] =	ssyncadd.s32 s4;
	_ =	sdelay $0x1  }
0xa1: {  	s23 =	simm.s32 $0x1B8B  }
0xa2: {  	_ =	swait.ge [sflag:s23], $0x1  }
0xa3: {  	[sflag:s23] =	ssyncset.done $0x0  }
0xa4: {  	s25 =	simm.s32 $0x1B8E;
	s24 =	sld [smem:$0x3FFE];
	[sflag:s23] =	ssyncadd.s32 $0xFFFFFFFF  }
0xa5: {  	s26 =	simm.s32 $execute0_lowered;
	[smem:$0x3FD2] =	sst s25  }
0xa6: {  	s5 =	sshll.u32 s26, $0x1;
	_ =	strace $0x80000049;
	[dreg:$0x1] =	wrdreg $0xFFFFFFFF  }
0xa7: {  	s28 =	simm.s32 $_size_execute0_lowered;
	s3 =	sadd.s32 s3, s5;
	[dreg:$0x0] =	wrdreg $0x0  }
0xa8: {  	s5 =	sshll.u32 s28, $0x1;
	[dreg:$0x2] =	wrdreg s3  }
0xa9: {  	[dreg:$0x3] =	wrdreg s5  }
0xaa: {  	[dreg:$0x4] =	wrdreg $0xC0  }
0xab: {  	_ =	task [dreg:s7], $0x5FFFF  }
0xac: {  	[dreg:$0x1] =	wrdreg $0xFFFFFFFF  }
0xad: {  	[dreg:$0x0] =	wrdreg $0x60  }
0xae: {  	[dreg:$0x2] =	wrdreg s24  }
0xaf: {  	[dreg:$0x3] =	wrdreg s2  }
0xb0: {  	[dreg:$0x4] =	wrdreg $0xBC700  }
0xb1: {  	[dreg:$0x5] =	wrdreg $0xE4700  }
0xb2: {  	[dreg:$0x6] =	wrdreg $0x9  }
0xb3: {  	_ =	task.clear_ibuf [dreg:s7], $0x7FFFF;
	_ =	strace $0x90000049  }
0xb4: {  	s29 =	simm.s32 $0x9;
	_ =	strace $0x8000004B  }
0xb5: {  	_ =	swait.ge [sflag:s29], $0x1  }
0xb6: {  	[sflag:s29] =	ssyncadd.s32 $0xFFFFFFFF  }
0xb7: {  	_ =	strace $0x9000004B  }
0xb8: {  	_ =	sfence  }
0xb9: {  	s30 =	sld [smem:$0x0];
	_ =	sdelay $0x2  }
0xba: {  	s31 =	sshll.u32 s1, $0xD;
	s1 =	sshrl.u32 s1, $0x2  }
0xbb: {  	s3 =	sand.u32 $0x4000, s31;
	s1 =	sadd.s32 s1, s30  }
0xbc: {  	s0 =	sor.u32 s3, s0;
	s1 =	sshll.u32 s1, $0x11  }
0xbd: {  	s0 =	sor.u32 s1, s0  }
0xbe: {  	s0 =	sadd.s32 $0x8F2B, s0  }
0xbf: {  	[sflag:s0] =	ssyncadd.remote.s32 $0x1  }
0xc0: {  	_ =	sfence.sel $0xFFFF  }
0xc1: {  	[dreg:$0x0] =	wrdreg $0xFFFFFFFF;
	(pc) =	sbr.abs _section_cstart, $3  }
0xc2: {  	[dreg:$0x1] =	wrdreg $0xFFFFFFFF  }
0xc3: {  	_ =	task.clear_ibuf [dreg:s7], $0x2FFFF;
	_ =	strace $0x9FFFFFFF  }
0xc4: {  	(tm) =	ssettm $0x7FFFFFFF  }
0xc5: {  	_ =	shalt  }
tec
execute0_lowered:
.L_overlay_start_1:
0x0: {  	(tag) =	ssettag $0x1  }
0x1: {  	s0 =	rddreg [dreg:$0x0]  }
0x2: {  	s1 =	rddreg [dreg:$0x1]  }
0x3: {  	s2 =	rddreg [dreg:$0x2]  }
0x4: {  	s3 =	rddreg [dreg:$0x3]  }
0x5: {  	s5 =	srdreg.scid;
	s11 =	stileid.u32  }
0x6: {  	s4 =	simm.s32 $0x0;
	s19 =	simm.s32 $0x2;
	s28 =	simm.s32 $0x1  }
0x7: {  	s29 =	simm.s32 $0xB860;
	s30 =	simm.s32 $0xB9F0;
	s31 =	simm.s32 $0x0  }
0x8: {  	s6 =	sand.u32 $0x1, s5;
	s7 =	smul.u32 $0x280, s11;
	[smem:$0x7FF] =	sst s4  }
0x9: {  	s8 =	sshll.u32 s11, $0x1;
	s5 =	sadd.s32 $0x14600, s0;
	s13 =	smul.u32 $0x2800, s11  }
0xa: {  	s10 =	sadd.s32 $0x19600, s0;
	s20 =	sadd.s32 $0x19C00, s0;
	s9 =	smul.u32 $0x2800, s6  }
0xb: {  	_ =	strace $0x8000004A;
	s8 =	sor.u32 s6, s8;
	[dreg:$0x5] =	wrdreg s10  }
0xc: {  	[dreg:$0x6] =	wrdreg s20;
	s21 =	ssub.s32 $0x2, s6;
	s6 =	smul.u32 $0x28000, s6  }
0xd: {  	s8 =	smul.u32 $0x4E2, s8;
	s22 =	sshrl.u32 s21, $0x1;
	s14 =	sadd.s32 $0x190, s7  }
0xe: {  	s10 =	sadd.s32 s13, s2;
	s12 =	sadd.s32 s7, s3;
	s26 =	sadd.s32 $0x1400, s13  }
0xf: {  	s9 =	sadd.s32 s7, s9;
	s24 =	sshll.u32 s14, $0x4;
	s25 =	sadd.s32 s13, s6  }
0x10: {  	s13 =	sadd.s32 s14, s3;
	s6 =	sadd.s32 s6, s26;
	s15 =	sadd.s32 s26, s2  }
0x11: {  	s26 =	simm.s32 $0xB6D0;
	s9 =	sshrl.u32 s9, $0x3;
	s8 =	sadd.s32 s8, s0  }
0x12: {  	s11 =	sadd.s32 s24, s2;
	s7 =	sshrl.u32 s25, $0x3;
	s6 =	sshrl.u32 s6, $0x3  }
0x13: {  	s24 =	simm.s32 $0xB540;
	s25 =	simm.s32 $0x190;
	s0 =	sadd.s32 s9, s0  }
0x14: {  	s9 =	ssub.s32 s21, s22;
	s23 =	sadd.s32 $0xA800, s8;
	s8 =	sadd.s32 $0xA00, s8  }
0x15: {  	s14 =	sadd.s32 s1, s7;
	s16 =	sadd.s32 s1, s6;
	[dreg:$0x7] =	wrdreg s23  }
0x16: {  	s21 =	simm.s32 $0x4E20;
	s22 =	simm.s32 $0x7530;
	[dreg:$0x8] =	wrdreg s8  }
0x17: {  	v0 =	vimm.f32 $0.0e+00;
	s17 =	sadd.s32 $0x1A200, s0;
	s18 =	smax.u32 s9, $0x1;
	s23 =	simm.s32 $0x9C40  }
.LBB2_1:
0x18: {  	s0 =	rddreg [dreg:$0x7]  }
0x19: {  	[tilespmem:s4], [sflag:$0x2] =	stream.linear.gather [hbm4b:s0+s4], $0x2710, $0x38;
	[tilespmem:$0xE6F0] =	vst v63  }
0x1a: {  	_ =	swait.ge [sflag:s19], $0x2710  }
0x1b: {  	[sflag:s19] =	ssyncset.done $0x0  }
0x1c: {  	s1 =	simm.s32 $0x2710;
	s8 =	rddreg [dreg:$0x8];
	[sflag:s19] =	ssyncadd.s32 $0xFFFFD8F0  }
0x1d: {  	[tilespmem:s1], [sflag:$0x2] =	stream.linear.gather [hbm4b:s8+s4], $0x2710, $0x38;
	[tilespmem:$0xE6F0] =	vst v63  }
0x1e: {  	_ =	swait.ge [sflag:s19], $0x2710  }
0x1f: {  	[sflag:s19] =	ssyncset.done $0x0  }
0x20: {  	s9 =	rddreg [dreg:$0x5];
	[sflag:s19] =	ssyncadd.s32 $0xFFFFD8F0  }
0x21: {  	[tilespmem:s21], [sflag:$0x2] =	stream.linear.gather [hbm4b:s9+s4], $0x2710, $0x38;
	[tilespmem:$0xE6F0] =	vst v63  }
0x22: {  	_ =	swait.ge [sflag:s19], $0x2710  }
0x23: {  	[sflag:s19] =	ssyncset.done $0x0  }
0x24: {  	s20 =	rddreg [dreg:$0x6];
	[sflag:s19] =	ssyncadd.s32 $0xFFFFD8F0  }
0x25: {  	[tilespmem:s22], [sflag:$0x2] =	stream.linear.gather [hbm4b:s20+s4], $0x2710, $0x38;
	[tilespmem:$0xE6F0] =	vst v63  }
0x26: {  	_ =	swait.ge [sflag:s19], $0x2710  }
0x27: {  	[sflag:s19] =	ssyncset.done $0x0  }
0x28: {  	s0 =	simm.s32 $0x40;
	s1 =	simm.s32 $0x0;
	[sflag:s19] =	ssyncadd.s32 $0xFFFFD8F0  }
.LBB2_2:
0x29: {  	p0 =	sne.s32 s0, $0x63C0;
	[tilespmem:s1+$0x9C40] =	vst v0;
	s1 =	smov.u32 s0;
	s0 =	sadd.s32 $0x40, s0  }
.Ltmp0:
0x2a: {  	(pc) =	sbr.rel @p0 .LBB2_2-.Ltmp0, $2  }
0x2b: {  	_ =	sdelay $0x2  }
0x2c: {  	s1 =	sshra.s32 s1, $0x2  }
0x2d: {  	[tilespmem:s1+$0x9C40] =	vst v0  }
0x2e: {  	[tilespmem:$0xB540] =	vst v0  }
0x2f: {  	[tilespmem:$0xB550] =	vst v0  }
0x30: {  	[tilespmem:$0xB560] =	vst v0  }
0x31: {  	[tilespmem:$0xB570] =	vst v0  }
0x32: {  	[tilespmem:$0xB580] =	vst v0  }
0x33: {  	[tilespmem:$0xB590] =	vst v0  }
0x34: {  	[tilespmem:$0xB5A0] =	vst v0  }
0x35: {  	[tilespmem:$0xB5B0] =	vst v0  }
0x36: {  	[tilespmem:$0xB5C0] =	vst v0  }
0x37: {  	[tilespmem:$0xB5D0] =	vst v0  }
0x38: {  	[tilespmem:$0xB5E0] =	vst v0  }
0x39: {  	[tilespmem:$0xB5F0] =	vst v0  }
0x3a: {  	[tilespmem:$0xB600] =	vst v0  }
0x3b: {  	[tilespmem:$0xB610] =	vst v0  }
0x3c: {  	[tilespmem:$0xB620] =	vst v0  }
0x3d: {  	[tilespmem:$0xB630] =	vst v0  }
0x3e: {  	[tilespmem:$0xB640] =	vst v0  }
0x3f: {  	[tilespmem:$0xB650] =	vst v0  }
0x40: {  	[tilespmem:$0xB660] =	vst v0  }
0x41: {  	[tilespmem:$0xB670] =	vst v0  }
0x42: {  	[tilespmem:$0xB680] =	vst v0  }
0x43: {  	[tilespmem:$0xB690] =	vst v0  }
0x44: {  	[tilespmem:$0xB6A0] =	vst v0  }
0x45: {  	[tilespmem:$0xB6B0] =	vst v0  }
0x46: {  	[tilespmem:$0xB6C0] =	vst v0  }
0x47: {  	[spmem:s10] =	stream.linear.scatter [tilespmem:s23], [sflag:$0x2], $0x1900, $0x38;
	[tilespmem:$0xE6F0] =	vst v63  }
0x48: {  	_ =	swait.ge [sflag:s19], $0x1900  }
0x49: {  	[sflag:s19] =	ssyncset.done $0x0  }
0x4a: {  	[sflag:s19] =	ssyncadd.s32 $0xFFFFE700  }
0x4b: {  	[spmem:s11] =	stream.linear.scatter [tilespmem:s23], [sflag:$0x2], $0xF00, $0x38;
	[tilespmem:$0xE6F0] =	vst v63  }
0x4c: {  	_ =	swait.ge [sflag:s19], $0xF00  }
0x4d: {  	[sflag:s19] =	ssyncset.done $0x0  }
0x4e: {  	[sflag:s19] =	ssyncadd.s32 $0xFFFFF100  }
0x4f: {  	[spmem:s12] =	stream.linear.scatter [tilespmem:s24], [sflag:$0x2], $0x190, $0x38;
	[tilespmem:$0xE6F0] =	vst v63  }
0x50: {  	_ =	swait.ge [sflag:s19], $0x190  }
0x51: {  	[sflag:s19] =	ssyncset.done $0x0  }
0x52: {  	[sflag:s19] =	ssyncadd.s32 $0xFFFFFE70  }
0x53: {  	[spmem:s13] =	stream.linear.scatter [tilespmem:s24], [sflag:$0x2], $0xF0, $0x38;
	[tilespmem:$0xE6F0] =	vst v63  }
0x54: {  	_ =	swait.ge [sflag:s19], $0xF0  }
0x55: {  	[sflag:s19] =	ssyncset.done $0x0  }
0x56: {  	s0 =	simm.s32 $0x0;
	[sflag:s19] =	ssyncadd.s32 $0xFFFFFF10  }
0x57: {  	s1 =	simm.s32 $0x2710;
	s20 =	simm.s32 $0x0;
	[bflag:$0x0] =	sbarrier.arrive $0xFFFF  }
.LBB2_4:
0x58: {  	v1 =	vmov s0;
	_ =	sdelay $0x1  }
0x59: {  	v2 =	vmov s1;
	_ =	sdelay $0x1  }
0x5a: {  	s6 =	simm.s32 $0x0;
	s7 =	simm.s32 $0x40  }
.LBB2_5:
0x5b: {  	p0 =	sne.s32 s7, $0x600;
	v3 =	vld.idx.msk [tilespmem:v1+s6+$0x0 ss:$0x1], $0xffff;
	_ =	sdelay $0x5  }
0x5c: {  	[tilespmem:s6+$0xB6D0] =	vst v3  }
0x5d: {  	v3 =	vld.idx.msk [tilespmem:v2+s6+$0x0 ss:$0x1], $0xffff;
	_ =	sdelay $0x1  }
.Ltmp1:
0x5e: {  	(pc) =	sbr.rel @p0 .LBB2_5-.Ltmp1, $2  }
0x5f: {  	_ =	sdelay $0x2  }
0x60: {  	[tilespmem:s6+$0xB860] =	vst v3;
	s6 =	sshra.s32 s7, $0x2;
	s7 =	sadd.s32 $0x40, s7  }
0x61: {  	_ =	sdelay $0x3  }
0x62: {  	v3 =	vld.idx.msk [tilespmem:v1+s6+$0x0 ss:$0x1], $0xffff;
	_ =	sdelay $0x4  }
0x63: {  	[tilespmem:s6+$0xB6D0] =	vst v3  }
0x64: {  	v3 =	vld.idx.msk [tilespmem:v2+s6+$0x0 ss:$0x1], $0xffff;
	_ =	sdelay $0x4  }
0x65: {  	[tilespmem:s6+$0xB860] =	vst v3  }
0x66: {  	[tilespmem:s23], [sflag:$0x1] =	stream.indirect.gather [hbm4b:s5+s25], $0x10, s26, s25, $0xb8;
	[tilespmem:$0xE6F0] =	vst v63  }
0x67: {  	_ =	swait.ge [sflag:s28], $0x1900  }
0x68: {  	[sflag:s28] =	ssyncset.done $0x0  }
0x69: {  	s6 =	simm.s32 $0x0;
	[sflag:s28] =	ssyncadd.s32 $0xFFFFE700  }
.LBB2_7:
0x6a: {  	s7 =	sshra.s32 s6, $0x2  }
0x6b: {  	v3 =	vld.idx.msk [tilespmem:v1+s7+$0x0 ss:$0x1], $0xffff  }
0x6c: {  	v4 =	vld.idx.msk [tilespmem:v2+s7+$0x0 ss:$0x1], $0xffff;
	_ =	sdelay $0x6  }
0x6d: {  	v3 =	vld.idx.msk [tilespmem:v3+s21+$0x0], $0xffff  }
0x6e: {  	v4 =	vld.idx.msk [tilespmem:v4+s22+$0x0], $0xffff;
	_ =	sdelay $0x4  }
0x6f: {  	v3 =	vadd.f32 v4, v3;
	_ =	sdelay $0x1  }
0x70: {  	v4 =	vmul.f32 $2.000000030e-01, v3;
	_ =	sdelay $0x1  }
0x71: {  	v3 =	vmax.f32 v3, v4  }
0x72: {  	v3 =	vmul.f32 $1.442695020e+00, v3;
	_ =	sdelay $0x1  }
0x73: {  	(erf) = vpow2.f32 v3;
	_ =	sdelay $0x4  }
0x74: {  	p0 =	sne.s32 s6, $0x600  }
.Ltmp2:
0x75: {  	_ = 	snop;
	(pc) =	sbr.rel @p0 .LBB2_7-.Ltmp2, $3  }
0x76: {  	_ =	sdelay $0x1  }
0x77: {  	v3 =	vpop (erf)  }
0x78: {  	s6 =	sadd.s32 $0x40, s6;
	[tilespmem:s7+$0xB540] =	vst v3  }
0x79: {  	s6 =	simm.s32 $0x9CC0  }
0x7a: {  	s9 =	simm.s32 $0x0;
	s8 =	simm.s32 $0x40;
	s7 =	simm.s32 $0x9CC0;
	v1 =	vld [tilespmem:s6+$0xFFFFFFB0]  }
.LBB2_9:
0x7b: {  	p0 =	sne.s32 s8, $0x600;
	v2 =	vld [tilespmem:s9+$0xB540]  }
0x7c: {  	v3 =	vld [tilespmem:s6+$0xFFFFFF90]  }
0x7d: {  	v4 =	vld [tilespmem:s6+$0xFFFFFF80]  }
0x7e: {  	v5 =	vld [tilespmem:s6+$0xFFFFFFA0]  }
0x7f: {  	v6 =	vld [tilespmem:s6+$0xFFFFFFF0]  }
0x80: {  	v7 =	vbroadcast v2, $0x0;
	v8 =	vbroadcast v2, $0x1;
	v9 =	vld [tilespmem:s6+$0xFFFFFFD0]  }
0x81: {  	v10 =	vbroadcast v2, $0x2;
	v11 =	vbroadcast v2, $0x3;
	v12 =	vld [tilespmem:s6+$0xFFFFFFC0]  }
0x82: {  	v4 =	vmul.f32 v7, v4;
	v3 =	vmul.f32 v3, v8;
	v7 =	vld [tilespmem:s6+$0xFFFFFFE0]  }
0x83: {  	v1 =	vmul.f32 v1, v11;
	v5 =	vmul.f32 v5, v10;
	v8 =	vld [tilespmem:s6+$0x30]  }
0x84: {  	v10 =	vbroadcast v2, $0x5;
	[tilespmem:s6+$0xFFFFFF80] =	vst v4;
	v4 =	vbroadcast v2, $0x4;
	v11 =	vld [tilespmem:s6+$0x10]  }
0x85: {  	v13 =	vbroadcast v2, $0x7;
	[tilespmem:s6+$0xFFFFFF90] =	vst v3;
	v3 =	vbroadcast v2, $0x6;
	v14 =	vld [tilespmem:s6+$0x0]  }
0x86: {  	[tilespmem:s6+$0xFFFFFFA0] =	vst v5;
	v4 =	vmul.f32 v12, v4;
	v5 =	vmul.f32 v9, v10;
	v9 =	vld [tilespmem:s6+$0x20]  }
0x87: {  	[tilespmem:s6+$0xFFFFFFB0] =	vst v1;
	v1 =	vmul.f32 v7, v3;
	v3 =	vmul.f32 v6, v13;
	v6 =	vld [tilespmem:s6+$0x70]  }
0x88: {  	v7 =	vbroadcast v2, $0x9;
	[tilespmem:s6+$0xFFFFFFC0] =	vst v4;
	v4 =	vbroadcast v2, $0x8;
	v10 =	vld [tilespmem:s6+$0x50]  }
0x89: {  	v12 =	vbroadcast v2, $0xB;
	[tilespmem:s6+$0xFFFFFFD0] =	vst v5;
	v5 =	vbroadcast v2, $0xA;
	v13 =	vld [tilespmem:s6+$0x40]  }
0x8a: {  	[tilespmem:s6+$0xFFFFFFE0] =	vst v1;
	v1 =	vmul.f32 v14, v4;
	v4 =	vmul.f32 v11, v7;
	v7 =	vld [tilespmem:s6+$0x60]  }
0x8b: {  	[tilespmem:s6+$0xFFFFFFF0] =	vst v3;
	v3 =	vmul.f32 v9, v5;
	v5 =	vmul.f32 v8, v12  }
0x8c: {  	v8 =	vbroadcast v2, $0xD;
	[tilespmem:s6+$0x0] =	vst v1;
	v1 =	vbroadcast v2, $0xC  }
0x8d: {  	[tilespmem:s6+$0x10] =	vst v4;
	v4 =	vbroadcast v2, $0xE;
	v2 =	vbroadcast v2, $0xF  }
0x8e: {  	[tilespmem:s6+$0x20] =	vst v3;
	v1 =	vmul.f32 v13, v1;
	v3 =	vmul.f32 v10, v8  }
.Ltmp3:
0x8f: {  	[tilespmem:s6+$0x30] =	vst v5;
	v4 =	vmul.f32 v7, v4;
	v2 =	vmul.f32 v6, v2;
	(pc) =	sbr.rel @p0 .LBB2_9-.Ltmp3, $4  }
0x90: {  	[tilespmem:s6+$0x40] =	vst v1  }
0x91: {  	[tilespmem:s6+$0x50] =	vst v3  }
0x92: {  	s6 =	sadd.s32 $0x100, s6;
	[tilespmem:s7+$0x60] =	vst v4  }
0x93: {  	s9 =	sshra.s32 s8, $0x2;
	s8 =	sadd.s32 $0x40, s8;
	v1 =	vld [tilespmem:s6+$0xFFFFFFB0];
	[tilespmem:s7+$0x70] =	vst v2;
	s7 =	smov.u32 s6  }
0x94: {  	v2 =	vld [tilespmem:s9+$0xB540];
	_ =	sdelay $0x1  }
0x95: {  	v3 =	vld [tilespmem:s6+$0xFFFFFF80]  }
0x96: {  	v4 =	vld [tilespmem:s6+$0xFFFFFF90]  }
0x97: {  	v5 =	vld [tilespmem:s6+$0xFFFFFFA0]  }
0x98: {  	v6 =	vbroadcast v2, $0x0  }
0x99: {  	v9 =	vld [tilespmem:s6+$0xFFFFFFD0];
	v7 =	vbroadcast v2, $0x1  }
0x9a: {  	v8 =	vld [tilespmem:s6+$0xFFFFFFC0];
	v10 =	vbroadcast v2, $0x2;
	v3 =	vmul.f32 v6, v3  }
0x9b: {  	v48 =	vld [tilespmem:s6+$0xFFFFFFE0];
	v47 =	vbroadcast v2, $0x3;
	v4 =	vmul.f32 v4, v7  }
0x9c: {  	v51 =	vld [tilespmem:s6+$0x10];
	v49 =	vbroadcast v2, $0x5;
	v5 =	vmul.f32 v5, v10;
	[tilespmem:s6+$0xFFFFFF80] =	vst v3  }
0x9d: {  	v11 =	vld [tilespmem:s6+$0xFFFFFFF0];
	v1 =	vmul.f32 v1, v47;
	v3 =	vbroadcast v2, $0x4;
	[tilespmem:s6+$0xFFFFFF90] =	vst v4  }
0x9e: {  	v50 =	vld [tilespmem:s6+$0x0];
	v12 =	vbroadcast v2, $0x6;
	v6 =	vmul.f32 v9, v49;
	[tilespmem:s6+$0xFFFFFFA0] =	vst v5  }
0x9f: {  	v56 =	vld [tilespmem:s6+$0x50];
	v54 =	vbroadcast v2, $0x9;
	[tilespmem:s6+$0xFFFFFFB0] =	vst v1;
	v3 =	vmul.f32 v8, v3  }
0xa0: {  	v53 =	vld [tilespmem:s6+$0x20];
	v52 =	vbroadcast v2, $0x7;
	v7 =	vmul.f32 v48, v12;
	[tilespmem:s6+$0xFFFFFFD0] =	vst v6  }
0xa1: {  	v59 =	vmul.f32 v51, v54;
	v1 =	vld [tilespmem:s6+$0x30];
	[tilespmem:s6+$0xFFFFFFC0] =	vst v3;
	v3 =	vbroadcast v2, $0x8  }
0xa2: {  	v55 =	vld [tilespmem:s6+$0x40];
	v62 =	vbroadcast v2, $0xD;
	v5 =	vmul.f32 v11, v52;
	[tilespmem:s6+$0xFFFFFFE0] =	vst v7  }
0xa3: {  	v60 =	vld [tilespmem:s6+$0x60];
	v57 =	vbroadcast v2, $0xA;
	[tilespmem:s6+$0x10] =	vst v59;
	v3 =	vmul.f32 v50, v3  }
0xa4: {  	v61 =	vld [tilespmem:s6+$0x70];
	v58 =	vbroadcast v2, $0xB;
	v4 =	vmul.f32 v56, v62;
	[tilespmem:s6+$0xFFFFFFF0] =	vst v5  }
0xa5: {  	v8 =	vmul.f32 v53, v57;
	[tilespmem:s6+$0x0] =	vst v3;
	v3 =	vbroadcast v2, $0xC  }
0xa6: {  	v63 =	vbroadcast v2, $0xE;
	[tilespmem:s6+$0x50] =	vst v4;
	v1 =	vmul.f32 v1, v58  }
0xa7: {  	[tilespmem:s6+$0x20] =	vst v8;
	v2 =	vbroadcast v2, $0xF;
	v3 =	vmul.f32 v55, v3  }
0xa8: {  	[tilespmem:s6+$0x30] =	vst v1;
	v1 =	vmul.f32 v60, v63  }
0xa9: {  	v2 =	vmul.f32 v61, v2;
	[tilespmem:s6+$0x40] =	vst v3  }
0xaa: {  	[tilespmem:s7+$0x60] =	vst v1  }
0xab: {  	[tilespmem:s7+$0x70] =	vst v2  }
0xac: {  	[spmem:s2] =	stream.indirect.scatter.add.f32 [tilespmem:s23], [sflag:$0x2], $0x10, s29, s25, $0xb8;
	[tilespmem:$0xE6F0] =	vst v63  }
0xad: {  	s20 =	sadd.s32 $0x1, s20;
	_ =	swait.ge [sflag:s19], $0x1900  }
0xae: {  	p0 =	sne.s32 s20, $0x19;
	[sflag:s19] =	ssyncset.done $0x0  }
.Ltmp4:
0xaf: {  	[sflag:s19] =	ssyncadd.s32 $0xFFFFE700;
	(pc) =	sbr.rel @p0 .LBB2_4-.Ltmp4, $4  }
0xb0: {  	[spmem:s3] =	stream.indirect.scatter.add.f32 [tilespmem:s24], [sflag:$0x2], $0x1, s29, s25, $0xb8;
	[tilespmem:$0xE6F0] =	vst v63  }
0xb1: {  	_ =	swait.ge [sflag:s19], $0x190  }
0xb2: {  	[sflag:s19] =	ssyncset.done $0x0  }
0xb3: {  	s0 =	sadd.s32 $0x190, s0;
	s1 =	sadd.s32 $0x190, s1;
	[sflag:s19] =	ssyncadd.s32 $0xFFFFFE70  }
0xb4: {  	[bflag:$0x0] =	sbarrier.arrive $0xFFFF  }
0xb5: {  	[tilespmem:s23], [sflag:$0x2] =	stream.linear.gather [spmem:s10], $0x1400, $0x38;
	[tilespmem:$0xE6F0] =	vst v63  }
0xb6: {  	_ =	swait.ge [sflag:s19], $0x1400  }
0xb7: {  	[sflag:s19] =	ssyncset.done $0x0  }
0xb8: {  	[sflag:s19] =	ssyncadd.s32 $0xFFFFEC00  }
0xb9: {  	[hbm4b:s14+s4] =	stream.linear.scatter [tilespmem:s23], [sflag:$0x2], $0x1400, $0x38;
	[tilespmem:$0xE6F0] =	vst v63  }
0xba: {  	_ =	swait.ge [sflag:s19], $0x1400  }
0xbb: {  	[sflag:s19] =	ssyncset.done $0x0  }
0xbc: {  	[sflag:s19] =	ssyncadd.s32 $0xFFFFEC00  }
0xbd: {  	[tilespmem:s23], [sflag:$0x2] =	stream.linear.gather [spmem:s15], $0x1400, $0x38;
	[tilespmem:$0xE6F0] =	vst v63  }
0xbe: {  	_ =	swait.ge [sflag:s19], $0x1400  }
0xbf: {  	[sflag:s19] =	ssyncset.done $0x0  }
0xc0: {  	[sflag:s19] =	ssyncadd.s32 $0xFFFFEC00  }
0xc1: {  	[hbm4b:s16+s4] =	stream.linear.scatter [tilespmem:s23], [sflag:$0x2], $0x1400, $0x38;
	[tilespmem:$0xE6F0] =	vst v63  }
0xc2: {  	_ =	swait.ge [sflag:s19], $0x1400  }
0xc3: {  	[sflag:s19] =	ssyncset.done $0x0  }
0xc4: {  	[sflag:s19] =	ssyncadd.s32 $0xFFFFEC00  }
0xc5: {  	[tilespmem:s30], [sflag:$0x2] =	stream.linear.gather [spmem:s12], $0x280, $0x38;
	[tilespmem:$0xE6F0] =	vst v63  }
0xc6: {  	s31 =	sadd.s32 $0x1, s31;
	_ =	swait.ge [sflag:s19], $0x280  }
0xc7: {  	p0 =	sne.s32 s31, s18;
	[sflag:s19] =	ssyncset.done $0x0  }
.Ltmp5:
0xc8: {  	[sflag:s19] =	ssyncadd.s32 $0xFFFFFD80;
	(pc) =	sbr.rel @p0 .LBB2_1-.Ltmp5, $4  }
0xc9: {  	[hbm4b:s17+s4] =	stream.linear.scatter [tilespmem:s30], [sflag:$0x2], $0x280, $0x38;
	[tilespmem:$0xE6F0] =	vst v63  }
0xca: {  	_ =	swait.ge [sflag:s19], $0x280  }
0xcb: {  	[sflag:s19] =	ssyncset.done $0x0  }
0xcc: {  	[sflag:s19] =	ssyncadd.s32 $0xFFFFFD80  }
0xcd: {  	_ =	sfence.sel $0x180000  }
0xce: {  	[bflag:$0x0] =	sbarrier.arrive $0xFFFF  }
0xcf: {  	_ =	strace $0x9000004A  }
0xd0: {  	s0 =	stileid.u32;
	[bflag:$0x2] =	sbarrier.arrive $0xFFFF  }
0xd1: {  	p0 =	sne.s32 s0, $0x0;
	s0 =	rddreg [dreg:$0x4]  }
0xd2: {  	s0 =	sadd.s32 @!p0 $0x100000, s0  }
0xd3: {  	[sflag:s0] =	ssyncadd.tile.s32 @!p0 $0x1;
	_ =	shalt  }
.Lfunc_end2:
_tile_overlayer_lowered:
.L_overlay_start_2:
0xd4: {  	(tag) =	ssettag $0x2  }
0xd5: {  	s0 =	rddreg [dreg:$0x0];
	s2 =	stileid.u32  }
0xd6: {  	s1 =	rddreg [dreg:$0x1];
	p0 =	sne.s32 s2, $0x0  }
0xd7: {  	s3 =	rddreg [dreg:$0x2];
	[bflag:$0x3] =	sbarrier.arrive $0xFFFF;
	s2 =	simm.s32 @!p0 $0x1C02  }
0xd8: {  	[timem:s3], [sflag:s2] =	dma.local @!p0 [hbm:s0], s1  }
0xd9: {  	s0 =	simm.s32 @!p0 $0x2  }
0xda: {  	_ =	swait.ge @!p0 [sflag:s0], s1  }
0xdb: {  	s1 =	ssub.s32 @!p0 $0x0, s1;
	[sflag:s0] =	ssyncset.done @!p0 $0x0  }
0xdc: {  	[sflag:s0] =	ssyncadd.s32 @!p0 s1  }
0xdd: {  	[bflag:$0x3] =	sbarrier.arrive $0xFFFF  }
0xde: {  	_ =	shalt  }

// kernel: kernel.15.cloned.1.call-start
scs
__scs_entry_jumppad:
0x0: {  	(pc) =	sbr.rel $0x88, $3  }
0x1: {  	(tag) =	ssettag $0x0;
	lr =	simm.s32 $0x1  }
0x2: {  	[smem:$0x3F93] =	sst lr;
	_ =	strace $0xD0000000  }
0x3: {  	_ = 	snop  }
0x4: {  	_ = 	snop  }
0x5: {  	_ = 	snop  }
0x6: {  	_ = 	snop  }
0x7: {  	_ = 	snop  }
__scs_overlays_trampoline_lowered:
0x8: {  	[smem:$0x3FA2] =	sst s0  }
0x9: {  	[smem:$0x3FA3] =	sst s1  }
0xa: {  	[smem:$0x3FA4] =	sst s2  }
0xb: {  	[smem:$0x3FA5] =	sst s3  }
0xc: {  	[smem:$0x3FA6] =	sst s4  }
0xd: {  	[smem:$0x3FA7] =	sst s5  }
0xe: {  	[smem:$0x3FA8] =	sst s6  }
0xf: {  	[smem:$0x3FA9] =	sst s7  }
0x10: {  	[smem:$0x3FAA] =	sst s8  }
0x11: {  	[smem:$0x3FAB] =	sst s9;
	s0 =	simm.s32 @!p0 $0x0  }
0x12: {  	s1 =	sld [smem:$0x3F91];
	s0 =	simm.s32 @p0 $0x1  }
0x13: {  	[smem:$0x3FAC] =	sst s0;
	s0 =	simm.s32 @!p1 $0x0  }
0x14: {  	s2 =	sld [smem:$0x3F90];
	s0 =	simm.s32 @p1 $0x1  }
0x15: {  	[smem:$0x3FAD] =	sst s0;
	s0 =	simm.s32 @!p2 $0x0  }
0x16: {  	s3 =	sld [smem:$0x3FDB];
	s0 =	simm.s32 @p2 $0x1  }
0x17: {  	s4 =	simm.s32 $0x1BF5;
	[smem:$0x3FAF] =	sst s0  }
0x18: {  	s0 =	sld [smem:$0x3F92];
	_ =	swait.ge [sflag:s4], $0x0  }
0x19: {  	s7 =	sld [smem:$0x3F93]  }
0x1a: {  	s8 =	sadd.s32 $0xFFFFE003, lr  }
0x1b: {  	s9 =	sadd.s32 $0xFFFFFEF7, lr;
	s5 =	simm.s32 $0xFFFFFFFF;
	p2 =	slt.u32 s8, $0xFFFFF086  }
0x1c: {  	p1 =	slt.u32 s9, $0xF7A;
	s5 =	simm.s32 @!p2 $0x0  }
0x1d: {  	s5 =	simm.s32 @p1 $0x1;
	p0 =	seq.s32 s7, s2  }
0x1e: {  	s7 =	smul.u32 @!p0 $0xF7A, s2;
	p2 =	seq.s32 @!p0 s5, $0x0  }
0x1f: {  	s9 =	smul.u32 $0xF7A, s1;
	s8 =	simm.s32 @!p0 $0x1BF5;
	p2 =	por !p2, p0  }
0x20: {  	[sflag:s8] =	ssyncset.s32 @!p0 $0xFFFFF086;
	s6 =	sadd.s32 @!p0 s3, s7;
	s7 =	simm.s32 @!p0 $0x108  }
0x21: {  	s3 =	sadd.s32 s3, s9;
	s6 =	sadd.s32 @!p0 $0x88, s6;
	s7 =	simm.s32 @p2 $0x1082  }
0x22: {  	[simem:s7], [sflag:s8] =	dma.local @!p0 [hbm:s6], $0xF7A  }
0x23: {  	s9 =	sor.u32 $0xD0000000, s2;
	s6 =	simm.s32 $0x108;
	_ =	swait.ge @!p0 [sflag:s8], $0x0  }
0x24: {  	s3 =	sadd.s32 $0x88, s3;
	s6 =	simm.s32 @!p1 $0x1082;
	[sflag:s4] =	ssyncset.s32 $0xFFFFF086  }
0x25: {  	[simem:s6], [sflag:s4] =	dma.local [hbm:s3], $0xF7A  }
0x26: {  	[smem:$0x3F93] =	sst s1;
	(tag) =	ssettag s2;
	_ =	strace s9  }
0x27: {  	s1 =	sld [smem:$0x3FA3]  }
0x28: {  	s2 =	sld [smem:$0x3FA4]  }
0x29: {  	s4 =	sld [smem:$0x3FA6]  }
0x2a: {  	p0 =	seq.s32 s5, $0x0;
	s5 =	sld [smem:$0x3FA7]  }
0x2b: {  	s6 =	sld [smem:$0x3FA8]  }
0x2c: {  	s7 =	sld [smem:$0x3FA9]  }
0x2d: {  	s3 =	simm.s32 $0x108;
	s8 =	sld [smem:$0x3FAA]  }
0x2e: {  	s3 =	simm.s32 @!p0 $0x1082;
	s9 =	sld [smem:$0x3FAB]  }
0x2f: {  	lr =	sadd.s32 s0, s3;
	s0 =	sld [smem:$0x3FA2]  }
0x30: {  	s3 =	sld [smem:$0x3FA5]  }
0x31: {  	[smem:$0x3FAE] =	sst s10  }
0x32: {  	s10 =	sld [smem:$0x3FAC];
	_ =	sdelay $0x3  }
0x33: {  	p0 =	seq.s32 s10, $0x1;
	s10 =	sld [smem:$0x3FAE];
	_ =	sdelay $0x3  }
0x34: {  	[smem:$0x3FAE] =	sst s10  }
0x35: {  	s10 =	sld [smem:$0x3FAD];
	_ =	sdelay $0x3  }
0x36: {  	p1 =	seq.s32 s10, $0x1;
	s10 =	sld [smem:$0x3FAE];
	_ =	sdelay $0x3  }
0x37: {  	[smem:$0x3FAE] =	sst s10  }
0x38: {  	s10 =	sld [smem:$0x3FAF]  }
0x39: {  	_ = 	snop;
	(pc) =	sbr.ind lr, $3  }
0x3a: {  	_ = 	snop  }
0x3b: {  	_ = 	snop  }
0x3c: {  	p2 =	seq.s32 s10, $0x1;
	s10 =	sld [smem:$0x3FAE]  }
0x3d: {  	_ =	shalt  }
0x3e: {  	_ =	shalt  }
0x3f: {  	_ =	shalt  }
0x40: {  	_ =	shalt  }
0x41: {  	_ =	shalt  }
0x42: {  	_ =	shalt  }
0x43: {  	_ =	shalt  }
0x44: {  	_ =	shalt  }
0x45: {  	_ =	shalt  }
0x46: {  	_ =	shalt  }
0x47: {  	_ =	shalt  }
0x48: {  	_ =	shalt  }
0x49: {  	_ =	shalt  }
0x4a: {  	_ =	shalt  }
0x4b: {  	_ =	shalt  }
0x4c: {  	_ =	shalt  }
0x4d: {  	_ =	shalt  }
0x4e: {  	_ =	shalt  }
0x4f: {  	_ =	shalt  }
0x50: {  	_ =	shalt  }
0x51: {  	_ =	shalt  }
0x52: {  	_ =	shalt  }
0x53: {  	_ =	shalt  }
0x54: {  	_ =	shalt  }
0x55: {  	_ =	shalt  }
0x56: {  	_ =	shalt  }
0x57: {  	_ =	shalt  }
0x58: {  	_ =	shalt  }
0x59: {  	_ =	shalt  }
0x5a: {  	_ =	shalt  }
0x5b: {  	_ =	shalt  }
0x5c: {  	_ =	shalt  }
0x5d: {  	_ =	shalt  }
0x5e: {  	_ =	shalt  }
0x5f: {  	_ =	shalt  }
0x60: {  	_ =	shalt  }
0x61: {  	_ =	shalt  }
0x62: {  	_ =	shalt  }
0x63: {  	_ =	shalt  }
0x64: {  	_ =	shalt  }
0x65: {  	_ =	shalt  }
0x66: {  	_ =	shalt  }
0x67: {  	_ =	shalt  }
0x68: {  	_ =	shalt  }
0x69: {  	_ =	shalt  }
0x6a: {  	_ =	shalt  }
0x6b: {  	_ =	shalt  }
0x6c: {  	_ =	shalt  }
0x6d: {  	_ =	shalt  }
0x6e: {  	_ =	shalt  }
0x6f: {  	_ =	shalt  }
0x70: {  	_ =	shalt  }
0x71: {  	_ =	shalt  }
0x72: {  	_ =	shalt  }
0x73: {  	_ =	shalt  }
0x74: {  	_ =	shalt  }
0x75: {  	_ =	shalt  }
0x76: {  	_ =	shalt  }
0x77: {  	_ =	shalt  }
0x78: {  	_ =	shalt  }
0x79: {  	_ =	shalt  }
0x7a: {  	_ =	shalt  }
0x7b: {  	_ =	shalt  }
0x7c: {  	_ =	shalt  }
0x7d: {  	_ =	shalt  }
0x7e: {  	_ =	shalt  }
0x7f: {  	_ =	shalt  }
0x80: {  	_ =	shalt  }
0x81: {  	_ =	shalt  }
0x82: {  	_ =	shalt  }
0x83: {  	_ =	shalt  }
0x84: {  	_ =	shalt  }
0x85: {  	_ =	shalt  }
0x86: {  	_ =	shalt  }
0x87: {  	_ =	shalt  }
.Lfunc_end0:
.L_simem_size_0:
called_computation.2_lowered:
.L_overlay_start_0:
0x88: {  	s2 =	sld [smem:$0x3FD9]  }
0x89: {  	s3 =	sld [smem:$0x3FFE];
	_ =	sdelay $0x1  }
0x8a: {  	s1 =	srdreg.scid  }
0x8b: {  	s0 =	sand.u32 $0x1, s1  }
0x8c: {  	s17 =	sshll.u32 s0, $0xA;
	s2 =	sadd.s32 s3, s2  }
0x8d: {  	s2 =	sadd.s32 s2, s17  }
0x8e: {  	[smem:$0x3FBA] =	sst s2  }
0x8f: {  	_ = 	snop  }
0x90: {  	s2 =	sld [smem:$0x3FD0];
	(tm) =	ssettm $0x1  }
0x91: {  	s18 =	sld [smem:$0x3FFB];
	_ =	sdelay $0x3  }
0x92: {  	_ =	strace s18  }
0x93: {  	s3 =	sld [smem:$0x3FFC];
	_ =	sdelay $0x3  }
0x94: {  	_ =	strace s3  }
0x95: {  	s3 =	sld [smem:$0x3FFD];
	_ =	sdelay $0x3  }
0x96: {  	_ =	strace s3  }
0x97: {  	_ =	strace $0x8FFFFFFF  }
0x98: {  	s19 =	sld [smem:$0x3FDB];
	_ =	sdelay $0x1  }
0x99: {  	s4 =	simm.s32 $_scs_section_size  }
0x9a: {  	s5 =	simm.s32 $_size__tile_overlayer_lowered;
	s6 =	simm.s32 $_tile_overlayer_lowered  }
0x9b: {  	s22 =	simm.s32 $0x1BFF;
	s21 =	sshll.u32 s6, $0x1;
	s3 =	sadd.s32 s4, s19  }
0x9c: {  	s7 =	simm.s32 $0x0;
	s20 =	sshll.u32 s5, $0x1;
	s5 =	sadd.s32 s21, s3  }
0x9d: {  	[timem:s7], [sflag:s22] =	dma.local [hbm:s5], s20  }
0x9e: {  	_ =	swait.ge [sflag:s22], s20  }
0x9f: {  	s4 =	ssub.s32 $0x0, s20;
	[sflag:s22] =	ssyncset.done $0x0  }
0xa0: {  	[sflag:s22] =	ssyncadd.s32 s4;
	_ =	sdelay $0x1  }
0xa1: {  	s23 =	simm.s32 $0x1B8B  }
0xa2: {  	_ =	swait.ge [sflag:s23], $0x1  }
0xa3: {  	[sflag:s23] =	ssyncset.done $0x0  }
0xa4: {  	s25 =	simm.s32 $0x1B8E;
	s24 =	sld [smem:$0x3FFE];
	[sflag:s23] =	ssyncadd.s32 $0xFFFFFFFF  }
0xa5: {  	s26 =	simm.s32 $execute0_lowered;
	[smem:$0x3FD2] =	sst s25  }
0xa6: {  	s5 =	sshll.u32 s26, $0x1;
	_ =	strace $0x8000004C;
	[dreg:$0x1] =	wrdreg $0xFFFFFFFF  }
0xa7: {  	s28 =	simm.s32 $_size_execute0_lowered;
	s3 =	sadd.s32 s3, s5;
	[dreg:$0x0] =	wrdreg $0x0  }
0xa8: {  	s5 =	sshll.u32 s28, $0x1;
	[dreg:$0x2] =	wrdreg s3  }
0xa9: {  	[dreg:$0x3] =	wrdreg s5  }
0xaa: {  	[dreg:$0x4] =	wrdreg $0xC0  }
0xab: {  	_ =	task [dreg:s7], $0x5FFFF  }
0xac: {  	[dreg:$0x1] =	wrdreg $0xFFFFFFFF  }
0xad: {  	[dreg:$0x0] =	wrdreg $0x60  }
0xae: {  	[dreg:$0x2] =	wrdreg s2  }
0xaf: {  	[dreg:$0x3] =	wrdreg s24  }
0xb0: {  	[dreg:$0x4] =	wrdreg $0x107700  }
0xb1: {  	[dreg:$0x5] =	wrdreg $0x1A7700  }
0xb2: {  	[dreg:$0x6] =	wrdreg $0x9  }
0xb3: {  	_ =	task.clear_ibuf [dreg:s7], $0x7FFFF;
	_ =	strace $0x9000004C  }
0xb4: {  	s29 =	simm.s32 $0x9;
	_ =	strace $0x8000004E  }
0xb5: {  	_ =	swait.ge [sflag:s29], $0x1  }
0xb6: {  	[sflag:s29] =	ssyncadd.s32 $0xFFFFFFFF  }
0xb7: {  	_ =	strace $0x9000004E  }
0xb8: {  	_ =	sfence  }
0xb9: {  	s30 =	sld [smem:$0x0];
	_ =	sdelay $0x2  }
0xba: {  	s31 =	sshll.u32 s1, $0xD;
	s1 =	sshrl.u32 s1, $0x2  }
0xbb: {  	s3 =	sand.u32 $0x4000, s31;
	s1 =	sadd.s32 s1, s30  }
0xbc: {  	s0 =	sor.u32 s3, s0;
	s1 =	sshll.u32 s1, $0x11  }
0xbd: {  	s0 =	sor.u32 s1, s0  }
0xbe: {  	s0 =	sadd.s32 $0x8F2B, s0  }
0xbf: {  	[sflag:s0] =	ssyncadd.remote.s32 $0x1  }
0xc0: {  	_ =	sfence.sel $0xFFFF  }
0xc1: {  	[dreg:$0x0] =	wrdreg $0xFFFFFFFF;
	(pc) =	sbr.abs _section_cstart, $3  }
0xc2: {  	[dreg:$0x1] =	wrdreg $0xFFFFFFFF  }
0xc3: {  	_ =	task.clear_ibuf [dreg:s7], $0x2FFFF;
	_ =	strace $0x9FFFFFFF  }
0xc4: {  	(tm) =	ssettm $0x7FFFFFFF  }
0xc5: {  	_ =	shalt  }
tec
execute0_lowered:
.L_overlay_start_1:
0x0: {  	(tag) =	ssettag $0x1  }
0x1: {  	s1 =	rddreg [dreg:$0x0]  }
0x2: {  	s0 =	rddreg [dreg:$0x1]  }
0x3: {  	s2 =	rddreg [dreg:$0x2]  }
0x4: {  	s4 =	rddreg [dreg:$0x3];
	s5 =	simm.s32 $0x0  }
0x5: {  	s3 =	srdreg.scid;
	s10 =	stileid.u32;
	s19 =	simm.s32 $0x2  }
0x6: {  	s28 =	simm.s32 $0x1;
	s29 =	simm.s32 $0x10360;
	s30 =	simm.s32 $0x104F0  }
0x7: {  	s31 =	simm.s32 $0x0;
	s3 =	sand.u32 $0x1, s3;
	s6 =	sshll.u32 s10, $0x1  }
0x8: {  	s7 =	smul.u32 $0x280, s10;
	[smem:$0x7FF] =	sst s5;
	s9 =	sadd.s32 $0x14600, s0  }
0x9: {  	s21 =	sadd.s32 $0x14C00, s0;
	s16 =	sadd.s32 $0x15C00, s0;
	s13 =	smul.u32 $0xA000, s10  }
0xa: {  	s6 =	sor.u32 s3, s6;
	s8 =	smul.u32 $0x2800, s3;
	_ =	strace $0x8000004D  }
0xb: {  	[dreg:$0x5] =	wrdreg s9;
	s22 =	ssub.s32 $0x2, s3;
	s3 =	smul.u32 $0xA0000, s3  }
0xc: {  	[dreg:$0x6] =	wrdreg s21;
	s21 =	simm.s32 $0x4E20;
	s6 =	smul.u32 $0x4E2, s6  }
0xd: {  	s23 =	sshrl.u32 s22, $0x1;
	s14 =	sadd.s32 $0x190, s7;
	s10 =	sadd.s32 s13, s2  }
0xe: {  	s12 =	sadd.s32 s7, s4;
	s26 =	sadd.s32 $0x5000, s13;
	s8 =	sadd.s32 s7, s8  }
0xf: {  	s18 =	ssub.s32 s22, s23;
	s11 =	sshll.u32 s14, $0x6;
	s25 =	sadd.s32 s13, s3  }
0x10: {  	s13 =	sadd.s32 s14, s4;
	s3 =	sadd.s32 s3, s26;
	s15 =	sadd.s32 s26, s2  }
0x11: {  	s22 =	simm.s32 $0x7530;
	s23 =	simm.s32 $0x9C40;
	s26 =	simm.s32 $0x101D0  }
0x12: {  	s6 =	sadd.s32 s6, s0;
	s8 =	sshrl.u32 s8, $0x3;
	s11 =	sadd.s32 s11, s2  }
0x13: {  	s3 =	sshrl.u32 s3, $0x3;
	s18 =	smax.u32 s18, $0x1;
	s0 =	sadd.s32 s8, s0  }
0x14: {  	s24 =	sadd.s32 $0xA800, s6;
	s9 =	sadd.s32 $0xA00, s6;
	s6 =	sshrl.u32 s25, $0x3  }
0x15: {  	s25 =	simm.s32 $0x190;
	[dreg:$0x7] =	wrdreg s24;
	s14 =	sadd.s32 s16, s6  }
0x16: {  	v0 =	vimm.f32 $0.0e+00;
	s16 =	sadd.s32 s16, s3;
	s17 =	sadd.s32 $0x15200, s0;
	s24 =	simm.s32 $0x10040  }
.LBB2_1:
0x17: {  	s0 =	rddreg [dreg:$0x7]  }
0x18: {  	[tilespmem:s5], [sflag:$0x2] =	stream.linear.gather [hbm4b:s0+s5], $0x2710, $0x38;
	[tilespmem:$0x1A9F0] =	vst v63  }
0x19: {  	_ =	swait.ge [sflag:s19], $0x2710  }
0x1a: {  	[sflag:s19] =	ssyncset.done $0x0  }
0x1b: {  	s7 =	simm.s32 $0x2710;
	[sflag:s19] =	ssyncadd.s32 $0xFFFFD8F0  }
0x1c: {  	[tilespmem:s7], [sflag:$0x2] =	stream.linear.gather [hbm4b:s9+s5], $0x2710, $0x38;
	[tilespmem:$0x1A9F0] =	vst v63  }
0x1d: {  	_ =	swait.ge [sflag:s19], $0x2710  }
0x1e: {  	[sflag:s19] =	ssyncset.done $0x0  }
0x1f: {  	s8 =	rddreg [dreg:$0x5];
	[sflag:s19] =	ssyncadd.s32 $0xFFFFD8F0  }
0x20: {  	[tilespmem:s21], [sflag:$0x2] =	stream.linear.gather [hbm4b:s8+s5], $0x2710, $0x38;
	[tilespmem:$0x1A9F0] =	vst v63  }
0x21: {  	_ =	swait.ge [sflag:s19], $0x2710  }
0x22: {  	[sflag:s19] =	ssyncset.done $0x0  }
0x23: {  	s20 =	rddreg [dreg:$0x6];
	[sflag:s19] =	ssyncadd.s32 $0xFFFFD8F0  }
0x24: {  	[tilespmem:s22], [sflag:$0x2] =	stream.linear.gather [hbm4b:s20+s5], $0x2710, $0x38;
	[tilespmem:$0x1A9F0] =	vst v63  }
0x25: {  	_ =	swait.ge [sflag:s19], $0x2710  }
0x26: {  	[sflag:s19] =	ssyncset.done $0x0  }
0x27: {  	s3 =	simm.s32 $0x100;
	s0 =	simm.s32 $0x0;
	[sflag:s19] =	ssyncadd.s32 $0xFFFFD8F0  }
.LBB2_2:
0x28: {  	p0 =	sne.s32 s3, $0x18F00;
	[tilespmem:s0+$0x9C70] =	vst v0;
	s6 =	smov.u32 s3;
	s3 =	sadd.s32 $0x100, s3  }
.Ltmp0:
0x29: {  	[tilespmem:s0+$0x9C60] =	vst v0;
	(pc) =	sbr.rel @p0 .LBB2_2-.Ltmp0, $3  }
0x2a: {  	[tilespmem:s0+$0x9C40] =	vst v0  }
0x2b: {  	[tilespmem:s0+$0x9C50] =	vst v0;
	_ =	sdelay $0x1  }
0x2c: {  	s0 =	sshra.s32 s6, $0x2  }
0x2d: {  	[tilespmem:s0+$0x9C70] =	vst v0  }
0x2e: {  	[tilespmem:s0+$0x9C60] =	vst v0  }
0x2f: {  	[tilespmem:s0+$0x9C40] =	vst v0  }
0x30: {  	[tilespmem:s0+$0x9C50] =	vst v0  }
0x31: {  	[tilespmem:$0x10040] =	vst v0  }
0x32: {  	[tilespmem:$0x10050] =	vst v0  }
0x33: {  	[tilespmem:$0x10060] =	vst v0  }
0x34: {  	[tilespmem:$0x10070] =	vst v0  }
0x35: {  	[tilespmem:$0x10080] =	vst v0  }
0x36: {  	[tilespmem:$0x10090] =	vst v0  }
0x37: {  	[tilespmem:$0x100A0] =	vst v0  }
0x38: {  	[tilespmem:$0x100B0] =	vst v0  }
0x39: {  	[tilespmem:$0x100C0] =	vst v0  }
0x3a: {  	[tilespmem:$0x100D0] =	vst v0  }
0x3b: {  	[tilespmem:$0x100E0] =	vst v0  }
0x3c: {  	[tilespmem:$0x100F0] =	vst v0  }
0x3d: {  	[tilespmem:$0x10100] =	vst v0  }
0x3e: {  	[tilespmem:$0x10110] =	vst v0  }
0x3f: {  	[tilespmem:$0x10120] =	vst v0  }
0x40: {  	[tilespmem:$0x10130] =	vst v0  }
0x41: {  	[tilespmem:$0x10140] =	vst v0  }
0x42: {  	[tilespmem:$0x10150] =	vst v0  }
0x43: {  	[tilespmem:$0x10160] =	vst v0  }
0x44: {  	[tilespmem:$0x10170] =	vst v0  }
0x45: {  	[tilespmem:$0x10180] =	vst v0  }
0x46: {  	[tilespmem:$0x10190] =	vst v0  }
0x47: {  	[tilespmem:$0x101A0] =	vst v0  }
0x48: {  	[tilespmem:$0x101B0] =	vst v0  }
0x49: {  	[tilespmem:$0x101C0] =	vst v0  }
0x4a: {  	[spmem:s10] =	stream.linear.scatter [tilespmem:s23], [sflag:$0x2], $0x6400, $0x38;
	[tilespmem:$0x1A9F0] =	vst v63  }
0x4b: {  	_ =	swait.ge [sflag:s19], $0x6400  }
0x4c: {  	[sflag:s19] =	ssyncset.done $0x0  }
0x4d: {  	[sflag:s19] =	ssyncadd.s32 $0xFFFF9C00  }
0x4e: {  	[spmem:s11] =	stream.linear.scatter [tilespmem:s23], [sflag:$0x2], $0x3C00, $0x38;
	[tilespmem:$0x1A9F0] =	vst v63  }
0x4f: {  	_ =	swait.ge [sflag:s19], $0x3C00  }
0x50: {  	[sflag:s19] =	ssyncset.done $0x0  }
0x51: {  	[sflag:s19] =	ssyncadd.s32 $0xFFFFC400  }
0x52: {  	[spmem:s12] =	stream.linear.scatter [tilespmem:s24], [sflag:$0x2], $0x190, $0x38;
	[tilespmem:$0x1A9F0] =	vst v63  }
0x53: {  	_ =	swait.ge [sflag:s19], $0x190  }
0x54: {  	[sflag:s19] =	ssyncset.done $0x0  }
0x55: {  	[sflag:s19] =	ssyncadd.s32 $0xFFFFFE70  }
0x56: {  	[spmem:s13] =	stream.linear.scatter [tilespmem:s24], [sflag:$0x2], $0xF0, $0x38;
	[tilespmem:$0x1A9F0] =	vst v63  }
0x57: {  	_ =	swait.ge [sflag:s19], $0xF0  }
0x58: {  	[sflag:s19] =	ssyncset.done $0x0  }
0x59: {  	s0 =	simm.s32 $0x0;
	[sflag:s19] =	ssyncadd.s32 $0xFFFFFF10  }
0x5a: {  	s3 =	simm.s32 $0x2710;
	s20 =	simm.s32 $0x0;
	[bflag:$0x0] =	sbarrier.arrive $0xFFFF  }
.LBB2_4:
0x5b: {  	v1 =	vmov s0;
	_ =	sdelay $0x1  }
0x5c: {  	v2 =	vmov s3;
	_ =	sdelay $0x1  }
0x5d: {  	s6 =	simm.s32 $0x0;
	s7 =	simm.s32 $0x40  }
.LBB2_5:
0x5e: {  	p0 =	sne.s32 s7, $0x600;
	v3 =	vld.idx.msk [tilespmem:v1+s6+$0x0 ss:$0x1], $0xffff;
	_ =	sdelay $0x5  }
0x5f: {  	[tilespmem:s6+$0x101D0] =	vst v3  }
0x60: {  	v3 =	vld.idx.msk [tilespmem:v2+s6+$0x0 ss:$0x1], $0xffff;
	_ =	sdelay $0x1  }
.Ltmp1:
0x61: {  	(pc) =	sbr.rel @p0 .LBB2_5-.Ltmp1, $2  }
0x62: {  	_ =	sdelay $0x2  }
0x63: {  	[tilespmem:s6+$0x10360] =	vst v3;
	s6 =	sshra.s32 s7, $0x2;
	s7 =	sadd.s32 $0x40, s7  }
0x64: {  	_ =	sdelay $0x3  }
0x65: {  	v3 =	vld.idx.msk [tilespmem:v1+s6+$0x0 ss:$0x1], $0xffff;
	_ =	sdelay $0x4  }
0x66: {  	[tilespmem:s6+$0x101D0] =	vst v3  }
0x67: {  	v3 =	vld.idx.msk [tilespmem:v2+s6+$0x0 ss:$0x1], $0xffff;
	_ =	sdelay $0x4  }
0x68: {  	[tilespmem:s6+$0x10360] =	vst v3  }
0x69: {  	[tilespmem:s23], [sflag:$0x1] =	stream.indirect.gather [hbm4b:s1+s25], $0x40, s26, s25, $0xb8;
	[tilespmem:$0x1A9F0] =	vst v63  }
0x6a: {  	_ =	swait.ge [sflag:s28], $0x6400  }
0x6b: {  	[sflag:s28] =	ssyncset.done $0x0  }
0x6c: {  	s7 =	simm.s32 $0x0;
	s6 =	simm.s32 $0x0;
	[sflag:s28] =	ssyncadd.s32 $0xFFFF9C00  }
.LBB2_7:
0x6d: {  	s8 =	sshra.s32 s7, $0x2  }
0x6e: {  	v3 =	vld.idx.msk [tilespmem:v1+s8+$0x0 ss:$0x1], $0xffff  }
0x6f: {  	v4 =	vld.idx.msk [tilespmem:v2+s8+$0x0 ss:$0x1], $0xffff;
	_ =	sdelay $0x6  }
0x70: {  	v3 =	vld.idx.msk [tilespmem:v3+s21+$0x0], $0xffff  }
0x71: {  	v4 =	vld.idx.msk [tilespmem:v4+s22+$0x0], $0xffff;
	_ =	sdelay $0x4  }
0x72: {  	v3 =	vadd.f32 v4, v3;
	_ =	sdelay $0x1  }
0x73: {  	v4 =	vmul.f32 $2.000000030e-01, v3;
	_ =	sdelay $0x1  }
0x74: {  	v3 =	vmax.f32 v3, v4  }
0x75: {  	v3 =	vmul.f32 $1.442695020e+00, v3;
	_ =	sdelay $0x1  }
0x76: {  	(erf) = vpow2.f32 v3;
	_ =	sdelay $0x4  }
0x77: {  	p0 =	sne.s32 s7, $0x600  }
.Ltmp2:
0x78: {  	_ = 	snop;
	(pc) =	sbr.rel @p0 .LBB2_7-.Ltmp2, $3  }
0x79: {  	_ =	sdelay $0x1  }
0x7a: {  	v3 =	vpop (erf)  }
0x7b: {  	s7 =	sadd.s32 $0x40, s7;
	[tilespmem:s8+$0x10040] =	vst v3  }
0x7c: {  	s7 =	simm.s32 $0x9E40  }
.LBB2_9:
0x7d: {  	s8 =	sshra.s32 s6, $0x2  }
0x7e: {  	v1 =	vld [tilespmem:s8+$0x10040];
	_ =	sdelay $0x1  }
0x7f: {  	v2 =	vld [tilespmem:s7+$0xFFFFFE00];
	_ =	sdelay $0x2  }
0x80: {  	v3 =	vbroadcast v1, $0x0;
	_ =	sdelay $0x1  }
0x81: {  	v2 =	vmul.f32 v3, v2;
	_ =	sdelay $0x1  }
0x82: {  	[tilespmem:s7+$0xFFFFFE00] =	vst v2;
	v2 =	vld [tilespmem:s7+$0xFFFFFE10];
	_ =	sdelay $0x4  }
0x83: {  	v2 =	vmul.f32 v2, v3;
	_ =	sdelay $0x1  }
0x84: {  	[tilespmem:s7+$0xFFFFFE10] =	vst v2;
	v2 =	vld [tilespmem:s7+$0xFFFFFE20];
	_ =	sdelay $0x4  }
0x85: {  	v2 =	vmul.f32 v2, v3;
	_ =	sdelay $0x1  }
0x86: {  	[tilespmem:s7+$0xFFFFFE20] =	vst v2;
	v2 =	vld [tilespmem:s7+$0xFFFFFE30];
	_ =	sdelay $0x4  }
0x87: {  	v2 =	vmul.f32 v2, v3;
	_ =	sdelay $0x1  }
0x88: {  	[tilespmem:s7+$0xFFFFFE30] =	vst v2;
	v2 =	vld [tilespmem:s7+$0xFFFFFE40];
	_ =	sdelay $0x2  }
0x89: {  	v3 =	vbroadcast v1, $0x1;
	_ =	sdelay $0x1  }
0x8a: {  	v2 =	vmul.f32 v2, v3;
	_ =	sdelay $0x1  }
0x8b: {  	[tilespmem:s7+$0xFFFFFE40] =	vst v2;
	v2 =	vld [tilespmem:s7+$0xFFFFFE50];
	_ =	sdelay $0x4  }
0x8c: {  	v2 =	vmul.f32 v2, v3;
	_ =	sdelay $0x1  }
0x8d: {  	[tilespmem:s7+$0xFFFFFE50] =	vst v2;
	v2 =	vld [tilespmem:s7+$0xFFFFFE60];
	_ =	sdelay $0x4  }
0x8e: {  	v2 =	vmul.f32 v2, v3;
	_ =	sdelay $0x1  }
0x8f: {  	[tilespmem:s7+$0xFFFFFE60] =	vst v2;
	v2 =	vld [tilespmem:s7+$0xFFFFFE70];
	_ =	sdelay $0x4  }
0x90: {  	v2 =	vmul.f32 v2, v3;
	_ =	sdelay $0x1  }
0x91: {  	[tilespmem:s7+$0xFFFFFE70] =	vst v2;
	v2 =	vld [tilespmem:s7+$0xFFFFFE80];
	_ =	sdelay $0x2  }
0x92: {  	v3 =	vbroadcast v1, $0x2;
	_ =	sdelay $0x1  }
0x93: {  	v2 =	vmul.f32 v2, v3;
	_ =	sdelay $0x1  }
0x94: {  	[tilespmem:s7+$0xFFFFFE80] =	vst v2;
	v2 =	vld [tilespmem:s7+$0xFFFFFE90];
	_ =	sdelay $0x4  }
0x95: {  	v2 =	vmul.f32 v2, v3;
	_ =	sdelay $0x1  }
0x96: {  	[tilespmem:s7+$0xFFFFFE90] =	vst v2;
	v2 =	vld [tilespmem:s7+$0xFFFFFEA0];
	_ =	sdelay $0x4  }
0x97: {  	v2 =	vmul.f32 v2, v3;
	_ =	sdelay $0x1  }
0x98: {  	[tilespmem:s7+$0xFFFFFEA0] =	vst v2;
	v2 =	vld [tilespmem:s7+$0xFFFFFEB0];
	_ =	sdelay $0x4  }
0x99: {  	v2 =	vmul.f32 v2, v3;
	_ =	sdelay $0x1  }
0x9a: {  	[tilespmem:s7+$0xFFFFFEB0] =	vst v2;
	v2 =	vld [tilespmem:s7+$0xFFFFFEC0];
	_ =	sdelay $0x2  }
0x9b: {  	v3 =	vbroadcast v1, $0x3;
	_ =	sdelay $0x1  }
0x9c: {  	v2 =	vmul.f32 v2, v3;
	_ =	sdelay $0x1  }
0x9d: {  	[tilespmem:s7+$0xFFFFFEC0] =	vst v2;
	v2 =	vld [tilespmem:s7+$0xFFFFFED0];
	_ =	sdelay $0x4  }
0x9e: {  	v2 =	vmul.f32 v2, v3;
	_ =	sdelay $0x1  }
0x9f: {  	[tilespmem:s7+$0xFFFFFED0] =	vst v2;
	v2 =	vld [tilespmem:s7+$0xFFFFFEE0];
	_ =	sdelay $0x4  }
0xa0: {  	v2 =	vmul.f32 v2, v3;
	_ =	sdelay $0x1  }
0xa1: {  	[tilespmem:s7+$0xFFFFFEE0] =	vst v2;
	v2 =	vld [tilespmem:s7+$0xFFFFFEF0];
	_ =	sdelay $0x4  }
0xa2: {  	v2 =	vmul.f32 v2, v3;
	_ =	sdelay $0x1  }
0xa3: {  	[tilespmem:s7+$0xFFFFFEF0] =	vst v2;
	v2 =	vld [tilespmem:s7+$0xFFFFFF00];
	_ =	sdelay $0x2  }
0xa4: {  	v3 =	vbroadcast v1, $0x4;
	_ =	sdelay $0x1  }
0xa5: {  	v2 =	vmul.f32 v2, v3;
	_ =	sdelay $0x1  }
0xa6: {  	[tilespmem:s7+$0xFFFFFF00] =	vst v2;
	v2 =	vld [tilespmem:s7+$0xFFFFFF10];
	_ =	sdelay $0x4  }
0xa7: {  	v2 =	vmul.f32 v2, v3;
	_ =	sdelay $0x1  }
0xa8: {  	[tilespmem:s7+$0xFFFFFF10] =	vst v2;
	v2 =	vld [tilespmem:s7+$0xFFFFFF20];
	_ =	sdelay $0x4  }
0xa9: {  	v2 =	vmul.f32 v2, v3;
	_ =	sdelay $0x1  }
0xaa: {  	[tilespmem:s7+$0xFFFFFF20] =	vst v2;
	v2 =	vld [tilespmem:s7+$0xFFFFFF30];
	_ =	sdelay $0x4  }
0xab: {  	v2 =	vmul.f32 v2, v3;
	_ =	sdelay $0x1  }
0xac: {  	[tilespmem:s7+$0xFFFFFF30] =	vst v2;
	v2 =	vld [tilespmem:s7+$0xFFFFFF40];
	_ =	sdelay $0x2  }
0xad: {  	v3 =	vbroadcast v1, $0x5;
	_ =	sdelay $0x1  }
0xae: {  	v2 =	vmul.f32 v2, v3;
	_ =	sdelay $0x1  }
0xaf: {  	[tilespmem:s7+$0xFFFFFF40] =	vst v2;
	v2 =	vld [tilespmem:s7+$0xFFFFFF50];
	_ =	sdelay $0x4  }
0xb0: {  	v2 =	vmul.f32 v2, v3;
	_ =	sdelay $0x1  }
0xb1: {  	[tilespmem:s7+$0xFFFFFF50] =	vst v2;
	v2 =	vld [tilespmem:s7+$0xFFFFFF60];
	_ =	sdelay $0x4  }
0xb2: {  	v2 =	vmul.f32 v2, v3;
	_ =	sdelay $0x1  }
0xb3: {  	[tilespmem:s7+$0xFFFFFF60] =	vst v2;
	v2 =	vld [tilespmem:s7+$0xFFFFFF70];
	_ =	sdelay $0x4  }
0xb4: {  	v2 =	vmul.f32 v2, v3;
	_ =	sdelay $0x1  }
0xb5: {  	[tilespmem:s7+$0xFFFFFF70] =	vst v2;
	v2 =	vld [tilespmem:s7+$0xFFFFFF80];
	_ =	sdelay $0x2  }
0xb6: {  	v3 =	vbroadcast v1, $0x6;
	_ =	sdelay $0x1  }
0xb7: {  	v2 =	vmul.f32 v2, v3;
	_ =	sdelay $0x1  }
0xb8: {  	[tilespmem:s7+$0xFFFFFF80] =	vst v2;
	v2 =	vld [tilespmem:s7+$0xFFFFFF90];
	_ =	sdelay $0x4  }
0xb9: {  	v2 =	vmul.f32 v2, v3;
	_ =	sdelay $0x1  }
0xba: {  	[tilespmem:s7+$0xFFFFFF90] =	vst v2;
	v2 =	vld [tilespmem:s7+$0xFFFFFFA0];
	_ =	sdelay $0x4  }
0xbb: {  	v2 =	vmul.f32 v2, v3;
	_ =	sdelay $0x1  }
0xbc: {  	[tilespmem:s7+$0xFFFFFFA0] =	vst v2;
	v2 =	vld [tilespmem:s7+$0xFFFFFFB0];
	_ =	sdelay $0x4  }
0xbd: {  	v2 =	vmul.f32 v2, v3;
	_ =	sdelay $0x1  }
0xbe: {  	[tilespmem:s7+$0xFFFFFFB0] =	vst v2;
	v2 =	vld [tilespmem:s7+$0xFFFFFFC0];
	_ =	sdelay $0x2  }
0xbf: {  	v3 =	vbroadcast v1, $0x7;
	_ =	sdelay $0x1  }
0xc0: {  	v2 =	vmul.f32 v2, v3;
	_ =	sdelay $0x1  }
0xc1: {  	[tilespmem:s7+$0xFFFFFFC0] =	vst v2;
	v2 =	vld [tilespmem:s7+$0xFFFFFFD0];
	_ =	sdelay $0x4  }
0xc2: {  	v2 =	vmul.f32 v2, v3;
	_ =	sdelay $0x1  }
0xc3: {  	[tilespmem:s7+$0xFFFFFFD0] =	vst v2;
	v2 =	vld [tilespmem:s7+$0xFFFFFFE0];
	_ =	sdelay $0x4  }
0xc4: {  	v2 =	vmul.f32 v2, v3;
	_ =	sdelay $0x1  }
0xc5: {  	[tilespmem:s7+$0xFFFFFFE0] =	vst v2;
	v2 =	vld [tilespmem:s7+$0xFFFFFFF0];
	_ =	sdelay $0x4  }
0xc6: {  	v2 =	vmul.f32 v2, v3;
	_ =	sdelay $0x1  }
0xc7: {  	[tilespmem:s7+$0xFFFFFFF0] =	vst v2;
	v2 =	vld [tilespmem:s7+$0x0];
	_ =	sdelay $0x2  }
0xc8: {  	v3 =	vbroadcast v1, $0x8;
	_ =	sdelay $0x1  }
0xc9: {  	v2 =	vmul.f32 v2, v3;
	_ =	sdelay $0x1  }
0xca: {  	[tilespmem:s7+$0x0] =	vst v2;
	v2 =	vld [tilespmem:s7+$0x10];
	_ =	sdelay $0x4  }
0xcb: {  	v2 =	vmul.f32 v2, v3;
	_ =	sdelay $0x1  }
0xcc: {  	[tilespmem:s7+$0x10] =	vst v2;
	v2 =	vld [tilespmem:s7+$0x20];
	_ =	sdelay $0x4  }
0xcd: {  	v2 =	vmul.f32 v2, v3;
	_ =	sdelay $0x1  }
0xce: {  	[tilespmem:s7+$0x20] =	vst v2;
	v2 =	vld [tilespmem:s7+$0x30];
	_ =	sdelay $0x4  }
0xcf: {  	v2 =	vmul.f32 v2, v3;
	_ =	sdelay $0x1  }
0xd0: {  	[tilespmem:s7+$0x30] =	vst v2;
	v2 =	vld [tilespmem:s7+$0x40];
	_ =	sdelay $0x2  }
0xd1: {  	v3 =	vbroadcast v1, $0x9;
	_ =	sdelay $0x1  }
0xd2: {  	v2 =	vmul.f32 v2, v3;
	_ =	sdelay $0x1  }
0xd3: {  	[tilespmem:s7+$0x40] =	vst v2;
	v2 =	vld [tilespmem:s7+$0x50];
	_ =	sdelay $0x4  }
0xd4: {  	v2 =	vmul.f32 v2, v3;
	_ =	sdelay $0x1  }
0xd5: {  	[tilespmem:s7+$0x50] =	vst v2;
	v2 =	vld [tilespmem:s7+$0x60];
	_ =	sdelay $0x4  }
0xd6: {  	v2 =	vmul.f32 v2, v3;
	_ =	sdelay $0x1  }
0xd7: {  	[tilespmem:s7+$0x60] =	vst v2;
	v2 =	vld [tilespmem:s7+$0x70];
	_ =	sdelay $0x4  }
0xd8: {  	v2 =	vmul.f32 v2, v3;
	_ =	sdelay $0x1  }
0xd9: {  	[tilespmem:s7+$0x70] =	vst v2;
	v2 =	vld [tilespmem:s7+$0x80];
	_ =	sdelay $0x2  }
0xda: {  	v3 =	vbroadcast v1, $0xA;
	_ =	sdelay $0x1  }
0xdb: {  	v2 =	vmul.f32 v2, v3;
	_ =	sdelay $0x1  }
0xdc: {  	[tilespmem:s7+$0x80] =	vst v2;
	v2 =	vld [tilespmem:s7+$0x90];
	_ =	sdelay $0x4  }
0xdd: {  	v2 =	vmul.f32 v2, v3;
	_ =	sdelay $0x1  }
0xde: {  	[tilespmem:s7+$0x90] =	vst v2;
	v2 =	vld [tilespmem:s7+$0xA0];
	_ =	sdelay $0x4  }
0xdf: {  	v2 =	vmul.f32 v2, v3;
	_ =	sdelay $0x1  }
0xe0: {  	[tilespmem:s7+$0xA0] =	vst v2;
	v2 =	vld [tilespmem:s7+$0xB0];
	_ =	sdelay $0x4  }
0xe1: {  	v2 =	vmul.f32 v2, v3;
	_ =	sdelay $0x1  }
0xe2: {  	[tilespmem:s7+$0xB0] =	vst v2;
	v2 =	vld [tilespmem:s7+$0xC0];
	_ =	sdelay $0x2  }
0xe3: {  	v3 =	vbroadcast v1, $0xB;
	_ =	sdelay $0x1  }
0xe4: {  	v2 =	vmul.f32 v2, v3;
	_ =	sdelay $0x1  }
0xe5: {  	[tilespmem:s7+$0xC0] =	vst v2;
	v2 =	vld [tilespmem:s7+$0xD0];
	_ =	sdelay $0x4  }
0xe6: {  	v2 =	vmul.f32 v2, v3;
	_ =	sdelay $0x1  }
0xe7: {  	[tilespmem:s7+$0xD0] =	vst v2;
	v2 =	vld [tilespmem:s7+$0xE0];
	_ =	sdelay $0x4  }
0xe8: {  	v2 =	vmul.f32 v2, v3;
	_ =	sdelay $0x1  }
0xe9: {  	[tilespmem:s7+$0xE0] =	vst v2;
	v2 =	vld [tilespmem:s7+$0xF0];
	_ =	sdelay $0x4  }
0xea: {  	v2 =	vmul.f32 v2, v3;
	_ =	sdelay $0x1  }
0xeb: {  	[tilespmem:s7+$0xF0] =	vst v2;
	v2 =	vld [tilespmem:s7+$0x100];
	_ =	sdelay $0x2  }
0xec: {  	v3 =	vbroadcast v1, $0xC;
	_ =	sdelay $0x1  }
0xed: {  	v2 =	vmul.f32 v2, v3;
	_ =	sdelay $0x1  }
0xee: {  	[tilespmem:s7+$0x100] =	vst v2;
	v2 =	vld [tilespmem:s7+$0x110];
	_ =	sdelay $0x4  }
0xef: {  	v2 =	vmul.f32 v2, v3;
	_ =	sdelay $0x1  }
0xf0: {  	[tilespmem:s7+$0x110] =	vst v2;
	v2 =	vld [tilespmem:s7+$0x120];
	_ =	sdelay $0x4  }
0xf1: {  	v2 =	vmul.f32 v2, v3;
	_ =	sdelay $0x1  }
0xf2: {  	[tilespmem:s7+$0x120] =	vst v2;
	v2 =	vld [tilespmem:s7+$0x130];
	_ =	sdelay $0x4  }
0xf3: {  	v2 =	vmul.f32 v2, v3;
	_ =	sdelay $0x1  }
0xf4: {  	[tilespmem:s7+$0x130] =	vst v2;
	v2 =	vld [tilespmem:s7+$0x140];
	_ =	sdelay $0x2  }
0xf5: {  	v3 =	vbroadcast v1, $0xD;
	_ =	sdelay $0x1  }
0xf6: {  	v2 =	vmul.f32 v2, v3;
	_ =	sdelay $0x1  }
0xf7: {  	[tilespmem:s7+$0x140] =	vst v2;
	v2 =	vld [tilespmem:s7+$0x150];
	_ =	sdelay $0x4  }
0xf8: {  	v2 =	vmul.f32 v2, v3;
	_ =	sdelay $0x1  }
0xf9: {  	[tilespmem:s7+$0x150] =	vst v2;
	v2 =	vld [tilespmem:s7+$0x160];
	_ =	sdelay $0x4  }
0xfa: {  	v2 =	vmul.f32 v2, v3;
	_ =	sdelay $0x1  }
0xfb: {  	[tilespmem:s7+$0x160] =	vst v2;
	v2 =	vld [tilespmem:s7+$0x170];
	_ =	sdelay $0x4  }
0xfc: {  	v2 =	vmul.f32 v2, v3;
	_ =	sdelay $0x1  }
0xfd: {  	[tilespmem:s7+$0x170] =	vst v2;
	v2 =	vld [tilespmem:s7+$0x180];
	_ =	sdelay $0x2  }
0xfe: {  	v3 =	vbroadcast v1, $0xE;
	_ =	sdelay $0x1  }
0xff: {  	v2 =	vmul.f32 v2, v3;
	_ =	sdelay $0x1  }
0x100: {  	[tilespmem:s7+$0x180] =	vst v2;
	v2 =	vld [tilespmem:s7+$0x190];
	_ =	sdelay $0x4  }
0x101: {  	v2 =	vmul.f32 v2, v3;
	_ =	sdelay $0x1  }
0x102: {  	[tilespmem:s7+$0x190] =	vst v2;
	v2 =	vld [tilespmem:s7+$0x1A0];
	_ =	sdelay $0x4  }
0x103: {  	v2 =	vmul.f32 v2, v3;
	_ =	sdelay $0x1  }
0x104: {  	[tilespmem:s7+$0x1A0] =	vst v2;
	v2 =	vld [tilespmem:s7+$0x1B0];
	_ =	sdelay $0x4  }
0x105: {  	v2 =	vmul.f32 v2, v3;
	_ =	sdelay $0x1  }
0x106: {  	[tilespmem:s7+$0x1B0] =	vst v2;
	v2 =	vld [tilespmem:s7+$0x1C0];
	_ =	sdelay $0x2  }
0x107: {  	v1 =	vbroadcast v1, $0xF;
	_ =	sdelay $0x1  }
0x108: {  	v2 =	vmul.f32 v2, v1;
	_ =	sdelay $0x1  }
0x109: {  	[tilespmem:s7+$0x1C0] =	vst v2;
	v2 =	vld [tilespmem:s7+$0x1D0];
	_ =	sdelay $0x4  }
0x10a: {  	v2 =	vmul.f32 v2, v1;
	_ =	sdelay $0x1  }
0x10b: {  	[tilespmem:s7+$0x1D0] =	vst v2;
	v2 =	vld [tilespmem:s7+$0x1E0];
	_ =	sdelay $0x4  }
0x10c: {  	v2 =	vmul.f32 v2, v1;
	_ =	sdelay $0x1  }
0x10d: {  	[tilespmem:s7+$0x1E0] =	vst v2;
	v2 =	vld [tilespmem:s7+$0x1F0];
	_ =	sdelay $0x1  }
0x10e: {  	p0 =	sne.s32 s6, $0x600  }
.Ltmp3:
0x10f: {  	_ = 	snop;
	(pc) =	sbr.rel @p0 .LBB2_9-.Ltmp3, $3  }
0x110: {  	_ = 	snop  }
0x111: {  	v1 =	vmul.f32 v2, v1;
	_ =	sdelay $0x1  }
0x112: {  	s6 =	sadd.s32 $0x40, s6;
	[tilespmem:s7+$0x1F0] =	vst v1;
	s7 =	sadd.s32 $0x400, s7  }
0x113: {  	[spmem:s2] =	stream.indirect.scatter.add.f32 [tilespmem:s23], [sflag:$0x2], $0x40, s29, s25, $0xb8;
	[tilespmem:$0x1A9F0] =	vst v63  }
0x114: {  	s20 =	sadd.s32 $0x1, s20;
	_ =	swait.ge [sflag:s19], $0x6400  }
0x115: {  	p0 =	sne.s32 s20, $0x19;
	[sflag:s19] =	ssyncset.done $0x0  }
.Ltmp4:
0x116: {  	[sflag:s19] =	ssyncadd.s32 $0xFFFF9C00;
	(pc) =	sbr.rel @p0 .LBB2_4-.Ltmp4, $4  }
0x117: {  	[spmem:s4] =	stream.indirect.scatter.add.f32 [tilespmem:s24], [sflag:$0x2], $0x1, s29, s25, $0xb8;
	[tilespmem:$0x1A9F0] =	vst v63  }
0x118: {  	_ =	swait.ge [sflag:s19], $0x190  }
0x119: {  	[sflag:s19] =	ssyncset.done $0x0  }
0x11a: {  	s0 =	sadd.s32 $0x190, s0;
	s3 =	sadd.s32 $0x190, s3;
	[sflag:s19] =	ssyncadd.s32 $0xFFFFFE70  }
0x11b: {  	[bflag:$0x0] =	sbarrier.arrive $0xFFFF  }
0x11c: {  	[tilespmem:s23], [sflag:$0x2] =	stream.linear.gather [spmem:s10], $0x5000, $0x38;
	[tilespmem:$0x1A9F0] =	vst v63  }
0x11d: {  	_ =	swait.ge [sflag:s19], $0x5000  }
0x11e: {  	[sflag:s19] =	ssyncset.done $0x0  }
0x11f: {  	[sflag:s19] =	ssyncadd.s32 $0xFFFFB000  }
0x120: {  	[hbm4b:s14+s5] =	stream.linear.scatter [tilespmem:s23], [sflag:$0x2], $0x5000, $0x38;
	[tilespmem:$0x1A9F0] =	vst v63  }
0x121: {  	_ =	swait.ge [sflag:s19], $0x5000  }
0x122: {  	[sflag:s19] =	ssyncset.done $0x0  }
0x123: {  	[sflag:s19] =	ssyncadd.s32 $0xFFFFB000  }
0x124: {  	[tilespmem:s23], [sflag:$0x2] =	stream.linear.gather [spmem:s15], $0x5000, $0x38;
	[tilespmem:$0x1A9F0] =	vst v63  }
0x125: {  	_ =	swait.ge [sflag:s19], $0x5000  }
0x126: {  	[sflag:s19] =	ssyncset.done $0x0  }
0x127: {  	[sflag:s19] =	ssyncadd.s32 $0xFFFFB000  }
0x128: {  	[hbm4b:s16+s5] =	stream.linear.scatter [tilespmem:s23], [sflag:$0x2], $0x5000, $0x38;
	[tilespmem:$0x1A9F0] =	vst v63  }
0x129: {  	_ =	swait.ge [sflag:s19], $0x5000  }
0x12a: {  	[sflag:s19] =	ssyncset.done $0x0  }
0x12b: {  	[sflag:s19] =	ssyncadd.s32 $0xFFFFB000  }
0x12c: {  	[tilespmem:s30], [sflag:$0x2] =	stream.linear.gather [spmem:s12], $0x280, $0x38;
	[tilespmem:$0x1A9F0] =	vst v63  }
0x12d: {  	s31 =	sadd.s32 $0x1, s31;
	_ =	swait.ge [sflag:s19], $0x280  }
0x12e: {  	p0 =	sne.s32 s31, s18;
	[sflag:s19] =	ssyncset.done $0x0  }
.Ltmp5:
0x12f: {  	[sflag:s19] =	ssyncadd.s32 $0xFFFFFD80;
	(pc) =	sbr.rel @p0 .LBB2_1-.Ltmp5, $4  }
0x130: {  	[hbm4b:s17+s5] =	stream.linear.scatter [tilespmem:s30], [sflag:$0x2], $0x280, $0x38;
	[tilespmem:$0x1A9F0] =	vst v63  }
0x131: {  	_ =	swait.ge [sflag:s19], $0x280  }
0x132: {  	[sflag:s19] =	ssyncset.done $0x0  }
0x133: {  	[sflag:s19] =	ssyncadd.s32 $0xFFFFFD80  }
0x134: {  	_ =	sfence.sel $0x180000  }
0x135: {  	[bflag:$0x0] =	sbarrier.arrive $0xFFFF  }
0x136: {  	_ =	strace $0x9000004D  }
0x137: {  	s0 =	stileid.u32;
	[bflag:$0x2] =	sbarrier.arrive $0xFFFF  }
0x138: {  	p0 =	sne.s32 s0, $0x0;
	s0 =	rddreg [dreg:$0x4]  }
0x139: {  	s0 =	sadd.s32 @!p0 $0x100000, s0  }
0x13a: {  	[sflag:s0] =	ssyncadd.tile.s32 @!p0 $0x1;
	_ =	shalt  }
.Lfunc_end2:
_tile_overlayer_lowered:
.L_overlay_start_2:
0x13b: {  	(tag) =	ssettag $0x2  }
0x13c: {  	s0 =	rddreg [dreg:$0x0];
	s2 =	stileid.u32  }
0x13d: {  	s1 =	rddreg [dreg:$0x1];
	p0 =	sne.s32 s2, $0x0  }
0x13e: {  	s3 =	rddreg [dreg:$0x2];
	[bflag:$0x3] =	sbarrier.arrive $0xFFFF;
	s2 =	simm.s32 @!p0 $0x1C02  }
0x13f: {  	[timem:s3], [sflag:s2] =	dma.local @!p0 [hbm:s0], s1  }
0x140: {  	s0 =	simm.s32 @!p0 $0x2  }
0x141: {  	_ =	swait.ge @!p0 [sflag:s0], s1  }
0x142: {  	s1 =	ssub.s32 @!p0 $0x0, s1;
	[sflag:s0] =	ssyncset.done @!p0 $0x0  }
0x143: {  	[sflag:s0] =	ssyncadd.s32 @!p0 s1  }
0x144: {  	[bflag:$0x3] =	sbarrier.arrive $0xFFFF  }
0x145: {  	_ =	shalt  }

// kernel: kernel.9.cloned.1.call-start
scs
__scs_entry_jumppad:
0x0: {  	(pc) =	sbr.rel $0x88, $3  }
0x1: {  	(tag) =	ssettag $0x0;
	lr =	simm.s32 $0x1  }
0x2: {  	[smem:$0x3F93] =	sst lr;
	_ =	strace $0xD0000000  }
0x3: {  	_ = 	snop  }
0x4: {  	_ = 	snop  }
0x5: {  	_ = 	snop  }
0x6: {  	_ = 	snop  }
0x7: {  	_ = 	snop  }
__scs_overlays_trampoline_lowered:
0x8: {  	[smem:$0x3FA2] =	sst s0  }
0x9: {  	[smem:$0x3FA3] =	sst s1  }
0xa: {  	[smem:$0x3FA4] =	sst s2  }
0xb: {  	[smem:$0x3FA5] =	sst s3  }
0xc: {  	[smem:$0x3FA6] =	sst s4  }
0xd: {  	[smem:$0x3FA7] =	sst s5  }
0xe: {  	[smem:$0x3FA8] =	sst s6  }
0xf: {  	[smem:$0x3FA9] =	sst s7  }
0x10: {  	[smem:$0x3FAA] =	sst s8  }
0x11: {  	[smem:$0x3FAB] =	sst s9;
	s0 =	simm.s32 @!p0 $0x0  }
0x12: {  	s1 =	sld [smem:$0x3F91];
	s0 =	simm.s32 @p0 $0x1  }
0x13: {  	[smem:$0x3FAC] =	sst s0;
	s0 =	simm.s32 @!p1 $0x0  }
0x14: {  	s2 =	sld [smem:$0x3F90];
	s0 =	simm.s32 @p1 $0x1  }
0x15: {  	[smem:$0x3FAD] =	sst s0;
	s0 =	simm.s32 @!p2 $0x0  }
0x16: {  	s3 =	sld [smem:$0x3FDB];
	s0 =	simm.s32 @p2 $0x1  }
0x17: {  	s4 =	simm.s32 $0x1BF5;
	[smem:$0x3FAF] =	sst s0  }
0x18: {  	s0 =	sld [smem:$0x3F92];
	_ =	swait.ge [sflag:s4], $0x0  }
0x19: {  	s7 =	sld [smem:$0x3F93]  }
0x1a: {  	s8 =	sadd.s32 $0xFFFFE003, lr  }
0x1b: {  	s9 =	sadd.s32 $0xFFFFFEF7, lr;
	s5 =	simm.s32 $0xFFFFFFFF;
	p2 =	slt.u32 s8, $0xFFFFF086  }
0x1c: {  	p1 =	slt.u32 s9, $0xF7A;
	s5 =	simm.s32 @!p2 $0x0  }
0x1d: {  	s5 =	simm.s32 @p1 $0x1;
	p0 =	seq.s32 s7, s2  }
0x1e: {  	s7 =	smul.u32 @!p0 $0xF7A, s2;
	p2 =	seq.s32 @!p0 s5, $0x0  }
0x1f: {  	s9 =	smul.u32 $0xF7A, s1;
	s8 =	simm.s32 @!p0 $0x1BF5;
	p2 =	por !p2, p0  }
0x20: {  	[sflag:s8] =	ssyncset.s32 @!p0 $0xFFFFF086;
	s6 =	sadd.s32 @!p0 s3, s7;
	s7 =	simm.s32 @!p0 $0x108  }
0x21: {  	s3 =	sadd.s32 s3, s9;
	s6 =	sadd.s32 @!p0 $0x88, s6;
	s7 =	simm.s32 @p2 $0x1082  }
0x22: {  	[simem:s7], [sflag:s8] =	dma.local @!p0 [hbm:s6], $0xF7A  }
0x23: {  	s9 =	sor.u32 $0xD0000000, s2;
	s6 =	simm.s32 $0x108;
	_ =	swait.ge @!p0 [sflag:s8], $0x0  }
0x24: {  	s3 =	sadd.s32 $0x88, s3;
	s6 =	simm.s32 @!p1 $0x1082;
	[sflag:s4] =	ssyncset.s32 $0xFFFFF086  }
0x25: {  	[simem:s6], [sflag:s4] =	dma.local [hbm:s3], $0xF7A  }
0x26: {  	[smem:$0x3F93] =	sst s1;
	(tag) =	ssettag s2;
	_ =	strace s9  }
0x27: {  	s1 =	sld [smem:$0x3FA3]  }
0x28: {  	s2 =	sld [smem:$0x3FA4]  }
0x29: {  	s4 =	sld [smem:$0x3FA6]  }
0x2a: {  	p0 =	seq.s32 s5, $0x0;
	s5 =	sld [smem:$0x3FA7]  }
0x2b: {  	s6 =	sld [smem:$0x3FA8]  }
0x2c: {  	s7 =	sld [smem:$0x3FA9]  }
0x2d: {  	s3 =	simm.s32 $0x108;
	s8 =	sld [smem:$0x3FAA]  }
0x2e: {  	s3 =	simm.s32 @!p0 $0x1082;
	s9 =	sld [smem:$0x3FAB]  }
0x2f: {  	lr =	sadd.s32 s0, s3;
	s0 =	sld [smem:$0x3FA2]  }
0x30: {  	s3 =	sld [smem:$0x3FA5]  }
0x31: {  	[smem:$0x3FAE] =	sst s10  }
0x32: {  	s10 =	sld [smem:$0x3FAC];
	_ =	sdelay $0x3  }
0x33: {  	p0 =	seq.s32 s10, $0x1;
	s10 =	sld [smem:$0x3FAE];
	_ =	sdelay $0x3  }
0x34: {  	[smem:$0x3FAE] =	sst s10  }
0x35: {  	s10 =	sld [smem:$0x3FAD];
	_ =	sdelay $0x3  }
0x36: {  	p1 =	seq.s32 s10, $0x1;
	s10 =	sld [smem:$0x3FAE];
	_ =	sdelay $0x3  }
0x37: {  	[smem:$0x3FAE] =	sst s10  }
0x38: {  	s10 =	sld [smem:$0x3FAF]  }
0x39: {  	_ = 	snop;
	(pc) =	sbr.ind lr, $3  }
0x3a: {  	_ = 	snop  }
0x3b: {  	_ = 	snop  }
0x3c: {  	p2 =	seq.s32 s10, $0x1;
	s10 =	sld [smem:$0x3FAE]  }
0x3d: {  	_ =	shalt  }
0x3e: {  	_ =	shalt  }
0x3f: {  	_ =	shalt  }
0x40: {  	_ =	shalt  }
0x41: {  	_ =	shalt  }
0x42: {  	_ =	shalt  }
0x43: {  	_ =	shalt  }
0x44: {  	_ =	shalt  }
0x45: {  	_ =	shalt  }
0x46: {  	_ =	shalt  }
0x47: {  	_ =	shalt  }
0x48: {  	_ =	shalt  }
0x49: {  	_ =	shalt  }
0x4a: {  	_ =	shalt  }
0x4b: {  	_ =	shalt  }
0x4c: {  	_ =	shalt  }
0x4d: {  	_ =	shalt  }
0x4e: {  	_ =	shalt  }
0x4f: {  	_ =	shalt  }
0x50: {  	_ =	shalt  }
0x51: {  	_ =	shalt  }
0x52: {  	_ =	shalt  }
0x53: {  	_ =	shalt  }
0x54: {  	_ =	shalt  }
0x55: {  	_ =	shalt  }
0x56: {  	_ =	shalt  }
0x57: {  	_ =	shalt  }
0x58: {  	_ =	shalt  }
0x59: {  	_ =	shalt  }
0x5a: {  	_ =	shalt  }
0x5b: {  	_ =	shalt  }
0x5c: {  	_ =	shalt  }
0x5d: {  	_ =	shalt  }
0x5e: {  	_ =	shalt  }
0x5f: {  	_ =	shalt  }
0x60: {  	_ =	shalt  }
0x61: {  	_ =	shalt  }
0x62: {  	_ =	shalt  }
0x63: {  	_ =	shalt  }
0x64: {  	_ =	shalt  }
0x65: {  	_ =	shalt  }
0x66: {  	_ =	shalt  }
0x67: {  	_ =	shalt  }
0x68: {  	_ =	shalt  }
0x69: {  	_ =	shalt  }
0x6a: {  	_ =	shalt  }
0x6b: {  	_ =	shalt  }
0x6c: {  	_ =	shalt  }
0x6d: {  	_ =	shalt  }
0x6e: {  	_ =	shalt  }
0x6f: {  	_ =	shalt  }
0x70: {  	_ =	shalt  }
0x71: {  	_ =	shalt  }
0x72: {  	_ =	shalt  }
0x73: {  	_ =	shalt  }
0x74: {  	_ =	shalt  }
0x75: {  	_ =	shalt  }
0x76: {  	_ =	shalt  }
0x77: {  	_ =	shalt  }
0x78: {  	_ =	shalt  }
0x79: {  	_ =	shalt  }
0x7a: {  	_ =	shalt  }
0x7b: {  	_ =	shalt  }
0x7c: {  	_ =	shalt  }
0x7d: {  	_ =	shalt  }
0x7e: {  	_ =	shalt  }
0x7f: {  	_ =	shalt  }
0x80: {  	_ =	shalt  }
0x81: {  	_ =	shalt  }
0x82: {  	_ =	shalt  }
0x83: {  	_ =	shalt  }
0x84: {  	_ =	shalt  }
0x85: {  	_ =	shalt  }
0x86: {  	_ =	shalt  }
0x87: {  	_ =	shalt  }
.Lfunc_end0:
.L_simem_size_0:
called_computation_lowered:
.L_overlay_start_0:
0x88: {  	s2 =	sld [smem:$0x3FD9]  }
0x89: {  	s3 =	sld [smem:$0x3FFE];
	_ =	sdelay $0x1  }
0x8a: {  	s1 =	srdreg.scid  }
0x8b: {  	s0 =	sand.u32 $0x1, s1  }
0x8c: {  	s17 =	sshll.u32 s0, $0xA;
	s2 =	sadd.s32 s3, s2  }
0x8d: {  	s2 =	sadd.s32 s2, s17  }
0x8e: {  	[smem:$0x3FBA] =	sst s2  }
0x8f: {  	_ = 	snop  }
0x90: {  	s2 =	sld [smem:$0x3FD0];
	(tm) =	ssettm $0x1  }
0x91: {  	s18 =	sld [smem:$0x3FFB];
	_ =	sdelay $0x3  }
0x92: {  	_ =	strace s18  }
0x93: {  	s3 =	sld [smem:$0x3FFC];
	_ =	sdelay $0x3  }
0x94: {  	_ =	strace s3  }
0x95: {  	s3 =	sld [smem:$0x3FFD];
	_ =	sdelay $0x3  }
0x96: {  	_ =	strace s3  }
0x97: {  	_ =	strace $0x8FFFFFFF  }
0x98: {  	s19 =	sld [smem:$0x3FDB];
	_ =	sdelay $0x1  }
0x99: {  	s4 =	simm.s32 $_scs_section_size  }
0x9a: {  	s5 =	simm.s32 $_size__tile_overlayer_lowered;
	s6 =	simm.s32 $_tile_overlayer_lowered  }
0x9b: {  	s22 =	simm.s32 $0x1BFF;
	s21 =	sshll.u32 s6, $0x1;
	s3 =	sadd.s32 s4, s19  }
0x9c: {  	s7 =	simm.s32 $0x0;
	s20 =	sshll.u32 s5, $0x1;
	s5 =	sadd.s32 s21, s3  }
0x9d: {  	[timem:s7], [sflag:s22] =	dma.local [hbm:s5], s20  }
0x9e: {  	_ =	swait.ge [sflag:s22], s20  }
0x9f: {  	s4 =	ssub.s32 $0x0, s20;
	[sflag:s22] =	ssyncset.done $0x0  }
0xa0: {  	[sflag:s22] =	ssyncadd.s32 s4;
	_ =	sdelay $0x1  }
0xa1: {  	s23 =	simm.s32 $0x1B8B  }
0xa2: {  	_ =	swait.ge [sflag:s23], $0x1  }
0xa3: {  	[sflag:s23] =	ssyncset.done $0x0  }
0xa4: {  	s25 =	simm.s32 $0x1B8E;
	s24 =	sld [smem:$0x3FFE];
	[sflag:s23] =	ssyncadd.s32 $0xFFFFFFFF  }
0xa5: {  	s26 =	simm.s32 $execute0_lowered;
	[smem:$0x3FD2] =	sst s25  }
0xa6: {  	s5 =	sshll.u32 s26, $0x1;
	_ =	strace $0x80000046;
	[dreg:$0x1] =	wrdreg $0xFFFFFFFF  }
0xa7: {  	s28 =	simm.s32 $_size_execute0_lowered;
	s3 =	sadd.s32 s3, s5;
	[dreg:$0x0] =	wrdreg $0x0  }
0xa8: {  	s5 =	sshll.u32 s28, $0x1;
	[dreg:$0x2] =	wrdreg s3  }
0xa9: {  	[dreg:$0x3] =	wrdreg s5  }
0xaa: {  	[dreg:$0x4] =	wrdreg $0xC0  }
0xab: {  	_ =	task [dreg:s7], $0x5FFFF  }
0xac: {  	[dreg:$0x1] =	wrdreg $0xFFFFFFFF  }
0xad: {  	[dreg:$0x0] =	wrdreg $0x60  }
0xae: {  	[dreg:$0x2] =	wrdreg s24  }
0xaf: {  	[dreg:$0x3] =	wrdreg s2  }
0xb0: {  	[dreg:$0x4] =	wrdreg $0xBC700  }
0xb1: {  	[dreg:$0x5] =	wrdreg $0xE4700  }
0xb2: {  	[dreg:$0x6] =	wrdreg $0x9  }
0xb3: {  	_ =	task.clear_ibuf [dreg:s7], $0x7FFFF;
	_ =	strace $0x90000046  }
0xb4: {  	s29 =	simm.s32 $0x9;
	_ =	strace $0x80000048  }
0xb5: {  	_ =	swait.ge [sflag:s29], $0x1  }
0xb6: {  	[sflag:s29] =	ssyncadd.s32 $0xFFFFFFFF  }
0xb7: {  	_ =	strace $0x90000048  }
0xb8: {  	_ =	sfence  }
0xb9: {  	s30 =	sld [smem:$0x0];
	_ =	sdelay $0x2  }
0xba: {  	s31 =	sshll.u32 s1, $0xD;
	s1 =	sshrl.u32 s1, $0x2  }
0xbb: {  	s3 =	sand.u32 $0x4000, s31;
	s1 =	sadd.s32 s1, s30  }
0xbc: {  	s0 =	sor.u32 s3, s0;
	s1 =	sshll.u32 s1, $0x11  }
0xbd: {  	s0 =	sor.u32 s1, s0  }
0xbe: {  	s0 =	sadd.s32 $0x8F2B, s0  }
0xbf: {  	[sflag:s0] =	ssyncadd.remote.s32 $0x1  }
0xc0: {  	_ =	sfence.sel $0xFFFF  }
0xc1: {  	[dreg:$0x0] =	wrdreg $0xFFFFFFFF;
	(pc) =	sbr.abs _section_cstart, $3  }
0xc2: {  	[dreg:$0x1] =	wrdreg $0xFFFFFFFF  }
0xc3: {  	_ =	task.clear_ibuf [dreg:s7], $0x2FFFF;
	_ =	strace $0x9FFFFFFF  }
0xc4: {  	(tm) =	ssettm $0x7FFFFFFF  }
0xc5: {  	_ =	shalt  }
tec
execute0_lowered:
.L_overlay_start_1:
0x0: {  	(tag) =	ssettag $0x1  }
0x1: {  	s0 =	rddreg [dreg:$0x0]  }
0x2: {  	s1 =	rddreg [dreg:$0x1]  }
0x3: {  	s2 =	rddreg [dreg:$0x2]  }
0x4: {  	s3 =	rddreg [dreg:$0x3]  }
0x5: {  	s5 =	srdreg.scid;
	s11 =	stileid.u32  }
0x6: {  	s4 =	simm.s32 $0x0;
	s19 =	simm.s32 $0x2;
	s28 =	simm.s32 $0x1  }
0x7: {  	s29 =	simm.s32 $0xB860;
	s30 =	simm.s32 $0xB9F0;
	s31 =	simm.s32 $0x0  }
0x8: {  	s6 =	sand.u32 $0x1, s5;
	s7 =	smul.u32 $0x280, s11;
	[smem:$0x7FF] =	sst s4  }
0x9: {  	s8 =	sshll.u32 s11, $0x1;
	s5 =	sadd.s32 $0x14600, s0;
	s13 =	smul.u32 $0x2800, s11  }
0xa: {  	s10 =	sadd.s32 $0x19600, s0;
	s20 =	sadd.s32 $0x19C00, s0;
	s9 =	smul.u32 $0x2800, s6  }
0xb: {  	_ =	strace $0x80000047;
	s8 =	sor.u32 s6, s8;
	[dreg:$0x5] =	wrdreg s10  }
0xc: {  	[dreg:$0x6] =	wrdreg s20;
	s21 =	ssub.s32 $0x2, s6;
	s6 =	smul.u32 $0x28000, s6  }
0xd: {  	s8 =	smul.u32 $0x4E2, s8;
	s22 =	sshrl.u32 s21, $0x1;
	s14 =	sadd.s32 $0x190, s7  }
0xe: {  	s10 =	sadd.s32 s13, s2;
	s12 =	sadd.s32 s7, s3;
	s26 =	sadd.s32 $0x1400, s13  }
0xf: {  	s9 =	sadd.s32 s7, s9;
	s24 =	sshll.u32 s14, $0x4;
	s25 =	sadd.s32 s13, s6  }
0x10: {  	s13 =	sadd.s32 s14, s3;
	s6 =	sadd.s32 s6, s26;
	s15 =	sadd.s32 s26, s2  }
0x11: {  	s26 =	simm.s32 $0xB6D0;
	s9 =	sshrl.u32 s9, $0x3;
	s8 =	sadd.s32 s8, s0  }
0x12: {  	s11 =	sadd.s32 s24, s2;
	s7 =	sshrl.u32 s25, $0x3;
	s6 =	sshrl.u32 s6, $0x3  }
0x13: {  	s24 =	simm.s32 $0xB540;
	s25 =	simm.s32 $0x190;
	s0 =	sadd.s32 s9, s0  }
0x14: {  	s9 =	ssub.s32 s21, s22;
	s23 =	sadd.s32 $0xA800, s8;
	s8 =	sadd.s32 $0xA00, s8  }
0x15: {  	s14 =	sadd.s32 s1, s7;
	s16 =	sadd.s32 s1, s6;
	[dreg:$0x7] =	wrdreg s23  }
0x16: {  	s21 =	simm.s32 $0x4E20;
	s22 =	simm.s32 $0x7530;
	[dreg:$0x8] =	wrdreg s8  }
0x17: {  	v0 =	vimm.f32 $0.0e+00;
	s17 =	sadd.s32 $0x1A200, s0;
	s18 =	smax.u32 s9, $0x1;
	s23 =	simm.s32 $0x9C40  }
.LBB2_1:
0x18: {  	s0 =	rddreg [dreg:$0x7]  }
0x19: {  	[tilespmem:s4], [sflag:$0x2] =	stream.linear.gather [hbm4b:s0+s4], $0x2710, $0x38;
	[tilespmem:$0xE6F0] =	vst v63  }
0x1a: {  	_ =	swait.ge [sflag:s19], $0x2710  }
0x1b: {  	[sflag:s19] =	ssyncset.done $0x0  }
0x1c: {  	s1 =	simm.s32 $0x2710;
	s8 =	rddreg [dreg:$0x8];
	[sflag:s19] =	ssyncadd.s32 $0xFFFFD8F0  }
0x1d: {  	[tilespmem:s1], [sflag:$0x2] =	stream.linear.gather [hbm4b:s8+s4], $0x2710, $0x38;
	[tilespmem:$0xE6F0] =	vst v63  }
0x1e: {  	_ =	swait.ge [sflag:s19], $0x2710  }
0x1f: {  	[sflag:s19] =	ssyncset.done $0x0  }
0x20: {  	s9 =	rddreg [dreg:$0x5];
	[sflag:s19] =	ssyncadd.s32 $0xFFFFD8F0  }
0x21: {  	[tilespmem:s21], [sflag:$0x2] =	stream.linear.gather [hbm4b:s9+s4], $0x2710, $0x38;
	[tilespmem:$0xE6F0] =	vst v63  }
0x22: {  	_ =	swait.ge [sflag:s19], $0x2710  }
0x23: {  	[sflag:s19] =	ssyncset.done $0x0  }
0x24: {  	s20 =	rddreg [dreg:$0x6];
	[sflag:s19] =	ssyncadd.s32 $0xFFFFD8F0  }
0x25: {  	[tilespmem:s22], [sflag:$0x2] =	stream.linear.gather [hbm4b:s20+s4], $0x2710, $0x38;
	[tilespmem:$0xE6F0] =	vst v63  }
0x26: {  	_ =	swait.ge [sflag:s19], $0x2710  }
0x27: {  	[sflag:s19] =	ssyncset.done $0x0  }
0x28: {  	s0 =	simm.s32 $0x40;
	s1 =	simm.s32 $0x0;
	[sflag:s19] =	ssyncadd.s32 $0xFFFFD8F0  }
.LBB2_2:
0x29: {  	p0 =	sne.s32 s0, $0x63C0;
	[tilespmem:s1+$0x9C40] =	vst v0;
	s1 =	smov.u32 s0;
	s0 =	sadd.s32 $0x40, s0  }
.Ltmp0:
0x2a: {  	(pc) =	sbr.rel @p0 .LBB2_2-.Ltmp0, $2  }
0x2b: {  	_ =	sdelay $0x2  }
0x2c: {  	s1 =	sshra.s32 s1, $0x2  }
0x2d: {  	[tilespmem:s1+$0x9C40] =	vst v0  }
0x2e: {  	[tilespmem:$0xB540] =	vst v0  }
0x2f: {  	[tilespmem:$0xB550] =	vst v0  }
0x30: {  	[tilespmem:$0xB560] =	vst v0  }
0x31: {  	[tilespmem:$0xB570] =	vst v0  }
0x32: {  	[tilespmem:$0xB580] =	vst v0  }
0x33: {  	[tilespmem:$0xB590] =	vst v0  }
0x34: {  	[tilespmem:$0xB5A0] =	vst v0  }
0x35: {  	[tilespmem:$0xB5B0] =	vst v0  }
0x36: {  	[tilespmem:$0xB5C0] =	vst v0  }
0x37: {  	[tilespmem:$0xB5D0] =	vst v0  }
0x38: {  	[tilespmem:$0xB5E0] =	vst v0  }
0x39: {  	[tilespmem:$0xB5F0] =	vst v0  }
0x3a: {  	[tilespmem:$0xB600] =	vst v0  }
0x3b: {  	[tilespmem:$0xB610] =	vst v0  }
0x3c: {  	[tilespmem:$0xB620] =	vst v0  }
0x3d: {  	[tilespmem:$0xB630] =	vst v0  }
0x3e: {  	[tilespmem:$0xB640] =	vst v0  }
0x3f: {  	[tilespmem:$0xB650] =	vst v0  }
0x40: {  	[tilespmem:$0xB660] =	vst v0  }
0x41: {  	[tilespmem:$0xB670] =	vst v0  }
0x42: {  	[tilespmem:$0xB680] =	vst v0  }
0x43: {  	[tilespmem:$0xB690] =	vst v0  }
0x44: {  	[tilespmem:$0xB6A0] =	vst v0  }
0x45: {  	[tilespmem:$0xB6B0] =	vst v0  }
0x46: {  	[tilespmem:$0xB6C0] =	vst v0  }
0x47: {  	[spmem:s10] =	stream.linear.scatter [tilespmem:s23], [sflag:$0x2], $0x1900, $0x38;
	[tilespmem:$0xE6F0] =	vst v63  }
0x48: {  	_ =	swait.ge [sflag:s19], $0x1900  }
0x49: {  	[sflag:s19] =	ssyncset.done $0x0  }
0x4a: {  	[sflag:s19] =	ssyncadd.s32 $0xFFFFE700  }
0x4b: {  	[spmem:s11] =	stream.linear.scatter [tilespmem:s23], [sflag:$0x2], $0xF00, $0x38;
	[tilespmem:$0xE6F0] =	vst v63  }
0x4c: {  	_ =	swait.ge [sflag:s19], $0xF00  }
0x4d: {  	[sflag:s19] =	ssyncset.done $0x0  }
0x4e: {  	[sflag:s19] =	ssyncadd.s32 $0xFFFFF100  }
0x4f: {  	[spmem:s12] =	stream.linear.scatter [tilespmem:s24], [sflag:$0x2], $0x190, $0x38;
	[tilespmem:$0xE6F0] =	vst v63  }
0x50: {  	_ =	swait.ge [sflag:s19], $0x190  }
0x51: {  	[sflag:s19] =	ssyncset.done $0x0  }
0x52: {  	[sflag:s19] =	ssyncadd.s32 $0xFFFFFE70  }
0x53: {  	[spmem:s13] =	stream.linear.scatter [tilespmem:s24], [sflag:$0x2], $0xF0, $0x38;
	[tilespmem:$0xE6F0] =	vst v63  }
0x54: {  	_ =	swait.ge [sflag:s19], $0xF0  }
0x55: {  	[sflag:s19] =	ssyncset.done $0x0  }
0x56: {  	s0 =	simm.s32 $0x0;
	[sflag:s19] =	ssyncadd.s32 $0xFFFFFF10  }
0x57: {  	s1 =	simm.s32 $0x2710;
	s20 =	simm.s32 $0x0;
	[bflag:$0x0] =	sbarrier.arrive $0xFFFF  }
.LBB2_4:
0x58: {  	v1 =	vmov s0;
	_ =	sdelay $0x1  }
0x59: {  	v2 =	vmov s1;
	_ =	sdelay $0x1  }
0x5a: {  	s6 =	simm.s32 $0x0;
	s7 =	simm.s32 $0x40  }
.LBB2_5:
0x5b: {  	p0 =	sne.s32 s7, $0x600;
	v3 =	vld.idx.msk [tilespmem:v1+s6+$0x0 ss:$0x1], $0xffff;
	_ =	sdelay $0x5  }
0x5c: {  	[tilespmem:s6+$0xB6D0] =	vst v3  }
0x5d: {  	v3 =	vld.idx.msk [tilespmem:v2+s6+$0x0 ss:$0x1], $0xffff;
	_ =	sdelay $0x1  }
.Ltmp1:
0x5e: {  	(pc) =	sbr.rel @p0 .LBB2_5-.Ltmp1, $2  }
0x5f: {  	_ =	sdelay $0x2  }
0x60: {  	[tilespmem:s6+$0xB860] =	vst v3;
	s6 =	sshra.s32 s7, $0x2;
	s7 =	sadd.s32 $0x40, s7  }
0x61: {  	_ =	sdelay $0x3  }
0x62: {  	v3 =	vld.idx.msk [tilespmem:v1+s6+$0x0 ss:$0x1], $0xffff;
	_ =	sdelay $0x4  }
0x63: {  	[tilespmem:s6+$0xB6D0] =	vst v3  }
0x64: {  	v3 =	vld.idx.msk [tilespmem:v2+s6+$0x0 ss:$0x1], $0xffff;
	_ =	sdelay $0x4  }
0x65: {  	[tilespmem:s6+$0xB860] =	vst v3  }
0x66: {  	[tilespmem:s23], [sflag:$0x1] =	stream.indirect.gather [hbm4b:s5+s25], $0x10, s26, s25, $0xb8;
	[tilespmem:$0xE6F0] =	vst v63  }
0x67: {  	_ =	swait.ge [sflag:s28], $0x1900  }
0x68: {  	[sflag:s28] =	ssyncset.done $0x0  }
0x69: {  	s6 =	simm.s32 $0x0;
	[sflag:s28] =	ssyncadd.s32 $0xFFFFE700  }
.LBB2_7:
0x6a: {  	s7 =	sshra.s32 s6, $0x2  }
0x6b: {  	v3 =	vld.idx.msk [tilespmem:v1+s7+$0x0 ss:$0x1], $0xffff  }
0x6c: {  	v4 =	vld.idx.msk [tilespmem:v2+s7+$0x0 ss:$0x1], $0xffff;
	_ =	sdelay $0x6  }
0x6d: {  	v3 =	vld.idx.msk [tilespmem:v3+s21+$0x0], $0xffff  }
0x6e: {  	v4 =	vld.idx.msk [tilespmem:v4+s22+$0x0], $0xffff;
	_ =	sdelay $0x4  }
0x6f: {  	v3 =	vadd.f32 v4, v3;
	_ =	sdelay $0x1  }
0x70: {  	v4 =	vmul.f32 $2.000000030e-01, v3;
	_ =	sdelay $0x1  }
0x71: {  	v3 =	vmax.f32 v3, v4  }
0x72: {  	v3 =	vmul.f32 $1.442695020e+00, v3;
	_ =	sdelay $0x1  }
0x73: {  	(erf) = vpow2.f32 v3;
	_ =	sdelay $0x4  }
0x74: {  	p0 =	sne.s32 s6, $0x600  }
.Ltmp2:
0x75: {  	_ = 	snop;
	(pc) =	sbr.rel @p0 .LBB2_7-.Ltmp2, $3  }
0x76: {  	_ =	sdelay $0x1  }
0x77: {  	v3 =	vpop (erf)  }
0x78: {  	s6 =	sadd.s32 $0x40, s6;
	[tilespmem:s7+$0xB540] =	vst v3  }
0x79: {  	s6 =	simm.s32 $0x9CC0  }
0x7a: {  	s9 =	simm.s32 $0x0;
	s8 =	simm.s32 $0x40;
	s7 =	simm.s32 $0x9CC0;
	v1 =	vld [tilespmem:s6+$0xFFFFFFB0]  }
.LBB2_9:
0x7b: {  	p0 =	sne.s32 s8, $0x600;
	v2 =	vld [tilespmem:s9+$0xB540]  }
0x7c: {  	v3 =	vld [tilespmem:s6+$0xFFFFFF90]  }
0x7d: {  	v4 =	vld [tilespmem:s6+$0xFFFFFF80]  }
0x7e: {  	v5 =	vld [tilespmem:s6+$0xFFFFFFA0]  }
0x7f: {  	v6 =	vld [tilespmem:s6+$0xFFFFFFF0]  }
0x80: {  	v7 =	vbroadcast v2, $0x0;
	v8 =	vbroadcast v2, $0x1;
	v9 =	vld [tilespmem:s6+$0xFFFFFFD0]  }
0x81: {  	v10 =	vbroadcast v2, $0x2;
	v11 =	vbroadcast v2, $0x3;
	v12 =	vld [tilespmem:s6+$0xFFFFFFC0]  }
0x82: {  	v4 =	vmul.f32 v7, v4;
	v3 =	vmul.f32 v3, v8;
	v7 =	vld [tilespmem:s6+$0xFFFFFFE0]  }
0x83: {  	v1 =	vmul.f32 v1, v11;
	v5 =	vmul.f32 v5, v10;
	v8 =	vld [tilespmem:s6+$0x30]  }
0x84: {  	v10 =	vbroadcast v2, $0x5;
	[tilespmem:s6+$0xFFFFFF80] =	vst v4;
	v4 =	vbroadcast v2, $0x4;
	v11 =	vld [tilespmem:s6+$0x10]  }
0x85: {  	v13 =	vbroadcast v2, $0x7;
	[tilespmem:s6+$0xFFFFFF90] =	vst v3;
	v3 =	vbroadcast v2, $0x6;
	v14 =	vld [tilespmem:s6+$0x0]  }
0x86: {  	[tilespmem:s6+$0xFFFFFFA0] =	vst v5;
	v4 =	vmul.f32 v12, v4;
	v5 =	vmul.f32 v9, v10;
	v9 =	vld [tilespmem:s6+$0x20]  }
0x87: {  	[tilespmem:s6+$0xFFFFFFB0] =	vst v1;
	v1 =	vmul.f32 v7, v3;
	v3 =	vmul.f32 v6, v13;
	v6 =	vld [tilespmem:s6+$0x70]  }
0x88: {  	v7 =	vbroadcast v2, $0x9;
	[tilespmem:s6+$0xFFFFFFC0] =	vst v4;
	v4 =	vbroadcast v2, $0x8;
	v10 =	vld [tilespmem:s6+$0x50]  }
0x89: {  	v12 =	vbroadcast v2, $0xB;
	[tilespmem:s6+$0xFFFFFFD0] =	vst v5;
	v5 =	vbroadcast v2, $0xA;
	v13 =	vld [tilespmem:s6+$0x40]  }
0x8a: {  	[tilespmem:s6+$0xFFFFFFE0] =	vst v1;
	v1 =	vmul.f32 v14, v4;
	v4 =	vmul.f32 v11, v7;
	v7 =	vld [tilespmem:s6+$0x60]  }
0x8b: {  	[tilespmem:s6+$0xFFFFFFF0] =	vst v3;
	v3 =	vmul.f32 v9, v5;
	v5 =	vmul.f32 v8, v12  }
0x8c: {  	v8 =	vbroadcast v2, $0xD;
	[tilespmem:s6+$0x0] =	vst v1;
	v1 =	vbroadcast v2, $0xC  }
0x8d: {  	[tilespmem:s6+$0x10] =	vst v4;
	v4 =	vbroadcast v2, $0xE;
	v2 =	vbroadcast v2, $0xF  }
0x8e: {  	[tilespmem:s6+$0x20] =	vst v3;
	v1 =	vmul.f32 v13, v1;
	v3 =	vmul.f32 v10, v8  }
.Ltmp3:
0x8f: {  	[tilespmem:s6+$0x30] =	vst v5;
	v4 =	vmul.f32 v7, v4;
	v2 =	vmul.f32 v6, v2;
	(pc) =	sbr.rel @p0 .LBB2_9-.Ltmp3, $4  }
0x90: {  	[tilespmem:s6+$0x40] =	vst v1  }
0x91: {  	[tilespmem:s6+$0x50] =	vst v3  }
0x92: {  	s6 =	sadd.s32 $0x100, s6;
	[tilespmem:s7+$0x60] =	vst v4  }
0x93: {  	s9 =	sshra.s32 s8, $0x2;
	s8 =	sadd.s32 $0x40, s8;
	v1 =	vld [tilespmem:s6+$0xFFFFFFB0];
	[tilespmem:s7+$0x70] =	vst v2;
	s7 =	smov.u32 s6  }
0x94: {  	v2 =	vld [tilespmem:s9+$0xB540];
	_ =	sdelay $0x1  }
0x95: {  	v3 =	vld [tilespmem:s6+$0xFFFFFF80]  }
0x96: {  	v4 =	vld [tilespmem:s6+$0xFFFFFF90]  }
0x97: {  	v5 =	vld [tilespmem:s6+$0xFFFFFFA0]  }
0x98: {  	v6 =	vbroadcast v2, $0x0  }
0x99: {  	v9 =	vld [tilespmem:s6+$0xFFFFFFD0];
	v7 =	vbroadcast v2, $0x1  }
0x9a: {  	v8 =	vld [tilespmem:s6+$0xFFFFFFC0];
	v10 =	vbroadcast v2, $0x2;
	v3 =	vmul.f32 v6, v3  }
0x9b: {  	v48 =	vld [tilespmem:s6+$0xFFFFFFE0];
	v47 =	vbroadcast v2, $0x3;
	v4 =	vmul.f32 v4, v7  }
0x9c: {  	v51 =	vld [tilespmem:s6+$0x10];
	v49 =	vbroadcast v2, $0x5;
	v5 =	vmul.f32 v5, v10;
	[tilespmem:s6+$0xFFFFFF80] =	vst v3  }
0x9d: {  	v11 =	vld [tilespmem:s6+$0xFFFFFFF0];
	v1 =	vmul.f32 v1, v47;
	v3 =	vbroadcast v2, $0x4;
	[tilespmem:s6+$0xFFFFFF90] =	vst v4  }
0x9e: {  	v50 =	vld [tilespmem:s6+$0x0];
	v12 =	vbroadcast v2, $0x6;
	v6 =	vmul.f32 v9, v49;
	[tilespmem:s6+$0xFFFFFFA0] =	vst v5  }
0x9f: {  	v56 =	vld [tilespmem:s6+$0x50];
	v54 =	vbroadcast v2, $0x9;
	[tilespmem:s6+$0xFFFFFFB0] =	vst v1;
	v3 =	vmul.f32 v8, v3  }
0xa0: {  	v53 =	vld [tilespmem:s6+$0x20];
	v52 =	vbroadcast v2, $0x7;
	v7 =	vmul.f32 v48, v12;
	[tilespmem:s6+$0xFFFFFFD0] =	vst v6  }
0xa1: {  	v59 =	vmul.f32 v51, v54;
	v1 =	vld [tilespmem:s6+$0x30];
	[tilespmem:s6+$0xFFFFFFC0] =	vst v3;
	v3 =	vbroadcast v2, $0x8  }
0xa2: {  	v55 =	vld [tilespmem:s6+$0x40];
	v62 =	vbroadcast v2, $0xD;
	v5 =	vmul.f32 v11, v52;
	[tilespmem:s6+$0xFFFFFFE0] =	vst v7  }
0xa3: {  	v60 =	vld [tilespmem:s6+$0x60];
	v57 =	vbroadcast v2, $0xA;
	[tilespmem:s6+$0x10] =	vst v59;
	v3 =	vmul.f32 v50, v3  }
0xa4: {  	v61 =	vld [tilespmem:s6+$0x70];
	v58 =	vbroadcast v2, $0xB;
	v4 =	vmul.f32 v56, v62;
	[tilespmem:s6+$0xFFFFFFF0] =	vst v5  }
0xa5: {  	v8 =	vmul.f32 v53, v57;
	[tilespmem:s6+$0x0] =	vst v3;
	v3 =	vbroadcast v2, $0xC  }
0xa6: {  	v63 =	vbroadcast v2, $0xE;
	[tilespmem:s6+$0x50] =	vst v4;
	v1 =	vmul.f32 v1, v58  }
0xa7: {  	[tilespmem:s6+$0x20] =	vst v8;
	v2 =	vbroadcast v2, $0xF;
	v3 =	vmul.f32 v55, v3  }
0xa8: {  	[tilespmem:s6+$0x30] =	vst v1;
	v1 =	vmul.f32 v60, v63  }
0xa9: {  	v2 =	vmul.f32 v61, v2;
	[tilespmem:s6+$0x40] =	vst v3  }
0xaa: {  	[tilespmem:s7+$0x60] =	vst v1  }
0xab: {  	[tilespmem:s7+$0x70] =	vst v2  }
0xac: {  	[spmem:s2] =	stream.indirect.scatter.add.f32 [tilespmem:s23], [sflag:$0x2], $0x10, s29, s25, $0xb8;
	[tilespmem:$0xE6F0] =	vst v63  }
0xad: {  	s20 =	sadd.s32 $0x1, s20;
	_ =	swait.ge [sflag:s19], $0x1900  }
0xae: {  	p0 =	sne.s32 s20, $0x19;
	[sflag:s19] =	ssyncset.done $0x0  }
.Ltmp4:
0xaf: {  	[sflag:s19] =	ssyncadd.s32 $0xFFFFE700;
	(pc) =	sbr.rel @p0 .LBB2_4-.Ltmp4, $4  }
0xb0: {  	[spmem:s3] =	stream.indirect.scatter.add.f32 [tilespmem:s24], [sflag:$0x2], $0x1, s29, s25, $0xb8;
	[tilespmem:$0xE6F0] =	vst v63  }
0xb1: {  	_ =	swait.ge [sflag:s19], $0x190  }
0xb2: {  	[sflag:s19] =	ssyncset.done $0x0  }
0xb3: {  	s0 =	sadd.s32 $0x190, s0;
	s1 =	sadd.s32 $0x190, s1;
	[sflag:s19] =	ssyncadd.s32 $0xFFFFFE70  }
0xb4: {  	[bflag:$0x0] =	sbarrier.arrive $0xFFFF  }
0xb5: {  	[tilespmem:s23], [sflag:$0x2] =	stream.linear.gather [spmem:s10], $0x1400, $0x38;
	[tilespmem:$0xE6F0] =	vst v63  }
0xb6: {  	_ =	swait.ge [sflag:s19], $0x1400  }
0xb7: {  	[sflag:s19] =	ssyncset.done $0x0  }
0xb8: {  	[sflag:s19] =	ssyncadd.s32 $0xFFFFEC00  }
0xb9: {  	[hbm4b:s14+s4] =	stream.linear.scatter [tilespmem:s23], [sflag:$0x2], $0x1400, $0x38;
	[tilespmem:$0xE6F0] =	vst v63  }
0xba: {  	_ =	swait.ge [sflag:s19], $0x1400  }
0xbb: {  	[sflag:s19] =	ssyncset.done $0x0  }
0xbc: {  	[sflag:s19] =	ssyncadd.s32 $0xFFFFEC00  }
0xbd: {  	[tilespmem:s23], [sflag:$0x2] =	stream.linear.gather [spmem:s15], $0x1400, $0x38;
	[tilespmem:$0xE6F0] =	vst v63  }
0xbe: {  	_ =	swait.ge [sflag:s19], $0x1400  }
0xbf: {  	[sflag:s19] =	ssyncset.done $0x0  }
0xc0: {  	[sflag:s19] =	ssyncadd.s32 $0xFFFFEC00  }
0xc1: {  	[hbm4b:s16+s4] =	stream.linear.scatter [tilespmem:s23], [sflag:$0x2], $0x1400, $0x38;
	[tilespmem:$0xE6F0] =	vst v63  }
0xc2: {  	_ =	swait.ge [sflag:s19], $0x1400  }
0xc3: {  	[sflag:s19] =	ssyncset.done $0x0  }
0xc4: {  	[sflag:s19] =	ssyncadd.s32 $0xFFFFEC00  }
0xc5: {  	[tilespmem:s30], [sflag:$0x2] =	stream.linear.gather [spmem:s12], $0x280, $0x38;
	[tilespmem:$0xE6F0] =	vst v63  }
0xc6: {  	s31 =	sadd.s32 $0x1, s31;
	_ =	swait.ge [sflag:s19], $0x280  }
0xc7: {  	p0 =	sne.s32 s31, s18;
	[sflag:s19] =	ssyncset.done $0x0  }
.Ltmp5:
0xc8: {  	[sflag:s19] =	ssyncadd.s32 $0xFFFFFD80;
	(pc) =	sbr.rel @p0 .LBB2_1-.Ltmp5, $4  }
0xc9: {  	[hbm4b:s17+s4] =	stream.linear.scatter [tilespmem:s30], [sflag:$0x2], $0x280, $0x38;
	[tilespmem:$0xE6F0] =	vst v63  }
0xca: {  	_ =	swait.ge [sflag:s19], $0x280  }
0xcb: {  	[sflag:s19] =	ssyncset.done $0x0  }
0xcc: {  	[sflag:s19] =	ssyncadd.s32 $0xFFFFFD80  }
0xcd: {  	_ =	sfence.sel $0x180000  }
0xce: {  	[bflag:$0x0] =	sbarrier.arrive $0xFFFF  }
0xcf: {  	_ =	strace $0x90000047  }
0xd0: {  	s0 =	stileid.u32;
	[bflag:$0x2] =	sbarrier.arrive $0xFFFF  }
0xd1: {  	p0 =	sne.s32 s0, $0x0;
	s0 =	rddreg [dreg:$0x4]  }
0xd2: {  	s0 =	sadd.s32 @!p0 $0x100000, s0  }
0xd3: {  	[sflag:s0] =	ssyncadd.tile.s32 @!p0 $0x1;
	_ =	shalt  }
.Lfunc_end2:
_tile_overlayer_lowered:
.L_overlay_start_2:
0xd4: {  	(tag) =	ssettag $0x2  }
0xd5: {  	s0 =	rddreg [dreg:$0x0];
	s2 =	stileid.u32  }
0xd6: {  	s1 =	rddreg [dreg:$0x1];
	p0 =	sne.s32 s2, $0x0  }
0xd7: {  	s3 =	rddreg [dreg:$0x2];
	[bflag:$0x3] =	sbarrier.arrive $0xFFFF;
	s2 =	simm.s32 @!p0 $0x1C02  }
0xd8: {  	[timem:s3], [sflag:s2] =	dma.local @!p0 [hbm:s0], s1  }
0xd9: {  	s0 =	simm.s32 @!p0 $0x2  }
0xda: {  	_ =	swait.ge @!p0 [sflag:s0], s1  }
0xdb: {  	s1 =	ssub.s32 @!p0 $0x0, s1;
	[sflag:s0] =	ssyncset.done @!p0 $0x0  }
0xdc: {  	[sflag:s0] =	ssyncadd.s32 @!p0 s1  }
0xdd: {  	[bflag:$0x3] =	sbarrier.arrive $0xFFFF  }
0xde: {  	_ =	shalt  }

</sc_bundles>
